<compile_context>
chip_gen: v7x
topology: tpu7x:2x2x1
jax: 0.10.2.dev20260603
libtpu: 0.0.44.dev20260713+nightly
codegen_flags: <defaults>
</compile_context>

<pallas_src>
import functools

import jax
import jax.numpy as jnp
from jax import lax
from jax.experimental import pallas as pl
from jax.experimental.pallas import tpu as pltpu
from jax.experimental.pallas import tpu_sc as plsc

_N = 10000
_NPAD = 10240
_E = 160000
_BLK = 128
_NB = 80
_EPAD = 16 * _NB * _BLK
_ROWS_PER_TILE = _NPAD // 16
_RCH = _ROWS_PER_TILE // _BLK
_BN_SCALE = float((1.0 + 1e-5) ** -0.5)

_mesh = plsc.VectorSubcoreMesh(core_axis_name="c", subcore_axis_name="s")


@functools.partial(
    pl.kernel,
    out_type=jax.ShapeDtypeStruct((2 * _NPAD, 16), jnp.float32),
    mesh=_mesh,
    scratch_types=[
        pltpu.VMEM_SHARED((_NPAD, 16), jnp.float32),
        pltpu.VMEM((_BLK, 16), jnp.float32),
        pltpu.VMEM((_BLK, 16), jnp.float32),
        pltpu.VMEM((_NB // 2, _BLK), jnp.int32),
    ],
)
def _deg_kernel(dst_hbm, out_hbm, table, ones_v, stage_v, idx_v):
    c = lax.axis_index("c")
    s = lax.axis_index("s")
    base = s * _ROWS_PER_TILE

    def _fill(i, carry):
        ones_v[i] = jnp.ones((16,), jnp.float32)
        stage_v[i] = jnp.zeros((16,), jnp.float32)
        return carry

    lax.fori_loop(0, _BLK, _fill, 0)

    for k in range(_RCH):
        pltpu.sync_copy(stage_v, table.at[pl.ds(base + k * _BLK, _BLK), :])

    pltpu.sync_copy(dst_hbm.at[s, pl.ds(c * (_NB // 2), _NB // 2), :], idx_v)
    plsc.subcore_barrier()

    def _scat(j, carry):
        pltpu.sync_copy(ones_v, table.at[idx_v.at[j]], add=True)
        return carry

    lax.fori_loop(0, _NB // 2, _scat, 0)

    plsc.subcore_barrier()
    for k in range(_RCH):
        r0 = base + k * _BLK
        pltpu.sync_copy(table.at[pl.ds(r0, _BLK), :], stage_v)
        pltpu.sync_copy(stage_v, out_hbm.at[pl.ds(c * _NPAD + r0, _BLK), :])


_CB = 40
_CBS = 8


def _make_agg(D):
    @functools.partial(
        pl.kernel,
        out_type=jax.ShapeDtypeStruct((2 * _NPAD, D), jnp.float32),
        mesh=_mesh,
        scratch_types=[
            pltpu.VMEM_SHARED((_NPAD, D), jnp.float32),
            pltpu.VMEM((_BLK, D), jnp.float32),
            pltpu.VMEM((_BLK, D), jnp.float32),
            pltpu.VMEM((_CB, _BLK), jnp.int32),
            pltpu.VMEM((_CB, _BLK), jnp.int32),
            pltpu.SemaphoreType.DMA,
            pltpu.SemaphoreType.DMA,
        ],
    )
    def _agg(hs_hbm, src_hbm, dst_hbm, out_hbm,
             table, bufa, bufb, src_v, dst_v, sema, semb):
        c = lax.axis_index("c")
        s = lax.axis_index("s")
        base = s * _ROWS_PER_TILE

        for k in range(_RCH):
            r0 = base + k * _BLK
            pltpu.sync_copy(hs_hbm.at[pl.ds(c * _NPAD + r0, _BLK), :], bufa)
            pltpu.sync_copy(bufa, table.at[pl.ds(r0, _BLK), :])

        plsc.subcore_barrier()

        def _chunk(ch, carry):
            pltpu.sync_copy(src_hbm.at[c, s, pl.ds(ch * _CB, _CB)], src_v)
            pltpu.sync_copy(dst_hbm.at[s, pl.ds(ch * _CB, _CB)], dst_v)
            pltpu.async_copy(hs_hbm.at[src_v.at[0]], bufa, sema)

            def _pair(jj, c2):
                j = jj * 2
                pltpu.async_copy(hs_hbm.at[src_v.at[j + 1]], bufb, semb)
                pltpu.make_async_copy(hs_hbm.at[src_v.at[0]], bufa, sema).wait()
                pltpu.sync_copy(bufa, table.at[dst_v.at[j]], add=True)

                @pl.when(jj < _CB // 2 - 1)
                def _():
                    pltpu.async_copy(hs_hbm.at[src_v.at[j + 2]], bufa, sema)

                pltpu.make_async_copy(hs_hbm.at[src_v.at[0]], bufb, semb).wait()
                pltpu.sync_copy(bufb, table.at[dst_v.at[j + 1]], add=True)
                return c2

            lax.fori_loop(0, _CB // 2, _pair, 0)
            return carry

        lax.fori_loop(0, _NB // _CB, _chunk, 0)

        plsc.subcore_barrier()
        for k in range(_RCH):
            r0 = base + k * _BLK
            pltpu.sync_copy(table.at[pl.ds(r0, _BLK), :], bufa)
            pltpu.sync_copy(bufa, out_hbm.at[pl.ds(c * _NPAD + r0, _BLK), :])

    return _agg


_agg128 = _make_agg(128)


@functools.partial(
    pl.kernel,
    out_type=jax.ShapeDtypeStruct((2 * _NPAD, 128), jnp.float32),
    mesh=_mesh,
    scratch_types=[
        pltpu.VMEM_SHARED((_NPAD, 128), jnp.float32),
        pltpu.VMEM((_BLK, 128), jnp.float32),
        pltpu.VMEM((_BLK, 128), jnp.float32),
        pltpu.VMEM((_CBS, _BLK), jnp.int32),
        pltpu.VMEM((_CBS, _BLK), jnp.int32),
        pltpu.SemaphoreType.DMA,
        pltpu.SemaphoreType.DMA,
    ],
)
def _agg_split(hs_hbm, src_hbm, dst_hbm, zero_hbm, out_hbm,
               table, bufa, bufb, src_v, dst_v, sema, semb):
    c = lax.axis_index("c")
    s = lax.axis_index("s")
    base = s * _ROWS_PER_TILE

    @pl.when(c == 0)
    def _():
        for k in range(_RCH):
            r0 = base + k * _BLK
            pltpu.sync_copy(hs_hbm.at[pl.ds(r0, _BLK), :], bufa)
            pltpu.sync_copy(bufa, table.at[pl.ds(r0, _BLK), :])

    @pl.when(c == 1)
    def _():
        pltpu.sync_copy(zero_hbm, bufa)
        for k in range(_RCH):
            pltpu.sync_copy(bufa, table.at[pl.ds(base + k * _BLK, _BLK), :])

    plsc.subcore_barrier()
    half = _NB // 2

    def _chunk(ch, carry):
        b0 = c * half + ch * _CBS
        pltpu.sync_copy(src_hbm.at[s, pl.ds(b0, _CBS)], src_v)
        pltpu.sync_copy(dst_hbm.at[s, pl.ds(b0, _CBS)], dst_v)
        pltpu.async_copy(hs_hbm.at[src_v.at[0]], bufa, sema)

        def _pair(jj, c2):
            j = jj * 2
            pltpu.async_copy(hs_hbm.at[src_v.at[j + 1]], bufb, semb)
            pltpu.make_async_copy(hs_hbm.at[src_v.at[0]], bufa, sema).wait()
            pltpu.sync_copy(bufa, table.at[dst_v.at[j]], add=True)

            @pl.when(jj < _CBS // 2 - 1)
            def _():
                pltpu.async_copy(hs_hbm.at[src_v.at[j + 2]], bufa, sema)

            pltpu.make_async_copy(hs_hbm.at[src_v.at[0]], bufb, semb).wait()
            pltpu.sync_copy(bufb, table.at[dst_v.at[j + 1]], add=True)
            return c2

        lax.fori_loop(0, _CBS // 2, _pair, 0)
        return carry

    lax.fori_loop(0, half // _CBS, _chunk, 0)

    plsc.subcore_barrier()
    for k in range(_RCH):
        r0 = base + k * _BLK
        pltpu.sync_copy(table.at[pl.ds(r0, _BLK), :], bufa)
        pltpu.sync_copy(bufa, out_hbm.at[pl.ds(c * _NPAD + r0, _BLK), :])


_R = 1024
_G = _NPAD // _R
_HIGH = lax.Precision.HIGHEST


def _dis_from(deg_ref):
    deg = deg_ref[0, :, 0:1] + deg_ref[1, :, 0:1] + 1.0
    return lax.rsqrt(deg)


def _pre_body(x_ref, deg_ref, w_ref, out_ref):
    dis = _dis_from(deg_ref)
    h = jnp.dot(x_ref[...], w_ref[...],
                preferred_element_type=jnp.float32, precision=_HIGH)
    hs = dis * h
    out_ref[0] = hs[:, :128]
    out_ref[1] = hs[:, 128:]


def _mid_body(agg_ref, deg_ref, b_ref, g_ref, be_ref, w_ref, out_ref, *, split):
    i = pl.program_id(0)
    dis = _dis_from(deg_ref)
    z = jnp.concatenate([agg_ref[0], agg_ref[1]], axis=1) * dis + b_ref[...]
    y = jnp.maximum(g_ref[...] * _BN_SCALE * z + be_ref[...], 0.0)
    h = jnp.dot(y, w_ref[...],
                preferred_element_type=jnp.float32, precision=_HIGH)
    hs = dis * h
    rows = i * _R + lax.broadcasted_iota(jnp.int32, (_R, 1), 0)
    hs = jnp.where(rows < _N, hs, 0.0)
    if split:
        out_ref[0] = hs[:, :128]
        out_ref[1] = hs[:, 128:]
    else:
        out_ref[...] = hs


def _final_body(agg_ref, deg_ref, b_ref, out_ref):
    dis = _dis_from(deg_ref)
    z = (agg_ref[0] + agg_ref[1]) * dis + b_ref[...]
    m = jnp.max(z, axis=1, keepdims=True)
    e = jnp.exp(z - m)
    out_ref[...] = (z - m) - jnp.log(jnp.sum(e, axis=1, keepdims=True))


def _vec_spec(n):
    return pl.BlockSpec((1, n), lambda i: (0, 0))


_pre_call = pl.pallas_call(
    _pre_body,
    grid=(_G,),
    in_specs=[
        pl.BlockSpec((_R, 256), lambda i: (i, 0)),
        pl.BlockSpec((2, _R, 16), lambda i: (0, i, 0)),
        pl.BlockSpec((256, 256), lambda i: (0, 0)),
    ],
    out_specs=pl.BlockSpec((2, _R, 128), lambda i: (0, i, 0)),
    out_shape=jax.ShapeDtypeStruct((2, _NPAD, 128), jnp.float32),
)


def _mid_call(wn, split):
    if split:
        out_specs = pl.BlockSpec((2, _R, 128), lambda i: (0, i, 0))
        out_shape = jax.ShapeDtypeStruct((2, _NPAD, 128), jnp.float32)
    else:
        out_specs = pl.BlockSpec((_R, wn), lambda i: (i, 0))
        out_shape = jax.ShapeDtypeStruct((_NPAD, wn), jnp.float32)
    return pl.pallas_call(
        functools.partial(_mid_body, split=split),
        grid=(_G,),
        in_specs=[
            pl.BlockSpec((2, _R, 128), lambda i: (0, i, 0)),
            pl.BlockSpec((2, _R, 16), lambda i: (0, i, 0)),
            _vec_spec(256), _vec_spec(256), _vec_spec(256),
            pl.BlockSpec((256, wn), lambda i: (0, 0)),
        ],
        out_specs=out_specs,
        out_shape=out_shape,
    )


_mid_256 = _mid_call(256, True)
_mid_128 = _mid_call(128, False)

_final_call = pl.pallas_call(
    _final_body,
    grid=(_G,),
    in_specs=[
        pl.BlockSpec((2, _R, 128), lambda i: (0, i, 0)),
        pl.BlockSpec((2, _R, 16), lambda i: (0, i, 0)),
        _vec_spec(128),
    ],
    out_specs=pl.BlockSpec((_R, 128), lambda i: (i, 0)),
    out_shape=jax.ShapeDtypeStruct((_NPAD, 128), jnp.float32),
)


def kernel(x, edge_index, W1, b1, W2, b2, W3, b3, W4, b4, W5, b5,
           gamma1, beta1, gamma2, beta2, gamma3, beta3, gamma4, beta4):
    src = edge_index[0].astype(jnp.int32)
    dst = edge_index[1].astype(jnp.int32)
    pad = _EPAD - _E
    src_t = jnp.concatenate([src, jnp.full((pad,), _N, jnp.int32)])
    dst_t = jnp.concatenate([dst, jnp.full((pad,), _N, jnp.int32)])
    src_t = src_t.reshape(16, _NB, _BLK)
    dst_t = dst_t.reshape(16, _NB, _BLK)
    src2 = jnp.stack([src_t, src_t + _NPAD])

    deg2 = _deg_kernel(dst_t).reshape(2, _NPAD, 16)

    def layer(hs2, mid, *mid_args):
        agg = _agg128(hs2.reshape(2 * _NPAD, 128), src2, dst_t)
        return mid(agg.reshape(2, _NPAD, 128), deg2, *mid_args)

    xp = jnp.pad(x, ((0, _NPAD - _N), (0, 0)))
    b1r, b2r, b3r, b4r, b5r = (b.reshape(1, -1) for b in (b1, b2, b3, b4, b5))
    g1, g2, g3, g4 = (g.reshape(1, -1) for g in (gamma1, gamma2, gamma3, gamma4))
    be1, be2, be3, be4 = (b.reshape(1, -1) for b in (beta1, beta2, beta3, beta4))

    hs = _pre_call(xp, deg2, W1)
    hs = layer(hs, _mid_256, b1r, g1, be1, W2)
    hs = layer(hs, _mid_256, b2r, g2, be2, W3)
    hs = layer(hs, _mid_256, b3r, g3, be3, W4)
    hs5 = layer(hs, _mid_128, b4r, g4, be4, W5)
    zero128 = jnp.zeros((_BLK, 128), jnp.float32)
    agg5 = _agg_split(hs5, src_t, dst_t, zero128).reshape(2, _NPAD, 128)
    out = _final_call(agg5, deg2, b5r)
    return out[:_N]

# --- scband reference (transcript-rebuilt; emitter-appended) ---
"""Pipeline reference for scband-gcnnet-46961172414676 (READ-ONLY COPY).

The authoritative reference and input builder live on the scoring server;
editing this copy changes nothing except your own understanding.
"""

import jax, jax.numpy as jnp
import numpy as np

N = 10000
E = 160000
D_IN = 256
H = 256
D_OUT = 128


def _init_w(key, fan_in, fan_out):
    # Glorot-uniform like PyG's GCNConv default
    lim = float(np.sqrt(6.0 / (fan_in + fan_out)))
    return jax.random.uniform(key, (fan_in, fan_out), minval=-lim, maxval=lim, dtype=jnp.float32)


def setup_inputs(seed: int = 0) -> dict:
    key = jax.random.key(seed)
    ks = jax.random.split(key, 16)
    inp = {}
    inp['x'] = jax.random.normal(ks[0], (N, D_IN), dtype=jnp.float32)
    inp['edge_index'] = jax.random.randint(ks[1], (2, E), 0, N, dtype=jnp.int64) if jax.config.jax_enable_x64 else jax.random.randint(ks[1], (2, E), 0, N, dtype=jnp.int32)
    dims = [(D_IN, H), (H, H), (H, H), (H, H), (H, D_OUT)]
    for i, (fi, fo) in enumerate(dims):
        inp[f'W{i+1}'] = _init_w(ks[2 + i], fi, fo)
        inp[f'b{i+1}'] = jnp.zeros((fo,), dtype=jnp.float32)
    for i in range(4):
        inp[f'gamma{i+1}'] = jnp.ones((H,), dtype=jnp.float32)
        inp[f'beta{i+1}'] = jnp.zeros((H,), dtype=jnp.float32)
    return inp


def _gcn_conv(x, edge_index, W, b):
    n = x.shape[0]
    loop = jnp.arange(n, dtype=edge_index.dtype)
    src = jnp.concatenate([edge_index[0], loop])
    dst = jnp.concatenate([edge_index[1], loop])
    # degree with self-loops (counted on dst, matching PyG gcn_norm)
    deg = jnp.zeros((n,), dtype=x.dtype).at[dst].add(1.0)
    deg_inv_sqrt = jnp.where(deg > 0, jax.lax.rsqrt(deg), 0.0)
    norm = deg_inv_sqrt[src] * deg_inv_sqrt[dst]
    h = x @ W
    msg = h[src] * norm[:, None]
    out = jnp.zeros((n, W.shape[1]), dtype=x.dtype).at[dst].add(msg)
    return out + b


def _bn_eval(x, gamma, beta, eps=1e-5):
    # eval-mode BatchNorm1d with running_mean=0, running_var=1
    return gamma * x * jax.lax.rsqrt(jnp.asarray(1.0 + eps, x.dtype)) + beta


def reference(x, edge_index, W1, b1, W2, b2, W3, b3, W4, b4, W5, b5,
              gamma1, beta1, gamma2, beta2, gamma3, beta3, gamma4, beta4):
    h = _gcn_conv(x, edge_index, W1, b1)
    h = jax.nn.relu(_bn_eval(h, gamma1, beta1))
    h = _gcn_conv(h, edge_index, W2, b2)
    h = jax.nn.relu(_bn_eval(h, gamma2, beta2))
    h = _gcn_conv(h, edge_index, W3, b3)
    h = jax.nn.relu(_bn_eval(h, gamma3, beta3))
    h = _gcn_conv(h, edge_index, W4, b4)
    h = jax.nn.relu(_bn_eval(h, gamma4, beta4))
    h = _gcn_conv(h, edge_index, W5, b5)
    return jax.nn.log_softmax(h, axis=1)


if False:  # reference __main__ guard neutralized (emitter)
    out = reference(**setup_inputs())
    print(out.shape, out.dtype)

if __name__ == "__main__":
    import jax
    _d = setup_inputs()
    print(jax.jit(kernel)(*tuple(_d.values())))

</pallas_src>

<mosaic_0001>
#map = affine_map<(d0, d1) -> (0, 0, 0)>
#map1 = affine_map<(d0, d1) -> (0, 0)>
module attributes {stable_mosaic.version = 14 : i64} {
  func.func @_deg_kernel(%arg0: i32, %arg1: i32, %arg2: memref<16x80x128xi32, #tpu.memory_space<hbm>>, %arg3: memref<20480x16xf32, #tpu.memory_space<hbm>>, %arg4: memref<10240x16xf32, #tpu.memory_space<vmem_shared>>, %arg5: memref<128x16xf32, #tpu.memory_space<vmem>>, %arg6: memref<128x16xf32, #tpu.memory_space<vmem>>, %arg7: memref<40x128xi32, #tpu.memory_space<vmem>>) attributes {dimension_semantics = [#tpu.dimension_semantics<core_parallel>, #tpu.dimension_semantics<subcore_parallel>], iteration_bounds = array<i64: 2, 16>, scalar_prefetch = 0 : i64, scratch_operands = 4 : i64, tpu.core_type = #tpu.core_type<sc_vector_subcore>, window_params = [{transform_indices = #map}, {transform_indices = #map1}]} {
    %mul3A = arith.constant 640 : i32
    %mul3A_0 = arith.muli %arg1, %mul3A : i32
    %scan3A = arith.constant 0 : i32
    %scan3A_1 = arith.constant 0 : i32
    %scan3A_2 = arith.constant 128 : i32
    %scan3A_3 = arith.addi %scan3A_1, %scan3A_2 : i32
    %scan3A_4 = arith.constant 1 : i32
    scf.for %scan3A_49 = %scan3A_1 to %scan3A_3 step %scan3A_4  : i32 {
      %broadcast_in_dim3A = arith.constant 1.000000e+00 : f32
      %broadcast_in_dim3A_50 = vector.broadcast %broadcast_in_dim3A : f32 to vector<16xf32>
      %swap3A = arith.index_cast %scan3A_49 : i32 to index
      %swap3A_51 = arith.constant 0 : index
      %swap3A_52 = tpu.vector_load %arg5[%swap3A, %swap3A_51] {strides = array<i32>} : memref<128x16xf32, #tpu.memory_space<vmem>>, vector<1x16xf32>,
      %swap3A_53 = vector.shape_cast %swap3A_52 : vector<1x16xf32> to vector<16xf32>
      %swap3A_54 = vector.shape_cast %broadcast_in_dim3A_50 : vector<16xf32> to vector<1x16xf32>
      tpu.vector_store %arg5[%swap3A, %swap3A_51], %swap3A_54 {strides = array<i32>} : memref<128x16xf32, #tpu.memory_space<vmem>>, vector<1x16xf32>,
      %broadcast_in_dim3A_55 = arith.constant 0.000000e+00 : f32
      %broadcast_in_dim3A_56 = vector.broadcast %broadcast_in_dim3A_55 : f32 to vector<16xf32>
      %swap3A_57 = arith.index_cast %scan3A_49 : i32 to index
      %swap3A_58 = arith.constant 0 : index
      %swap3A_59 = tpu.vector_load %arg6[%swap3A_57, %swap3A_58] {strides = array<i32>} : memref<128x16xf32, #tpu.memory_space<vmem>>, vector<1x16xf32>,
      %swap3A_60 = vector.shape_cast %swap3A_59 : vector<1x16xf32> to vector<16xf32>
      %swap3A_61 = vector.shape_cast %broadcast_in_dim3A_56 : vector<16xf32> to vector<1x16xf32>
      tpu.vector_store %arg6[%swap3A_57, %swap3A_58], %swap3A_61 {strides = array<i32>} : memref<128x16xf32, #tpu.memory_space<vmem>>, vector<1x16xf32>,
    }
    %scan3A_5 = arith.constant 128 : i32
    %add3A = arith.constant 0 : i32
    %add3A_6 = arith.addi %mul3A_0, %add3A : i32
    "tpu.region"() ({
      %run_scoped3A = tpu.sem_alloc : memref<!tpu.dma_semaphore, #tpu.memory_space<semaphore_mem>>
      %dma_start3A = arith.constant 0 : i32
      %dma_start3A_49 = tpu.memref_slice %arg4[%add3A_6, %dma_start3A] : memref<10240x16xf32, #tpu.memory_space<vmem_shared>> -> memref<128x16xf32, #tpu.memory_space<vmem_shared>>
      %dma_start3A_50 = arith.constant 0 : i32
      %dma_start3A_51 = tpu.memref_slice %arg4[%add3A_6, %dma_start3A_50] : memref<10240x16xf32, #tpu.memory_space<vmem_shared>> -> memref<128x16xf32, #tpu.memory_space<vmem_shared>>
      tpu.enqueue_dma source(%arg6 : memref<128x16xf32, #tpu.memory_space<vmem>>) target(%dma_start3A_51 : memref<128x16xf32, #tpu.memory_space<vmem_shared>>) target_semaphore(%run_scoped3A : memref<!tpu.dma_semaphore, #tpu.memory_space<semaphore_mem>>)
      %dma_wait3A = arith.constant 0 : i32
      %dma_wait3A_52 = tpu.memref_slice %arg4[%add3A_6, %dma_wait3A] : memref<10240x16xf32, #tpu.memory_space<vmem_shared>> -> memref<128x16xf32, #tpu.memory_space<vmem_shared>>
      %dma_wait3A_53 = arith.constant 0 : i32
      %dma_wait3A_54 = tpu.memref_slice %arg4[%add3A_6, %dma_wait3A_53] : memref<10240x16xf32, #tpu.memory_space<vmem_shared>> -> memref<128x16xf32, #tpu.memory_space<vmem_shared>>
      tpu.wait_dma2 semaphore(%run_scoped3A : memref<!tpu.dma_semaphore, #tpu.memory_space<semaphore_mem>>) src(%arg6 : memref<128x16xf32, #tpu.memory_space<vmem>>) dst(%dma_wait3A_54 : memref<128x16xf32, #tpu.memory_space<vmem_shared>>)
      tpu.yield
    }) : () -> ()
    %add3A_7 = arith.constant 128 : i32
    %add3A_8 = arith.addi %mul3A_0, %add3A_7 : i32
    "tpu.region"() ({
      %run_scoped3A = tpu.sem_alloc : memref<!tpu.dma_semaphore, #tpu.memory_space<semaphore_mem>>
      %dma_start3A = arith.constant 0 : i32
      %dma_start3A_49 = tpu.memref_slice %arg4[%add3A_8, %dma_start3A] : memref<10240x16xf32, #tpu.memory_space<vmem_shared>> -> memref<128x16xf32, #tpu.memory_space<vmem_shared>>
      %dma_start3A_50 = arith.constant 0 : i32
      %dma_start3A_51 = tpu.memref_slice %arg4[%add3A_8, %dma_start3A_50] : memref<10240x16xf32, #tpu.memory_space<vmem_shared>> -> memref<128x16xf32, #tpu.memory_space<vmem_shared>>
      tpu.enqueue_dma source(%arg6 : memref<128x16xf32, #tpu.memory_space<vmem>>) target(%dma_start3A_51 : memref<128x16xf32, #tpu.memory_space<vmem_shared>>) target_semaphore(%run_scoped3A : memref<!tpu.dma_semaphore, #tpu.memory_space<semaphore_mem>>)
      %dma_wait3A = arith.constant 0 : i32
      %dma_wait3A_52 = tpu.memref_slice %arg4[%add3A_8, %dma_wait3A] : memref<10240x16xf32, #tpu.memory_space<vmem_shared>> -> memref<128x16xf32, #tpu.memory_space<vmem_shared>>
      %dma_wait3A_53 = arith.constant 0 : i32
      %dma_wait3A_54 = tpu.memref_slice %arg4[%add3A_8, %dma_wait3A_53] : memref<10240x16xf32, #tpu.memory_space<vmem_shared>> -> memref<128x16xf32, #tpu.memory_space<vmem_shared>>
      tpu.wait_dma2 semaphore(%run_scoped3A : memref<!tpu.dma_semaphore, #tpu.memory_space<semaphore_mem>>) src(%arg6 : memref<128x16xf32, #tpu.memory_space<vmem>>) dst(%dma_wait3A_54 : memref<128x16xf32, #tpu.memory_space<vmem_shared>>)
      tpu.yield
    }) : () -> ()
    %add3A_9 = arith.constant 256 : i32
    %add3A_10 = arith.addi %mul3A_0, %add3A_9 : i32
    "tpu.region"() ({
      %run_scoped3A = tpu.sem_alloc : memref<!tpu.dma_semaphore, #tpu.memory_space<semaphore_mem>>
      %dma_start3A = arith.constant 0 : i32
      %dma_start3A_49 = tpu.memref_slice %arg4[%add3A_10, %dma_start3A] : memref<10240x16xf32, #tpu.memory_space<vmem_shared>> -> memref<128x16xf32, #tpu.memory_space<vmem_shared>>
      %dma_start3A_50 = arith.constant 0 : i32
      %dma_start3A_51 = tpu.memref_slice %arg4[%add3A_10, %dma_start3A_50] : memref<10240x16xf32, #tpu.memory_space<vmem_shared>> -> memref<128x16xf32, #tpu.memory_space<vmem_shared>>
      tpu.enqueue_dma source(%arg6 : memref<128x16xf32, #tpu.memory_space<vmem>>) target(%dma_start3A_51 : memref<128x16xf32, #tpu.memory_space<vmem_shared>>) target_semaphore(%run_scoped3A : memref<!tpu.dma_semaphore, #tpu.memory_space<semaphore_mem>>)
      %dma_wait3A = arith.constant 0 : i32
      %dma_wait3A_52 = tpu.memref_slice %arg4[%add3A_10, %dma_wait3A] : memref<10240x16xf32, #tpu.memory_space<vmem_shared>> -> memref<128x16xf32, #tpu.memory_space<vmem_shared>>
      %dma_wait3A_53 = arith.constant 0 : i32
      %dma_wait3A_54 = tpu.memref_slice %arg4[%add3A_10, %dma_wait3A_53] : memref<10240x16xf32, #tpu.memory_space<vmem_shared>> -> memref<128x16xf32, #tpu.memory_space<vmem_shared>>
      tpu.wait_dma2 semaphore(%run_scoped3A : memref<!tpu.dma_semaphore, #tpu.memory_space<semaphore_mem>>) src(%arg6 : memref<128x16xf32, #tpu.memory_space<vmem>>) dst(%dma_wait3A_54 : memref<128x16xf32, #tpu.memory_space<vmem_shared>>)
      tpu.yield
    }) : () -> ()
    %add3A_11 = arith.constant 384 : i32
    %add3A_12 = arith.addi %mul3A_0, %add3A_11 : i32
    "tpu.region"() ({
      %run_scoped3A = tpu.sem_alloc : memref<!tpu.dma_semaphore, #tpu.memory_space<semaphore_mem>>
      %dma_start3A = arith.constant 0 : i32
      %dma_start3A_49 = tpu.memref_slice %arg4[%add3A_12, %dma_start3A] : memref<10240x16xf32, #tpu.memory_space<vmem_shared>> -> memref<128x16xf32, #tpu.memory_space<vmem_shared>>
      %dma_start3A_50 = arith.constant 0 : i32
      %dma_start3A_51 = tpu.memref_slice %arg4[%add3A_12, %dma_start3A_50] : memref<10240x16xf32, #tpu.memory_space<vmem_shared>> -> memref<128x16xf32, #tpu.memory_space<vmem_shared>>
      tpu.enqueue_dma source(%arg6 : memref<128x16xf32, #tpu.memory_space<vmem>>) target(%dma_start3A_51 : memref<128x16xf32, #tpu.memory_space<vmem_shared>>) target_semaphore(%run_scoped3A : memref<!tpu.dma_semaphore, #tpu.memory_space<semaphore_mem>>)
      %dma_wait3A = arith.constant 0 : i32
      %dma_wait3A_52 = tpu.memref_slice %arg4[%add3A_12, %dma_wait3A] : memref<10240x16xf32, #tpu.memory_space<vmem_shared>> -> memref<128x16xf32, #tpu.memory_space<vmem_shared>>
      %dma_wait3A_53 = arith.constant 0 : i32
      %dma_wait3A_54 = tpu.memref_slice %arg4[%add3A_12, %dma_wait3A_53] : memref<10240x16xf32, #tpu.memory_space<vmem_shared>> -> memref<128x16xf32, #tpu.memory_space<vmem_shared>>
      tpu.wait_dma2 semaphore(%run_scoped3A : memref<!tpu.dma_semaphore, #tpu.memory_space<semaphore_mem>>) src(%arg6 : memref<128x16xf32, #tpu.memory_space<vmem>>) dst(%dma_wait3A_54 : memref<128x16xf32, #tpu.memory_space<vmem_shared>>)
      tpu.yield
    }) : () -> ()
    %add3A_13 = arith.constant 512 : i32
    %add3A_14 = arith.addi %mul3A_0, %add3A_13 : i32
    "tpu.region"() ({
      %run_scoped3A = tpu.sem_alloc : memref<!tpu.dma_semaphore, #tpu.memory_space<semaphore_mem>>
      %dma_start3A = arith.constant 0 : i32
      %dma_start3A_49 = tpu.memref_slice %arg4[%add3A_14, %dma_start3A] : memref<10240x16xf32, #tpu.memory_space<vmem_shared>> -> memref<128x16xf32, #tpu.memory_space<vmem_shared>>
      %dma_start3A_50 = arith.constant 0 : i32
      %dma_start3A_51 = tpu.memref_slice %arg4[%add3A_14, %dma_start3A_50] : memref<10240x16xf32, #tpu.memory_space<vmem_shared>> -> memref<128x16xf32, #tpu.memory_space<vmem_shared>>
      tpu.enqueue_dma source(%arg6 : memref<128x16xf32, #tpu.memory_space<vmem>>) target(%dma_start3A_51 : memref<128x16xf32, #tpu.memory_space<vmem_shared>>) target_semaphore(%run_scoped3A : memref<!tpu.dma_semaphore, #tpu.memory_space<semaphore_mem>>)
      %dma_wait3A = arith.constant 0 : i32
      %dma_wait3A_52 = tpu.memref_slice %arg4[%add3A_14, %dma_wait3A] : memref<10240x16xf32, #tpu.memory_space<vmem_shared>> -> memref<128x16xf32, #tpu.memory_space<vmem_shared>>
      %dma_wait3A_53 = arith.constant 0 : i32
      %dma_wait3A_54 = tpu.memref_slice %arg4[%add3A_14, %dma_wait3A_53] : memref<10240x16xf32, #tpu.memory_space<vmem_shared>> -> memref<128x16xf32, #tpu.memory_space<vmem_shared>>
      tpu.wait_dma2 semaphore(%run_scoped3A : memref<!tpu.dma_semaphore, #tpu.memory_space<semaphore_mem>>) src(%arg6 : memref<128x16xf32, #tpu.memory_space<vmem>>) dst(%dma_wait3A_54 : memref<128x16xf32, #tpu.memory_space<vmem_shared>>)
      tpu.yield
    }) : () -> ()
    %mul3A_15 = arith.constant 40 : i32
    %mul3A_16 = arith.muli %arg0, %mul3A_15 : i32
    "tpu.region"() ({
      %run_scoped3A = tpu.sem_alloc : memref<!tpu.dma_semaphore, #tpu.memory_space<semaphore_mem>>
      %dma_start3A = arith.constant 0 : i32
      %dma_start3A_49 = tpu.memref_slice %arg2[%arg1, %mul3A_16, %dma_start3A] : memref<16x80x128xi32, #tpu.memory_space<hbm>> -> memref<1x40x128xi32, #tpu.memory_space<hbm>>
      %dma_start3A_50 = tpu.memref_squeeze %dma_start3A_49 : memref<1x40x128xi32, #tpu.memory_space<hbm>> -> memref<40x128xi32, #tpu.memory_space<hbm>>
      %dma_start3A_51 = arith.constant 0 : i32
      %dma_start3A_52 = tpu.memref_slice %arg2[%arg1, %mul3A_16, %dma_start3A_51] : memref<16x80x128xi32, #tpu.memory_space<hbm>> -> memref<1x40x128xi32, #tpu.memory_space<hbm>>
      %dma_start3A_53 = tpu.memref_squeeze %dma_start3A_52 : memref<1x40x128xi32, #tpu.memory_space<hbm>> -> memref<40x128xi32, #tpu.memory_space<hbm>>
      tpu.enqueue_dma source(%dma_start3A_53 : memref<40x128xi32, #tpu.memory_space<hbm>>) target(%arg7 : memref<40x128xi32, #tpu.memory_space<vmem>>) target_semaphore(%run_scoped3A : memref<!tpu.dma_semaphore, #tpu.memory_space<semaphore_mem>>)
      %dma_wait3A = arith.constant 0 : i32
      %dma_wait3A_54 = tpu.memref_slice %arg2[%arg1, %mul3A_16, %dma_wait3A] : memref<16x80x128xi32, #tpu.memory_space<hbm>> -> memref<1x40x128xi32, #tpu.memory_space<hbm>>
      %dma_wait3A_55 = tpu.memref_squeeze %dma_wait3A_54 : memref<1x40x128xi32, #tpu.memory_space<hbm>> -> memref<40x128xi32, #tpu.memory_space<hbm>>
      %dma_wait3A_56 = arith.constant 0 : i32
      %dma_wait3A_57 = tpu.memref_slice %arg2[%arg1, %mul3A_16, %dma_wait3A_56] : memref<16x80x128xi32, #tpu.memory_space<hbm>> -> memref<1x40x128xi32, #tpu.memory_space<hbm>>
      %dma_wait3A_58 = tpu.memref_squeeze %dma_wait3A_57 : memref<1x40x128xi32, #tpu.memory_space<hbm>> -> memref<40x128xi32, #tpu.memory_space<hbm>>
      tpu.wait_dma2 semaphore(%run_scoped3A : memref<!tpu.dma_semaphore, #tpu.memory_space<semaphore_mem>>) src(%dma_wait3A_58 : memref<40x128xi32, #tpu.memory_space<hbm>>) dst(%arg7 : memref<40x128xi32, #tpu.memory_space<vmem>>)
      tpu.yield
    }) : () -> ()
    %barrier3A = arith.constant 0 : index
    tpu.barrier barrier_id(%barrier3A)
    %scan3A_17 = arith.constant 0 : i32
    %scan3A_18 = arith.constant 0 : i32
    %scan3A_19 = arith.constant 40 : i32
    %scan3A_20 = arith.addi %scan3A_18, %scan3A_19 : i32
    %scan3A_21 = arith.constant 1 : i32
    scf.for %scan3A_49 = %scan3A_18 to %scan3A_20 step %scan3A_21  : i32 {
      "tpu.region"() ({
        %run_scoped3A = tpu.sem_alloc : memref<!tpu.dma_semaphore, #tpu.memory_space<semaphore_mem>>
        %dma_start3A = arith.constant 0 : i32
        %dma_start3A_50 = tpu.memref_slice %arg7[%scan3A_49, %dma_start3A] : memref<40x128xi32, #tpu.memory_space<vmem>> -> memref<1x128xi32, #tpu.memory_space<vmem>>
        %dma_start3A_51 = tpu.memref_squeeze %dma_start3A_50 : memref<1x128xi32, #tpu.memory_space<vmem>> -> memref<128xi32, #tpu.memory_space<vmem>>
        %dma_start3A_52 = arith.constant 0 : i32
        %dma_start3A_53 = arith.constant 0 : i32
        %dma_start3A_54 = tpu.memref_slice %arg4[%dma_start3A_52, %dma_start3A_53] : memref<10240x16xf32, #tpu.memory_space<vmem_shared>> -> memref<10240x16xf32, #tpu.memory_space<vmem_shared>>
        tpu.enqueue_indirect_dma source(%arg5 : memref<128x16xf32, #tpu.memory_space<vmem>>) target(%dma_start3A_54 : memref<10240x16xf32, #tpu.memory_space<vmem_shared>>) offsets(%dma_start3A_51 : memref<128xi32, #tpu.memory_space<vmem>>) semaphore(%run_scoped3A : memref<!tpu.dma_semaphore, #tpu.memory_space<semaphore_mem>>) {add = true}
        %dma_wait3A = arith.constant 0 : i32
        %dma_wait3A_55 = tpu.memref_slice %arg7[%scan3A_49, %dma_wait3A] : memref<40x128xi32, #tpu.memory_space<vmem>> -> memref<1x128xi32, #tpu.memory_space<vmem>>
        %dma_wait3A_56 = tpu.memref_squeeze %dma_wait3A_55 : memref<1x128xi32, #tpu.memory_space<vmem>> -> memref<128xi32, #tpu.memory_space<vmem>>
        %dma_wait3A_57 = arith.constant 0 : i32
        %dma_wait3A_58 = arith.constant 0 : i32
        %dma_wait3A_59 = tpu.memref_slice %arg4[%dma_wait3A_57, %dma_wait3A_58] : memref<10240x16xf32, #tpu.memory_space<vmem_shared>> -> memref<10240x16xf32, #tpu.memory_space<vmem_shared>>
        tpu.wait_indirect_dma semaphore(%run_scoped3A : memref<!tpu.dma_semaphore, #tpu.memory_space<semaphore_mem>>) src(%arg5 : memref<128x16xf32, #tpu.memory_space<vmem>>) dst(%dma_wait3A_59 : memref<10240x16xf32, #tpu.memory_space<vmem_shared>>)
        tpu.yield
      }) : () -> ()
    }
    %scan3A_22 = arith.constant 40 : i32
    %barrier3A_23 = arith.constant 0 : index
    tpu.barrier barrier_id(%barrier3A_23)
    %add3A_24 = arith.constant 0 : i32
    %add3A_25 = arith.addi %mul3A_0, %add3A_24 : i32
    "tpu.region"() ({
      %run_scoped3A = tpu.sem_alloc : memref<!tpu.dma_semaphore, #tpu.memory_space<semaphore_mem>>
      %dma_start3A = arith.constant 0 : i32
      %dma_start3A_49 = tpu.memref_slice %arg4[%add3A_25, %dma_start3A] : memref<10240x16xf32, #tpu.memory_space<vmem_shared>> -> memref<128x16xf32, #tpu.memory_space<vmem_shared>>
      %dma_start3A_50 = arith.constant 0 : i32
      %dma_start3A_51 = tpu.memref_slice %arg4[%add3A_25, %dma_start3A_50] : memref<10240x16xf32, #tpu.memory_space<vmem_shared>> -> memref<128x16xf32, #tpu.memory_space<vmem_shared>>
      tpu.enqueue_dma source(%dma_start3A_51 : memref<128x16xf32, #tpu.memory_space<vmem_shared>>) target(%arg6 : memref<128x16xf32, #tpu.memory_space<vmem>>) target_semaphore(%run_scoped3A : memref<!tpu.dma_semaphore, #tpu.memory_space<semaphore_mem>>)
      %dma_wait3A = arith.constant 0 : i32
      %dma_wait3A_52 = tpu.memref_slice %arg4[%add3A_25, %dma_wait3A] : memref<10240x16xf32, #tpu.memory_space<vmem_shared>> -> memref<128x16xf32, #tpu.memory_space<vmem_shared>>
      %dma_wait3A_53 = arith.constant 0 : i32
      %dma_wait3A_54 = tpu.memref_slice %arg4[%add3A_25, %dma_wait3A_53] : memref<10240x16xf32, #tpu.memory_space<vmem_shared>> -> memref<128x16xf32, #tpu.memory_space<vmem_shared>>
      tpu.wait_dma2 semaphore(%run_scoped3A : memref<!tpu.dma_semaphore, #tpu.memory_space<semaphore_mem>>) src(%dma_wait3A_54 : memref<128x16xf32, #tpu.memory_space<vmem_shared>>) dst(%arg6 : memref<128x16xf32, #tpu.memory_space<vmem>>)
      tpu.yield
    }) : () -> ()
    %mul3A_26 = arith.constant 10240 : i32
    %mul3A_27 = arith.muli %arg0, %mul3A_26 : i32
    %add3A_28 = arith.addi %mul3A_27, %add3A_25 : i32
    "tpu.region"() ({
      %run_scoped3A = tpu.sem_alloc : memref<!tpu.dma_semaphore, #tpu.memory_space<semaphore_mem>>
      %dma_start3A = arith.constant 0 : i32
      %dma_start3A_49 = tpu.memref_slice %arg3[%add3A_28, %dma_start3A] : memref<20480x16xf32, #tpu.memory_space<hbm>> -> memref<128x16xf32, #tpu.memory_space<hbm>>
      %dma_start3A_50 = arith.constant 0 : i32
      %dma_start3A_51 = tpu.memref_slice %arg3[%add3A_28, %dma_start3A_50] : memref<20480x16xf32, #tpu.memory_space<hbm>> -> memref<128x16xf32, #tpu.memory_space<hbm>>
      tpu.enqueue_dma source(%arg6 : memref<128x16xf32, #tpu.memory_space<vmem>>) target(%dma_start3A_51 : memref<128x16xf32, #tpu.memory_space<hbm>>) target_semaphore(%run_scoped3A : memref<!tpu.dma_semaphore, #tpu.memory_space<semaphore_mem>>)
      %dma_wait3A = arith.constant 0 : i32
      %dma_wait3A_52 = tpu.memref_slice %arg3[%add3A_28, %dma_wait3A] : memref<20480x16xf32, #tpu.memory_space<hbm>> -> memref<128x16xf32, #tpu.memory_space<hbm>>
      %dma_wait3A_53 = arith.constant 0 : i32
      %dma_wait3A_54 = tpu.memref_slice %arg3[%add3A_28, %dma_wait3A_53] : memref<20480x16xf32, #tpu.memory_space<hbm>> -> memref<128x16xf32, #tpu.memory_space<hbm>>
      tpu.wait_dma2 semaphore(%run_scoped3A : memref<!tpu.dma_semaphore, #tpu.memory_space<semaphore_mem>>) src(%arg6 : memref<128x16xf32, #tpu.memory_space<vmem>>) dst(%dma_wait3A_54 : memref<128x16xf32, #tpu.memory_space<hbm>>)
      tpu.yield
    }) : () -> ()
    %add3A_29 = arith.constant 128 : i32
    %add3A_30 = arith.addi %mul3A_0, %add3A_29 : i32
    "tpu.region"() ({
      %run_scoped3A = tpu.sem_alloc : memref<!tpu.dma_semaphore, #tpu.memory_space<semaphore_mem>>
      %dma_start3A = arith.constant 0 : i32
      %dma_start3A_49 = tpu.memref_slice %arg4[%add3A_30, %dma_start3A] : memref<10240x16xf32, #tpu.memory_space<vmem_shared>> -> memref<128x16xf32, #tpu.memory_space<vmem_shared>>
      %dma_start3A_50 = arith.constant 0 : i32
      %dma_start3A_51 = tpu.memref_slice %arg4[%add3A_30, %dma_start3A_50] : memref<10240x16xf32, #tpu.memory_space<vmem_shared>> -> memref<128x16xf32, #tpu.memory_space<vmem_shared>>
      tpu.enqueue_dma source(%dma_start3A_51 : memref<128x16xf32, #tpu.memory_space<vmem_shared>>) target(%arg6 : memref<128x16xf32, #tpu.memory_space<vmem>>) target_semaphore(%run_scoped3A : memref<!tpu.dma_semaphore, #tpu.memory_space<semaphore_mem>>)
      %dma_wait3A = arith.constant 0 : i32
      %dma_wait3A_52 = tpu.memref_slice %arg4[%add3A_30, %dma_wait3A] : memref<10240x16xf32, #tpu.memory_space<vmem_shared>> -> memref<128x16xf32, #tpu.memory_space<vmem_shared>>
      %dma_wait3A_53 = arith.constant 0 : i32
      %dma_wait3A_54 = tpu.memref_slice %arg4[%add3A_30, %dma_wait3A_53] : memref<10240x16xf32, #tpu.memory_space<vmem_shared>> -> memref<128x16xf32, #tpu.memory_space<vmem_shared>>
      tpu.wait_dma2 semaphore(%run_scoped3A : memref<!tpu.dma_semaphore, #tpu.memory_space<semaphore_mem>>) src(%dma_wait3A_54 : memref<128x16xf32, #tpu.memory_space<vmem_shared>>) dst(%arg6 : memref<128x16xf32, #tpu.memory_space<vmem>>)
      tpu.yield
    }) : () -> ()
    %mul3A_31 = arith.constant 10240 : i32
    %mul3A_32 = arith.muli %arg0, %mul3A_31 : i32
    %add3A_33 = arith.addi %mul3A_32, %add3A_30 : i32
    "tpu.region"() ({
      %run_scoped3A = tpu.sem_alloc : memref<!tpu.dma_semaphore, #tpu.memory_space<semaphore_mem>>
      %dma_start3A = arith.constant 0 : i32
      %dma_start3A_49 = tpu.memref_slice %arg3[%add3A_33, %dma_start3A] : memref<20480x16xf32, #tpu.memory_space<hbm>> -> memref<128x16xf32, #tpu.memory_space<hbm>>
      %dma_start3A_50 = arith.constant 0 : i32
      %dma_start3A_51 = tpu.memref_slice %arg3[%add3A_33, %dma_start3A_50] : memref<20480x16xf32, #tpu.memory_space<hbm>> -> memref<128x16xf32, #tpu.memory_space<hbm>>
      tpu.enqueue_dma source(%arg6 : memref<128x16xf32, #tpu.memory_space<vmem>>) target(%dma_start3A_51 : memref<128x16xf32, #tpu.memory_space<hbm>>) target_semaphore(%run_scoped3A : memref<!tpu.dma_semaphore, #tpu.memory_space<semaphore_mem>>)
      %dma_wait3A = arith.constant 0 : i32
      %dma_wait3A_52 = tpu.memref_slice %arg3[%add3A_33, %dma_wait3A] : memref<20480x16xf32, #tpu.memory_space<hbm>> -> memref<128x16xf32, #tpu.memory_space<hbm>>
      %dma_wait3A_53 = arith.constant 0 : i32
      %dma_wait3A_54 = tpu.memref_slice %arg3[%add3A_33, %dma_wait3A_53] : memref<20480x16xf32, #tpu.memory_space<hbm>> -> memref<128x16xf32, #tpu.memory_space<hbm>>
      tpu.wait_dma2 semaphore(%run_scoped3A : memref<!tpu.dma_semaphore, #tpu.memory_space<semaphore_mem>>) src(%arg6 : memref<128x16xf32, #tpu.memory_space<vmem>>) dst(%dma_wait3A_54 : memref<128x16xf32, #tpu.memory_space<hbm>>)
      tpu.yield
    }) : () -> ()
    %add3A_34 = arith.constant 256 : i32
    %add3A_35 = arith.addi %mul3A_0, %add3A_34 : i32
    "tpu.region"() ({
      %run_scoped3A = tpu.sem_alloc : memref<!tpu.dma_semaphore, #tpu.memory_space<semaphore_mem>>
      %dma_start3A = arith.constant 0 : i32
      %dma_start3A_49 = tpu.memref_slice %arg4[%add3A_35, %dma_start3A] : memref<10240x16xf32, #tpu.memory_space<vmem_shared>> -> memref<128x16xf32, #tpu.memory_space<vmem_shared>>
      %dma_start3A_50 = arith.constant 0 : i32
      %dma_start3A_51 = tpu.memref_slice %arg4[%add3A_35, %dma_start3A_50] : memref<10240x16xf32, #tpu.memory_space<vmem_shared>> -> memref<128x16xf32, #tpu.memory_space<vmem_shared>>
      tpu.enqueue_dma source(%dma_start3A_51 : memref<128x16xf32, #tpu.memory_space<vmem_shared>>) target(%arg6 : memref<128x16xf32, #tpu.memory_space<vmem>>) target_semaphore(%run_scoped3A : memref<!tpu.dma_semaphore, #tpu.memory_space<semaphore_mem>>)
      %dma_wait3A = arith.constant 0 : i32
      %dma_wait3A_52 = tpu.memref_slice %arg4[%add3A_35, %dma_wait3A] : memref<10240x16xf32, #tpu.memory_space<vmem_shared>> -> memref<128x16xf32, #tpu.memory_space<vmem_shared>>
      %dma_wait3A_53 = arith.constant 0 : i32
      %dma_wait3A_54 = tpu.memref_slice %arg4[%add3A_35, %dma_wait3A_53] : memref<10240x16xf32, #tpu.memory_space<vmem_shared>> -> memref<128x16xf32, #tpu.memory_space<vmem_shared>>
      tpu.wait_dma2 semaphore(%run_scoped3A : memref<!tpu.dma_semaphore, #tpu.memory_space<semaphore_mem>>) src(%dma_wait3A_54 : memref<128x16xf32, #tpu.memory_space<vmem_shared>>) dst(%arg6 : memref<128x16xf32, #tpu.memory_space<vmem>>)
      tpu.yield
    }) : () -> ()
    %mul3A_36 = arith.constant 10240 : i32
    %mul3A_37 = arith.muli %arg0, %mul3A_36 : i32
    %add3A_38 = arith.addi %mul3A_37, %add3A_35 : i32
    "tpu.region"() ({
      %run_scoped3A = tpu.sem_alloc : memref<!tpu.dma_semaphore, #tpu.memory_space<semaphore_mem>>
      %dma_start3A = arith.constant 0 : i32
      %dma_start3A_49 = tpu.memref_slice %arg3[%add3A_38, %dma_start3A] : memref<20480x16xf32, #tpu.memory_space<hbm>> -> memref<128x16xf32, #tpu.memory_space<hbm>>
      %dma_start3A_50 = arith.constant 0 : i32
      %dma_start3A_51 = tpu.memref_slice %arg3[%add3A_38, %dma_start3A_50] : memref<20480x16xf32, #tpu.memory_space<hbm>> -> memref<128x16xf32, #tpu.memory_space<hbm>>
      tpu.enqueue_dma source(%arg6 : memref<128x16xf32, #tpu.memory_space<vmem>>) target(%dma_start3A_51 : memref<128x16xf32, #tpu.memory_space<hbm>>) target_semaphore(%run_scoped3A : memref<!tpu.dma_semaphore, #tpu.memory_space<semaphore_mem>>)
      %dma_wait3A = arith.constant 0 : i32
      %dma_wait3A_52 = tpu.memref_slice %arg3[%add3A_38, %dma_wait3A] : memref<20480x16xf32, #tpu.memory_space<hbm>> -> memref<128x16xf32, #tpu.memory_space<hbm>>
      %dma_wait3A_53 = arith.constant 0 : i32
      %dma_wait3A_54 = tpu.memref_slice %arg3[%add3A_38, %dma_wait3A_53] : memref<20480x16xf32, #tpu.memory_space<hbm>> -> memref<128x16xf32, #tpu.memory_space<hbm>>
      tpu.wait_dma2 semaphore(%run_scoped3A : memref<!tpu.dma_semaphore, #tpu.memory_space<semaphore_mem>>) src(%arg6 : memref<128x16xf32, #tpu.memory_space<vmem>>) dst(%dma_wait3A_54 : memref<128x16xf32, #tpu.memory_space<hbm>>)
      tpu.yield
    }) : () -> ()
    %add3A_39 = arith.constant 384 : i32
    %add3A_40 = arith.addi %mul3A_0, %add3A_39 : i32
    "tpu.region"() ({
      %run_scoped3A = tpu.sem_alloc : memref<!tpu.dma_semaphore, #tpu.memory_space<semaphore_mem>>
      %dma_start3A = arith.constant 0 : i32
      %dma_start3A_49 = tpu.memref_slice %arg4[%add3A_40, %dma_start3A] : memref<10240x16xf32, #tpu.memory_space<vmem_shared>> -> memref<128x16xf32, #tpu.memory_space<vmem_shared>>
      %dma_start3A_50 = arith.constant 0 : i32
      %dma_start3A_51 = tpu.memref_slice %arg4[%add3A_40, %dma_start3A_50] : memref<10240x16xf32, #tpu.memory_space<vmem_shared>> -> memref<128x16xf32, #tpu.memory_space<vmem_shared>>
      tpu.enqueue_dma source(%dma_start3A_51 : memref<128x16xf32, #tpu.memory_space<vmem_shared>>) target(%arg6 : memref<128x16xf32, #tpu.memory_space<vmem>>) target_semaphore(%run_scoped3A : memref<!tpu.dma_semaphore, #tpu.memory_space<semaphore_mem>>)
      %dma_wait3A = arith.constant 0 : i32
      %dma_wait3A_52 = tpu.memref_slice %arg4[%add3A_40, %dma_wait3A] : memref<10240x16xf32, #tpu.memory_space<vmem_shared>> -> memref<128x16xf32, #tpu.memory_space<vmem_shared>>
      %dma_wait3A_53 = arith.constant 0 : i32
      %dma_wait3A_54 = tpu.memref_slice %arg4[%add3A_40, %dma_wait3A_53] : memref<10240x16xf32, #tpu.memory_space<vmem_shared>> -> memref<128x16xf32, #tpu.memory_space<vmem_shared>>
      tpu.wait_dma2 semaphore(%run_scoped3A : memref<!tpu.dma_semaphore, #tpu.memory_space<semaphore_mem>>) src(%dma_wait3A_54 : memref<128x16xf32, #tpu.memory_space<vmem_shared>>) dst(%arg6 : memref<128x16xf32, #tpu.memory_space<vmem>>)
      tpu.yield
    }) : () -> ()
    %mul3A_41 = arith.constant 10240 : i32
    %mul3A_42 = arith.muli %arg0, %mul3A_41 : i32
    %add3A_43 = arith.addi %mul3A_42, %add3A_40 : i32
    "tpu.region"() ({
      %run_scoped3A = tpu.sem_alloc : memref<!tpu.dma_semaphore, #tpu.memory_space<semaphore_mem>>
      %dma_start3A = arith.constant 0 : i32
      %dma_start3A_49 = tpu.memref_slice %arg3[%add3A_43, %dma_start3A] : memref<20480x16xf32, #tpu.memory_space<hbm>> -> memref<128x16xf32, #tpu.memory_space<hbm>>
      %dma_start3A_50 = arith.constant 0 : i32
      %dma_start3A_51 = tpu.memref_slice %arg3[%add3A_43, %dma_start3A_50] : memref<20480x16xf32, #tpu.memory_space<hbm>> -> memref<128x16xf32, #tpu.memory_space<hbm>>
      tpu.enqueue_dma source(%arg6 : memref<128x16xf32, #tpu.memory_space<vmem>>) target(%dma_start3A_51 : memref<128x16xf32, #tpu.memory_space<hbm>>) target_semaphore(%run_scoped3A : memref<!tpu.dma_semaphore, #tpu.memory_space<semaphore_mem>>)
      %dma_wait3A = arith.constant 0 : i32
      %dma_wait3A_52 = tpu.memref_slice %arg3[%add3A_43, %dma_wait3A] : memref<20480x16xf32, #tpu.memory_space<hbm>> -> memref<128x16xf32, #tpu.memory_space<hbm>>
      %dma_wait3A_53 = arith.constant 0 : i32
      %dma_wait3A_54 = tpu.memref_slice %arg3[%add3A_43, %dma_wait3A_53] : memref<20480x16xf32, #tpu.memory_space<hbm>> -> memref<128x16xf32, #tpu.memory_space<hbm>>
      tpu.wait_dma2 semaphore(%run_scoped3A : memref<!tpu.dma_semaphore, #tpu.memory_space<semaphore_mem>>) src(%arg6 : memref<128x16xf32, #tpu.memory_space<vmem>>) dst(%dma_wait3A_54 : memref<128x16xf32, #tpu.memory_space<hbm>>)
      tpu.yield
    }) : () -> ()
    %add3A_44 = arith.constant 512 : i32
    %add3A_45 = arith.addi %mul3A_0, %add3A_44 : i32
    "tpu.region"() ({
      %run_scoped3A = tpu.sem_alloc : memref<!tpu.dma_semaphore, #tpu.memory_space<semaphore_mem>>
      %dma_start3A = arith.constant 0 : i32
      %dma_start3A_49 = tpu.memref_slice %arg4[%add3A_45, %dma_start3A] : memref<10240x16xf32, #tpu.memory_space<vmem_shared>> -> memref<128x16xf32, #tpu.memory_space<vmem_shared>>
      %dma_start3A_50 = arith.constant 0 : i32
      %dma_start3A_51 = tpu.memref_slice %arg4[%add3A_45, %dma_start3A_50] : memref<10240x16xf32, #tpu.memory_space<vmem_shared>> -> memref<128x16xf32, #tpu.memory_space<vmem_shared>>
      tpu.enqueue_dma source(%dma_start3A_51 : memref<128x16xf32, #tpu.memory_space<vmem_shared>>) target(%arg6 : memref<128x16xf32, #tpu.memory_space<vmem>>) target_semaphore(%run_scoped3A : memref<!tpu.dma_semaphore, #tpu.memory_space<semaphore_mem>>)
      %dma_wait3A = arith.constant 0 : i32
      %dma_wait3A_52 = tpu.memref_slice %arg4[%add3A_45, %dma_wait3A] : memref<10240x16xf32, #tpu.memory_space<vmem_shared>> -> memref<128x16xf32, #tpu.memory_space<vmem_shared>>
      %dma_wait3A_53 = arith.constant 0 : i32
      %dma_wait3A_54 = tpu.memref_slice %arg4[%add3A_45, %dma_wait3A_53] : memref<10240x16xf32, #tpu.memory_space<vmem_shared>> -> memref<128x16xf32, #tpu.memory_space<vmem_shared>>
      tpu.wait_dma2 semaphore(%run_scoped3A : memref<!tpu.dma_semaphore, #tpu.memory_space<semaphore_mem>>) src(%dma_wait3A_54 : memref<128x16xf32, #tpu.memory_space<vmem_shared>>) dst(%arg6 : memref<128x16xf32, #tpu.memory_space<vmem>>)
      tpu.yield
    }) : () -> ()
    %mul3A_46 = arith.constant 10240 : i32
    %mul3A_47 = arith.muli %arg0, %mul3A_46 : i32
    %add3A_48 = arith.addi %mul3A_47, %add3A_45 : i32
    "tpu.region"() ({
      %run_scoped3A = tpu.sem_alloc : memref<!tpu.dma_semaphore, #tpu.memory_space<semaphore_mem>>
      %dma_start3A = arith.constant 0 : i32
      %dma_start3A_49 = tpu.memref_slice %arg3[%add3A_48, %dma_start3A] : memref<20480x16xf32, #tpu.memory_space<hbm>> -> memref<128x16xf32, #tpu.memory_space<hbm>>
      %dma_start3A_50 = arith.constant 0 : i32
      %dma_start3A_51 = tpu.memref_slice %arg3[%add3A_48, %dma_start3A_50] : memref<20480x16xf32, #tpu.memory_space<hbm>> -> memref<128x16xf32, #tpu.memory_space<hbm>>
      tpu.enqueue_dma source(%arg6 : memref<128x16xf32, #tpu.memory_space<vmem>>) target(%dma_start3A_51 : memref<128x16xf32, #tpu.memory_space<hbm>>) target_semaphore(%run_scoped3A : memref<!tpu.dma_semaphore, #tpu.memory_space<semaphore_mem>>)
      %dma_wait3A = arith.constant 0 : i32
      %dma_wait3A_52 = tpu.memref_slice %arg3[%add3A_48, %dma_wait3A] : memref<20480x16xf32, #tpu.memory_space<hbm>> -> memref<128x16xf32, #tpu.memory_space<hbm>>
      %dma_wait3A_53 = arith.constant 0 : i32
      %dma_wait3A_54 = tpu.memref_slice %arg3[%add3A_48, %dma_wait3A_53] : memref<20480x16xf32, #tpu.memory_space<hbm>> -> memref<128x16xf32, #tpu.memory_space<hbm>>
      tpu.wait_dma2 semaphore(%run_scoped3A : memref<!tpu.dma_semaphore, #tpu.memory_space<semaphore_mem>>) src(%arg6 : memref<128x16xf32, #tpu.memory_space<vmem>>) dst(%dma_wait3A_54 : memref<128x16xf32, #tpu.memory_space<hbm>>)
      tpu.yield
    }) : () -> ()
    return
  }
}

#map = affine_map<(d0, d1) -> (0, 0)>
#map1 = affine_map<(d0, d1) -> (0, 0, 0, 0)>
#map2 = affine_map<(d0, d1) -> (0, 0, 0)>
module attributes {stable_mosaic.version = 14 : i64} {
  func.func @_agg(%arg0: i32, %arg1: i32, %arg2: memref<20480x128xf32, #tpu.memory_space<hbm>>, %arg3: memref<2x16x80x128xi32, #tpu.memory_space<hbm>>, %arg4: memref<16x80x128xi32, #tpu.memory_space<hbm>>, %arg5: memref<20480x128xf32, #tpu.memory_space<hbm>>, %arg6: memref<10240x128xf32, #tpu.memory_space<vmem_shared>>, %arg7: memref<128x128xf32, #tpu.memory_space<vmem>>, %arg8: memref<128x128xf32, #tpu.memory_space<vmem>>, %arg9: memref<40x128xi32, #tpu.memory_space<vmem>>, %arg10: memref<40x128xi32, #tpu.memory_space<vmem>>, %arg11: memref<!tpu.dma_semaphore, #tpu.memory_space<semaphore_mem>>, %arg12: memref<!tpu.dma_semaphore, #tpu.memory_space<semaphore_mem>>) attributes {dimension_semantics = [#tpu.dimension_semantics<core_parallel>, #tpu.dimension_semantics<subcore_parallel>], iteration_bounds = array<i64: 2, 16>, scalar_prefetch = 0 : i64, scratch_operands = 7 : i64, tpu.core_type = #tpu.core_type<sc_vector_subcore>, window_params = [{transform_indices = #map}, {transform_indices = #map1}, {transform_indices = #map2}, {transform_indices = #map}]} {
    %mul3A = arith.constant 640 : i32
    %mul3A_0 = arith.muli %arg1, %mul3A : i32
    %add3A = arith.constant 0 : i32
    %add3A_1 = arith.addi %mul3A_0, %add3A : i32
    %mul3A_2 = arith.constant 10240 : i32
    %mul3A_3 = arith.muli %arg0, %mul3A_2 : i32
    %add3A_4 = arith.addi %mul3A_3, %add3A_1 : i32
    "tpu.region"() ({
      %run_scoped3A = tpu.sem_alloc : memref<!tpu.dma_semaphore, #tpu.memory_space<semaphore_mem>>
      %dma_start3A = arith.constant 0 : i32
      %dma_start3A_56 = tpu.memref_slice %arg2[%add3A_4, %dma_start3A] : memref<20480x128xf32, #tpu.memory_space<hbm>> -> memref<128x128xf32, #tpu.memory_space<hbm>>
      %dma_start3A_57 = arith.constant 0 : i32
      %dma_start3A_58 = tpu.memref_slice %arg2[%add3A_4, %dma_start3A_57] : memref<20480x128xf32, #tpu.memory_space<hbm>> -> memref<128x128xf32, #tpu.memory_space<hbm>>
      tpu.enqueue_dma source(%dma_start3A_58 : memref<128x128xf32, #tpu.memory_space<hbm>>) target(%arg7 : memref<128x128xf32, #tpu.memory_space<vmem>>) target_semaphore(%run_scoped3A : memref<!tpu.dma_semaphore, #tpu.memory_space<semaphore_mem>>)
      %dma_wait3A = arith.constant 0 : i32
      %dma_wait3A_59 = tpu.memref_slice %arg2[%add3A_4, %dma_wait3A] : memref<20480x128xf32, #tpu.memory_space<hbm>> -> memref<128x128xf32, #tpu.memory_space<hbm>>
      %dma_wait3A_60 = arith.constant 0 : i32
      %dma_wait3A_61 = tpu.memref_slice %arg2[%add3A_4, %dma_wait3A_60] : memref<20480x128xf32, #tpu.memory_space<hbm>> -> memref<128x128xf32, #tpu.memory_space<hbm>>
      tpu.wait_dma2 semaphore(%run_scoped3A : memref<!tpu.dma_semaphore, #tpu.memory_space<semaphore_mem>>) src(%dma_wait3A_61 : memref<128x128xf32, #tpu.memory_space<hbm>>) dst(%arg7 : memref<128x128xf32, #tpu.memory_space<vmem>>)
      tpu.yield
    }) : () -> ()
    "tpu.region"() ({
      %run_scoped3A = tpu.sem_alloc : memref<!tpu.dma_semaphore, #tpu.memory_space<semaphore_mem>>
      %dma_start3A = arith.constant 0 : i32
      %dma_start3A_56 = tpu.memref_slice %arg6[%add3A_1, %dma_start3A] : memref<10240x128xf32, #tpu.memory_space<vmem_shared>> -> memref<128x128xf32, #tpu.memory_space<vmem_shared>>
      %dma_start3A_57 = arith.constant 0 : i32
      %dma_start3A_58 = tpu.memref_slice %arg6[%add3A_1, %dma_start3A_57] : memref<10240x128xf32, #tpu.memory_space<vmem_shared>> -> memref<128x128xf32, #tpu.memory_space<vmem_shared>>
      tpu.enqueue_dma source(%arg7 : memref<128x128xf32, #tpu.memory_space<vmem>>) target(%dma_start3A_58 : memref<128x128xf32, #tpu.memory_space<vmem_shared>>) target_semaphore(%run_scoped3A : memref<!tpu.dma_semaphore, #tpu.memory_space<semaphore_mem>>)
      %dma_wait3A = arith.constant 0 : i32
      %dma_wait3A_59 = tpu.memref_slice %arg6[%add3A_1, %dma_wait3A] : memref<10240x128xf32, #tpu.memory_space<vmem_shared>> -> memref<128x128xf32, #tpu.memory_space<vmem_shared>>
      %dma_wait3A_60 = arith.constant 0 : i32
      %dma_wait3A_61 = tpu.memref_slice %arg6[%add3A_1, %dma_wait3A_60] : memref<10240x128xf32, #tpu.memory_space<vmem_shared>> -> memref<128x128xf32, #tpu.memory_space<vmem_shared>>
      tpu.wait_dma2 semaphore(%run_scoped3A : memref<!tpu.dma_semaphore, #tpu.memory_space<semaphore_mem>>) src(%arg7 : memref<128x128xf32, #tpu.memory_space<vmem>>) dst(%dma_wait3A_61 : memref<128x128xf32, #tpu.memory_space<vmem_shared>>)
      tpu.yield
    }) : () -> ()
    %add3A_5 = arith.constant 128 : i32
    %add3A_6 = arith.addi %mul3A_0, %add3A_5 : i32
    %mul3A_7 = arith.constant 10240 : i32
    %mul3A_8 = arith.muli %arg0, %mul3A_7 : i32
    %add3A_9 = arith.addi %mul3A_8, %add3A_6 : i32
    "tpu.region"() ({
      %run_scoped3A = tpu.sem_alloc : memref<!tpu.dma_semaphore, #tpu.memory_space<semaphore_mem>>
      %dma_start3A = arith.constant 0 : i32
      %dma_start3A_56 = tpu.memref_slice %arg2[%add3A_9, %dma_start3A] : memref<20480x128xf32, #tpu.memory_space<hbm>> -> memref<128x128xf32, #tpu.memory_space<hbm>>
      %dma_start3A_57 = arith.constant 0 : i32
      %dma_start3A_58 = tpu.memref_slice %arg2[%add3A_9, %dma_start3A_57] : memref<20480x128xf32, #tpu.memory_space<hbm>> -> memref<128x128xf32, #tpu.memory_space<hbm>>
      tpu.enqueue_dma source(%dma_start3A_58 : memref<128x128xf32, #tpu.memory_space<hbm>>) target(%arg7 : memref<128x128xf32, #tpu.memory_space<vmem>>) target_semaphore(%run_scoped3A : memref<!tpu.dma_semaphore, #tpu.memory_space<semaphore_mem>>)
      %dma_wait3A = arith.constant 0 : i32
      %dma_wait3A_59 = tpu.memref_slice %arg2[%add3A_9, %dma_wait3A] : memref<20480x128xf32, #tpu.memory_space<hbm>> -> memref<128x128xf32, #tpu.memory_space<hbm>>
      %dma_wait3A_60 = arith.constant 0 : i32
      %dma_wait3A_61 = tpu.memref_slice %arg2[%add3A_9, %dma_wait3A_60] : memref<20480x128xf32, #tpu.memory_space<hbm>> -> memref<128x128xf32, #tpu.memory_space<hbm>>
      tpu.wait_dma2 semaphore(%run_scoped3A : memref<!tpu.dma_semaphore, #tpu.memory_space<semaphore_mem>>) src(%dma_wait3A_61 : memref<128x128xf32, #tpu.memory_space<hbm>>) dst(%arg7 : memref<128x128xf32, #tpu.memory_space<vmem>>)
      tpu.yield
    }) : () -> ()
    "tpu.region"() ({
      %run_scoped3A = tpu.sem_alloc : memref<!tpu.dma_semaphore, #tpu.memory_space<semaphore_mem>>
      %dma_start3A = arith.constant 0 : i32
      %dma_start3A_56 = tpu.memref_slice %arg6[%add3A_6, %dma_start3A] : memref<10240x128xf32, #tpu.memory_space<vmem_shared>> -> memref<128x128xf32, #tpu.memory_space<vmem_shared>>
      %dma_start3A_57 = arith.constant 0 : i32
      %dma_start3A_58 = tpu.memref_slice %arg6[%add3A_6, %dma_start3A_57] : memref<10240x128xf32, #tpu.memory_space<vmem_shared>> -> memref<128x128xf32, #tpu.memory_space<vmem_shared>>
      tpu.enqueue_dma source(%arg7 : memref<128x128xf32, #tpu.memory_space<vmem>>) target(%dma_start3A_58 : memref<128x128xf32, #tpu.memory_space<vmem_shared>>) target_semaphore(%run_scoped3A : memref<!tpu.dma_semaphore, #tpu.memory_space<semaphore_mem>>)
      %dma_wait3A = arith.constant 0 : i32
      %dma_wait3A_59 = tpu.memref_slice %arg6[%add3A_6, %dma_wait3A] : memref<10240x128xf32, #tpu.memory_space<vmem_shared>> -> memref<128x128xf32, #tpu.memory_space<vmem_shared>>
      %dma_wait3A_60 = arith.constant 0 : i32
      %dma_wait3A_61 = tpu.memref_slice %arg6[%add3A_6, %dma_wait3A_60] : memref<10240x128xf32, #tpu.memory_space<vmem_shared>> -> memref<128x128xf32, #tpu.memory_space<vmem_shared>>
      tpu.wait_dma2 semaphore(%run_scoped3A : memref<!tpu.dma_semaphore, #tpu.memory_space<semaphore_mem>>) src(%arg7 : memref<128x128xf32, #tpu.memory_space<vmem>>) dst(%dma_wait3A_61 : memref<128x128xf32, #tpu.memory_space<vmem_shared>>)
      tpu.yield
    }) : () -> ()
    %add3A_10 = arith.constant 256 : i32
    %add3A_11 = arith.addi %mul3A_0, %add3A_10 : i32
    %mul3A_12 = arith.constant 10240 : i32
    %mul3A_13 = arith.muli %arg0, %mul3A_12 : i32
    %add3A_14 = arith.addi %mul3A_13, %add3A_11 : i32
    "tpu.region"() ({
      %run_scoped3A = tpu.sem_alloc : memref<!tpu.dma_semaphore, #tpu.memory_space<semaphore_mem>>
      %dma_start3A = arith.constant 0 : i32
      %dma_start3A_56 = tpu.memref_slice %arg2[%add3A_14, %dma_start3A] : memref<20480x128xf32, #tpu.memory_space<hbm>> -> memref<128x128xf32, #tpu.memory_space<hbm>>
      %dma_start3A_57 = arith.constant 0 : i32
      %dma_start3A_58 = tpu.memref_slice %arg2[%add3A_14, %dma_start3A_57] : memref<20480x128xf32, #tpu.memory_space<hbm>> -> memref<128x128xf32, #tpu.memory_space<hbm>>
      tpu.enqueue_dma source(%dma_start3A_58 : memref<128x128xf32, #tpu.memory_space<hbm>>) target(%arg7 : memref<128x128xf32, #tpu.memory_space<vmem>>) target_semaphore(%run_scoped3A : memref<!tpu.dma_semaphore, #tpu.memory_space<semaphore_mem>>)
      %dma_wait3A = arith.constant 0 : i32
      %dma_wait3A_59 = tpu.memref_slice %arg2[%add3A_14, %dma_wait3A] : memref<20480x128xf32, #tpu.memory_space<hbm>> -> memref<128x128xf32, #tpu.memory_space<hbm>>
      %dma_wait3A_60 = arith.constant 0 : i32
      %dma_wait3A_61 = tpu.memref_slice %arg2[%add3A_14, %dma_wait3A_60] : memref<20480x128xf32, #tpu.memory_space<hbm>> -> memref<128x128xf32, #tpu.memory_space<hbm>>
      tpu.wait_dma2 semaphore(%run_scoped3A : memref<!tpu.dma_semaphore, #tpu.memory_space<semaphore_mem>>) src(%dma_wait3A_61 : memref<128x128xf32, #tpu.memory_space<hbm>>) dst(%arg7 : memref<128x128xf32, #tpu.memory_space<vmem>>)
      tpu.yield
    }) : () -> ()
    "tpu.region"() ({
      %run_scoped3A = tpu.sem_alloc : memref<!tpu.dma_semaphore, #tpu.memory_space<semaphore_mem>>
      %dma_start3A = arith.constant 0 : i32
      %dma_start3A_56 = tpu.memref_slice %arg6[%add3A_11, %dma_start3A] : memref<10240x128xf32, #tpu.memory_space<vmem_shared>> -> memref<128x128xf32, #tpu.memory_space<vmem_shared>>
      %dma_start3A_57 = arith.constant 0 : i32
      %dma_start3A_58 = tpu.memref_slice %arg6[%add3A_11, %dma_start3A_57] : memref<10240x128xf32, #tpu.memory_space<vmem_shared>> -> memref<128x128xf32, #tpu.memory_space<vmem_shared>>
      tpu.enqueue_dma source(%arg7 : memref<128x128xf32, #tpu.memory_space<vmem>>) target(%dma_start3A_58 : memref<128x128xf32, #tpu.memory_space<vmem_shared>>) target_semaphore(%run_scoped3A : memref<!tpu.dma_semaphore, #tpu.memory_space<semaphore_mem>>)
      %dma_wait3A = arith.constant 0 : i32
      %dma_wait3A_59 = tpu.memref_slice %arg6[%add3A_11, %dma_wait3A] : memref<10240x128xf32, #tpu.memory_space<vmem_shared>> -> memref<128x128xf32, #tpu.memory_space<vmem_shared>>
      %dma_wait3A_60 = arith.constant 0 : i32
      %dma_wait3A_61 = tpu.memref_slice %arg6[%add3A_11, %dma_wait3A_60] : memref<10240x128xf32, #tpu.memory_space<vmem_shared>> -> memref<128x128xf32, #tpu.memory_space<vmem_shared>>
      tpu.wait_dma2 semaphore(%run_scoped3A : memref<!tpu.dma_semaphore, #tpu.memory_space<semaphore_mem>>) src(%arg7 : memref<128x128xf32, #tpu.memory_space<vmem>>) dst(%dma_wait3A_61 : memref<128x128xf32, #tpu.memory_space<vmem_shared>>)
      tpu.yield
    }) : () -> ()
    %add3A_15 = arith.constant 384 : i32
    %add3A_16 = arith.addi %mul3A_0, %add3A_15 : i32
    %mul3A_17 = arith.constant 10240 : i32
    %mul3A_18 = arith.muli %arg0, %mul3A_17 : i32
    %add3A_19 = arith.addi %mul3A_18, %add3A_16 : i32
    "tpu.region"() ({
      %run_scoped3A = tpu.sem_alloc : memref<!tpu.dma_semaphore, #tpu.memory_space<semaphore_mem>>
      %dma_start3A = arith.constant 0 : i32
      %dma_start3A_56 = tpu.memref_slice %arg2[%add3A_19, %dma_start3A] : memref<20480x128xf32, #tpu.memory_space<hbm>> -> memref<128x128xf32, #tpu.memory_space<hbm>>
      %dma_start3A_57 = arith.constant 0 : i32
      %dma_start3A_58 = tpu.memref_slice %arg2[%add3A_19, %dma_start3A_57] : memref<20480x128xf32, #tpu.memory_space<hbm>> -> memref<128x128xf32, #tpu.memory_space<hbm>>
      tpu.enqueue_dma source(%dma_start3A_58 : memref<128x128xf32, #tpu.memory_space<hbm>>) target(%arg7 : memref<128x128xf32, #tpu.memory_space<vmem>>) target_semaphore(%run_scoped3A : memref<!tpu.dma_semaphore, #tpu.memory_space<semaphore_mem>>)
      %dma_wait3A = arith.constant 0 : i32
      %dma_wait3A_59 = tpu.memref_slice %arg2[%add3A_19, %dma_wait3A] : memref<20480x128xf32, #tpu.memory_space<hbm>> -> memref<128x128xf32, #tpu.memory_space<hbm>>
      %dma_wait3A_60 = arith.constant 0 : i32
      %dma_wait3A_61 = tpu.memref_slice %arg2[%add3A_19, %dma_wait3A_60] : memref<20480x128xf32, #tpu.memory_space<hbm>> -> memref<128x128xf32, #tpu.memory_space<hbm>>
      tpu.wait_dma2 semaphore(%run_scoped3A : memref<!tpu.dma_semaphore, #tpu.memory_space<semaphore_mem>>) src(%dma_wait3A_61 : memref<128x128xf32, #tpu.memory_space<hbm>>) dst(%arg7 : memref<128x128xf32, #tpu.memory_space<vmem>>)
      tpu.yield
    }) : () -> ()
    "tpu.region"() ({
      %run_scoped3A = tpu.sem_alloc : memref<!tpu.dma_semaphore, #tpu.memory_space<semaphore_mem>>
      %dma_start3A = arith.constant 0 : i32
      %dma_start3A_56 = tpu.memref_slice %arg6[%add3A_16, %dma_start3A] : memref<10240x128xf32, #tpu.memory_space<vmem_shared>> -> memref<128x128xf32, #tpu.memory_space<vmem_shared>>
      %dma_start3A_57 = arith.constant 0 : i32
      %dma_start3A_58 = tpu.memref_slice %arg6[%add3A_16, %dma_start3A_57] : memref<10240x128xf32, #tpu.memory_space<vmem_shared>> -> memref<128x128xf32, #tpu.memory_space<vmem_shared>>
      tpu.enqueue_dma source(%arg7 : memref<128x128xf32, #tpu.memory_space<vmem>>) target(%dma_start3A_58 : memref<128x128xf32, #tpu.memory_space<vmem_shared>>) target_semaphore(%run_scoped3A : memref<!tpu.dma_semaphore, #tpu.memory_space<semaphore_mem>>)
      %dma_wait3A = arith.constant 0 : i32
      %dma_wait3A_59 = tpu.memref_slice %arg6[%add3A_16, %dma_wait3A] : memref<10240x128xf32, #tpu.memory_space<vmem_shared>> -> memref<128x128xf32, #tpu.memory_space<vmem_shared>>
      %dma_wait3A_60 = arith.constant 0 : i32
      %dma_wait3A_61 = tpu.memref_slice %arg6[%add3A_16, %dma_wait3A_60] : memref<10240x128xf32, #tpu.memory_space<vmem_shared>> -> memref<128x128xf32, #tpu.memory_space<vmem_shared>>
      tpu.wait_dma2 semaphore(%run_scoped3A : memref<!tpu.dma_semaphore, #tpu.memory_space<semaphore_mem>>) src(%arg7 : memref<128x128xf32, #tpu.memory_space<vmem>>) dst(%dma_wait3A_61 : memref<128x128xf32, #tpu.memory_space<vmem_shared>>)
      tpu.yield
    }) : () -> ()
    %add3A_20 = arith.constant 512 : i32
    %add3A_21 = arith.addi %mul3A_0, %add3A_20 : i32
    %mul3A_22 = arith.constant 10240 : i32
    %mul3A_23 = arith.muli %arg0, %mul3A_22 : i32
    %add3A_24 = arith.addi %mul3A_23, %add3A_21 : i32
    "tpu.region"() ({
      %run_scoped3A = tpu.sem_alloc : memref<!tpu.dma_semaphore, #tpu.memory_space<semaphore_mem>>
      %dma_start3A = arith.constant 0 : i32
      %dma_start3A_56 = tpu.memref_slice %arg2[%add3A_24, %dma_start3A] : memref<20480x128xf32, #tpu.memory_space<hbm>> -> memref<128x128xf32, #tpu.memory_space<hbm>>
      %dma_start3A_57 = arith.constant 0 : i32
      %dma_start3A_58 = tpu.memref_slice %arg2[%add3A_24, %dma_start3A_57] : memref<20480x128xf32, #tpu.memory_space<hbm>> -> memref<128x128xf32, #tpu.memory_space<hbm>>
      tpu.enqueue_dma source(%dma_start3A_58 : memref<128x128xf32, #tpu.memory_space<hbm>>) target(%arg7 : memref<128x128xf32, #tpu.memory_space<vmem>>) target_semaphore(%run_scoped3A : memref<!tpu.dma_semaphore, #tpu.memory_space<semaphore_mem>>)
      %dma_wait3A = arith.constant 0 : i32
      %dma_wait3A_59 = tpu.memref_slice %arg2[%add3A_24, %dma_wait3A] : memref<20480x128xf32, #tpu.memory_space<hbm>> -> memref<128x128xf32, #tpu.memory_space<hbm>>
      %dma_wait3A_60 = arith.constant 0 : i32
      %dma_wait3A_61 = tpu.memref_slice %arg2[%add3A_24, %dma_wait3A_60] : memref<20480x128xf32, #tpu.memory_space<hbm>> -> memref<128x128xf32, #tpu.memory_space<hbm>>
      tpu.wait_dma2 semaphore(%run_scoped3A : memref<!tpu.dma_semaphore, #tpu.memory_space<semaphore_mem>>) src(%dma_wait3A_61 : memref<128x128xf32, #tpu.memory_space<hbm>>) dst(%arg7 : memref<128x128xf32, #tpu.memory_space<vmem>>)
      tpu.yield
    }) : () -> ()
    "tpu.region"() ({
      %run_scoped3A = tpu.sem_alloc : memref<!tpu.dma_semaphore, #tpu.memory_space<semaphore_mem>>
      %dma_start3A = arith.constant 0 : i32
      %dma_start3A_56 = tpu.memref_slice %arg6[%add3A_21, %dma_start3A] : memref<10240x128xf32, #tpu.memory_space<vmem_shared>> -> memref<128x128xf32, #tpu.memory_space<vmem_shared>>
      %dma_start3A_57 = arith.constant 0 : i32
      %dma_start3A_58 = tpu.memref_slice %arg6[%add3A_21, %dma_start3A_57] : memref<10240x128xf32, #tpu.memory_space<vmem_shared>> -> memref<128x128xf32, #tpu.memory_space<vmem_shared>>
      tpu.enqueue_dma source(%arg7 : memref<128x128xf32, #tpu.memory_space<vmem>>) target(%dma_start3A_58 : memref<128x128xf32, #tpu.memory_space<vmem_shared>>) target_semaphore(%run_scoped3A : memref<!tpu.dma_semaphore, #tpu.memory_space<semaphore_mem>>)
      %dma_wait3A = arith.constant 0 : i32
      %dma_wait3A_59 = tpu.memref_slice %arg6[%add3A_21, %dma_wait3A] : memref<10240x128xf32, #tpu.memory_space<vmem_shared>> -> memref<128x128xf32, #tpu.memory_space<vmem_shared>>
      %dma_wait3A_60 = arith.constant 0 : i32
      %dma_wait3A_61 = tpu.memref_slice %arg6[%add3A_21, %dma_wait3A_60] : memref<10240x128xf32, #tpu.memory_space<vmem_shared>> -> memref<128x128xf32, #tpu.memory_space<vmem_shared>>
      tpu.wait_dma2 semaphore(%run_scoped3A : memref<!tpu.dma_semaphore, #tpu.memory_space<semaphore_mem>>) src(%arg7 : memref<128x128xf32, #tpu.memory_space<vmem>>) dst(%dma_wait3A_61 : memref<128x128xf32, #tpu.memory_space<vmem_shared>>)
      tpu.yield
    }) : () -> ()
    %barrier3A = arith.constant 0 : index
    tpu.barrier barrier_id(%barrier3A)
    %scan3A = arith.constant 0 : i32
    %scan3A_25 = arith.constant 0 : i32
    %scan3A_26 = arith.constant 2 : i32
    %scan3A_27 = arith.addi %scan3A_25, %scan3A_26 : i32
    %scan3A_28 = arith.constant 1 : i32
    scf.for %scan3A_56 = %scan3A_25 to %scan3A_27 step %scan3A_28  : i32 {
      %mul3A_57 = arith.constant 40 : i32
      %mul3A_58 = arith.muli %scan3A_56, %mul3A_57 : i32
      "tpu.region"() ({
        %run_scoped3A = tpu.sem_alloc : memref<!tpu.dma_semaphore, #tpu.memory_space<semaphore_mem>>
        %dma_start3A_73 = arith.constant 0 : i32
        %dma_start3A_74 = tpu.memref_slice %arg3[%arg0, %arg1, %mul3A_58, %dma_start3A_73] : memref<2x16x80x128xi32, #tpu.memory_space<hbm>> -> memref<1x1x40x128xi32, #tpu.memory_space<hbm>>
        %dma_start3A_75 = tpu.memref_squeeze %dma_start3A_74 : memref<1x1x40x128xi32, #tpu.memory_space<hbm>> -> memref<40x128xi32, #tpu.memory_space<hbm>>
        %dma_start3A_76 = arith.constant 0 : i32
        %dma_start3A_77 = tpu.memref_slice %arg3[%arg0, %arg1, %mul3A_58, %dma_start3A_76] : memref<2x16x80x128xi32, #tpu.memory_space<hbm>> -> memref<1x1x40x128xi32, #tpu.memory_space<hbm>>
        %dma_start3A_78 = tpu.memref_squeeze %dma_start3A_77 : memref<1x1x40x128xi32, #tpu.memory_space<hbm>> -> memref<40x128xi32, #tpu.memory_space<hbm>>
        tpu.enqueue_dma source(%dma_start3A_78 : memref<40x128xi32, #tpu.memory_space<hbm>>) target(%arg9 : memref<40x128xi32, #tpu.memory_space<vmem>>) target_semaphore(%run_scoped3A : memref<!tpu.dma_semaphore, #tpu.memory_space<semaphore_mem>>)
        %dma_wait3A = arith.constant 0 : i32
        %dma_wait3A_79 = tpu.memref_slice %arg3[%arg0, %arg1, %mul3A_58, %dma_wait3A] : memref<2x16x80x128xi32, #tpu.memory_space<hbm>> -> memref<1x1x40x128xi32, #tpu.memory_space<hbm>>
        %dma_wait3A_80 = tpu.memref_squeeze %dma_wait3A_79 : memref<1x1x40x128xi32, #tpu.memory_space<hbm>> -> memref<40x128xi32, #tpu.memory_space<hbm>>
        %dma_wait3A_81 = arith.constant 0 : i32
        %dma_wait3A_82 = tpu.memref_slice %arg3[%arg0, %arg1, %mul3A_58, %dma_wait3A_81] : memref<2x16x80x128xi32, #tpu.memory_space<hbm>> -> memref<1x1x40x128xi32, #tpu.memory_space<hbm>>
        %dma_wait3A_83 = tpu.memref_squeeze %dma_wait3A_82 : memref<1x1x40x128xi32, #tpu.memory_space<hbm>> -> memref<40x128xi32, #tpu.memory_space<hbm>>
        tpu.wait_dma2 semaphore(%run_scoped3A : memref<!tpu.dma_semaphore, #tpu.memory_space<semaphore_mem>>) src(%dma_wait3A_83 : memref<40x128xi32, #tpu.memory_space<hbm>>) dst(%arg9 : memref<40x128xi32, #tpu.memory_space<vmem>>)
        tpu.yield
      }) : () -> ()
      %mul3A_59 = arith.constant 40 : i32
      %mul3A_60 = arith.muli %scan3A_56, %mul3A_59 : i32
      "tpu.region"() ({
        %run_scoped3A = tpu.sem_alloc : memref<!tpu.dma_semaphore, #tpu.memory_space<semaphore_mem>>
        %dma_start3A_73 = arith.constant 0 : i32
        %dma_start3A_74 = tpu.memref_slice %arg4[%arg1, %mul3A_60, %dma_start3A_73] : memref<16x80x128xi32, #tpu.memory_space<hbm>> -> memref<1x40x128xi32, #tpu.memory_space<hbm>>
        %dma_start3A_75 = tpu.memref_squeeze %dma_start3A_74 : memref<1x40x128xi32, #tpu.memory_space<hbm>> -> memref<40x128xi32, #tpu.memory_space<hbm>>
        %dma_start3A_76 = arith.constant 0 : i32
        %dma_start3A_77 = tpu.memref_slice %arg4[%arg1, %mul3A_60, %dma_start3A_76] : memref<16x80x128xi32, #tpu.memory_space<hbm>> -> memref<1x40x128xi32, #tpu.memory_space<hbm>>
        %dma_start3A_78 = tpu.memref_squeeze %dma_start3A_77 : memref<1x40x128xi32, #tpu.memory_space<hbm>> -> memref<40x128xi32, #tpu.memory_space<hbm>>
        tpu.enqueue_dma source(%dma_start3A_78 : memref<40x128xi32, #tpu.memory_space<hbm>>) target(%arg10 : memref<40x128xi32, #tpu.memory_space<vmem>>) target_semaphore(%run_scoped3A : memref<!tpu.dma_semaphore, #tpu.memory_space<semaphore_mem>>)
        %dma_wait3A = arith.constant 0 : i32
        %dma_wait3A_79 = tpu.memref_slice %arg4[%arg1, %mul3A_60, %dma_wait3A] : memref<16x80x128xi32, #tpu.memory_space<hbm>> -> memref<1x40x128xi32, #tpu.memory_space<hbm>>
        %dma_wait3A_80 = tpu.memref_squeeze %dma_wait3A_79 : memref<1x40x128xi32, #tpu.memory_space<hbm>> -> memref<40x128xi32, #tpu.memory_space<hbm>>
        %dma_wait3A_81 = arith.constant 0 : i32
        %dma_wait3A_82 = tpu.memref_slice %arg4[%arg1, %mul3A_60, %dma_wait3A_81] : memref<16x80x128xi32, #tpu.memory_space<hbm>> -> memref<1x40x128xi32, #tpu.memory_space<hbm>>
        %dma_wait3A_83 = tpu.memref_squeeze %dma_wait3A_82 : memref<1x40x128xi32, #tpu.memory_space<hbm>> -> memref<40x128xi32, #tpu.memory_space<hbm>>
        tpu.wait_dma2 semaphore(%run_scoped3A : memref<!tpu.dma_semaphore, #tpu.memory_space<semaphore_mem>>) src(%dma_wait3A_83 : memref<40x128xi32, #tpu.memory_space<hbm>>) dst(%arg10 : memref<40x128xi32, #tpu.memory_space<vmem>>)
        tpu.yield
      }) : () -> ()
      %dma_start3A = arith.constant 0 : i32
      %dma_start3A_61 = arith.constant 0 : i32
      %dma_start3A_62 = tpu.memref_slice %arg9[%dma_start3A, %dma_start3A_61] : memref<40x128xi32, #tpu.memory_space<vmem>> -> memref<1x128xi32, #tpu.memory_space<vmem>>
      %dma_start3A_63 = tpu.memref_squeeze %dma_start3A_62 : memref<1x128xi32, #tpu.memory_space<vmem>> -> memref<128xi32, #tpu.memory_space<vmem>>
      %dma_start3A_64 = arith.constant 0 : i32
      %dma_start3A_65 = arith.constant 0 : i32
      %dma_start3A_66 = tpu.memref_slice %arg2[%dma_start3A_64, %dma_start3A_65] : memref<20480x128xf32, #tpu.memory_space<hbm>> -> memref<20480x128xf32, #tpu.memory_space<hbm>>
      tpu.enqueue_indirect_dma source(%dma_start3A_66 : memref<20480x128xf32, #tpu.memory_space<hbm>>) target(%arg7 : memref<128x128xf32, #tpu.memory_space<vmem>>) offsets(%dma_start3A_63 : memref<128xi32, #tpu.memory_space<vmem>>) semaphore(%arg11 : memref<!tpu.dma_semaphore, #tpu.memory_space<semaphore_mem>>)
      %scan3A_67 = arith.constant 0 : i32
      %scan3A_68 = arith.constant 0 : i32
      %scan3A_69 = arith.constant 20 : i32
      %scan3A_70 = arith.addi %scan3A_68, %scan3A_69 : i32
      %scan3A_71 = arith.constant 1 : i32
      scf.for %scan3A_73 = %scan3A_68 to %scan3A_70 step %scan3A_71  : i32 {
        %mul3A_74 = arith.constant 2 : i32
        %mul3A_75 = arith.muli %scan3A_73, %mul3A_74 : i32
        %add3A_76 = arith.constant 1 : i32
        %add3A_77 = arith.addi %mul3A_75, %add3A_76 : i32
        %dma_start3A_78 = arith.constant 0 : i32
        %dma_start3A_79 = tpu.memref_slice %arg9[%add3A_77, %dma_start3A_78] : memref<40x128xi32, #tpu.memory_space<vmem>> -> memref<1x128xi32, #tpu.memory_space<vmem>>
        %dma_start3A_80 = tpu.memref_squeeze %dma_start3A_79 : memref<1x128xi32, #tpu.memory_space<vmem>> -> memref<128xi32, #tpu.memory_space<vmem>>
        %dma_start3A_81 = arith.constant 0 : i32
        %dma_start3A_82 = arith.constant 0 : i32
        %dma_start3A_83 = tpu.memref_slice %arg2[%dma_start3A_81, %dma_start3A_82] : memref<20480x128xf32, #tpu.memory_space<hbm>> -> memref<20480x128xf32, #tpu.memory_space<hbm>>
        tpu.enqueue_indirect_dma source(%dma_start3A_83 : memref<20480x128xf32, #tpu.memory_space<hbm>>) target(%arg8 : memref<128x128xf32, #tpu.memory_space<vmem>>) offsets(%dma_start3A_80 : memref<128xi32, #tpu.memory_space<vmem>>) semaphore(%arg12 : memref<!tpu.dma_semaphore, #tpu.memory_space<semaphore_mem>>)
        %dma_wait3A = arith.constant 0 : i32
        %dma_wait3A_84 = arith.constant 0 : i32
        %dma_wait3A_85 = tpu.memref_slice %arg9[%dma_wait3A, %dma_wait3A_84] : memref<40x128xi32, #tpu.memory_space<vmem>> -> memref<1x128xi32, #tpu.memory_space<vmem>>
        %dma_wait3A_86 = tpu.memref_squeeze %dma_wait3A_85 : memref<1x128xi32, #tpu.memory_space<vmem>> -> memref<128xi32, #tpu.memory_space<vmem>>
        %dma_wait3A_87 = arith.constant 0 : i32
        %dma_wait3A_88 = arith.constant 0 : i32
        %dma_wait3A_89 = tpu.memref_slice %arg2[%dma_wait3A_87, %dma_wait3A_88] : memref<20480x128xf32, #tpu.memory_space<hbm>> -> memref<20480x128xf32, #tpu.memory_space<hbm>>
        tpu.wait_indirect_dma semaphore(%arg11 : memref<!tpu.dma_semaphore, #tpu.memory_space<semaphore_mem>>) src(%dma_wait3A_89 : memref<20480x128xf32, #tpu.memory_space<hbm>>) dst(%arg7 : memref<128x128xf32, #tpu.memory_space<vmem>>)
        "tpu.region"() ({
          %run_scoped3A = tpu.sem_alloc : memref<!tpu.dma_semaphore, #tpu.memory_space<semaphore_mem>>
          %dma_start3A_101 = arith.constant 0 : i32
          %dma_start3A_102 = tpu.memref_slice %arg10[%mul3A_75, %dma_start3A_101] : memref<40x128xi32, #tpu.memory_space<vmem>> -> memref<1x128xi32, #tpu.memory_space<vmem>>
          %dma_start3A_103 = tpu.memref_squeeze %dma_start3A_102 : memref<1x128xi32, #tpu.memory_space<vmem>> -> memref<128xi32, #tpu.memory_space<vmem>>
          %dma_start3A_104 = arith.constant 0 : i32
          %dma_start3A_105 = arith.constant 0 : i32
          %dma_start3A_106 = tpu.memref_slice %arg6[%dma_start3A_104, %dma_start3A_105] : memref<10240x128xf32, #tpu.memory_space<vmem_shared>> -> memref<10240x128xf32, #tpu.memory_space<vmem_shared>>
          tpu.enqueue_indirect_dma source(%arg7 : memref<128x128xf32, #tpu.memory_space<vmem>>) target(%dma_start3A_106 : memref<10240x128xf32, #tpu.memory_space<vmem_shared>>) offsets(%dma_start3A_103 : memref<128xi32, #tpu.memory_space<vmem>>) semaphore(%run_scoped3A : memref<!tpu.dma_semaphore, #tpu.memory_space<semaphore_mem>>) {add = true}
          %dma_wait3A_107 = arith.constant 0 : i32
          %dma_wait3A_108 = tpu.memref_slice %arg10[%mul3A_75, %dma_wait3A_107] : memref<40x128xi32, #tpu.memory_space<vmem>> -> memref<1x128xi32, #tpu.memory_space<vmem>>
          %dma_wait3A_109 = tpu.memref_squeeze %dma_wait3A_108 : memref<1x128xi32, #tpu.memory_space<vmem>> -> memref<128xi32, #tpu.memory_space<vmem>>
          %dma_wait3A_110 = arith.constant 0 : i32
          %dma_wait3A_111 = arith.constant 0 : i32
          %dma_wait3A_112 = tpu.memref_slice %arg6[%dma_wait3A_110, %dma_wait3A_111] : memref<10240x128xf32, #tpu.memory_space<vmem_shared>> -> memref<10240x128xf32, #tpu.memory_space<vmem_shared>>
          tpu.wait_indirect_dma semaphore(%run_scoped3A : memref<!tpu.dma_semaphore, #tpu.memory_space<semaphore_mem>>) src(%arg7 : memref<128x128xf32, #tpu.memory_space<vmem>>) dst(%dma_wait3A_112 : memref<10240x128xf32, #tpu.memory_space<vmem_shared>>)
          tpu.yield
        }) : () -> ()
        %lt3A = arith.constant 19 : i32
        %lt3A_90 = arith.cmpi slt, %scan3A_73, %lt3A : i32
        %convert_element_type3A = arith.extui %lt3A_90 : i1 to i32
        %cond3A = arith.constant 0 : i32
        %cond3A_91 = arith.cmpi ne, %convert_element_type3A, %cond3A : i32
        scf.if %cond3A_91 {
          %add3A_101 = arith.constant 2 : i32
          %add3A_102 = arith.addi %mul3A_75, %add3A_101 : i32
          %dma_start3A_103 = arith.constant 0 : i32
          %dma_start3A_104 = tpu.memref_slice %arg9[%add3A_102, %dma_start3A_103] : memref<40x128xi32, #tpu.memory_space<vmem>> -> memref<1x128xi32, #tpu.memory_space<vmem>>
          %dma_start3A_105 = tpu.memref_squeeze %dma_start3A_104 : memref<1x128xi32, #tpu.memory_space<vmem>> -> memref<128xi32, #tpu.memory_space<vmem>>
          %dma_start3A_106 = arith.constant 0 : i32
          %dma_start3A_107 = arith.constant 0 : i32
          %dma_start3A_108 = tpu.memref_slice %arg2[%dma_start3A_106, %dma_start3A_107] : memref<20480x128xf32, #tpu.memory_space<hbm>> -> memref<20480x128xf32, #tpu.memory_space<hbm>>
          tpu.enqueue_indirect_dma source(%dma_start3A_108 : memref<20480x128xf32, #tpu.memory_space<hbm>>) target(%arg7 : memref<128x128xf32, #tpu.memory_space<vmem>>) offsets(%dma_start3A_105 : memref<128xi32, #tpu.memory_space<vmem>>) semaphore(%arg11 : memref<!tpu.dma_semaphore, #tpu.memory_space<semaphore_mem>>)
        } else {
        }
        %dma_wait3A_92 = arith.constant 0 : i32
        %dma_wait3A_93 = arith.constant 0 : i32
        %dma_wait3A_94 = tpu.memref_slice %arg9[%dma_wait3A_92, %dma_wait3A_93] : memref<40x128xi32, #tpu.memory_space<vmem>> -> memref<1x128xi32, #tpu.memory_space<vmem>>
        %dma_wait3A_95 = tpu.memref_squeeze %dma_wait3A_94 : memref<1x128xi32, #tpu.memory_space<vmem>> -> memref<128xi32, #tpu.memory_space<vmem>>
        %dma_wait3A_96 = arith.constant 0 : i32
        %dma_wait3A_97 = arith.constant 0 : i32
        %dma_wait3A_98 = tpu.memref_slice %arg2[%dma_wait3A_96, %dma_wait3A_97] : memref<20480x128xf32, #tpu.memory_space<hbm>> -> memref<20480x128xf32, #tpu.memory_space<hbm>>
        tpu.wait_indirect_dma semaphore(%arg12 : memref<!tpu.dma_semaphore, #tpu.memory_space<semaphore_mem>>) src(%dma_wait3A_98 : memref<20480x128xf32, #tpu.memory_space<hbm>>) dst(%arg8 : memref<128x128xf32, #tpu.memory_space<vmem>>)
        %add3A_99 = arith.constant 1 : i32
        %add3A_100 = arith.addi %mul3A_75, %add3A_99 : i32
        "tpu.region"() ({
          %run_scoped3A = tpu.sem_alloc : memref<!tpu.dma_semaphore, #tpu.memory_space<semaphore_mem>>
          %dma_start3A_101 = arith.constant 0 : i32
          %dma_start3A_102 = tpu.memref_slice %arg10[%add3A_100, %dma_start3A_101] : memref<40x128xi32, #tpu.memory_space<vmem>> -> memref<1x128xi32, #tpu.memory_space<vmem>>
          %dma_start3A_103 = tpu.memref_squeeze %dma_start3A_102 : memref<1x128xi32, #tpu.memory_space<vmem>> -> memref<128xi32, #tpu.memory_space<vmem>>
          %dma_start3A_104 = arith.constant 0 : i32
          %dma_start3A_105 = arith.constant 0 : i32
          %dma_start3A_106 = tpu.memref_slice %arg6[%dma_start3A_104, %dma_start3A_105] : memref<10240x128xf32, #tpu.memory_space<vmem_shared>> -> memref<10240x128xf32, #tpu.memory_space<vmem_shared>>
          tpu.enqueue_indirect_dma source(%arg8 : memref<128x128xf32, #tpu.memory_space<vmem>>) target(%dma_start3A_106 : memref<10240x128xf32, #tpu.memory_space<vmem_shared>>) offsets(%dma_start3A_103 : memref<128xi32, #tpu.memory_space<vmem>>) semaphore(%run_scoped3A : memref<!tpu.dma_semaphore, #tpu.memory_space<semaphore_mem>>) {add = true}
          %dma_wait3A_107 = arith.constant 0 : i32
          %dma_wait3A_108 = tpu.memref_slice %arg10[%add3A_100, %dma_wait3A_107] : memref<40x128xi32, #tpu.memory_space<vmem>> -> memref<1x128xi32, #tpu.memory_space<vmem>>
          %dma_wait3A_109 = tpu.memref_squeeze %dma_wait3A_108 : memref<1x128xi32, #tpu.memory_space<vmem>> -> memref<128xi32, #tpu.memory_space<vmem>>
          %dma_wait3A_110 = arith.constant 0 : i32
          %dma_wait3A_111 = arith.constant 0 : i32
          %dma_wait3A_112 = tpu.memref_slice %arg6[%dma_wait3A_110, %dma_wait3A_111] : memref<10240x128xf32, #tpu.memory_space<vmem_shared>> -> memref<10240x128xf32, #tpu.memory_space<vmem_shared>>
          tpu.wait_indirect_dma semaphore(%run_scoped3A : memref<!tpu.dma_semaphore, #tpu.memory_space<semaphore_mem>>) src(%arg8 : memref<128x128xf32, #tpu.memory_space<vmem>>) dst(%dma_wait3A_112 : memref<10240x128xf32, #tpu.memory_space<vmem_shared>>)
          tpu.yield
        }) : () -> ()
      }
      %scan3A_72 = arith.constant 20 : i32
    }
    %scan3A_29 = arith.constant 2 : i32
    %barrier3A_30 = arith.constant 0 : index
    tpu.barrier barrier_id(%barrier3A_30)
    %add3A_31 = arith.constant 0 : i32
    %add3A_32 = arith.addi %mul3A_0, %add3A_31 : i32
    "tpu.region"() ({
      %run_scoped3A = tpu.sem_alloc : memref<!tpu.dma_semaphore, #tpu.memory_space<semaphore_mem>>
      %dma_start3A = arith.constant 0 : i32
      %dma_start3A_56 = tpu.memref_slice %arg6[%add3A_32, %dma_start3A] : memref<10240x128xf32, #tpu.memory_space<vmem_shared>> -> memref<128x128xf32, #tpu.memory_space<vmem_shared>>
      %dma_start3A_57 = arith.constant 0 : i32
      %dma_start3A_58 = tpu.memref_slice %arg6[%add3A_32, %dma_start3A_57] : memref<10240x128xf32, #tpu.memory_space<vmem_shared>> -> memref<128x128xf32, #tpu.memory_space<vmem_shared>>
      tpu.enqueue_dma source(%dma_start3A_58 : memref<128x128xf32, #tpu.memory_space<vmem_shared>>) target(%arg7 : memref<128x128xf32, #tpu.memory_space<vmem>>) target_semaphore(%run_scoped3A : memref<!tpu.dma_semaphore, #tpu.memory_space<semaphore_mem>>)
      %dma_wait3A = arith.constant 0 : i32
      %dma_wait3A_59 = tpu.memref_slice %arg6[%add3A_32, %dma_wait3A] : memref<10240x128xf32, #tpu.memory_space<vmem_shared>> -> memref<128x128xf32, #tpu.memory_space<vmem_shared>>
      %dma_wait3A_60 = arith.constant 0 : i32
      %dma_wait3A_61 = tpu.memref_slice %arg6[%add3A_32, %dma_wait3A_60] : memref<10240x128xf32, #tpu.memory_space<vmem_shared>> -> memref<128x128xf32, #tpu.memory_space<vmem_shared>>
      tpu.wait_dma2 semaphore(%run_scoped3A : memref<!tpu.dma_semaphore, #tpu.memory_space<semaphore_mem>>) src(%dma_wait3A_61 : memref<128x128xf32, #tpu.memory_space<vmem_shared>>) dst(%arg7 : memref<128x128xf32, #tpu.memory_space<vmem>>)
      tpu.yield
    }) : () -> ()
    %mul3A_33 = arith.constant 10240 : i32
    %mul3A_34 = arith.muli %arg0, %mul3A_33 : i32
    %add3A_35 = arith.addi %mul3A_34, %add3A_32 : i32
    "tpu.region"() ({
      %run_scoped3A = tpu.sem_alloc : memref<!tpu.dma_semaphore, #tpu.memory_space<semaphore_mem>>
      %dma_start3A = arith.constant 0 : i32
      %dma_start3A_56 = tpu.memref_slice %arg5[%add3A_35, %dma_start3A] : memref<20480x128xf32, #tpu.memory_space<hbm>> -> memref<128x128xf32, #tpu.memory_space<hbm>>
      %dma_start3A_57 = arith.constant 0 : i32
      %dma_start3A_58 = tpu.memref_slice %arg5[%add3A_35, %dma_start3A_57] : memref<20480x128xf32, #tpu.memory_space<hbm>> -> memref<128x128xf32, #tpu.memory_space<hbm>>
      tpu.enqueue_dma source(%arg7 : memref<128x128xf32, #tpu.memory_space<vmem>>) target(%dma_start3A_58 : memref<128x128xf32, #tpu.memory_space<hbm>>) target_semaphore(%run_scoped3A : memref<!tpu.dma_semaphore, #tpu.memory_space<semaphore_mem>>)
      %dma_wait3A = arith.constant 0 : i32
      %dma_wait3A_59 = tpu.memref_slice %arg5[%add3A_35, %dma_wait3A] : memref<20480x128xf32, #tpu.memory_space<hbm>> -> memref<128x128xf32, #tpu.memory_space<hbm>>
      %dma_wait3A_60 = arith.constant 0 : i32
      %dma_wait3A_61 = tpu.memref_slice %arg5[%add3A_35, %dma_wait3A_60] : memref<20480x128xf32, #tpu.memory_space<hbm>> -> memref<128x128xf32, #tpu.memory_space<hbm>>
      tpu.wait_dma2 semaphore(%run_scoped3A : memref<!tpu.dma_semaphore, #tpu.memory_space<semaphore_mem>>) src(%arg7 : memref<128x128xf32, #tpu.memory_space<vmem>>) dst(%dma_wait3A_61 : memref<128x128xf32, #tpu.memory_space<hbm>>)
      tpu.yield
    }) : () -> ()
    %add3A_36 = arith.constant 128 : i32
    %add3A_37 = arith.addi %mul3A_0, %add3A_36 : i32
    "tpu.region"() ({
      %run_scoped3A = tpu.sem_alloc : memref<!tpu.dma_semaphore, #tpu.memory_space<semaphore_mem>>
      %dma_start3A = arith.constant 0 : i32
      %dma_start3A_56 = tpu.memref_slice %arg6[%add3A_37, %dma_start3A] : memref<10240x128xf32, #tpu.memory_space<vmem_shared>> -> memref<128x128xf32, #tpu.memory_space<vmem_shared>>
      %dma_start3A_57 = arith.constant 0 : i32
      %dma_start3A_58 = tpu.memref_slice %arg6[%add3A_37, %dma_start3A_57] : memref<10240x128xf32, #tpu.memory_space<vmem_shared>> -> memref<128x128xf32, #tpu.memory_space<vmem_shared>>
      tpu.enqueue_dma source(%dma_start3A_58 : memref<128x128xf32, #tpu.memory_space<vmem_shared>>) target(%arg7 : memref<128x128xf32, #tpu.memory_space<vmem>>) target_semaphore(%run_scoped3A : memref<!tpu.dma_semaphore, #tpu.memory_space<semaphore_mem>>)
      %dma_wait3A = arith.constant 0 : i32
      %dma_wait3A_59 = tpu.memref_slice %arg6[%add3A_37, %dma_wait3A] : memref<10240x128xf32, #tpu.memory_space<vmem_shared>> -> memref<128x128xf32, #tpu.memory_space<vmem_shared>>
      %dma_wait3A_60 = arith.constant 0 : i32
      %dma_wait3A_61 = tpu.memref_slice %arg6[%add3A_37, %dma_wait3A_60] : memref<10240x128xf32, #tpu.memory_space<vmem_shared>> -> memref<128x128xf32, #tpu.memory_space<vmem_shared>>
      tpu.wait_dma2 semaphore(%run_scoped3A : memref<!tpu.dma_semaphore, #tpu.memory_space<semaphore_mem>>) src(%dma_wait3A_61 : memref<128x128xf32, #tpu.memory_space<vmem_shared>>) dst(%arg7 : memref<128x128xf32, #tpu.memory_space<vmem>>)
      tpu.yield
    }) : () -> ()
    %mul3A_38 = arith.constant 10240 : i32
    %mul3A_39 = arith.muli %arg0, %mul3A_38 : i32
    %add3A_40 = arith.addi %mul3A_39, %add3A_37 : i32
    "tpu.region"() ({
      %run_scoped3A = tpu.sem_alloc : memref<!tpu.dma_semaphore, #tpu.memory_space<semaphore_mem>>
      %dma_start3A = arith.constant 0 : i32
      %dma_start3A_56 = tpu.memref_slice %arg5[%add3A_40, %dma_start3A] : memref<20480x128xf32, #tpu.memory_space<hbm>> -> memref<128x128xf32, #tpu.memory_space<hbm>>
      %dma_start3A_57 = arith.constant 0 : i32
      %dma_start3A_58 = tpu.memref_slice %arg5[%add3A_40, %dma_start3A_57] : memref<20480x128xf32, #tpu.memory_space<hbm>> -> memref<128x128xf32, #tpu.memory_space<hbm>>
      tpu.enqueue_dma source(%arg7 : memref<128x128xf32, #tpu.memory_space<vmem>>) target(%dma_start3A_58 : memref<128x128xf32, #tpu.memory_space<hbm>>) target_semaphore(%run_scoped3A : memref<!tpu.dma_semaphore, #tpu.memory_space<semaphore_mem>>)
      %dma_wait3A = arith.constant 0 : i32
      %dma_wait3A_59 = tpu.memref_slice %arg5[%add3A_40, %dma_wait3A] : memref<20480x128xf32, #tpu.memory_space<hbm>> -> memref<128x128xf32, #tpu.memory_space<hbm>>
      %dma_wait3A_60 = arith.constant 0 : i32
      %dma_wait3A_61 = tpu.memref_slice %arg5[%add3A_40, %dma_wait3A_60] : memref<20480x128xf32, #tpu.memory_space<hbm>> -> memref<128x128xf32, #tpu.memory_space<hbm>>
      tpu.wait_dma2 semaphore(%run_scoped3A : memref<!tpu.dma_semaphore, #tpu.memory_space<semaphore_mem>>) src(%arg7 : memref<128x128xf32, #tpu.memory_space<vmem>>) dst(%dma_wait3A_61 : memref<128x128xf32, #tpu.memory_space<hbm>>)
      tpu.yield
    }) : () -> ()
    %add3A_41 = arith.constant 256 : i32
    %add3A_42 = arith.addi %mul3A_0, %add3A_41 : i32
    "tpu.region"() ({
      %run_scoped3A = tpu.sem_alloc : memref<!tpu.dma_semaphore, #tpu.memory_space<semaphore_mem>>
      %dma_start3A = arith.constant 0 : i32
      %dma_start3A_56 = tpu.memref_slice %arg6[%add3A_42, %dma_start3A] : memref<10240x128xf32, #tpu.memory_space<vmem_shared>> -> memref<128x128xf32, #tpu.memory_space<vmem_shared>>
      %dma_start3A_57 = arith.constant 0 : i32
      %dma_start3A_58 = tpu.memref_slice %arg6[%add3A_42, %dma_start3A_57] : memref<10240x128xf32, #tpu.memory_space<vmem_shared>> -> memref<128x128xf32, #tpu.memory_space<vmem_shared>>
      tpu.enqueue_dma source(%dma_start3A_58 : memref<128x128xf32, #tpu.memory_space<vmem_shared>>) target(%arg7 : memref<128x128xf32, #tpu.memory_space<vmem>>) target_semaphore(%run_scoped3A : memref<!tpu.dma_semaphore, #tpu.memory_space<semaphore_mem>>)
      %dma_wait3A = arith.constant 0 : i32
      %dma_wait3A_59 = tpu.memref_slice %arg6[%add3A_42, %dma_wait3A] : memref<10240x128xf32, #tpu.memory_space<vmem_shared>> -> memref<128x128xf32, #tpu.memory_space<vmem_shared>>
      %dma_wait3A_60 = arith.constant 0 : i32
      %dma_wait3A_61 = tpu.memref_slice %arg6[%add3A_42, %dma_wait3A_60] : memref<10240x128xf32, #tpu.memory_space<vmem_shared>> -> memref<128x128xf32, #tpu.memory_space<vmem_shared>>
      tpu.wait_dma2 semaphore(%run_scoped3A : memref<!tpu.dma_semaphore, #tpu.memory_space<semaphore_mem>>) src(%dma_wait3A_61 : memref<128x128xf32, #tpu.memory_space<vmem_shared>>) dst(%arg7 : memref<128x128xf32, #tpu.memory_space<vmem>>)
      tpu.yield
    }) : () -> ()
    %mul3A_43 = arith.constant 10240 : i32
    %mul3A_44 = arith.muli %arg0, %mul3A_43 : i32
    %add3A_45 = arith.addi %mul3A_44, %add3A_42 : i32
    "tpu.region"() ({
      %run_scoped3A = tpu.sem_alloc : memref<!tpu.dma_semaphore, #tpu.memory_space<semaphore_mem>>
      %dma_start3A = arith.constant 0 : i32
      %dma_start3A_56 = tpu.memref_slice %arg5[%add3A_45, %dma_start3A] : memref<20480x128xf32, #tpu.memory_space<hbm>> -> memref<128x128xf32, #tpu.memory_space<hbm>>
      %dma_start3A_57 = arith.constant 0 : i32
      %dma_start3A_58 = tpu.memref_slice %arg5[%add3A_45, %dma_start3A_57] : memref<20480x128xf32, #tpu.memory_space<hbm>> -> memref<128x128xf32, #tpu.memory_space<hbm>>
      tpu.enqueue_dma source(%arg7 : memref<128x128xf32, #tpu.memory_space<vmem>>) target(%dma_start3A_58 : memref<128x128xf32, #tpu.memory_space<hbm>>) target_semaphore(%run_scoped3A : memref<!tpu.dma_semaphore, #tpu.memory_space<semaphore_mem>>)
      %dma_wait3A = arith.constant 0 : i32
      %dma_wait3A_59 = tpu.memref_slice %arg5[%add3A_45, %dma_wait3A] : memref<20480x128xf32, #tpu.memory_space<hbm>> -> memref<128x128xf32, #tpu.memory_space<hbm>>
      %dma_wait3A_60 = arith.constant 0 : i32
      %dma_wait3A_61 = tpu.memref_slice %arg5[%add3A_45, %dma_wait3A_60] : memref<20480x128xf32, #tpu.memory_space<hbm>> -> memref<128x128xf32, #tpu.memory_space<hbm>>
      tpu.wait_dma2 semaphore(%run_scoped3A : memref<!tpu.dma_semaphore, #tpu.memory_space<semaphore_mem>>) src(%arg7 : memref<128x128xf32, #tpu.memory_space<vmem>>) dst(%dma_wait3A_61 : memref<128x128xf32, #tpu.memory_space<hbm>>)
      tpu.yield
    }) : () -> ()
    %add3A_46 = arith.constant 384 : i32
    %add3A_47 = arith.addi %mul3A_0, %add3A_46 : i32
    "tpu.region"() ({
      %run_scoped3A = tpu.sem_alloc : memref<!tpu.dma_semaphore, #tpu.memory_space<semaphore_mem>>
      %dma_start3A = arith.constant 0 : i32
      %dma_start3A_56 = tpu.memref_slice %arg6[%add3A_47, %dma_start3A] : memref<10240x128xf32, #tpu.memory_space<vmem_shared>> -> memref<128x128xf32, #tpu.memory_space<vmem_shared>>
      %dma_start3A_57 = arith.constant 0 : i32
      %dma_start3A_58 = tpu.memref_slice %arg6[%add3A_47, %dma_start3A_57] : memref<10240x128xf32, #tpu.memory_space<vmem_shared>> -> memref<128x128xf32, #tpu.memory_space<vmem_shared>>
      tpu.enqueue_dma source(%dma_start3A_58 : memref<128x128xf32, #tpu.memory_space<vmem_shared>>) target(%arg7 : memref<128x128xf32, #tpu.memory_space<vmem>>) target_semaphore(%run_scoped3A : memref<!tpu.dma_semaphore, #tpu.memory_space<semaphore_mem>>)
      %dma_wait3A = arith.constant 0 : i32
      %dma_wait3A_59 = tpu.memref_slice %arg6[%add3A_47, %dma_wait3A] : memref<10240x128xf32, #tpu.memory_space<vmem_shared>> -> memref<128x128xf32, #tpu.memory_space<vmem_shared>>
      %dma_wait3A_60 = arith.constant 0 : i32
      %dma_wait3A_61 = tpu.memref_slice %arg6[%add3A_47, %dma_wait3A_60] : memref<10240x128xf32, #tpu.memory_space<vmem_shared>> -> memref<128x128xf32, #tpu.memory_space<vmem_shared>>
      tpu.wait_dma2 semaphore(%run_scoped3A : memref<!tpu.dma_semaphore, #tpu.memory_space<semaphore_mem>>) src(%dma_wait3A_61 : memref<128x128xf32, #tpu.memory_space<vmem_shared>>) dst(%arg7 : memref<128x128xf32, #tpu.memory_space<vmem>>)
      tpu.yield
    }) : () -> ()
    %mul3A_48 = arith.constant 10240 : i32
    %mul3A_49 = arith.muli %arg0, %mul3A_48 : i32
    %add3A_50 = arith.addi %mul3A_49, %add3A_47 : i32
    "tpu.region"() ({
      %run_scoped3A = tpu.sem_alloc : memref<!tpu.dma_semaphore, #tpu.memory_space<semaphore_mem>>
      %dma_start3A = arith.constant 0 : i32
      %dma_start3A_56 = tpu.memref_slice %arg5[%add3A_50, %dma_start3A] : memref<20480x128xf32, #tpu.memory_space<hbm>> -> memref<128x128xf32, #tpu.memory_space<hbm>>
      %dma_start3A_57 = arith.constant 0 : i32
      %dma_start3A_58 = tpu.memref_slice %arg5[%add3A_50, %dma_start3A_57] : memref<20480x128xf32, #tpu.memory_space<hbm>> -> memref<128x128xf32, #tpu.memory_space<hbm>>
      tpu.enqueue_dma source(%arg7 : memref<128x128xf32, #tpu.memory_space<vmem>>) target(%dma_start3A_58 : memref<128x128xf32, #tpu.memory_space<hbm>>) target_semaphore(%run_scoped3A : memref<!tpu.dma_semaphore, #tpu.memory_space<semaphore_mem>>)
      %dma_wait3A = arith.constant 0 : i32
      %dma_wait3A_59 = tpu.memref_slice %arg5[%add3A_50, %dma_wait3A] : memref<20480x128xf32, #tpu.memory_space<hbm>> -> memref<128x128xf32, #tpu.memory_space<hbm>>
      %dma_wait3A_60 = arith.constant 0 : i32
      %dma_wait3A_61 = tpu.memref_slice %arg5[%add3A_50, %dma_wait3A_60] : memref<20480x128xf32, #tpu.memory_space<hbm>> -> memref<128x128xf32, #tpu.memory_space<hbm>>
      tpu.wait_dma2 semaphore(%run_scoped3A : memref<!tpu.dma_semaphore, #tpu.memory_space<semaphore_mem>>) src(%arg7 : memref<128x128xf32, #tpu.memory_space<vmem>>) dst(%dma_wait3A_61 : memref<128x128xf32, #tpu.memory_space<hbm>>)
      tpu.yield
    }) : () -> ()
    %add3A_51 = arith.constant 512 : i32
    %add3A_52 = arith.addi %mul3A_0, %add3A_51 : i32
    "tpu.region"() ({
      %run_scoped3A = tpu.sem_alloc : memref<!tpu.dma_semaphore, #tpu.memory_space<semaphore_mem>>
      %dma_start3A = arith.constant 0 : i32
      %dma_start3A_56 = tpu.memref_slice %arg6[%add3A_52, %dma_start3A] : memref<10240x128xf32, #tpu.memory_space<vmem_shared>> -> memref<128x128xf32, #tpu.memory_space<vmem_shared>>
      %dma_start3A_57 = arith.constant 0 : i32
      %dma_start3A_58 = tpu.memref_slice %arg6[%add3A_52, %dma_start3A_57] : memref<10240x128xf32, #tpu.memory_space<vmem_shared>> -> memref<128x128xf32, #tpu.memory_space<vmem_shared>>
      tpu.enqueue_dma source(%dma_start3A_58 : memref<128x128xf32, #tpu.memory_space<vmem_shared>>) target(%arg7 : memref<128x128xf32, #tpu.memory_space<vmem>>) target_semaphore(%run_scoped3A : memref<!tpu.dma_semaphore, #tpu.memory_space<semaphore_mem>>)
      %dma_wait3A = arith.constant 0 : i32
      %dma_wait3A_59 = tpu.memref_slice %arg6[%add3A_52, %dma_wait3A] : memref<10240x128xf32, #tpu.memory_space<vmem_shared>> -> memref<128x128xf32, #tpu.memory_space<vmem_shared>>
      %dma_wait3A_60 = arith.constant 0 : i32
      %dma_wait3A_61 = tpu.memref_slice %arg6[%add3A_52, %dma_wait3A_60] : memref<10240x128xf32, #tpu.memory_space<vmem_shared>> -> memref<128x128xf32, #tpu.memory_space<vmem_shared>>
      tpu.wait_dma2 semaphore(%run_scoped3A : memref<!tpu.dma_semaphore, #tpu.memory_space<semaphore_mem>>) src(%dma_wait3A_61 : memref<128x128xf32, #tpu.memory_space<vmem_shared>>) dst(%arg7 : memref<128x128xf32, #tpu.memory_space<vmem>>)
      tpu.yield
    }) : () -> ()
    %mul3A_53 = arith.constant 10240 : i32
    %mul3A_54 = arith.muli %arg0, %mul3A_53 : i32
    %add3A_55 = arith.addi %mul3A_54, %add3A_52 : i32
    "tpu.region"() ({
      %run_scoped3A = tpu.sem_alloc : memref<!tpu.dma_semaphore, #tpu.memory_space<semaphore_mem>>
      %dma_start3A = arith.constant 0 : i32
      %dma_start3A_56 = tpu.memref_slice %arg5[%add3A_55, %dma_start3A] : memref<20480x128xf32, #tpu.memory_space<hbm>> -> memref<128x128xf32, #tpu.memory_space<hbm>>
      %dma_start3A_57 = arith.constant 0 : i32
      %dma_start3A_58 = tpu.memref_slice %arg5[%add3A_55, %dma_start3A_57] : memref<20480x128xf32, #tpu.memory_space<hbm>> -> memref<128x128xf32, #tpu.memory_space<hbm>>
      tpu.enqueue_dma source(%arg7 : memref<128x128xf32, #tpu.memory_space<vmem>>) target(%dma_start3A_58 : memref<128x128xf32, #tpu.memory_space<hbm>>) target_semaphore(%run_scoped3A : memref<!tpu.dma_semaphore, #tpu.memory_space<semaphore_mem>>)
      %dma_wait3A = arith.constant 0 : i32
      %dma_wait3A_59 = tpu.memref_slice %arg5[%add3A_55, %dma_wait3A] : memref<20480x128xf32, #tpu.memory_space<hbm>> -> memref<128x128xf32, #tpu.memory_space<hbm>>
      %dma_wait3A_60 = arith.constant 0 : i32
      %dma_wait3A_61 = tpu.memref_slice %arg5[%add3A_55, %dma_wait3A_60] : memref<20480x128xf32, #tpu.memory_space<hbm>> -> memref<128x128xf32, #tpu.memory_space<hbm>>
      tpu.wait_dma2 semaphore(%run_scoped3A : memref<!tpu.dma_semaphore, #tpu.memory_space<semaphore_mem>>) src(%arg7 : memref<128x128xf32, #tpu.memory_space<vmem>>) dst(%dma_wait3A_61 : memref<128x128xf32, #tpu.memory_space<hbm>>)
      tpu.yield
    }) : () -> ()
    return
  }
}

#map = affine_map<(d0, d1) -> (0, 0)>
#map1 = affine_map<(d0, d1) -> (0, 0, 0, 0)>
#map2 = affine_map<(d0, d1) -> (0, 0, 0)>
module attributes {stable_mosaic.version = 14 : i64} {
  func.func @_agg(%arg0: i32, %arg1: i32, %arg2: memref<20480x128xf32, #tpu.memory_space<hbm>>, %arg3: memref<2x16x80x128xi32, #tpu.memory_space<hbm>>, %arg4: memref<16x80x128xi32, #tpu.memory_space<hbm>>, %arg5: memref<20480x128xf32, #tpu.memory_space<hbm>>, %arg6: memref<10240x128xf32, #tpu.memory_space<vmem_shared>>, %arg7: memref<128x128xf32, #tpu.memory_space<vmem>>, %arg8: memref<128x128xf32, #tpu.memory_space<vmem>>, %arg9: memref<40x128xi32, #tpu.memory_space<vmem>>, %arg10: memref<40x128xi32, #tpu.memory_space<vmem>>, %arg11: memref<!tpu.dma_semaphore, #tpu.memory_space<semaphore_mem>>, %arg12: memref<!tpu.dma_semaphore, #tpu.memory_space<semaphore_mem>>) attributes {dimension_semantics = [#tpu.dimension_semantics<core_parallel>, #tpu.dimension_semantics<subcore_parallel>], iteration_bounds = array<i64: 2, 16>, scalar_prefetch = 0 : i64, scratch_operands = 7 : i64, tpu.core_type = #tpu.core_type<sc_vector_subcore>, window_params = [{transform_indices = #map}, {transform_indices = #map1}, {transform_indices = #map2}, {transform_indices = #map}]} {
    %mul3A = arith.constant 640 : i32
    %mul3A_0 = arith.muli %arg1, %mul3A : i32
    %add3A = arith.constant 0 : i32
    %add3A_1 = arith.addi %mul3A_0, %add3A : i32
    %mul3A_2 = arith.constant 10240 : i32
    %mul3A_3 = arith.muli %arg0, %mul3A_2 : i32
    %add3A_4 = arith.addi %mul3A_3, %add3A_1 : i32
    "tpu.region"() ({
      %run_scoped3A = tpu.sem_alloc : memref<!tpu.dma_semaphore, #tpu.memory_space<semaphore_mem>>
      %dma_start3A = arith.constant 0 : i32
      %dma_start3A_56 = tpu.memref_slice %arg2[%add3A_4, %dma_start3A] : memref<20480x128xf32, #tpu.memory_space<hbm>> -> memref<128x128xf32, #tpu.memory_space<hbm>>
      %dma_start3A_57 = arith.constant 0 : i32
      %dma_start3A_58 = tpu.memref_slice %arg2[%add3A_4, %dma_start3A_57] : memref<20480x128xf32, #tpu.memory_space<hbm>> -> memref<128x128xf32, #tpu.memory_space<hbm>>
      tpu.enqueue_dma source(%dma_start3A_58 : memref<128x128xf32, #tpu.memory_space<hbm>>) target(%arg7 : memref<128x128xf32, #tpu.memory_space<vmem>>) target_semaphore(%run_scoped3A : memref<!tpu.dma_semaphore, #tpu.memory_space<semaphore_mem>>)
      %dma_wait3A = arith.constant 0 : i32
      %dma_wait3A_59 = tpu.memref_slice %arg2[%add3A_4, %dma_wait3A] : memref<20480x128xf32, #tpu.memory_space<hbm>> -> memref<128x128xf32, #tpu.memory_space<hbm>>
      %dma_wait3A_60 = arith.constant 0 : i32
      %dma_wait3A_61 = tpu.memref_slice %arg2[%add3A_4, %dma_wait3A_60] : memref<20480x128xf32, #tpu.memory_space<hbm>> -> memref<128x128xf32, #tpu.memory_space<hbm>>
      tpu.wait_dma2 semaphore(%run_scoped3A : memref<!tpu.dma_semaphore, #tpu.memory_space<semaphore_mem>>) src(%dma_wait3A_61 : memref<128x128xf32, #tpu.memory_space<hbm>>) dst(%arg7 : memref<128x128xf32, #tpu.memory_space<vmem>>)
      tpu.yield
    }) : () -> ()
    "tpu.region"() ({
      %run_scoped3A = tpu.sem_alloc : memref<!tpu.dma_semaphore, #tpu.memory_space<semaphore_mem>>
      %dma_start3A = arith.constant 0 : i32
      %dma_start3A_56 = tpu.memref_slice %arg6[%add3A_1, %dma_start3A] : memref<10240x128xf32, #tpu.memory_space<vmem_shared>> -> memref<128x128xf32, #tpu.memory_space<vmem_shared>>
      %dma_start3A_57 = arith.constant 0 : i32
      %dma_start3A_58 = tpu.memref_slice %arg6[%add3A_1, %dma_start3A_57] : memref<10240x128xf32, #tpu.memory_space<vmem_shared>> -> memref<128x128xf32, #tpu.memory_space<vmem_shared>>
      tpu.enqueue_dma source(%arg7 : memref<128x128xf32, #tpu.memory_space<vmem>>) target(%dma_start3A_58 : memref<128x128xf32, #tpu.memory_space<vmem_shared>>) target_semaphore(%run_scoped3A : memref<!tpu.dma_semaphore, #tpu.memory_space<semaphore_mem>>)
      %dma_wait3A = arith.constant 0 : i32
      %dma_wait3A_59 = tpu.memref_slice %arg6[%add3A_1, %dma_wait3A] : memref<10240x128xf32, #tpu.memory_space<vmem_shared>> -> memref<128x128xf32, #tpu.memory_space<vmem_shared>>
      %dma_wait3A_60 = arith.constant 0 : i32
      %dma_wait3A_61 = tpu.memref_slice %arg6[%add3A_1, %dma_wait3A_60] : memref<10240x128xf32, #tpu.memory_space<vmem_shared>> -> memref<128x128xf32, #tpu.memory_space<vmem_shared>>
      tpu.wait_dma2 semaphore(%run_scoped3A : memref<!tpu.dma_semaphore, #tpu.memory_space<semaphore_mem>>) src(%arg7 : memref<128x128xf32, #tpu.memory_space<vmem>>) dst(%dma_wait3A_61 : memref<128x128xf32, #tpu.memory_space<vmem_shared>>)
      tpu.yield
    }) : () -> ()
    %add3A_5 = arith.constant 128 : i32
    %add3A_6 = arith.addi %mul3A_0, %add3A_5 : i32
    %mul3A_7 = arith.constant 10240 : i32
    %mul3A_8 = arith.muli %arg0, %mul3A_7 : i32
    %add3A_9 = arith.addi %mul3A_8, %add3A_6 : i32
    "tpu.region"() ({
      %run_scoped3A = tpu.sem_alloc : memref<!tpu.dma_semaphore, #tpu.memory_space<semaphore_mem>>
      %dma_start3A = arith.constant 0 : i32
      %dma_start3A_56 = tpu.memref_slice %arg2[%add3A_9, %dma_start3A] : memref<20480x128xf32, #tpu.memory_space<hbm>> -> memref<128x128xf32, #tpu.memory_space<hbm>>
      %dma_start3A_57 = arith.constant 0 : i32
      %dma_start3A_58 = tpu.memref_slice %arg2[%add3A_9, %dma_start3A_57] : memref<20480x128xf32, #tpu.memory_space<hbm>> -> memref<128x128xf32, #tpu.memory_space<hbm>>
      tpu.enqueue_dma source(%dma_start3A_58 : memref<128x128xf32, #tpu.memory_space<hbm>>) target(%arg7 : memref<128x128xf32, #tpu.memory_space<vmem>>) target_semaphore(%run_scoped3A : memref<!tpu.dma_semaphore, #tpu.memory_space<semaphore_mem>>)
      %dma_wait3A = arith.constant 0 : i32
      %dma_wait3A_59 = tpu.memref_slice %arg2[%add3A_9, %dma_wait3A] : memref<20480x128xf32, #tpu.memory_space<hbm>> -> memref<128x128xf32, #tpu.memory_space<hbm>>
      %dma_wait3A_60 = arith.constant 0 : i32
      %dma_wait3A_61 = tpu.memref_slice %arg2[%add3A_9, %dma_wait3A_60] : memref<20480x128xf32, #tpu.memory_space<hbm>> -> memref<128x128xf32, #tpu.memory_space<hbm>>
      tpu.wait_dma2 semaphore(%run_scoped3A : memref<!tpu.dma_semaphore, #tpu.memory_space<semaphore_mem>>) src(%dma_wait3A_61 : memref<128x128xf32, #tpu.memory_space<hbm>>) dst(%arg7 : memref<128x128xf32, #tpu.memory_space<vmem>>)
      tpu.yield
    }) : () -> ()
    "tpu.region"() ({
      %run_scoped3A = tpu.sem_alloc : memref<!tpu.dma_semaphore, #tpu.memory_space<semaphore_mem>>
      %dma_start3A = arith.constant 0 : i32
      %dma_start3A_56 = tpu.memref_slice %arg6[%add3A_6, %dma_start3A] : memref<10240x128xf32, #tpu.memory_space<vmem_shared>> -> memref<128x128xf32, #tpu.memory_space<vmem_shared>>
      %dma_start3A_57 = arith.constant 0 : i32
      %dma_start3A_58 = tpu.memref_slice %arg6[%add3A_6, %dma_start3A_57] : memref<10240x128xf32, #tpu.memory_space<vmem_shared>> -> memref<128x128xf32, #tpu.memory_space<vmem_shared>>
      tpu.enqueue_dma source(%arg7 : memref<128x128xf32, #tpu.memory_space<vmem>>) target(%dma_start3A_58 : memref<128x128xf32, #tpu.memory_space<vmem_shared>>) target_semaphore(%run_scoped3A : memref<!tpu.dma_semaphore, #tpu.memory_space<semaphore_mem>>)
      %dma_wait3A = arith.constant 0 : i32
      %dma_wait3A_59 = tpu.memref_slice %arg6[%add3A_6, %dma_wait3A] : memref<10240x128xf32, #tpu.memory_space<vmem_shared>> -> memref<128x128xf32, #tpu.memory_space<vmem_shared>>
      %dma_wait3A_60 = arith.constant 0 : i32
      %dma_wait3A_61 = tpu.memref_slice %arg6[%add3A_6, %dma_wait3A_60] : memref<10240x128xf32, #tpu.memory_space<vmem_shared>> -> memref<128x128xf32, #tpu.memory_space<vmem_shared>>
      tpu.wait_dma2 semaphore(%run_scoped3A : memref<!tpu.dma_semaphore, #tpu.memory_space<semaphore_mem>>) src(%arg7 : memref<128x128xf32, #tpu.memory_space<vmem>>) dst(%dma_wait3A_61 : memref<128x128xf32, #tpu.memory_space<vmem_shared>>)
      tpu.yield
    }) : () -> ()
    %add3A_10 = arith.constant 256 : i32
    %add3A_11 = arith.addi %mul3A_0, %add3A_10 : i32
    %mul3A_12 = arith.constant 10240 : i32
    %mul3A_13 = arith.muli %arg0, %mul3A_12 : i32
    %add3A_14 = arith.addi %mul3A_13, %add3A_11 : i32
    "tpu.region"() ({
      %run_scoped3A = tpu.sem_alloc : memref<!tpu.dma_semaphore, #tpu.memory_space<semaphore_mem>>
      %dma_start3A = arith.constant 0 : i32
      %dma_start3A_56 = tpu.memref_slice %arg2[%add3A_14, %dma_start3A] : memref<20480x128xf32, #tpu.memory_space<hbm>> -> memref<128x128xf32, #tpu.memory_space<hbm>>
      %dma_start3A_57 = arith.constant 0 : i32
      %dma_start3A_58 = tpu.memref_slice %arg2[%add3A_14, %dma_start3A_57] : memref<20480x128xf32, #tpu.memory_space<hbm>> -> memref<128x128xf32, #tpu.memory_space<hbm>>
      tpu.enqueue_dma source(%dma_start3A_58 : memref<128x128xf32, #tpu.memory_space<hbm>>) target(%arg7 : memref<128x128xf32, #tpu.memory_space<vmem>>) target_semaphore(%run_scoped3A : memref<!tpu.dma_semaphore, #tpu.memory_space<semaphore_mem>>)
      %dma_wait3A = arith.constant 0 : i32
      %dma_wait3A_59 = tpu.memref_slice %arg2[%add3A_14, %dma_wait3A] : memref<20480x128xf32, #tpu.memory_space<hbm>> -> memref<128x128xf32, #tpu.memory_space<hbm>>
      %dma_wait3A_60 = arith.constant 0 : i32
      %dma_wait3A_61 = tpu.memref_slice %arg2[%add3A_14, %dma_wait3A_60] : memref<20480x128xf32, #tpu.memory_space<hbm>> -> memref<128x128xf32, #tpu.memory_space<hbm>>
      tpu.wait_dma2 semaphore(%run_scoped3A : memref<!tpu.dma_semaphore, #tpu.memory_space<semaphore_mem>>) src(%dma_wait3A_61 : memref<128x128xf32, #tpu.memory_space<hbm>>) dst(%arg7 : memref<128x128xf32, #tpu.memory_space<vmem>>)
      tpu.yield
    }) : () -> ()
    "tpu.region"() ({
      %run_scoped3A = tpu.sem_alloc : memref<!tpu.dma_semaphore, #tpu.memory_space<semaphore_mem>>
      %dma_start3A = arith.constant 0 : i32
      %dma_start3A_56 = tpu.memref_slice %arg6[%add3A_11, %dma_start3A] : memref<10240x128xf32, #tpu.memory_space<vmem_shared>> -> memref<128x128xf32, #tpu.memory_space<vmem_shared>>
      %dma_start3A_57 = arith.constant 0 : i32
      %dma_start3A_58 = tpu.memref_slice %arg6[%add3A_11, %dma_start3A_57] : memref<10240x128xf32, #tpu.memory_space<vmem_shared>> -> memref<128x128xf32, #tpu.memory_space<vmem_shared>>
      tpu.enqueue_dma source(%arg7 : memref<128x128xf32, #tpu.memory_space<vmem>>) target(%dma_start3A_58 : memref<128x128xf32, #tpu.memory_space<vmem_shared>>) target_semaphore(%run_scoped3A : memref<!tpu.dma_semaphore, #tpu.memory_space<semaphore_mem>>)
      %dma_wait3A = arith.constant 0 : i32
      %dma_wait3A_59 = tpu.memref_slice %arg6[%add3A_11, %dma_wait3A] : memref<10240x128xf32, #tpu.memory_space<vmem_shared>> -> memref<128x128xf32, #tpu.memory_space<vmem_shared>>
      %dma_wait3A_60 = arith.constant 0 : i32
      %dma_wait3A_61 = tpu.memref_slice %arg6[%add3A_11, %dma_wait3A_60] : memref<10240x128xf32, #tpu.memory_space<vmem_shared>> -> memref<128x128xf32, #tpu.memory_space<vmem_shared>>
      tpu.wait_dma2 semaphore(%run_scoped3A : memref<!tpu.dma_semaphore, #tpu.memory_space<semaphore_mem>>) src(%arg7 : memref<128x128xf32, #tpu.memory_space<vmem>>) dst(%dma_wait3A_61 : memref<128x128xf32, #tpu.memory_space<vmem_shared>>)
      tpu.yield
    }) : () -> ()
    %add3A_15 = arith.constant 384 : i32
    %add3A_16 = arith.addi %mul3A_0, %add3A_15 : i32
    %mul3A_17 = arith.constant 10240 : i32
    %mul3A_18 = arith.muli %arg0, %mul3A_17 : i32
    %add3A_19 = arith.addi %mul3A_18, %add3A_16 : i32
    "tpu.region"() ({
      %run_scoped3A = tpu.sem_alloc : memref<!tpu.dma_semaphore, #tpu.memory_space<semaphore_mem>>
      %dma_start3A = arith.constant 0 : i32
      %dma_start3A_56 = tpu.memref_slice %arg2[%add3A_19, %dma_start3A] : memref<20480x128xf32, #tpu.memory_space<hbm>> -> memref<128x128xf32, #tpu.memory_space<hbm>>
      %dma_start3A_57 = arith.constant 0 : i32
      %dma_start3A_58 = tpu.memref_slice %arg2[%add3A_19, %dma_start3A_57] : memref<20480x128xf32, #tpu.memory_space<hbm>> -> memref<128x128xf32, #tpu.memory_space<hbm>>
      tpu.enqueue_dma source(%dma_start3A_58 : memref<128x128xf32, #tpu.memory_space<hbm>>) target(%arg7 : memref<128x128xf32, #tpu.memory_space<vmem>>) target_semaphore(%run_scoped3A : memref<!tpu.dma_semaphore, #tpu.memory_space<semaphore_mem>>)
      %dma_wait3A = arith.constant 0 : i32
      %dma_wait3A_59 = tpu.memref_slice %arg2[%add3A_19, %dma_wait3A] : memref<20480x128xf32, #tpu.memory_space<hbm>> -> memref<128x128xf32, #tpu.memory_space<hbm>>
      %dma_wait3A_60 = arith.constant 0 : i32
      %dma_wait3A_61 = tpu.memref_slice %arg2[%add3A_19, %dma_wait3A_60] : memref<20480x128xf32, #tpu.memory_space<hbm>> -> memref<128x128xf32, #tpu.memory_space<hbm>>
      tpu.wait_dma2 semaphore(%run_scoped3A : memref<!tpu.dma_semaphore, #tpu.memory_space<semaphore_mem>>) src(%dma_wait3A_61 : memref<128x128xf32, #tpu.memory_space<hbm>>) dst(%arg7 : memref<128x128xf32, #tpu.memory_space<vmem>>)
      tpu.yield
    }) : () -> ()
    "tpu.region"() ({
      %run_scoped3A = tpu.sem_alloc : memref<!tpu.dma_semaphore, #tpu.memory_space<semaphore_mem>>
      %dma_start3A = arith.constant 0 : i32
      %dma_start3A_56 = tpu.memref_slice %arg6[%add3A_16, %dma_start3A] : memref<10240x128xf32, #tpu.memory_space<vmem_shared>> -> memref<128x128xf32, #tpu.memory_space<vmem_shared>>
      %dma_start3A_57 = arith.constant 0 : i32
      %dma_start3A_58 = tpu.memref_slice %arg6[%add3A_16, %dma_start3A_57] : memref<10240x128xf32, #tpu.memory_space<vmem_shared>> -> memref<128x128xf32, #tpu.memory_space<vmem_shared>>
      tpu.enqueue_dma source(%arg7 : memref<128x128xf32, #tpu.memory_space<vmem>>) target(%dma_start3A_58 : memref<128x128xf32, #tpu.memory_space<vmem_shared>>) target_semaphore(%run_scoped3A : memref<!tpu.dma_semaphore, #tpu.memory_space<semaphore_mem>>)
      %dma_wait3A = arith.constant 0 : i32
      %dma_wait3A_59 = tpu.memref_slice %arg6[%add3A_16, %dma_wait3A] : memref<10240x128xf32, #tpu.memory_space<vmem_shared>> -> memref<128x128xf32, #tpu.memory_space<vmem_shared>>
      %dma_wait3A_60 = arith.constant 0 : i32
      %dma_wait3A_61 = tpu.memref_slice %arg6[%add3A_16, %dma_wait3A_60] : memref<10240x128xf32, #tpu.memory_space<vmem_shared>> -> memref<128x128xf32, #tpu.memory_space<vmem_shared>>
      tpu.wait_dma2 semaphore(%run_scoped3A : memref<!tpu.dma_semaphore, #tpu.memory_space<semaphore_mem>>) src(%arg7 : memref<128x128xf32, #tpu.memory_space<vmem>>) dst(%dma_wait3A_61 : memref<128x128xf32, #tpu.memory_space<vmem_shared>>)
      tpu.yield
    }) : () -> ()
    %add3A_20 = arith.constant 512 : i32
    %add3A_21 = arith.addi %mul3A_0, %add3A_20 : i32
    %mul3A_22 = arith.constant 10240 : i32
    %mul3A_23 = arith.muli %arg0, %mul3A_22 : i32
    %add3A_24 = arith.addi %mul3A_23, %add3A_21 : i32
    "tpu.region"() ({
      %run_scoped3A = tpu.sem_alloc : memref<!tpu.dma_semaphore, #tpu.memory_space<semaphore_mem>>
      %dma_start3A = arith.constant 0 : i32
      %dma_start3A_56 = tpu.memref_slice %arg2[%add3A_24, %dma_start3A] : memref<20480x128xf32, #tpu.memory_space<hbm>> -> memref<128x128xf32, #tpu.memory_space<hbm>>
      %dma_start3A_57 = arith.constant 0 : i32
      %dma_start3A_58 = tpu.memref_slice %arg2[%add3A_24, %dma_start3A_57] : memref<20480x128xf32, #tpu.memory_space<hbm>> -> memref<128x128xf32, #tpu.memory_space<hbm>>
      tpu.enqueue_dma source(%dma_start3A_58 : memref<128x128xf32, #tpu.memory_space<hbm>>) target(%arg7 : memref<128x128xf32, #tpu.memory_space<vmem>>) target_semaphore(%run_scoped3A : memref<!tpu.dma_semaphore, #tpu.memory_space<semaphore_mem>>)
      %dma_wait3A = arith.constant 0 : i32
      %dma_wait3A_59 = tpu.memref_slice %arg2[%add3A_24, %dma_wait3A] : memref<20480x128xf32, #tpu.memory_space<hbm>> -> memref<128x128xf32, #tpu.memory_space<hbm>>
      %dma_wait3A_60 = arith.constant 0 : i32
      %dma_wait3A_61 = tpu.memref_slice %arg2[%add3A_24, %dma_wait3A_60] : memref<20480x128xf32, #tpu.memory_space<hbm>> -> memref<128x128xf32, #tpu.memory_space<hbm>>
      tpu.wait_dma2 semaphore(%run_scoped3A : memref<!tpu.dma_semaphore, #tpu.memory_space<semaphore_mem>>) src(%dma_wait3A_61 : memref<128x128xf32, #tpu.memory_space<hbm>>) dst(%arg7 : memref<128x128xf32, #tpu.memory_space<vmem>>)
      tpu.yield
    }) : () -> ()
    "tpu.region"() ({
      %run_scoped3A = tpu.sem_alloc : memref<!tpu.dma_semaphore, #tpu.memory_space<semaphore_mem>>
      %dma_start3A = arith.constant 0 : i32
      %dma_start3A_56 = tpu.memref_slice %arg6[%add3A_21, %dma_start3A] : memref<10240x128xf32, #tpu.memory_space<vmem_shared>> -> memref<128x128xf32, #tpu.memory_space<vmem_shared>>
      %dma_start3A_57 = arith.constant 0 : i32
      %dma_start3A_58 = tpu.memref_slice %arg6[%add3A_21, %dma_start3A_57] : memref<10240x128xf32, #tpu.memory_space<vmem_shared>> -> memref<128x128xf32, #tpu.memory_space<vmem_shared>>
      tpu.enqueue_dma source(%arg7 : memref<128x128xf32, #tpu.memory_space<vmem>>) target(%dma_start3A_58 : memref<128x128xf32, #tpu.memory_space<vmem_shared>>) target_semaphore(%run_scoped3A : memref<!tpu.dma_semaphore, #tpu.memory_space<semaphore_mem>>)
      %dma_wait3A = arith.constant 0 : i32
      %dma_wait3A_59 = tpu.memref_slice %arg6[%add3A_21, %dma_wait3A] : memref<10240x128xf32, #tpu.memory_space<vmem_shared>> -> memref<128x128xf32, #tpu.memory_space<vmem_shared>>
      %dma_wait3A_60 = arith.constant 0 : i32
      %dma_wait3A_61 = tpu.memref_slice %arg6[%add3A_21, %dma_wait3A_60] : memref<10240x128xf32, #tpu.memory_space<vmem_shared>> -> memref<128x128xf32, #tpu.memory_space<vmem_shared>>
      tpu.wait_dma2 semaphore(%run_scoped3A : memref<!tpu.dma_semaphore, #tpu.memory_space<semaphore_mem>>) src(%arg7 : memref<128x128xf32, #tpu.memory_space<vmem>>) dst(%dma_wait3A_61 : memref<128x128xf32, #tpu.memory_space<vmem_shared>>)
      tpu.yield
    }) : () -> ()
    %barrier3A = arith.constant 0 : index
    tpu.barrier barrier_id(%barrier3A)
    %scan3A = arith.constant 0 : i32
    %scan3A_25 = arith.constant 0 : i32
    %scan3A_26 = arith.constant 2 : i32
    %scan3A_27 = arith.addi %scan3A_25, %scan3A_26 : i32
    %scan3A_28 = arith.constant 1 : i32
    scf.for %scan3A_56 = %scan3A_25 to %scan3A_27 step %scan3A_28  : i32 {
      %mul3A_57 = arith.constant 40 : i32
      %mul3A_58 = arith.muli %scan3A_56, %mul3A_57 : i32
      "tpu.region"() ({
        %run_scoped3A = tpu.sem_alloc : memref<!tpu.dma_semaphore, #tpu.memory_space<semaphore_mem>>
        %dma_start3A_73 = arith.constant 0 : i32
        %dma_start3A_74 = tpu.memref_slice %arg3[%arg0, %arg1, %mul3A_58, %dma_start3A_73] : memref<2x16x80x128xi32, #tpu.memory_space<hbm>> -> memref<1x1x40x128xi32, #tpu.memory_space<hbm>>
        %dma_start3A_75 = tpu.memref_squeeze %dma_start3A_74 : memref<1x1x40x128xi32, #tpu.memory_space<hbm>> -> memref<40x128xi32, #tpu.memory_space<hbm>>
        %dma_start3A_76 = arith.constant 0 : i32
        %dma_start3A_77 = tpu.memref_slice %arg3[%arg0, %arg1, %mul3A_58, %dma_start3A_76] : memref<2x16x80x128xi32, #tpu.memory_space<hbm>> -> memref<1x1x40x128xi32, #tpu.memory_space<hbm>>
        %dma_start3A_78 = tpu.memref_squeeze %dma_start3A_77 : memref<1x1x40x128xi32, #tpu.memory_space<hbm>> -> memref<40x128xi32, #tpu.memory_space<hbm>>
        tpu.enqueue_dma source(%dma_start3A_78 : memref<40x128xi32, #tpu.memory_space<hbm>>) target(%arg9 : memref<40x128xi32, #tpu.memory_space<vmem>>) target_semaphore(%run_scoped3A : memref<!tpu.dma_semaphore, #tpu.memory_space<semaphore_mem>>)
        %dma_wait3A = arith.constant 0 : i32
        %dma_wait3A_79 = tpu.memref_slice %arg3[%arg0, %arg1, %mul3A_58, %dma_wait3A] : memref<2x16x80x128xi32, #tpu.memory_space<hbm>> -> memref<1x1x40x128xi32, #tpu.memory_space<hbm>>
        %dma_wait3A_80 = tpu.memref_squeeze %dma_wait3A_79 : memref<1x1x40x128xi32, #tpu.memory_space<hbm>> -> memref<40x128xi32, #tpu.memory_space<hbm>>
        %dma_wait3A_81 = arith.constant 0 : i32
        %dma_wait3A_82 = tpu.memref_slice %arg3[%arg0, %arg1, %mul3A_58, %dma_wait3A_81] : memref<2x16x80x128xi32, #tpu.memory_space<hbm>> -> memref<1x1x40x128xi32, #tpu.memory_space<hbm>>
        %dma_wait3A_83 = tpu.memref_squeeze %dma_wait3A_82 : memref<1x1x40x128xi32, #tpu.memory_space<hbm>> -> memref<40x128xi32, #tpu.memory_space<hbm>>
        tpu.wait_dma2 semaphore(%run_scoped3A : memref<!tpu.dma_semaphore, #tpu.memory_space<semaphore_mem>>) src(%dma_wait3A_83 : memref<40x128xi32, #tpu.memory_space<hbm>>) dst(%arg9 : memref<40x128xi32, #tpu.memory_space<vmem>>)
        tpu.yield
      }) : () -> ()
      %mul3A_59 = arith.constant 40 : i32
      %mul3A_60 = arith.muli %scan3A_56, %mul3A_59 : i32
      "tpu.region"() ({
        %run_scoped3A = tpu.sem_alloc : memref<!tpu.dma_semaphore, #tpu.memory_space<semaphore_mem>>
        %dma_start3A_73 = arith.constant 0 : i32
        %dma_start3A_74 = tpu.memref_slice %arg4[%arg1, %mul3A_60, %dma_start3A_73] : memref<16x80x128xi32, #tpu.memory_space<hbm>> -> memref<1x40x128xi32, #tpu.memory_space<hbm>>
        %dma_start3A_75 = tpu.memref_squeeze %dma_start3A_74 : memref<1x40x128xi32, #tpu.memory_space<hbm>> -> memref<40x128xi32, #tpu.memory_space<hbm>>
        %dma_start3A_76 = arith.constant 0 : i32
        %dma_start3A_77 = tpu.memref_slice %arg4[%arg1, %mul3A_60, %dma_start3A_76] : memref<16x80x128xi32, #tpu.memory_space<hbm>> -> memref<1x40x128xi32, #tpu.memory_space<hbm>>
        %dma_start3A_78 = tpu.memref_squeeze %dma_start3A_77 : memref<1x40x128xi32, #tpu.memory_space<hbm>> -> memref<40x128xi32, #tpu.memory_space<hbm>>
        tpu.enqueue_dma source(%dma_start3A_78 : memref<40x128xi32, #tpu.memory_space<hbm>>) target(%arg10 : memref<40x128xi32, #tpu.memory_space<vmem>>) target_semaphore(%run_scoped3A : memref<!tpu.dma_semaphore, #tpu.memory_space<semaphore_mem>>)
        %dma_wait3A = arith.constant 0 : i32
        %dma_wait3A_79 = tpu.memref_slice %arg4[%arg1, %mul3A_60, %dma_wait3A] : memref<16x80x128xi32, #tpu.memory_space<hbm>> -> memref<1x40x128xi32, #tpu.memory_space<hbm>>
        %dma_wait3A_80 = tpu.memref_squeeze %dma_wait3A_79 : memref<1x40x128xi32, #tpu.memory_space<hbm>> -> memref<40x128xi32, #tpu.memory_space<hbm>>
        %dma_wait3A_81 = arith.constant 0 : i32
        %dma_wait3A_82 = tpu.memref_slice %arg4[%arg1, %mul3A_60, %dma_wait3A_81] : memref<16x80x128xi32, #tpu.memory_space<hbm>> -> memref<1x40x128xi32, #tpu.memory_space<hbm>>
        %dma_wait3A_83 = tpu.memref_squeeze %dma_wait3A_82 : memref<1x40x128xi32, #tpu.memory_space<hbm>> -> memref<40x128xi32, #tpu.memory_space<hbm>>
        tpu.wait_dma2 semaphore(%run_scoped3A : memref<!tpu.dma_semaphore, #tpu.memory_space<semaphore_mem>>) src(%dma_wait3A_83 : memref<40x128xi32, #tpu.memory_space<hbm>>) dst(%arg10 : memref<40x128xi32, #tpu.memory_space<vmem>>)
        tpu.yield
      }) : () -> ()
      %dma_start3A = arith.constant 0 : i32
      %dma_start3A_61 = arith.constant 0 : i32
      %dma_start3A_62 = tpu.memref_slice %arg9[%dma_start3A, %dma_start3A_61] : memref<40x128xi32, #tpu.memory_space<vmem>> -> memref<1x128xi32, #tpu.memory_space<vmem>>
      %dma_start3A_63 = tpu.memref_squeeze %dma_start3A_62 : memref<1x128xi32, #tpu.memory_space<vmem>> -> memref<128xi32, #tpu.memory_space<vmem>>
      %dma_start3A_64 = arith.constant 0 : i32
      %dma_start3A_65 = arith.constant 0 : i32
      %dma_start3A_66 = tpu.memref_slice %arg2[%dma_start3A_64, %dma_start3A_65] : memref<20480x128xf32, #tpu.memory_space<hbm>> -> memref<20480x128xf32, #tpu.memory_space<hbm>>
      tpu.enqueue_indirect_dma source(%dma_start3A_66 : memref<20480x128xf32, #tpu.memory_space<hbm>>) target(%arg7 : memref<128x128xf32, #tpu.memory_space<vmem>>) offsets(%dma_start3A_63 : memref<128xi32, #tpu.memory_space<vmem>>) semaphore(%arg11 : memref<!tpu.dma_semaphore, #tpu.memory_space<semaphore_mem>>)
      %scan3A_67 = arith.constant 0 : i32
      %scan3A_68 = arith.constant 0 : i32
      %scan3A_69 = arith.constant 20 : i32
      %scan3A_70 = arith.addi %scan3A_68, %scan3A_69 : i32
      %scan3A_71 = arith.constant 1 : i32
      scf.for %scan3A_73 = %scan3A_68 to %scan3A_70 step %scan3A_71  : i32 {
        %mul3A_74 = arith.constant 2 : i32
        %mul3A_75 = arith.muli %scan3A_73, %mul3A_74 : i32
        %add3A_76 = arith.constant 1 : i32
        %add3A_77 = arith.addi %mul3A_75, %add3A_76 : i32
        %dma_start3A_78 = arith.constant 0 : i32
        %dma_start3A_79 = tpu.memref_slice %arg9[%add3A_77, %dma_start3A_78] : memref<40x128xi32, #tpu.memory_space<vmem>> -> memref<1x128xi32, #tpu.memory_space<vmem>>
        %dma_start3A_80 = tpu.memref_squeeze %dma_start3A_79 : memref<1x128xi32, #tpu.memory_space<vmem>> -> memref<128xi32, #tpu.memory_space<vmem>>
        %dma_start3A_81 = arith.constant 0 : i32
        %dma_start3A_82 = arith.constant 0 : i32
        %dma_start3A_83 = tpu.memref_slice %arg2[%dma_start3A_81, %dma_start3A_82] : memref<20480x128xf32, #tpu.memory_space<hbm>> -> memref<20480x128xf32, #tpu.memory_space<hbm>>
        tpu.enqueue_indirect_dma source(%dma_start3A_83 : memref<20480x128xf32, #tpu.memory_space<hbm>>) target(%arg8 : memref<128x128xf32, #tpu.memory_space<vmem>>) offsets(%dma_start3A_80 : memref<128xi32, #tpu.memory_space<vmem>>) semaphore(%arg12 : memref<!tpu.dma_semaphore, #tpu.memory_space<semaphore_mem>>)
        %dma_wait3A = arith.constant 0 : i32
        %dma_wait3A_84 = arith.constant 0 : i32
        %dma_wait3A_85 = tpu.memref_slice %arg9[%dma_wait3A, %dma_wait3A_84] : memref<40x128xi32, #tpu.memory_space<vmem>> -> memref<1x128xi32, #tpu.memory_space<vmem>>
        %dma_wait3A_86 = tpu.memref_squeeze %dma_wait3A_85 : memref<1x128xi32, #tpu.memory_space<vmem>> -> memref<128xi32, #tpu.memory_space<vmem>>
        %dma_wait3A_87 = arith.constant 0 : i32
        %dma_wait3A_88 = arith.constant 0 : i32
        %dma_wait3A_89 = tpu.memref_slice %arg2[%dma_wait3A_87, %dma_wait3A_88] : memref<20480x128xf32, #tpu.memory_space<hbm>> -> memref<20480x128xf32, #tpu.memory_space<hbm>>
        tpu.wait_indirect_dma semaphore(%arg11 : memref<!tpu.dma_semaphore, #tpu.memory_space<semaphore_mem>>) src(%dma_wait3A_89 : memref<20480x128xf32, #tpu.memory_space<hbm>>) dst(%arg7 : memref<128x128xf32, #tpu.memory_space<vmem>>)
        "tpu.region"() ({
          %run_scoped3A = tpu.sem_alloc : memref<!tpu.dma_semaphore, #tpu.memory_space<semaphore_mem>>
          %dma_start3A_101 = arith.constant 0 : i32
          %dma_start3A_102 = tpu.memref_slice %arg10[%mul3A_75, %dma_start3A_101] : memref<40x128xi32, #tpu.memory_space<vmem>> -> memref<1x128xi32, #tpu.memory_space<vmem>>
          %dma_start3A_103 = tpu.memref_squeeze %dma_start3A_102 : memref<1x128xi32, #tpu.memory_space<vmem>> -> memref<128xi32, #tpu.memory_space<vmem>>
          %dma_start3A_104 = arith.constant 0 : i32
          %dma_start3A_105 = arith.constant 0 : i32
          %dma_start3A_106 = tpu.memref_slice %arg6[%dma_start3A_104, %dma_start3A_105] : memref<10240x128xf32, #tpu.memory_space<vmem_shared>> -> memref<10240x128xf32, #tpu.memory_space<vmem_shared>>
          tpu.enqueue_indirect_dma source(%arg7 : memref<128x128xf32, #tpu.memory_space<vmem>>) target(%dma_start3A_106 : memref<10240x128xf32, #tpu.memory_space<vmem_shared>>) offsets(%dma_start3A_103 : memref<128xi32, #tpu.memory_space<vmem>>) semaphore(%run_scoped3A : memref<!tpu.dma_semaphore, #tpu.memory_space<semaphore_mem>>) {add = true}
          %dma_wait3A_107 = arith.constant 0 : i32
          %dma_wait3A_108 = tpu.memref_slice %arg10[%mul3A_75, %dma_wait3A_107] : memref<40x128xi32, #tpu.memory_space<vmem>> -> memref<1x128xi32, #tpu.memory_space<vmem>>
          %dma_wait3A_109 = tpu.memref_squeeze %dma_wait3A_108 : memref<1x128xi32, #tpu.memory_space<vmem>> -> memref<128xi32, #tpu.memory_space<vmem>>
          %dma_wait3A_110 = arith.constant 0 : i32
          %dma_wait3A_111 = arith.constant 0 : i32
          %dma_wait3A_112 = tpu.memref_slice %arg6[%dma_wait3A_110, %dma_wait3A_111] : memref<10240x128xf32, #tpu.memory_space<vmem_shared>> -> memref<10240x128xf32, #tpu.memory_space<vmem_shared>>
          tpu.wait_indirect_dma semaphore(%run_scoped3A : memref<!tpu.dma_semaphore, #tpu.memory_space<semaphore_mem>>) src(%arg7 : memref<128x128xf32, #tpu.memory_space<vmem>>) dst(%dma_wait3A_112 : memref<10240x128xf32, #tpu.memory_space<vmem_shared>>)
          tpu.yield
        }) : () -> ()
        %lt3A = arith.constant 19 : i32
        %lt3A_90 = arith.cmpi slt, %scan3A_73, %lt3A : i32
        %convert_element_type3A = arith.extui %lt3A_90 : i1 to i32
        %cond3A = arith.constant 0 : i32
        %cond3A_91 = arith.cmpi ne, %convert_element_type3A, %cond3A : i32
        scf.if %cond3A_91 {
          %add3A_101 = arith.constant 2 : i32
          %add3A_102 = arith.addi %mul3A_75, %add3A_101 : i32
          %dma_start3A_103 = arith.constant 0 : i32
          %dma_start3A_104 = tpu.memref_slice %arg9[%add3A_102, %dma_start3A_103] : memref<40x128xi32, #tpu.memory_space<vmem>> -> memref<1x128xi32, #tpu.memory_space<vmem>>
          %dma_start3A_105 = tpu.memref_squeeze %dma_start3A_104 : memref<1x128xi32, #tpu.memory_space<vmem>> -> memref<128xi32, #tpu.memory_space<vmem>>
          %dma_start3A_106 = arith.constant 0 : i32
          %dma_start3A_107 = arith.constant 0 : i32
          %dma_start3A_108 = tpu.memref_slice %arg2[%dma_start3A_106, %dma_start3A_107] : memref<20480x128xf32, #tpu.memory_space<hbm>> -> memref<20480x128xf32, #tpu.memory_space<hbm>>
          tpu.enqueue_indirect_dma source(%dma_start3A_108 : memref<20480x128xf32, #tpu.memory_space<hbm>>) target(%arg7 : memref<128x128xf32, #tpu.memory_space<vmem>>) offsets(%dma_start3A_105 : memref<128xi32, #tpu.memory_space<vmem>>) semaphore(%arg11 : memref<!tpu.dma_semaphore, #tpu.memory_space<semaphore_mem>>)
        } else {
        }
        %dma_wait3A_92 = arith.constant 0 : i32
        %dma_wait3A_93 = arith.constant 0 : i32
        %dma_wait3A_94 = tpu.memref_slice %arg9[%dma_wait3A_92, %dma_wait3A_93] : memref<40x128xi32, #tpu.memory_space<vmem>> -> memref<1x128xi32, #tpu.memory_space<vmem>>
        %dma_wait3A_95 = tpu.memref_squeeze %dma_wait3A_94 : memref<1x128xi32, #tpu.memory_space<vmem>> -> memref<128xi32, #tpu.memory_space<vmem>>
        %dma_wait3A_96 = arith.constant 0 : i32
        %dma_wait3A_97 = arith.constant 0 : i32
        %dma_wait3A_98 = tpu.memref_slice %arg2[%dma_wait3A_96, %dma_wait3A_97] : memref<20480x128xf32, #tpu.memory_space<hbm>> -> memref<20480x128xf32, #tpu.memory_space<hbm>>
        tpu.wait_indirect_dma semaphore(%arg12 : memref<!tpu.dma_semaphore, #tpu.memory_space<semaphore_mem>>) src(%dma_wait3A_98 : memref<20480x128xf32, #tpu.memory_space<hbm>>) dst(%arg8 : memref<128x128xf32, #tpu.memory_space<vmem>>)
        %add3A_99 = arith.constant 1 : i32
        %add3A_100 = arith.addi %mul3A_75, %add3A_99 : i32
        "tpu.region"() ({
          %run_scoped3A = tpu.sem_alloc : memref<!tpu.dma_semaphore, #tpu.memory_space<semaphore_mem>>
          %dma_start3A_101 = arith.constant 0 : i32
          %dma_start3A_102 = tpu.memref_slice %arg10[%add3A_100, %dma_start3A_101] : memref<40x128xi32, #tpu.memory_space<vmem>> -> memref<1x128xi32, #tpu.memory_space<vmem>>
          %dma_start3A_103 = tpu.memref_squeeze %dma_start3A_102 : memref<1x128xi32, #tpu.memory_space<vmem>> -> memref<128xi32, #tpu.memory_space<vmem>>
          %dma_start3A_104 = arith.constant 0 : i32
          %dma_start3A_105 = arith.constant 0 : i32
          %dma_start3A_106 = tpu.memref_slice %arg6[%dma_start3A_104, %dma_start3A_105] : memref<10240x128xf32, #tpu.memory_space<vmem_shared>> -> memref<10240x128xf32, #tpu.memory_space<vmem_shared>>
          tpu.enqueue_indirect_dma source(%arg8 : memref<128x128xf32, #tpu.memory_space<vmem>>) target(%dma_start3A_106 : memref<10240x128xf32, #tpu.memory_space<vmem_shared>>) offsets(%dma_start3A_103 : memref<128xi32, #tpu.memory_space<vmem>>) semaphore(%run_scoped3A : memref<!tpu.dma_semaphore, #tpu.memory_space<semaphore_mem>>) {add = true}
          %dma_wait3A_107 = arith.constant 0 : i32
          %dma_wait3A_108 = tpu.memref_slice %arg10[%add3A_100, %dma_wait3A_107] : memref<40x128xi32, #tpu.memory_space<vmem>> -> memref<1x128xi32, #tpu.memory_space<vmem>>
          %dma_wait3A_109 = tpu.memref_squeeze %dma_wait3A_108 : memref<1x128xi32, #tpu.memory_space<vmem>> -> memref<128xi32, #tpu.memory_space<vmem>>
          %dma_wait3A_110 = arith.constant 0 : i32
          %dma_wait3A_111 = arith.constant 0 : i32
          %dma_wait3A_112 = tpu.memref_slice %arg6[%dma_wait3A_110, %dma_wait3A_111] : memref<10240x128xf32, #tpu.memory_space<vmem_shared>> -> memref<10240x128xf32, #tpu.memory_space<vmem_shared>>
          tpu.wait_indirect_dma semaphore(%run_scoped3A : memref<!tpu.dma_semaphore, #tpu.memory_space<semaphore_mem>>) src(%arg8 : memref<128x128xf32, #tpu.memory_space<vmem>>) dst(%dma_wait3A_112 : memref<10240x128xf32, #tpu.memory_space<vmem_shared>>)
          tpu.yield
        }) : () -> ()
      }
      %scan3A_72 = arith.constant 20 : i32
    }
    %scan3A_29 = arith.constant 2 : i32
    %barrier3A_30 = arith.constant 0 : index
    tpu.barrier barrier_id(%barrier3A_30)
    %add3A_31 = arith.constant 0 : i32
    %add3A_32 = arith.addi %mul3A_0, %add3A_31 : i32
    "tpu.region"() ({
      %run_scoped3A = tpu.sem_alloc : memref<!tpu.dma_semaphore, #tpu.memory_space<semaphore_mem>>
      %dma_start3A = arith.constant 0 : i32
      %dma_start3A_56 = tpu.memref_slice %arg6[%add3A_32, %dma_start3A] : memref<10240x128xf32, #tpu.memory_space<vmem_shared>> -> memref<128x128xf32, #tpu.memory_space<vmem_shared>>
      %dma_start3A_57 = arith.constant 0 : i32
      %dma_start3A_58 = tpu.memref_slice %arg6[%add3A_32, %dma_start3A_57] : memref<10240x128xf32, #tpu.memory_space<vmem_shared>> -> memref<128x128xf32, #tpu.memory_space<vmem_shared>>
      tpu.enqueue_dma source(%dma_start3A_58 : memref<128x128xf32, #tpu.memory_space<vmem_shared>>) target(%arg7 : memref<128x128xf32, #tpu.memory_space<vmem>>) target_semaphore(%run_scoped3A : memref<!tpu.dma_semaphore, #tpu.memory_space<semaphore_mem>>)
      %dma_wait3A = arith.constant 0 : i32
      %dma_wait3A_59 = tpu.memref_slice %arg6[%add3A_32, %dma_wait3A] : memref<10240x128xf32, #tpu.memory_space<vmem_shared>> -> memref<128x128xf32, #tpu.memory_space<vmem_shared>>
      %dma_wait3A_60 = arith.constant 0 : i32
      %dma_wait3A_61 = tpu.memref_slice %arg6[%add3A_32, %dma_wait3A_60] : memref<10240x128xf32, #tpu.memory_space<vmem_shared>> -> memref<128x128xf32, #tpu.memory_space<vmem_shared>>
      tpu.wait_dma2 semaphore(%run_scoped3A : memref<!tpu.dma_semaphore, #tpu.memory_space<semaphore_mem>>) src(%dma_wait3A_61 : memref<128x128xf32, #tpu.memory_space<vmem_shared>>) dst(%arg7 : memref<128x128xf32, #tpu.memory_space<vmem>>)
      tpu.yield
    }) : () -> ()
    %mul3A_33 = arith.constant 10240 : i32
    %mul3A_34 = arith.muli %arg0, %mul3A_33 : i32
    %add3A_35 = arith.addi %mul3A_34, %add3A_32 : i32
    "tpu.region"() ({
      %run_scoped3A = tpu.sem_alloc : memref<!tpu.dma_semaphore, #tpu.memory_space<semaphore_mem>>
      %dma_start3A = arith.constant 0 : i32
      %dma_start3A_56 = tpu.memref_slice %arg5[%add3A_35, %dma_start3A] : memref<20480x128xf32, #tpu.memory_space<hbm>> -> memref<128x128xf32, #tpu.memory_space<hbm>>
      %dma_start3A_57 = arith.constant 0 : i32
      %dma_start3A_58 = tpu.memref_slice %arg5[%add3A_35, %dma_start3A_57] : memref<20480x128xf32, #tpu.memory_space<hbm>> -> memref<128x128xf32, #tpu.memory_space<hbm>>
      tpu.enqueue_dma source(%arg7 : memref<128x128xf32, #tpu.memory_space<vmem>>) target(%dma_start3A_58 : memref<128x128xf32, #tpu.memory_space<hbm>>) target_semaphore(%run_scoped3A : memref<!tpu.dma_semaphore, #tpu.memory_space<semaphore_mem>>)
      %dma_wait3A = arith.constant 0 : i32
      %dma_wait3A_59 = tpu.memref_slice %arg5[%add3A_35, %dma_wait3A] : memref<20480x128xf32, #tpu.memory_space<hbm>> -> memref<128x128xf32, #tpu.memory_space<hbm>>
      %dma_wait3A_60 = arith.constant 0 : i32
      %dma_wait3A_61 = tpu.memref_slice %arg5[%add3A_35, %dma_wait3A_60] : memref<20480x128xf32, #tpu.memory_space<hbm>> -> memref<128x128xf32, #tpu.memory_space<hbm>>
      tpu.wait_dma2 semaphore(%run_scoped3A : memref<!tpu.dma_semaphore, #tpu.memory_space<semaphore_mem>>) src(%arg7 : memref<128x128xf32, #tpu.memory_space<vmem>>) dst(%dma_wait3A_61 : memref<128x128xf32, #tpu.memory_space<hbm>>)
      tpu.yield
    }) : () -> ()
    %add3A_36 = arith.constant 128 : i32
    %add3A_37 = arith.addi %mul3A_0, %add3A_36 : i32
    "tpu.region"() ({
      %run_scoped3A = tpu.sem_alloc : memref<!tpu.dma_semaphore, #tpu.memory_space<semaphore_mem>>
      %dma_start3A = arith.constant 0 : i32
      %dma_start3A_56 = tpu.memref_slice %arg6[%add3A_37, %dma_start3A] : memref<10240x128xf32, #tpu.memory_space<vmem_shared>> -> memref<128x128xf32, #tpu.memory_space<vmem_shared>>
      %dma_start3A_57 = arith.constant 0 : i32
      %dma_start3A_58 = tpu.memref_slice %arg6[%add3A_37, %dma_start3A_57] : memref<10240x128xf32, #tpu.memory_space<vmem_shared>> -> memref<128x128xf32, #tpu.memory_space<vmem_shared>>
      tpu.enqueue_dma source(%dma_start3A_58 : memref<128x128xf32, #tpu.memory_space<vmem_shared>>) target(%arg7 : memref<128x128xf32, #tpu.memory_space<vmem>>) target_semaphore(%run_scoped3A : memref<!tpu.dma_semaphore, #tpu.memory_space<semaphore_mem>>)
      %dma_wait3A = arith.constant 0 : i32
      %dma_wait3A_59 = tpu.memref_slice %arg6[%add3A_37, %dma_wait3A] : memref<10240x128xf32, #tpu.memory_space<vmem_shared>> -> memref<128x128xf32, #tpu.memory_space<vmem_shared>>
      %dma_wait3A_60 = arith.constant 0 : i32
      %dma_wait3A_61 = tpu.memref_slice %arg6[%add3A_37, %dma_wait3A_60] : memref<10240x128xf32, #tpu.memory_space<vmem_shared>> -> memref<128x128xf32, #tpu.memory_space<vmem_shared>>
      tpu.wait_dma2 semaphore(%run_scoped3A : memref<!tpu.dma_semaphore, #tpu.memory_space<semaphore_mem>>) src(%dma_wait3A_61 : memref<128x128xf32, #tpu.memory_space<vmem_shared>>) dst(%arg7 : memref<128x128xf32, #tpu.memory_space<vmem>>)
      tpu.yield
    }) : () -> ()
    %mul3A_38 = arith.constant 10240 : i32
    %mul3A_39 = arith.muli %arg0, %mul3A_38 : i32
    %add3A_40 = arith.addi %mul3A_39, %add3A_37 : i32
    "tpu.region"() ({
      %run_scoped3A = tpu.sem_alloc : memref<!tpu.dma_semaphore, #tpu.memory_space<semaphore_mem>>
      %dma_start3A = arith.constant 0 : i32
      %dma_start3A_56 = tpu.memref_slice %arg5[%add3A_40, %dma_start3A] : memref<20480x128xf32, #tpu.memory_space<hbm>> -> memref<128x128xf32, #tpu.memory_space<hbm>>
      %dma_start3A_57 = arith.constant 0 : i32
      %dma_start3A_58 = tpu.memref_slice %arg5[%add3A_40, %dma_start3A_57] : memref<20480x128xf32, #tpu.memory_space<hbm>> -> memref<128x128xf32, #tpu.memory_space<hbm>>
      tpu.enqueue_dma source(%arg7 : memref<128x128xf32, #tpu.memory_space<vmem>>) target(%dma_start3A_58 : memref<128x128xf32, #tpu.memory_space<hbm>>) target_semaphore(%run_scoped3A : memref<!tpu.dma_semaphore, #tpu.memory_space<semaphore_mem>>)
      %dma_wait3A = arith.constant 0 : i32
      %dma_wait3A_59 = tpu.memref_slice %arg5[%add3A_40, %dma_wait3A] : memref<20480x128xf32, #tpu.memory_space<hbm>> -> memref<128x128xf32, #tpu.memory_space<hbm>>
      %dma_wait3A_60 = arith.constant 0 : i32
      %dma_wait3A_61 = tpu.memref_slice %arg5[%add3A_40, %dma_wait3A_60] : memref<20480x128xf32, #tpu.memory_space<hbm>> -> memref<128x128xf32, #tpu.memory_space<hbm>>
      tpu.wait_dma2 semaphore(%run_scoped3A : memref<!tpu.dma_semaphore, #tpu.memory_space<semaphore_mem>>) src(%arg7 : memref<128x128xf32, #tpu.memory_space<vmem>>) dst(%dma_wait3A_61 : memref<128x128xf32, #tpu.memory_space<hbm>>)
      tpu.yield
    }) : () -> ()
    %add3A_41 = arith.constant 256 : i32
    %add3A_42 = arith.addi %mul3A_0, %add3A_41 : i32
    "tpu.region"() ({
      %run_scoped3A = tpu.sem_alloc : memref<!tpu.dma_semaphore, #tpu.memory_space<semaphore_mem>>
      %dma_start3A = arith.constant 0 : i32
      %dma_start3A_56 = tpu.memref_slice %arg6[%add3A_42, %dma_start3A] : memref<10240x128xf32, #tpu.memory_space<vmem_shared>> -> memref<128x128xf32, #tpu.memory_space<vmem_shared>>
      %dma_start3A_57 = arith.constant 0 : i32
      %dma_start3A_58 = tpu.memref_slice %arg6[%add3A_42, %dma_start3A_57] : memref<10240x128xf32, #tpu.memory_space<vmem_shared>> -> memref<128x128xf32, #tpu.memory_space<vmem_shared>>
      tpu.enqueue_dma source(%dma_start3A_58 : memref<128x128xf32, #tpu.memory_space<vmem_shared>>) target(%arg7 : memref<128x128xf32, #tpu.memory_space<vmem>>) target_semaphore(%run_scoped3A : memref<!tpu.dma_semaphore, #tpu.memory_space<semaphore_mem>>)
      %dma_wait3A = arith.constant 0 : i32
      %dma_wait3A_59 = tpu.memref_slice %arg6[%add3A_42, %dma_wait3A] : memref<10240x128xf32, #tpu.memory_space<vmem_shared>> -> memref<128x128xf32, #tpu.memory_space<vmem_shared>>
      %dma_wait3A_60 = arith.constant 0 : i32
      %dma_wait3A_61 = tpu.memref_slice %arg6[%add3A_42, %dma_wait3A_60] : memref<10240x128xf32, #tpu.memory_space<vmem_shared>> -> memref<128x128xf32, #tpu.memory_space<vmem_shared>>
      tpu.wait_dma2 semaphore(%run_scoped3A : memref<!tpu.dma_semaphore, #tpu.memory_space<semaphore_mem>>) src(%dma_wait3A_61 : memref<128x128xf32, #tpu.memory_space<vmem_shared>>) dst(%arg7 : memref<128x128xf32, #tpu.memory_space<vmem>>)
      tpu.yield
    }) : () -> ()
    %mul3A_43 = arith.constant 10240 : i32
    %mul3A_44 = arith.muli %arg0, %mul3A_43 : i32
    %add3A_45 = arith.addi %mul3A_44, %add3A_42 : i32
    "tpu.region"() ({
      %run_scoped3A = tpu.sem_alloc : memref<!tpu.dma_semaphore, #tpu.memory_space<semaphore_mem>>
      %dma_start3A = arith.constant 0 : i32
      %dma_start3A_56 = tpu.memref_slice %arg5[%add3A_45, %dma_start3A] : memref<20480x128xf32, #tpu.memory_space<hbm>> -> memref<128x128xf32, #tpu.memory_space<hbm>>
      %dma_start3A_57 = arith.constant 0 : i32
      %dma_start3A_58 = tpu.memref_slice %arg5[%add3A_45, %dma_start3A_57] : memref<20480x128xf32, #tpu.memory_space<hbm>> -> memref<128x128xf32, #tpu.memory_space<hbm>>
      tpu.enqueue_dma source(%arg7 : memref<128x128xf32, #tpu.memory_space<vmem>>) target(%dma_start3A_58 : memref<128x128xf32, #tpu.memory_space<hbm>>) target_semaphore(%run_scoped3A : memref<!tpu.dma_semaphore, #tpu.memory_space<semaphore_mem>>)
      %dma_wait3A = arith.constant 0 : i32
      %dma_wait3A_59 = tpu.memref_slice %arg5[%add3A_45, %dma_wait3A] : memref<20480x128xf32, #tpu.memory_space<hbm>> -> memref<128x128xf32, #tpu.memory_space<hbm>>
      %dma_wait3A_60 = arith.constant 0 : i32
      %dma_wait3A_61 = tpu.memref_slice %arg5[%add3A_45, %dma_wait3A_60] : memref<20480x128xf32, #tpu.memory_space<hbm>> -> memref<128x128xf32, #tpu.memory_space<hbm>>
      tpu.wait_dma2 semaphore(%run_scoped3A : memref<!tpu.dma_semaphore, #tpu.memory_space<semaphore_mem>>) src(%arg7 : memref<128x128xf32, #tpu.memory_space<vmem>>) dst(%dma_wait3A_61 : memref<128x128xf32, #tpu.memory_space<hbm>>)
      tpu.yield
    }) : () -> ()
    %add3A_46 = arith.constant 384 : i32
    %add3A_47 = arith.addi %mul3A_0, %add3A_46 : i32
    "tpu.region"() ({
      %run_scoped3A = tpu.sem_alloc : memref<!tpu.dma_semaphore, #tpu.memory_space<semaphore_mem>>
      %dma_start3A = arith.constant 0 : i32
      %dma_start3A_56 = tpu.memref_slice %arg6[%add3A_47, %dma_start3A] : memref<10240x128xf32, #tpu.memory_space<vmem_shared>> -> memref<128x128xf32, #tpu.memory_space<vmem_shared>>
      %dma_start3A_57 = arith.constant 0 : i32
      %dma_start3A_58 = tpu.memref_slice %arg6[%add3A_47, %dma_start3A_57] : memref<10240x128xf32, #tpu.memory_space<vmem_shared>> -> memref<128x128xf32, #tpu.memory_space<vmem_shared>>
      tpu.enqueue_dma source(%dma_start3A_58 : memref<128x128xf32, #tpu.memory_space<vmem_shared>>) target(%arg7 : memref<128x128xf32, #tpu.memory_space<vmem>>) target_semaphore(%run_scoped3A : memref<!tpu.dma_semaphore, #tpu.memory_space<semaphore_mem>>)
      %dma_wait3A = arith.constant 0 : i32
      %dma_wait3A_59 = tpu.memref_slice %arg6[%add3A_47, %dma_wait3A] : memref<10240x128xf32, #tpu.memory_space<vmem_shared>> -> memref<128x128xf32, #tpu.memory_space<vmem_shared>>
      %dma_wait3A_60 = arith.constant 0 : i32
      %dma_wait3A_61 = tpu.memref_slice %arg6[%add3A_47, %dma_wait3A_60] : memref<10240x128xf32, #tpu.memory_space<vmem_shared>> -> memref<128x128xf32, #tpu.memory_space<vmem_shared>>
      tpu.wait_dma2 semaphore(%run_scoped3A : memref<!tpu.dma_semaphore, #tpu.memory_space<semaphore_mem>>) src(%dma_wait3A_61 : memref<128x128xf32, #tpu.memory_space<vmem_shared>>) dst(%arg7 : memref<128x128xf32, #tpu.memory_space<vmem>>)
      tpu.yield
    }) : () -> ()
    %mul3A_48 = arith.constant 10240 : i32
    %mul3A_49 = arith.muli %arg0, %mul3A_48 : i32
    %add3A_50 = arith.addi %mul3A_49, %add3A_47 : i32
    "tpu.region"() ({
      %run_scoped3A = tpu.sem_alloc : memref<!tpu.dma_semaphore, #tpu.memory_space<semaphore_mem>>
      %dma_start3A = arith.constant 0 : i32
      %dma_start3A_56 = tpu.memref_slice %arg5[%add3A_50, %dma_start3A] : memref<20480x128xf32, #tpu.memory_space<hbm>> -> memref<128x128xf32, #tpu.memory_space<hbm>>
      %dma_start3A_57 = arith.constant 0 : i32
      %dma_start3A_58 = tpu.memref_slice %arg5[%add3A_50, %dma_start3A_57] : memref<20480x128xf32, #tpu.memory_space<hbm>> -> memref<128x128xf32, #tpu.memory_space<hbm>>
      tpu.enqueue_dma source(%arg7 : memref<128x128xf32, #tpu.memory_space<vmem>>) target(%dma_start3A_58 : memref<128x128xf32, #tpu.memory_space<hbm>>) target_semaphore(%run_scoped3A : memref<!tpu.dma_semaphore, #tpu.memory_space<semaphore_mem>>)
      %dma_wait3A = arith.constant 0 : i32
      %dma_wait3A_59 = tpu.memref_slice %arg5[%add3A_50, %dma_wait3A] : memref<20480x128xf32, #tpu.memory_space<hbm>> -> memref<128x128xf32, #tpu.memory_space<hbm>>
      %dma_wait3A_60 = arith.constant 0 : i32
      %dma_wait3A_61 = tpu.memref_slice %arg5[%add3A_50, %dma_wait3A_60] : memref<20480x128xf32, #tpu.memory_space<hbm>> -> memref<128x128xf32, #tpu.memory_space<hbm>>
      tpu.wait_dma2 semaphore(%run_scoped3A : memref<!tpu.dma_semaphore, #tpu.memory_space<semaphore_mem>>) src(%arg7 : memref<128x128xf32, #tpu.memory_space<vmem>>) dst(%dma_wait3A_61 : memref<128x128xf32, #tpu.memory_space<hbm>>)
      tpu.yield
    }) : () -> ()
    %add3A_51 = arith.constant 512 : i32
    %add3A_52 = arith.addi %mul3A_0, %add3A_51 : i32
    "tpu.region"() ({
      %run_scoped3A = tpu.sem_alloc : memref<!tpu.dma_semaphore, #tpu.memory_space<semaphore_mem>>
      %dma_start3A = arith.constant 0 : i32
      %dma_start3A_56 = tpu.memref_slice %arg6[%add3A_52, %dma_start3A] : memref<10240x128xf32, #tpu.memory_space<vmem_shared>> -> memref<128x128xf32, #tpu.memory_space<vmem_shared>>
      %dma_start3A_57 = arith.constant 0 : i32
      %dma_start3A_58 = tpu.memref_slice %arg6[%add3A_52, %dma_start3A_57] : memref<10240x128xf32, #tpu.memory_space<vmem_shared>> -> memref<128x128xf32, #tpu.memory_space<vmem_shared>>
      tpu.enqueue_dma source(%dma_start3A_58 : memref<128x128xf32, #tpu.memory_space<vmem_shared>>) target(%arg7 : memref<128x128xf32, #tpu.memory_space<vmem>>) target_semaphore(%run_scoped3A : memref<!tpu.dma_semaphore, #tpu.memory_space<semaphore_mem>>)
      %dma_wait3A = arith.constant 0 : i32
      %dma_wait3A_59 = tpu.memref_slice %arg6[%add3A_52, %dma_wait3A] : memref<10240x128xf32, #tpu.memory_space<vmem_shared>> -> memref<128x128xf32, #tpu.memory_space<vmem_shared>>
      %dma_wait3A_60 = arith.constant 0 : i32
      %dma_wait3A_61 = tpu.memref_slice %arg6[%add3A_52, %dma_wait3A_60] : memref<10240x128xf32, #tpu.memory_space<vmem_shared>> -> memref<128x128xf32, #tpu.memory_space<vmem_shared>>
      tpu.wait_dma2 semaphore(%run_scoped3A : memref<!tpu.dma_semaphore, #tpu.memory_space<semaphore_mem>>) src(%dma_wait3A_61 : memref<128x128xf32, #tpu.memory_space<vmem_shared>>) dst(%arg7 : memref<128x128xf32, #tpu.memory_space<vmem>>)
      tpu.yield
    }) : () -> ()
    %mul3A_53 = arith.constant 10240 : i32
    %mul3A_54 = arith.muli %arg0, %mul3A_53 : i32
    %add3A_55 = arith.addi %mul3A_54, %add3A_52 : i32
    "tpu.region"() ({
      %run_scoped3A = tpu.sem_alloc : memref<!tpu.dma_semaphore, #tpu.memory_space<semaphore_mem>>
      %dma_start3A = arith.constant 0 : i32
      %dma_start3A_56 = tpu.memref_slice %arg5[%add3A_55, %dma_start3A] : memref<20480x128xf32, #tpu.memory_space<hbm>> -> memref<128x128xf32, #tpu.memory_space<hbm>>
      %dma_start3A_57 = arith.constant 0 : i32
      %dma_start3A_58 = tpu.memref_slice %arg5[%add3A_55, %dma_start3A_57] : memref<20480x128xf32, #tpu.memory_space<hbm>> -> memref<128x128xf32, #tpu.memory_space<hbm>>
      tpu.enqueue_dma source(%arg7 : memref<128x128xf32, #tpu.memory_space<vmem>>) target(%dma_start3A_58 : memref<128x128xf32, #tpu.memory_space<hbm>>) target_semaphore(%run_scoped3A : memref<!tpu.dma_semaphore, #tpu.memory_space<semaphore_mem>>)
      %dma_wait3A = arith.constant 0 : i32
      %dma_wait3A_59 = tpu.memref_slice %arg5[%add3A_55, %dma_wait3A] : memref<20480x128xf32, #tpu.memory_space<hbm>> -> memref<128x128xf32, #tpu.memory_space<hbm>>
      %dma_wait3A_60 = arith.constant 0 : i32
      %dma_wait3A_61 = tpu.memref_slice %arg5[%add3A_55, %dma_wait3A_60] : memref<20480x128xf32, #tpu.memory_space<hbm>> -> memref<128x128xf32, #tpu.memory_space<hbm>>
      tpu.wait_dma2 semaphore(%run_scoped3A : memref<!tpu.dma_semaphore, #tpu.memory_space<semaphore_mem>>) src(%arg7 : memref<128x128xf32, #tpu.memory_space<vmem>>) dst(%dma_wait3A_61 : memref<128x128xf32, #tpu.memory_space<hbm>>)
      tpu.yield
    }) : () -> ()
    return
  }
}

#map = affine_map<(d0, d1) -> (0, 0)>
#map1 = affine_map<(d0, d1) -> (0, 0, 0, 0)>
#map2 = affine_map<(d0, d1) -> (0, 0, 0)>
module attributes {stable_mosaic.version = 14 : i64} {
  func.func @_agg(%arg0: i32, %arg1: i32, %arg2: memref<20480x128xf32, #tpu.memory_space<hbm>>, %arg3: memref<2x16x80x128xi32, #tpu.memory_space<hbm>>, %arg4: memref<16x80x128xi32, #tpu.memory_space<hbm>>, %arg5: memref<20480x128xf32, #tpu.memory_space<hbm>>, %arg6: memref<10240x128xf32, #tpu.memory_space<vmem_shared>>, %arg7: memref<128x128xf32, #tpu.memory_space<vmem>>, %arg8: memref<128x128xf32, #tpu.memory_space<vmem>>, %arg9: memref<40x128xi32, #tpu.memory_space<vmem>>, %arg10: memref<40x128xi32, #tpu.memory_space<vmem>>, %arg11: memref<!tpu.dma_semaphore, #tpu.memory_space<semaphore_mem>>, %arg12: memref<!tpu.dma_semaphore, #tpu.memory_space<semaphore_mem>>) attributes {dimension_semantics = [#tpu.dimension_semantics<core_parallel>, #tpu.dimension_semantics<subcore_parallel>], iteration_bounds = array<i64: 2, 16>, scalar_prefetch = 0 : i64, scratch_operands = 7 : i64, tpu.core_type = #tpu.core_type<sc_vector_subcore>, window_params = [{transform_indices = #map}, {transform_indices = #map1}, {transform_indices = #map2}, {transform_indices = #map}]} {
    %mul3A = arith.constant 640 : i32
    %mul3A_0 = arith.muli %arg1, %mul3A : i32
    %add3A = arith.constant 0 : i32
    %add3A_1 = arith.addi %mul3A_0, %add3A : i32
    %mul3A_2 = arith.constant 10240 : i32
    %mul3A_3 = arith.muli %arg0, %mul3A_2 : i32
    %add3A_4 = arith.addi %mul3A_3, %add3A_1 : i32
    "tpu.region"() ({
      %run_scoped3A = tpu.sem_alloc : memref<!tpu.dma_semaphore, #tpu.memory_space<semaphore_mem>>
      %dma_start3A = arith.constant 0 : i32
      %dma_start3A_56 = tpu.memref_slice %arg2[%add3A_4, %dma_start3A] : memref<20480x128xf32, #tpu.memory_space<hbm>> -> memref<128x128xf32, #tpu.memory_space<hbm>>
      %dma_start3A_57 = arith.constant 0 : i32
      %dma_start3A_58 = tpu.memref_slice %arg2[%add3A_4, %dma_start3A_57] : memref<20480x128xf32, #tpu.memory_space<hbm>> -> memref<128x128xf32, #tpu.memory_space<hbm>>
      tpu.enqueue_dma source(%dma_start3A_58 : memref<128x128xf32, #tpu.memory_space<hbm>>) target(%arg7 : memref<128x128xf32, #tpu.memory_space<vmem>>) target_semaphore(%run_scoped3A : memref<!tpu.dma_semaphore, #tpu.memory_space<semaphore_mem>>)
      %dma_wait3A = arith.constant 0 : i32
      %dma_wait3A_59 = tpu.memref_slice %arg2[%add3A_4, %dma_wait3A] : memref<20480x128xf32, #tpu.memory_space<hbm>> -> memref<128x128xf32, #tpu.memory_space<hbm>>
      %dma_wait3A_60 = arith.constant 0 : i32
      %dma_wait3A_61 = tpu.memref_slice %arg2[%add3A_4, %dma_wait3A_60] : memref<20480x128xf32, #tpu.memory_space<hbm>> -> memref<128x128xf32, #tpu.memory_space<hbm>>
      tpu.wait_dma2 semaphore(%run_scoped3A : memref<!tpu.dma_semaphore, #tpu.memory_space<semaphore_mem>>) src(%dma_wait3A_61 : memref<128x128xf32, #tpu.memory_space<hbm>>) dst(%arg7 : memref<128x128xf32, #tpu.memory_space<vmem>>)
      tpu.yield
    }) : () -> ()
    "tpu.region"() ({
      %run_scoped3A = tpu.sem_alloc : memref<!tpu.dma_semaphore, #tpu.memory_space<semaphore_mem>>
      %dma_start3A = arith.constant 0 : i32
      %dma_start3A_56 = tpu.memref_slice %arg6[%add3A_1, %dma_start3A] : memref<10240x128xf32, #tpu.memory_space<vmem_shared>> -> memref<128x128xf32, #tpu.memory_space<vmem_shared>>
      %dma_start3A_57 = arith.constant 0 : i32
      %dma_start3A_58 = tpu.memref_slice %arg6[%add3A_1, %dma_start3A_57] : memref<10240x128xf32, #tpu.memory_space<vmem_shared>> -> memref<128x128xf32, #tpu.memory_space<vmem_shared>>
      tpu.enqueue_dma source(%arg7 : memref<128x128xf32, #tpu.memory_space<vmem>>) target(%dma_start3A_58 : memref<128x128xf32, #tpu.memory_space<vmem_shared>>) target_semaphore(%run_scoped3A : memref<!tpu.dma_semaphore, #tpu.memory_space<semaphore_mem>>)
      %dma_wait3A = arith.constant 0 : i32
      %dma_wait3A_59 = tpu.memref_slice %arg6[%add3A_1, %dma_wait3A] : memref<10240x128xf32, #tpu.memory_space<vmem_shared>> -> memref<128x128xf32, #tpu.memory_space<vmem_shared>>
      %dma_wait3A_60 = arith.constant 0 : i32
      %dma_wait3A_61 = tpu.memref_slice %arg6[%add3A_1, %dma_wait3A_60] : memref<10240x128xf32, #tpu.memory_space<vmem_shared>> -> memref<128x128xf32, #tpu.memory_space<vmem_shared>>
      tpu.wait_dma2 semaphore(%run_scoped3A : memref<!tpu.dma_semaphore, #tpu.memory_space<semaphore_mem>>) src(%arg7 : memref<128x128xf32, #tpu.memory_space<vmem>>) dst(%dma_wait3A_61 : memref<128x128xf32, #tpu.memory_space<vmem_shared>>)
      tpu.yield
    }) : () -> ()
    %add3A_5 = arith.constant 128 : i32
    %add3A_6 = arith.addi %mul3A_0, %add3A_5 : i32
    %mul3A_7 = arith.constant 10240 : i32
    %mul3A_8 = arith.muli %arg0, %mul3A_7 : i32
    %add3A_9 = arith.addi %mul3A_8, %add3A_6 : i32
    "tpu.region"() ({
      %run_scoped3A = tpu.sem_alloc : memref<!tpu.dma_semaphore, #tpu.memory_space<semaphore_mem>>
      %dma_start3A = arith.constant 0 : i32
      %dma_start3A_56 = tpu.memref_slice %arg2[%add3A_9, %dma_start3A] : memref<20480x128xf32, #tpu.memory_space<hbm>> -> memref<128x128xf32, #tpu.memory_space<hbm>>
      %dma_start3A_57 = arith.constant 0 : i32
      %dma_start3A_58 = tpu.memref_slice %arg2[%add3A_9, %dma_start3A_57] : memref<20480x128xf32, #tpu.memory_space<hbm>> -> memref<128x128xf32, #tpu.memory_space<hbm>>
      tpu.enqueue_dma source(%dma_start3A_58 : memref<128x128xf32, #tpu.memory_space<hbm>>) target(%arg7 : memref<128x128xf32, #tpu.memory_space<vmem>>) target_semaphore(%run_scoped3A : memref<!tpu.dma_semaphore, #tpu.memory_space<semaphore_mem>>)
      %dma_wait3A = arith.constant 0 : i32
      %dma_wait3A_59 = tpu.memref_slice %arg2[%add3A_9, %dma_wait3A] : memref<20480x128xf32, #tpu.memory_space<hbm>> -> memref<128x128xf32, #tpu.memory_space<hbm>>
      %dma_wait3A_60 = arith.constant 0 : i32
      %dma_wait3A_61 = tpu.memref_slice %arg2[%add3A_9, %dma_wait3A_60] : memref<20480x128xf32, #tpu.memory_space<hbm>> -> memref<128x128xf32, #tpu.memory_space<hbm>>
      tpu.wait_dma2 semaphore(%run_scoped3A : memref<!tpu.dma_semaphore, #tpu.memory_space<semaphore_mem>>) src(%dma_wait3A_61 : memref<128x128xf32, #tpu.memory_space<hbm>>) dst(%arg7 : memref<128x128xf32, #tpu.memory_space<vmem>>)
      tpu.yield
    }) : () -> ()
    "tpu.region"() ({
      %run_scoped3A = tpu.sem_alloc : memref<!tpu.dma_semaphore, #tpu.memory_space<semaphore_mem>>
      %dma_start3A = arith.constant 0 : i32
      %dma_start3A_56 = tpu.memref_slice %arg6[%add3A_6, %dma_start3A] : memref<10240x128xf32, #tpu.memory_space<vmem_shared>> -> memref<128x128xf32, #tpu.memory_space<vmem_shared>>
      %dma_start3A_57 = arith.constant 0 : i32
      %dma_start3A_58 = tpu.memref_slice %arg6[%add3A_6, %dma_start3A_57] : memref<10240x128xf32, #tpu.memory_space<vmem_shared>> -> memref<128x128xf32, #tpu.memory_space<vmem_shared>>
      tpu.enqueue_dma source(%arg7 : memref<128x128xf32, #tpu.memory_space<vmem>>) target(%dma_start3A_58 : memref<128x128xf32, #tpu.memory_space<vmem_shared>>) target_semaphore(%run_scoped3A : memref<!tpu.dma_semaphore, #tpu.memory_space<semaphore_mem>>)
      %dma_wait3A = arith.constant 0 : i32
      %dma_wait3A_59 = tpu.memref_slice %arg6[%add3A_6, %dma_wait3A] : memref<10240x128xf32, #tpu.memory_space<vmem_shared>> -> memref<128x128xf32, #tpu.memory_space<vmem_shared>>
      %dma_wait3A_60 = arith.constant 0 : i32
      %dma_wait3A_61 = tpu.memref_slice %arg6[%add3A_6, %dma_wait3A_60] : memref<10240x128xf32, #tpu.memory_space<vmem_shared>> -> memref<128x128xf32, #tpu.memory_space<vmem_shared>>
      tpu.wait_dma2 semaphore(%run_scoped3A : memref<!tpu.dma_semaphore, #tpu.memory_space<semaphore_mem>>) src(%arg7 : memref<128x128xf32, #tpu.memory_space<vmem>>) dst(%dma_wait3A_61 : memref<128x128xf32, #tpu.memory_space<vmem_shared>>)
      tpu.yield
    }) : () -> ()
    %add3A_10 = arith.constant 256 : i32
    %add3A_11 = arith.addi %mul3A_0, %add3A_10 : i32
    %mul3A_12 = arith.constant 10240 : i32
    %mul3A_13 = arith.muli %arg0, %mul3A_12 : i32
    %add3A_14 = arith.addi %mul3A_13, %add3A_11 : i32
    "tpu.region"() ({
      %run_scoped3A = tpu.sem_alloc : memref<!tpu.dma_semaphore, #tpu.memory_space<semaphore_mem>>
      %dma_start3A = arith.constant 0 : i32
      %dma_start3A_56 = tpu.memref_slice %arg2[%add3A_14, %dma_start3A] : memref<20480x128xf32, #tpu.memory_space<hbm>> -> memref<128x128xf32, #tpu.memory_space<hbm>>
      %dma_start3A_57 = arith.constant 0 : i32
      %dma_start3A_58 = tpu.memref_slice %arg2[%add3A_14, %dma_start3A_57] : memref<20480x128xf32, #tpu.memory_space<hbm>> -> memref<128x128xf32, #tpu.memory_space<hbm>>
      tpu.enqueue_dma source(%dma_start3A_58 : memref<128x128xf32, #tpu.memory_space<hbm>>) target(%arg7 : memref<128x128xf32, #tpu.memory_space<vmem>>) target_semaphore(%run_scoped3A : memref<!tpu.dma_semaphore, #tpu.memory_space<semaphore_mem>>)
      %dma_wait3A = arith.constant 0 : i32
      %dma_wait3A_59 = tpu.memref_slice %arg2[%add3A_14, %dma_wait3A] : memref<20480x128xf32, #tpu.memory_space<hbm>> -> memref<128x128xf32, #tpu.memory_space<hbm>>
      %dma_wait3A_60 = arith.constant 0 : i32
      %dma_wait3A_61 = tpu.memref_slice %arg2[%add3A_14, %dma_wait3A_60] : memref<20480x128xf32, #tpu.memory_space<hbm>> -> memref<128x128xf32, #tpu.memory_space<hbm>>
      tpu.wait_dma2 semaphore(%run_scoped3A : memref<!tpu.dma_semaphore, #tpu.memory_space<semaphore_mem>>) src(%dma_wait3A_61 : memref<128x128xf32, #tpu.memory_space<hbm>>) dst(%arg7 : memref<128x128xf32, #tpu.memory_space<vmem>>)
      tpu.yield
    }) : () -> ()
    "tpu.region"() ({
      %run_scoped3A = tpu.sem_alloc : memref<!tpu.dma_semaphore, #tpu.memory_space<semaphore_mem>>
      %dma_start3A = arith.constant 0 : i32
      %dma_start3A_56 = tpu.memref_slice %arg6[%add3A_11, %dma_start3A] : memref<10240x128xf32, #tpu.memory_space<vmem_shared>> -> memref<128x128xf32, #tpu.memory_space<vmem_shared>>
      %dma_start3A_57 = arith.constant 0 : i32
      %dma_start3A_58 = tpu.memref_slice %arg6[%add3A_11, %dma_start3A_57] : memref<10240x128xf32, #tpu.memory_space<vmem_shared>> -> memref<128x128xf32, #tpu.memory_space<vmem_shared>>
      tpu.enqueue_dma source(%arg7 : memref<128x128xf32, #tpu.memory_space<vmem>>) target(%dma_start3A_58 : memref<128x128xf32, #tpu.memory_space<vmem_shared>>) target_semaphore(%run_scoped3A : memref<!tpu.dma_semaphore, #tpu.memory_space<semaphore_mem>>)
      %dma_wait3A = arith.constant 0 : i32
      %dma_wait3A_59 = tpu.memref_slice %arg6[%add3A_11, %dma_wait3A] : memref<10240x128xf32, #tpu.memory_space<vmem_shared>> -> memref<128x128xf32, #tpu.memory_space<vmem_shared>>
      %dma_wait3A_60 = arith.constant 0 : i32
      %dma_wait3A_61 = tpu.memref_slice %arg6[%add3A_11, %dma_wait3A_60] : memref<10240x128xf32, #tpu.memory_space<vmem_shared>> -> memref<128x128xf32, #tpu.memory_space<vmem_shared>>
      tpu.wait_dma2 semaphore(%run_scoped3A : memref<!tpu.dma_semaphore, #tpu.memory_space<semaphore_mem>>) src(%arg7 : memref<128x128xf32, #tpu.memory_space<vmem>>) dst(%dma_wait3A_61 : memref<128x128xf32, #tpu.memory_space<vmem_shared>>)
      tpu.yield
    }) : () -> ()
    %add3A_15 = arith.constant 384 : i32
    %add3A_16 = arith.addi %mul3A_0, %add3A_15 : i32
    %mul3A_17 = arith.constant 10240 : i32
    %mul3A_18 = arith.muli %arg0, %mul3A_17 : i32
    %add3A_19 = arith.addi %mul3A_18, %add3A_16 : i32
    "tpu.region"() ({
      %run_scoped3A = tpu.sem_alloc : memref<!tpu.dma_semaphore, #tpu.memory_space<semaphore_mem>>
      %dma_start3A = arith.constant 0 : i32
      %dma_start3A_56 = tpu.memref_slice %arg2[%add3A_19, %dma_start3A] : memref<20480x128xf32, #tpu.memory_space<hbm>> -> memref<128x128xf32, #tpu.memory_space<hbm>>
      %dma_start3A_57 = arith.constant 0 : i32
      %dma_start3A_58 = tpu.memref_slice %arg2[%add3A_19, %dma_start3A_57] : memref<20480x128xf32, #tpu.memory_space<hbm>> -> memref<128x128xf32, #tpu.memory_space<hbm>>
      tpu.enqueue_dma source(%dma_start3A_58 : memref<128x128xf32, #tpu.memory_space<hbm>>) target(%arg7 : memref<128x128xf32, #tpu.memory_space<vmem>>) target_semaphore(%run_scoped3A : memref<!tpu.dma_semaphore, #tpu.memory_space<semaphore_mem>>)
      %dma_wait3A = arith.constant 0 : i32
      %dma_wait3A_59 = tpu.memref_slice %arg2[%add3A_19, %dma_wait3A] : memref<20480x128xf32, #tpu.memory_space<hbm>> -> memref<128x128xf32, #tpu.memory_space<hbm>>
      %dma_wait3A_60 = arith.constant 0 : i32
      %dma_wait3A_61 = tpu.memref_slice %arg2[%add3A_19, %dma_wait3A_60] : memref<20480x128xf32, #tpu.memory_space<hbm>> -> memref<128x128xf32, #tpu.memory_space<hbm>>
      tpu.wait_dma2 semaphore(%run_scoped3A : memref<!tpu.dma_semaphore, #tpu.memory_space<semaphore_mem>>) src(%dma_wait3A_61 : memref<128x128xf32, #tpu.memory_space<hbm>>) dst(%arg7 : memref<128x128xf32, #tpu.memory_space<vmem>>)
      tpu.yield
    }) : () -> ()
    "tpu.region"() ({
      %run_scoped3A = tpu.sem_alloc : memref<!tpu.dma_semaphore, #tpu.memory_space<semaphore_mem>>
      %dma_start3A = arith.constant 0 : i32
      %dma_start3A_56 = tpu.memref_slice %arg6[%add3A_16, %dma_start3A] : memref<10240x128xf32, #tpu.memory_space<vmem_shared>> -> memref<128x128xf32, #tpu.memory_space<vmem_shared>>
      %dma_start3A_57 = arith.constant 0 : i32
      %dma_start3A_58 = tpu.memref_slice %arg6[%add3A_16, %dma_start3A_57] : memref<10240x128xf32, #tpu.memory_space<vmem_shared>> -> memref<128x128xf32, #tpu.memory_space<vmem_shared>>
      tpu.enqueue_dma source(%arg7 : memref<128x128xf32, #tpu.memory_space<vmem>>) target(%dma_start3A_58 : memref<128x128xf32, #tpu.memory_space<vmem_shared>>) target_semaphore(%run_scoped3A : memref<!tpu.dma_semaphore, #tpu.memory_space<semaphore_mem>>)
      %dma_wait3A = arith.constant 0 : i32
      %dma_wait3A_59 = tpu.memref_slice %arg6[%add3A_16, %dma_wait3A] : memref<10240x128xf32, #tpu.memory_space<vmem_shared>> -> memref<128x128xf32, #tpu.memory_space<vmem_shared>>
      %dma_wait3A_60 = arith.constant 0 : i32
      %dma_wait3A_61 = tpu.memref_slice %arg6[%add3A_16, %dma_wait3A_60] : memref<10240x128xf32, #tpu.memory_space<vmem_shared>> -> memref<128x128xf32, #tpu.memory_space<vmem_shared>>
      tpu.wait_dma2 semaphore(%run_scoped3A : memref<!tpu.dma_semaphore, #tpu.memory_space<semaphore_mem>>) src(%arg7 : memref<128x128xf32, #tpu.memory_space<vmem>>) dst(%dma_wait3A_61 : memref<128x128xf32, #tpu.memory_space<vmem_shared>>)
      tpu.yield
    }) : () -> ()
    %add3A_20 = arith.constant 512 : i32
    %add3A_21 = arith.addi %mul3A_0, %add3A_20 : i32
    %mul3A_22 = arith.constant 10240 : i32
    %mul3A_23 = arith.muli %arg0, %mul3A_22 : i32
    %add3A_24 = arith.addi %mul3A_23, %add3A_21 : i32
    "tpu.region"() ({
      %run_scoped3A = tpu.sem_alloc : memref<!tpu.dma_semaphore, #tpu.memory_space<semaphore_mem>>
      %dma_start3A = arith.constant 0 : i32
      %dma_start3A_56 = tpu.memref_slice %arg2[%add3A_24, %dma_start3A] : memref<20480x128xf32, #tpu.memory_space<hbm>> -> memref<128x128xf32, #tpu.memory_space<hbm>>
      %dma_start3A_57 = arith.constant 0 : i32
      %dma_start3A_58 = tpu.memref_slice %arg2[%add3A_24, %dma_start3A_57] : memref<20480x128xf32, #tpu.memory_space<hbm>> -> memref<128x128xf32, #tpu.memory_space<hbm>>
      tpu.enqueue_dma source(%dma_start3A_58 : memref<128x128xf32, #tpu.memory_space<hbm>>) target(%arg7 : memref<128x128xf32, #tpu.memory_space<vmem>>) target_semaphore(%run_scoped3A : memref<!tpu.dma_semaphore, #tpu.memory_space<semaphore_mem>>)
      %dma_wait3A = arith.constant 0 : i32
      %dma_wait3A_59 = tpu.memref_slice %arg2[%add3A_24, %dma_wait3A] : memref<20480x128xf32, #tpu.memory_space<hbm>> -> memref<128x128xf32, #tpu.memory_space<hbm>>
      %dma_wait3A_60 = arith.constant 0 : i32
      %dma_wait3A_61 = tpu.memref_slice %arg2[%add3A_24, %dma_wait3A_60] : memref<20480x128xf32, #tpu.memory_space<hbm>> -> memref<128x128xf32, #tpu.memory_space<hbm>>
      tpu.wait_dma2 semaphore(%run_scoped3A : memref<!tpu.dma_semaphore, #tpu.memory_space<semaphore_mem>>) src(%dma_wait3A_61 : memref<128x128xf32, #tpu.memory_space<hbm>>) dst(%arg7 : memref<128x128xf32, #tpu.memory_space<vmem>>)
      tpu.yield
    }) : () -> ()
    "tpu.region"() ({
      %run_scoped3A = tpu.sem_alloc : memref<!tpu.dma_semaphore, #tpu.memory_space<semaphore_mem>>
      %dma_start3A = arith.constant 0 : i32
      %dma_start3A_56 = tpu.memref_slice %arg6[%add3A_21, %dma_start3A] : memref<10240x128xf32, #tpu.memory_space<vmem_shared>> -> memref<128x128xf32, #tpu.memory_space<vmem_shared>>
      %dma_start3A_57 = arith.constant 0 : i32
      %dma_start3A_58 = tpu.memref_slice %arg6[%add3A_21, %dma_start3A_57] : memref<10240x128xf32, #tpu.memory_space<vmem_shared>> -> memref<128x128xf32, #tpu.memory_space<vmem_shared>>
      tpu.enqueue_dma source(%arg7 : memref<128x128xf32, #tpu.memory_space<vmem>>) target(%dma_start3A_58 : memref<128x128xf32, #tpu.memory_space<vmem_shared>>) target_semaphore(%run_scoped3A : memref<!tpu.dma_semaphore, #tpu.memory_space<semaphore_mem>>)
      %dma_wait3A = arith.constant 0 : i32
      %dma_wait3A_59 = tpu.memref_slice %arg6[%add3A_21, %dma_wait3A] : memref<10240x128xf32, #tpu.memory_space<vmem_shared>> -> memref<128x128xf32, #tpu.memory_space<vmem_shared>>
      %dma_wait3A_60 = arith.constant 0 : i32
      %dma_wait3A_61 = tpu.memref_slice %arg6[%add3A_21, %dma_wait3A_60] : memref<10240x128xf32, #tpu.memory_space<vmem_shared>> -> memref<128x128xf32, #tpu.memory_space<vmem_shared>>
      tpu.wait_dma2 semaphore(%run_scoped3A : memref<!tpu.dma_semaphore, #tpu.memory_space<semaphore_mem>>) src(%arg7 : memref<128x128xf32, #tpu.memory_space<vmem>>) dst(%dma_wait3A_61 : memref<128x128xf32, #tpu.memory_space<vmem_shared>>)
      tpu.yield
    }) : () -> ()
    %barrier3A = arith.constant 0 : index
    tpu.barrier barrier_id(%barrier3A)
    %scan3A = arith.constant 0 : i32
    %scan3A_25 = arith.constant 0 : i32
    %scan3A_26 = arith.constant 2 : i32
    %scan3A_27 = arith.addi %scan3A_25, %scan3A_26 : i32
    %scan3A_28 = arith.constant 1 : i32
    scf.for %scan3A_56 = %scan3A_25 to %scan3A_27 step %scan3A_28  : i32 {
      %mul3A_57 = arith.constant 40 : i32
      %mul3A_58 = arith.muli %scan3A_56, %mul3A_57 : i32
      "tpu.region"() ({
        %run_scoped3A = tpu.sem_alloc : memref<!tpu.dma_semaphore, #tpu.memory_space<semaphore_mem>>
        %dma_start3A_73 = arith.constant 0 : i32
        %dma_start3A_74 = tpu.memref_slice %arg3[%arg0, %arg1, %mul3A_58, %dma_start3A_73] : memref<2x16x80x128xi32, #tpu.memory_space<hbm>> -> memref<1x1x40x128xi32, #tpu.memory_space<hbm>>
        %dma_start3A_75 = tpu.memref_squeeze %dma_start3A_74 : memref<1x1x40x128xi32, #tpu.memory_space<hbm>> -> memref<40x128xi32, #tpu.memory_space<hbm>>
        %dma_start3A_76 = arith.constant 0 : i32
        %dma_start3A_77 = tpu.memref_slice %arg3[%arg0, %arg1, %mul3A_58, %dma_start3A_76] : memref<2x16x80x128xi32, #tpu.memory_space<hbm>> -> memref<1x1x40x128xi32, #tpu.memory_space<hbm>>
        %dma_start3A_78 = tpu.memref_squeeze %dma_start3A_77 : memref<1x1x40x128xi32, #tpu.memory_space<hbm>> -> memref<40x128xi32, #tpu.memory_space<hbm>>
        tpu.enqueue_dma source(%dma_start3A_78 : memref<40x128xi32, #tpu.memory_space<hbm>>) target(%arg9 : memref<40x128xi32, #tpu.memory_space<vmem>>) target_semaphore(%run_scoped3A : memref<!tpu.dma_semaphore, #tpu.memory_space<semaphore_mem>>)
        %dma_wait3A = arith.constant 0 : i32
        %dma_wait3A_79 = tpu.memref_slice %arg3[%arg0, %arg1, %mul3A_58, %dma_wait3A] : memref<2x16x80x128xi32, #tpu.memory_space<hbm>> -> memref<1x1x40x128xi32, #tpu.memory_space<hbm>>
        %dma_wait3A_80 = tpu.memref_squeeze %dma_wait3A_79 : memref<1x1x40x128xi32, #tpu.memory_space<hbm>> -> memref<40x128xi32, #tpu.memory_space<hbm>>
        %dma_wait3A_81 = arith.constant 0 : i32
        %dma_wait3A_82 = tpu.memref_slice %arg3[%arg0, %arg1, %mul3A_58, %dma_wait3A_81] : memref<2x16x80x128xi32, #tpu.memory_space<hbm>> -> memref<1x1x40x128xi32, #tpu.memory_space<hbm>>
        %dma_wait3A_83 = tpu.memref_squeeze %dma_wait3A_82 : memref<1x1x40x128xi32, #tpu.memory_space<hbm>> -> memref<40x128xi32, #tpu.memory_space<hbm>>
        tpu.wait_dma2 semaphore(%run_scoped3A : memref<!tpu.dma_semaphore, #tpu.memory_space<semaphore_mem>>) src(%dma_wait3A_83 : memref<40x128xi32, #tpu.memory_space<hbm>>) dst(%arg9 : memref<40x128xi32, #tpu.memory_space<vmem>>)
        tpu.yield
      }) : () -> ()
      %mul3A_59 = arith.constant 40 : i32
      %mul3A_60 = arith.muli %scan3A_56, %mul3A_59 : i32
      "tpu.region"() ({
        %run_scoped3A = tpu.sem_alloc : memref<!tpu.dma_semaphore, #tpu.memory_space<semaphore_mem>>
        %dma_start3A_73 = arith.constant 0 : i32
        %dma_start3A_74 = tpu.memref_slice %arg4[%arg1, %mul3A_60, %dma_start3A_73] : memref<16x80x128xi32, #tpu.memory_space<hbm>> -> memref<1x40x128xi32, #tpu.memory_space<hbm>>
        %dma_start3A_75 = tpu.memref_squeeze %dma_start3A_74 : memref<1x40x128xi32, #tpu.memory_space<hbm>> -> memref<40x128xi32, #tpu.memory_space<hbm>>
        %dma_start3A_76 = arith.constant 0 : i32
        %dma_start3A_77 = tpu.memref_slice %arg4[%arg1, %mul3A_60, %dma_start3A_76] : memref<16x80x128xi32, #tpu.memory_space<hbm>> -> memref<1x40x128xi32, #tpu.memory_space<hbm>>
        %dma_start3A_78 = tpu.memref_squeeze %dma_start3A_77 : memref<1x40x128xi32, #tpu.memory_space<hbm>> -> memref<40x128xi32, #tpu.memory_space<hbm>>
        tpu.enqueue_dma source(%dma_start3A_78 : memref<40x128xi32, #tpu.memory_space<hbm>>) target(%arg10 : memref<40x128xi32, #tpu.memory_space<vmem>>) target_semaphore(%run_scoped3A : memref<!tpu.dma_semaphore, #tpu.memory_space<semaphore_mem>>)
        %dma_wait3A = arith.constant 0 : i32
        %dma_wait3A_79 = tpu.memref_slice %arg4[%arg1, %mul3A_60, %dma_wait3A] : memref<16x80x128xi32, #tpu.memory_space<hbm>> -> memref<1x40x128xi32, #tpu.memory_space<hbm>>
        %dma_wait3A_80 = tpu.memref_squeeze %dma_wait3A_79 : memref<1x40x128xi32, #tpu.memory_space<hbm>> -> memref<40x128xi32, #tpu.memory_space<hbm>>
        %dma_wait3A_81 = arith.constant 0 : i32
        %dma_wait3A_82 = tpu.memref_slice %arg4[%arg1, %mul3A_60, %dma_wait3A_81] : memref<16x80x128xi32, #tpu.memory_space<hbm>> -> memref<1x40x128xi32, #tpu.memory_space<hbm>>
        %dma_wait3A_83 = tpu.memref_squeeze %dma_wait3A_82 : memref<1x40x128xi32, #tpu.memory_space<hbm>> -> memref<40x128xi32, #tpu.memory_space<hbm>>
        tpu.wait_dma2 semaphore(%run_scoped3A : memref<!tpu.dma_semaphore, #tpu.memory_space<semaphore_mem>>) src(%dma_wait3A_83 : memref<40x128xi32, #tpu.memory_space<hbm>>) dst(%arg10 : memref<40x128xi32, #tpu.memory_space<vmem>>)
        tpu.yield
      }) : () -> ()
      %dma_start3A = arith.constant 0 : i32
      %dma_start3A_61 = arith.constant 0 : i32
      %dma_start3A_62 = tpu.memref_slice %arg9[%dma_start3A, %dma_start3A_61] : memref<40x128xi32, #tpu.memory_space<vmem>> -> memref<1x128xi32, #tpu.memory_space<vmem>>
      %dma_start3A_63 = tpu.memref_squeeze %dma_start3A_62 : memref<1x128xi32, #tpu.memory_space<vmem>> -> memref<128xi32, #tpu.memory_space<vmem>>
      %dma_start3A_64 = arith.constant 0 : i32
      %dma_start3A_65 = arith.constant 0 : i32
      %dma_start3A_66 = tpu.memref_slice %arg2[%dma_start3A_64, %dma_start3A_65] : memref<20480x128xf32, #tpu.memory_space<hbm>> -> memref<20480x128xf32, #tpu.memory_space<hbm>>
      tpu.enqueue_indirect_dma source(%dma_start3A_66 : memref<20480x128xf32, #tpu.memory_space<hbm>>) target(%arg7 : memref<128x128xf32, #tpu.memory_space<vmem>>) offsets(%dma_start3A_63 : memref<128xi32, #tpu.memory_space<vmem>>) semaphore(%arg11 : memref<!tpu.dma_semaphore, #tpu.memory_space<semaphore_mem>>)
      %scan3A_67 = arith.constant 0 : i32
      %scan3A_68 = arith.constant 0 : i32
      %scan3A_69 = arith.constant 20 : i32
      %scan3A_70 = arith.addi %scan3A_68, %scan3A_69 : i32
      %scan3A_71 = arith.constant 1 : i32
      scf.for %scan3A_73 = %scan3A_68 to %scan3A_70 step %scan3A_71  : i32 {
        %mul3A_74 = arith.constant 2 : i32
        %mul3A_75 = arith.muli %scan3A_73, %mul3A_74 : i32
        %add3A_76 = arith.constant 1 : i32
        %add3A_77 = arith.addi %mul3A_75, %add3A_76 : i32
        %dma_start3A_78 = arith.constant 0 : i32
        %dma_start3A_79 = tpu.memref_slice %arg9[%add3A_77, %dma_start3A_78] : memref<40x128xi32, #tpu.memory_space<vmem>> -> memref<1x128xi32, #tpu.memory_space<vmem>>
        %dma_start3A_80 = tpu.memref_squeeze %dma_start3A_79 : memref<1x128xi32, #tpu.memory_space<vmem>> -> memref<128xi32, #tpu.memory_space<vmem>>
        %dma_start3A_81 = arith.constant 0 : i32
        %dma_start3A_82 = arith.constant 0 : i32
        %dma_start3A_83 = tpu.memref_slice %arg2[%dma_start3A_81, %dma_start3A_82] : memref<20480x128xf32, #tpu.memory_space<hbm>> -> memref<20480x128xf32, #tpu.memory_space<hbm>>
        tpu.enqueue_indirect_dma source(%dma_start3A_83 : memref<20480x128xf32, #tpu.memory_space<hbm>>) target(%arg8 : memref<128x128xf32, #tpu.memory_space<vmem>>) offsets(%dma_start3A_80 : memref<128xi32, #tpu.memory_space<vmem>>) semaphore(%arg12 : memref<!tpu.dma_semaphore, #tpu.memory_space<semaphore_mem>>)
        %dma_wait3A = arith.constant 0 : i32
        %dma_wait3A_84 = arith.constant 0 : i32
        %dma_wait3A_85 = tpu.memref_slice %arg9[%dma_wait3A, %dma_wait3A_84] : memref<40x128xi32, #tpu.memory_space<vmem>> -> memref<1x128xi32, #tpu.memory_space<vmem>>
        %dma_wait3A_86 = tpu.memref_squeeze %dma_wait3A_85 : memref<1x128xi32, #tpu.memory_space<vmem>> -> memref<128xi32, #tpu.memory_space<vmem>>
        %dma_wait3A_87 = arith.constant 0 : i32
        %dma_wait3A_88 = arith.constant 0 : i32
        %dma_wait3A_89 = tpu.memref_slice %arg2[%dma_wait3A_87, %dma_wait3A_88] : memref<20480x128xf32, #tpu.memory_space<hbm>> -> memref<20480x128xf32, #tpu.memory_space<hbm>>
        tpu.wait_indirect_dma semaphore(%arg11 : memref<!tpu.dma_semaphore, #tpu.memory_space<semaphore_mem>>) src(%dma_wait3A_89 : memref<20480x128xf32, #tpu.memory_space<hbm>>) dst(%arg7 : memref<128x128xf32, #tpu.memory_space<vmem>>)
        "tpu.region"() ({
          %run_scoped3A = tpu.sem_alloc : memref<!tpu.dma_semaphore, #tpu.memory_space<semaphore_mem>>
          %dma_start3A_101 = arith.constant 0 : i32
          %dma_start3A_102 = tpu.memref_slice %arg10[%mul3A_75, %dma_start3A_101] : memref<40x128xi32, #tpu.memory_space<vmem>> -> memref<1x128xi32, #tpu.memory_space<vmem>>
          %dma_start3A_103 = tpu.memref_squeeze %dma_start3A_102 : memref<1x128xi32, #tpu.memory_space<vmem>> -> memref<128xi32, #tpu.memory_space<vmem>>
          %dma_start3A_104 = arith.constant 0 : i32
          %dma_start3A_105 = arith.constant 0 : i32
          %dma_start3A_106 = tpu.memref_slice %arg6[%dma_start3A_104, %dma_start3A_105] : memref<10240x128xf32, #tpu.memory_space<vmem_shared>> -> memref<10240x128xf32, #tpu.memory_space<vmem_shared>>
          tpu.enqueue_indirect_dma source(%arg7 : memref<128x128xf32, #tpu.memory_space<vmem>>) target(%dma_start3A_106 : memref<10240x128xf32, #tpu.memory_space<vmem_shared>>) offsets(%dma_start3A_103 : memref<128xi32, #tpu.memory_space<vmem>>) semaphore(%run_scoped3A : memref<!tpu.dma_semaphore, #tpu.memory_space<semaphore_mem>>) {add = true}
          %dma_wait3A_107 = arith.constant 0 : i32
          %dma_wait3A_108 = tpu.memref_slice %arg10[%mul3A_75, %dma_wait3A_107] : memref<40x128xi32, #tpu.memory_space<vmem>> -> memref<1x128xi32, #tpu.memory_space<vmem>>
          %dma_wait3A_109 = tpu.memref_squeeze %dma_wait3A_108 : memref<1x128xi32, #tpu.memory_space<vmem>> -> memref<128xi32, #tpu.memory_space<vmem>>
          %dma_wait3A_110 = arith.constant 0 : i32
          %dma_wait3A_111 = arith.constant 0 : i32
          %dma_wait3A_112 = tpu.memref_slice %arg6[%dma_wait3A_110, %dma_wait3A_111] : memref<10240x128xf32, #tpu.memory_space<vmem_shared>> -> memref<10240x128xf32, #tpu.memory_space<vmem_shared>>
          tpu.wait_indirect_dma semaphore(%run_scoped3A : memref<!tpu.dma_semaphore, #tpu.memory_space<semaphore_mem>>) src(%arg7 : memref<128x128xf32, #tpu.memory_space<vmem>>) dst(%dma_wait3A_112 : memref<10240x128xf32, #tpu.memory_space<vmem_shared>>)
          tpu.yield
        }) : () -> ()
        %lt3A = arith.constant 19 : i32
        %lt3A_90 = arith.cmpi slt, %scan3A_73, %lt3A : i32
        %convert_element_type3A = arith.extui %lt3A_90 : i1 to i32
        %cond3A = arith.constant 0 : i32
        %cond3A_91 = arith.cmpi ne, %convert_element_type3A, %cond3A : i32
        scf.if %cond3A_91 {
          %add3A_101 = arith.constant 2 : i32
          %add3A_102 = arith.addi %mul3A_75, %add3A_101 : i32
          %dma_start3A_103 = arith.constant 0 : i32
          %dma_start3A_104 = tpu.memref_slice %arg9[%add3A_102, %dma_start3A_103] : memref<40x128xi32, #tpu.memory_space<vmem>> -> memref<1x128xi32, #tpu.memory_space<vmem>>
          %dma_start3A_105 = tpu.memref_squeeze %dma_start3A_104 : memref<1x128xi32, #tpu.memory_space<vmem>> -> memref<128xi32, #tpu.memory_space<vmem>>
          %dma_start3A_106 = arith.constant 0 : i32
          %dma_start3A_107 = arith.constant 0 : i32
          %dma_start3A_108 = tpu.memref_slice %arg2[%dma_start3A_106, %dma_start3A_107] : memref<20480x128xf32, #tpu.memory_space<hbm>> -> memref<20480x128xf32, #tpu.memory_space<hbm>>
          tpu.enqueue_indirect_dma source(%dma_start3A_108 : memref<20480x128xf32, #tpu.memory_space<hbm>>) target(%arg7 : memref<128x128xf32, #tpu.memory_space<vmem>>) offsets(%dma_start3A_105 : memref<128xi32, #tpu.memory_space<vmem>>) semaphore(%arg11 : memref<!tpu.dma_semaphore, #tpu.memory_space<semaphore_mem>>)
        } else {
        }
        %dma_wait3A_92 = arith.constant 0 : i32
        %dma_wait3A_93 = arith.constant 0 : i32
        %dma_wait3A_94 = tpu.memref_slice %arg9[%dma_wait3A_92, %dma_wait3A_93] : memref<40x128xi32, #tpu.memory_space<vmem>> -> memref<1x128xi32, #tpu.memory_space<vmem>>
        %dma_wait3A_95 = tpu.memref_squeeze %dma_wait3A_94 : memref<1x128xi32, #tpu.memory_space<vmem>> -> memref<128xi32, #tpu.memory_space<vmem>>
        %dma_wait3A_96 = arith.constant 0 : i32
        %dma_wait3A_97 = arith.constant 0 : i32
        %dma_wait3A_98 = tpu.memref_slice %arg2[%dma_wait3A_96, %dma_wait3A_97] : memref<20480x128xf32, #tpu.memory_space<hbm>> -> memref<20480x128xf32, #tpu.memory_space<hbm>>
        tpu.wait_indirect_dma semaphore(%arg12 : memref<!tpu.dma_semaphore, #tpu.memory_space<semaphore_mem>>) src(%dma_wait3A_98 : memref<20480x128xf32, #tpu.memory_space<hbm>>) dst(%arg8 : memref<128x128xf32, #tpu.memory_space<vmem>>)
        %add3A_99 = arith.constant 1 : i32
        %add3A_100 = arith.addi %mul3A_75, %add3A_99 : i32
        "tpu.region"() ({
          %run_scoped3A = tpu.sem_alloc : memref<!tpu.dma_semaphore, #tpu.memory_space<semaphore_mem>>
          %dma_start3A_101 = arith.constant 0 : i32
          %dma_start3A_102 = tpu.memref_slice %arg10[%add3A_100, %dma_start3A_101] : memref<40x128xi32, #tpu.memory_space<vmem>> -> memref<1x128xi32, #tpu.memory_space<vmem>>
          %dma_start3A_103 = tpu.memref_squeeze %dma_start3A_102 : memref<1x128xi32, #tpu.memory_space<vmem>> -> memref<128xi32, #tpu.memory_space<vmem>>
          %dma_start3A_104 = arith.constant 0 : i32
          %dma_start3A_105 = arith.constant 0 : i32
          %dma_start3A_106 = tpu.memref_slice %arg6[%dma_start3A_104, %dma_start3A_105] : memref<10240x128xf32, #tpu.memory_space<vmem_shared>> -> memref<10240x128xf32, #tpu.memory_space<vmem_shared>>
          tpu.enqueue_indirect_dma source(%arg8 : memref<128x128xf32, #tpu.memory_space<vmem>>) target(%dma_start3A_106 : memref<10240x128xf32, #tpu.memory_space<vmem_shared>>) offsets(%dma_start3A_103 : memref<128xi32, #tpu.memory_space<vmem>>) semaphore(%run_scoped3A : memref<!tpu.dma_semaphore, #tpu.memory_space<semaphore_mem>>) {add = true}
          %dma_wait3A_107 = arith.constant 0 : i32
          %dma_wait3A_108 = tpu.memref_slice %arg10[%add3A_100, %dma_wait3A_107] : memref<40x128xi32, #tpu.memory_space<vmem>> -> memref<1x128xi32, #tpu.memory_space<vmem>>
          %dma_wait3A_109 = tpu.memref_squeeze %dma_wait3A_108 : memref<1x128xi32, #tpu.memory_space<vmem>> -> memref<128xi32, #tpu.memory_space<vmem>>
          %dma_wait3A_110 = arith.constant 0 : i32
          %dma_wait3A_111 = arith.constant 0 : i32
          %dma_wait3A_112 = tpu.memref_slice %arg6[%dma_wait3A_110, %dma_wait3A_111] : memref<10240x128xf32, #tpu.memory_space<vmem_shared>> -> memref<10240x128xf32, #tpu.memory_space<vmem_shared>>
          tpu.wait_indirect_dma semaphore(%run_scoped3A : memref<!tpu.dma_semaphore, #tpu.memory_space<semaphore_mem>>) src(%arg8 : memref<128x128xf32, #tpu.memory_space<vmem>>) dst(%dma_wait3A_112 : memref<10240x128xf32, #tpu.memory_space<vmem_shared>>)
          tpu.yield
        }) : () -> ()
      }
      %scan3A_72 = arith.constant 20 : i32
    }
    %scan3A_29 = arith.constant 2 : i32
    %barrier3A_30 = arith.constant 0 : index
    tpu.barrier barrier_id(%barrier3A_30)
    %add3A_31 = arith.constant 0 : i32
    %add3A_32 = arith.addi %mul3A_0, %add3A_31 : i32
    "tpu.region"() ({
      %run_scoped3A = tpu.sem_alloc : memref<!tpu.dma_semaphore, #tpu.memory_space<semaphore_mem>>
      %dma_start3A = arith.constant 0 : i32
      %dma_start3A_56 = tpu.memref_slice %arg6[%add3A_32, %dma_start3A] : memref<10240x128xf32, #tpu.memory_space<vmem_shared>> -> memref<128x128xf32, #tpu.memory_space<vmem_shared>>
      %dma_start3A_57 = arith.constant 0 : i32
      %dma_start3A_58 = tpu.memref_slice %arg6[%add3A_32, %dma_start3A_57] : memref<10240x128xf32, #tpu.memory_space<vmem_shared>> -> memref<128x128xf32, #tpu.memory_space<vmem_shared>>
      tpu.enqueue_dma source(%dma_start3A_58 : memref<128x128xf32, #tpu.memory_space<vmem_shared>>) target(%arg7 : memref<128x128xf32, #tpu.memory_space<vmem>>) target_semaphore(%run_scoped3A : memref<!tpu.dma_semaphore, #tpu.memory_space<semaphore_mem>>)
      %dma_wait3A = arith.constant 0 : i32
      %dma_wait3A_59 = tpu.memref_slice %arg6[%add3A_32, %dma_wait3A] : memref<10240x128xf32, #tpu.memory_space<vmem_shared>> -> memref<128x128xf32, #tpu.memory_space<vmem_shared>>
      %dma_wait3A_60 = arith.constant 0 : i32
      %dma_wait3A_61 = tpu.memref_slice %arg6[%add3A_32, %dma_wait3A_60] : memref<10240x128xf32, #tpu.memory_space<vmem_shared>> -> memref<128x128xf32, #tpu.memory_space<vmem_shared>>
      tpu.wait_dma2 semaphore(%run_scoped3A : memref<!tpu.dma_semaphore, #tpu.memory_space<semaphore_mem>>) src(%dma_wait3A_61 : memref<128x128xf32, #tpu.memory_space<vmem_shared>>) dst(%arg7 : memref<128x128xf32, #tpu.memory_space<vmem>>)
      tpu.yield
    }) : () -> ()
    %mul3A_33 = arith.constant 10240 : i32
    %mul3A_34 = arith.muli %arg0, %mul3A_33 : i32
    %add3A_35 = arith.addi %mul3A_34, %add3A_32 : i32
    "tpu.region"() ({
      %run_scoped3A = tpu.sem_alloc : memref<!tpu.dma_semaphore, #tpu.memory_space<semaphore_mem>>
      %dma_start3A = arith.constant 0 : i32
      %dma_start3A_56 = tpu.memref_slice %arg5[%add3A_35, %dma_start3A] : memref<20480x128xf32, #tpu.memory_space<hbm>> -> memref<128x128xf32, #tpu.memory_space<hbm>>
      %dma_start3A_57 = arith.constant 0 : i32
      %dma_start3A_58 = tpu.memref_slice %arg5[%add3A_35, %dma_start3A_57] : memref<20480x128xf32, #tpu.memory_space<hbm>> -> memref<128x128xf32, #tpu.memory_space<hbm>>
      tpu.enqueue_dma source(%arg7 : memref<128x128xf32, #tpu.memory_space<vmem>>) target(%dma_start3A_58 : memref<128x128xf32, #tpu.memory_space<hbm>>) target_semaphore(%run_scoped3A : memref<!tpu.dma_semaphore, #tpu.memory_space<semaphore_mem>>)
      %dma_wait3A = arith.constant 0 : i32
      %dma_wait3A_59 = tpu.memref_slice %arg5[%add3A_35, %dma_wait3A] : memref<20480x128xf32, #tpu.memory_space<hbm>> -> memref<128x128xf32, #tpu.memory_space<hbm>>
      %dma_wait3A_60 = arith.constant 0 : i32
      %dma_wait3A_61 = tpu.memref_slice %arg5[%add3A_35, %dma_wait3A_60] : memref<20480x128xf32, #tpu.memory_space<hbm>> -> memref<128x128xf32, #tpu.memory_space<hbm>>
      tpu.wait_dma2 semaphore(%run_scoped3A : memref<!tpu.dma_semaphore, #tpu.memory_space<semaphore_mem>>) src(%arg7 : memref<128x128xf32, #tpu.memory_space<vmem>>) dst(%dma_wait3A_61 : memref<128x128xf32, #tpu.memory_space<hbm>>)
      tpu.yield
    }) : () -> ()
    %add3A_36 = arith.constant 128 : i32
    %add3A_37 = arith.addi %mul3A_0, %add3A_36 : i32
    "tpu.region"() ({
      %run_scoped3A = tpu.sem_alloc : memref<!tpu.dma_semaphore, #tpu.memory_space<semaphore_mem>>
      %dma_start3A = arith.constant 0 : i32
      %dma_start3A_56 = tpu.memref_slice %arg6[%add3A_37, %dma_start3A] : memref<10240x128xf32, #tpu.memory_space<vmem_shared>> -> memref<128x128xf32, #tpu.memory_space<vmem_shared>>
      %dma_start3A_57 = arith.constant 0 : i32
      %dma_start3A_58 = tpu.memref_slice %arg6[%add3A_37, %dma_start3A_57] : memref<10240x128xf32, #tpu.memory_space<vmem_shared>> -> memref<128x128xf32, #tpu.memory_space<vmem_shared>>
      tpu.enqueue_dma source(%dma_start3A_58 : memref<128x128xf32, #tpu.memory_space<vmem_shared>>) target(%arg7 : memref<128x128xf32, #tpu.memory_space<vmem>>) target_semaphore(%run_scoped3A : memref<!tpu.dma_semaphore, #tpu.memory_space<semaphore_mem>>)
      %dma_wait3A = arith.constant 0 : i32
      %dma_wait3A_59 = tpu.memref_slice %arg6[%add3A_37, %dma_wait3A] : memref<10240x128xf32, #tpu.memory_space<vmem_shared>> -> memref<128x128xf32, #tpu.memory_space<vmem_shared>>
      %dma_wait3A_60 = arith.constant 0 : i32
      %dma_wait3A_61 = tpu.memref_slice %arg6[%add3A_37, %dma_wait3A_60] : memref<10240x128xf32, #tpu.memory_space<vmem_shared>> -> memref<128x128xf32, #tpu.memory_space<vmem_shared>>
      tpu.wait_dma2 semaphore(%run_scoped3A : memref<!tpu.dma_semaphore, #tpu.memory_space<semaphore_mem>>) src(%dma_wait3A_61 : memref<128x128xf32, #tpu.memory_space<vmem_shared>>) dst(%arg7 : memref<128x128xf32, #tpu.memory_space<vmem>>)
      tpu.yield
    }) : () -> ()
    %mul3A_38 = arith.constant 10240 : i32
    %mul3A_39 = arith.muli %arg0, %mul3A_38 : i32
    %add3A_40 = arith.addi %mul3A_39, %add3A_37 : i32
    "tpu.region"() ({
      %run_scoped3A = tpu.sem_alloc : memref<!tpu.dma_semaphore, #tpu.memory_space<semaphore_mem>>
      %dma_start3A = arith.constant 0 : i32
      %dma_start3A_56 = tpu.memref_slice %arg5[%add3A_40, %dma_start3A] : memref<20480x128xf32, #tpu.memory_space<hbm>> -> memref<128x128xf32, #tpu.memory_space<hbm>>
      %dma_start3A_57 = arith.constant 0 : i32
      %dma_start3A_58 = tpu.memref_slice %arg5[%add3A_40, %dma_start3A_57] : memref<20480x128xf32, #tpu.memory_space<hbm>> -> memref<128x128xf32, #tpu.memory_space<hbm>>
      tpu.enqueue_dma source(%arg7 : memref<128x128xf32, #tpu.memory_space<vmem>>) target(%dma_start3A_58 : memref<128x128xf32, #tpu.memory_space<hbm>>) target_semaphore(%run_scoped3A : memref<!tpu.dma_semaphore, #tpu.memory_space<semaphore_mem>>)
      %dma_wait3A = arith.constant 0 : i32
      %dma_wait3A_59 = tpu.memref_slice %arg5[%add3A_40, %dma_wait3A] : memref<20480x128xf32, #tpu.memory_space<hbm>> -> memref<128x128xf32, #tpu.memory_space<hbm>>
      %dma_wait3A_60 = arith.constant 0 : i32
      %dma_wait3A_61 = tpu.memref_slice %arg5[%add3A_40, %dma_wait3A_60] : memref<20480x128xf32, #tpu.memory_space<hbm>> -> memref<128x128xf32, #tpu.memory_space<hbm>>
      tpu.wait_dma2 semaphore(%run_scoped3A : memref<!tpu.dma_semaphore, #tpu.memory_space<semaphore_mem>>) src(%arg7 : memref<128x128xf32, #tpu.memory_space<vmem>>) dst(%dma_wait3A_61 : memref<128x128xf32, #tpu.memory_space<hbm>>)
      tpu.yield
    }) : () -> ()
    %add3A_41 = arith.constant 256 : i32
    %add3A_42 = arith.addi %mul3A_0, %add3A_41 : i32
    "tpu.region"() ({
      %run_scoped3A = tpu.sem_alloc : memref<!tpu.dma_semaphore, #tpu.memory_space<semaphore_mem>>
      %dma_start3A = arith.constant 0 : i32
      %dma_start3A_56 = tpu.memref_slice %arg6[%add3A_42, %dma_start3A] : memref<10240x128xf32, #tpu.memory_space<vmem_shared>> -> memref<128x128xf32, #tpu.memory_space<vmem_shared>>
      %dma_start3A_57 = arith.constant 0 : i32
      %dma_start3A_58 = tpu.memref_slice %arg6[%add3A_42, %dma_start3A_57] : memref<10240x128xf32, #tpu.memory_space<vmem_shared>> -> memref<128x128xf32, #tpu.memory_space<vmem_shared>>
      tpu.enqueue_dma source(%dma_start3A_58 : memref<128x128xf32, #tpu.memory_space<vmem_shared>>) target(%arg7 : memref<128x128xf32, #tpu.memory_space<vmem>>) target_semaphore(%run_scoped3A : memref<!tpu.dma_semaphore, #tpu.memory_space<semaphore_mem>>)
      %dma_wait3A = arith.constant 0 : i32
      %dma_wait3A_59 = tpu.memref_slice %arg6[%add3A_42, %dma_wait3A] : memref<10240x128xf32, #tpu.memory_space<vmem_shared>> -> memref<128x128xf32, #tpu.memory_space<vmem_shared>>
      %dma_wait3A_60 = arith.constant 0 : i32
      %dma_wait3A_61 = tpu.memref_slice %arg6[%add3A_42, %dma_wait3A_60] : memref<10240x128xf32, #tpu.memory_space<vmem_shared>> -> memref<128x128xf32, #tpu.memory_space<vmem_shared>>
      tpu.wait_dma2 semaphore(%run_scoped3A : memref<!tpu.dma_semaphore, #tpu.memory_space<semaphore_mem>>) src(%dma_wait3A_61 : memref<128x128xf32, #tpu.memory_space<vmem_shared>>) dst(%arg7 : memref<128x128xf32, #tpu.memory_space<vmem>>)
      tpu.yield
    }) : () -> ()
    %mul3A_43 = arith.constant 10240 : i32
    %mul3A_44 = arith.muli %arg0, %mul3A_43 : i32
    %add3A_45 = arith.addi %mul3A_44, %add3A_42 : i32
    "tpu.region"() ({
      %run_scoped3A = tpu.sem_alloc : memref<!tpu.dma_semaphore, #tpu.memory_space<semaphore_mem>>
      %dma_start3A = arith.constant 0 : i32
      %dma_start3A_56 = tpu.memref_slice %arg5[%add3A_45, %dma_start3A] : memref<20480x128xf32, #tpu.memory_space<hbm>> -> memref<128x128xf32, #tpu.memory_space<hbm>>
      %dma_start3A_57 = arith.constant 0 : i32
      %dma_start3A_58 = tpu.memref_slice %arg5[%add3A_45, %dma_start3A_57] : memref<20480x128xf32, #tpu.memory_space<hbm>> -> memref<128x128xf32, #tpu.memory_space<hbm>>
      tpu.enqueue_dma source(%arg7 : memref<128x128xf32, #tpu.memory_space<vmem>>) target(%dma_start3A_58 : memref<128x128xf32, #tpu.memory_space<hbm>>) target_semaphore(%run_scoped3A : memref<!tpu.dma_semaphore, #tpu.memory_space<semaphore_mem>>)
      %dma_wait3A = arith.constant 0 : i32
      %dma_wait3A_59 = tpu.memref_slice %arg5[%add3A_45, %dma_wait3A] : memref<20480x128xf32, #tpu.memory_space<hbm>> -> memref<128x128xf32, #tpu.memory_space<hbm>>
      %dma_wait3A_60 = arith.constant 0 : i32
      %dma_wait3A_61 = tpu.memref_slice %arg5[%add3A_45, %dma_wait3A_60] : memref<20480x128xf32, #tpu.memory_space<hbm>> -> memref<128x128xf32, #tpu.memory_space<hbm>>
      tpu.wait_dma2 semaphore(%run_scoped3A : memref<!tpu.dma_semaphore, #tpu.memory_space<semaphore_mem>>) src(%arg7 : memref<128x128xf32, #tpu.memory_space<vmem>>) dst(%dma_wait3A_61 : memref<128x128xf32, #tpu.memory_space<hbm>>)
      tpu.yield
    }) : () -> ()
    %add3A_46 = arith.constant 384 : i32
    %add3A_47 = arith.addi %mul3A_0, %add3A_46 : i32
    "tpu.region"() ({
      %run_scoped3A = tpu.sem_alloc : memref<!tpu.dma_semaphore, #tpu.memory_space<semaphore_mem>>
      %dma_start3A = arith.constant 0 : i32
      %dma_start3A_56 = tpu.memref_slice %arg6[%add3A_47, %dma_start3A] : memref<10240x128xf32, #tpu.memory_space<vmem_shared>> -> memref<128x128xf32, #tpu.memory_space<vmem_shared>>
      %dma_start3A_57 = arith.constant 0 : i32
      %dma_start3A_58 = tpu.memref_slice %arg6[%add3A_47, %dma_start3A_57] : memref<10240x128xf32, #tpu.memory_space<vmem_shared>> -> memref<128x128xf32, #tpu.memory_space<vmem_shared>>
      tpu.enqueue_dma source(%dma_start3A_58 : memref<128x128xf32, #tpu.memory_space<vmem_shared>>) target(%arg7 : memref<128x128xf32, #tpu.memory_space<vmem>>) target_semaphore(%run_scoped3A : memref<!tpu.dma_semaphore, #tpu.memory_space<semaphore_mem>>)
      %dma_wait3A = arith.constant 0 : i32
      %dma_wait3A_59 = tpu.memref_slice %arg6[%add3A_47, %dma_wait3A] : memref<10240x128xf32, #tpu.memory_space<vmem_shared>> -> memref<128x128xf32, #tpu.memory_space<vmem_shared>>
      %dma_wait3A_60 = arith.constant 0 : i32
      %dma_wait3A_61 = tpu.memref_slice %arg6[%add3A_47, %dma_wait3A_60] : memref<10240x128xf32, #tpu.memory_space<vmem_shared>> -> memref<128x128xf32, #tpu.memory_space<vmem_shared>>
      tpu.wait_dma2 semaphore(%run_scoped3A : memref<!tpu.dma_semaphore, #tpu.memory_space<semaphore_mem>>) src(%dma_wait3A_61 : memref<128x128xf32, #tpu.memory_space<vmem_shared>>) dst(%arg7 : memref<128x128xf32, #tpu.memory_space<vmem>>)
      tpu.yield
    }) : () -> ()
    %mul3A_48 = arith.constant 10240 : i32
    %mul3A_49 = arith.muli %arg0, %mul3A_48 : i32
    %add3A_50 = arith.addi %mul3A_49, %add3A_47 : i32
    "tpu.region"() ({
      %run_scoped3A = tpu.sem_alloc : memref<!tpu.dma_semaphore, #tpu.memory_space<semaphore_mem>>
      %dma_start3A = arith.constant 0 : i32
      %dma_start3A_56 = tpu.memref_slice %arg5[%add3A_50, %dma_start3A] : memref<20480x128xf32, #tpu.memory_space<hbm>> -> memref<128x128xf32, #tpu.memory_space<hbm>>
      %dma_start3A_57 = arith.constant 0 : i32
      %dma_start3A_58 = tpu.memref_slice %arg5[%add3A_50, %dma_start3A_57] : memref<20480x128xf32, #tpu.memory_space<hbm>> -> memref<128x128xf32, #tpu.memory_space<hbm>>
      tpu.enqueue_dma source(%arg7 : memref<128x128xf32, #tpu.memory_space<vmem>>) target(%dma_start3A_58 : memref<128x128xf32, #tpu.memory_space<hbm>>) target_semaphore(%run_scoped3A : memref<!tpu.dma_semaphore, #tpu.memory_space<semaphore_mem>>)
      %dma_wait3A = arith.constant 0 : i32
      %dma_wait3A_59 = tpu.memref_slice %arg5[%add3A_50, %dma_wait3A] : memref<20480x128xf32, #tpu.memory_space<hbm>> -> memref<128x128xf32, #tpu.memory_space<hbm>>
      %dma_wait3A_60 = arith.constant 0 : i32
      %dma_wait3A_61 = tpu.memref_slice %arg5[%add3A_50, %dma_wait3A_60] : memref<20480x128xf32, #tpu.memory_space<hbm>> -> memref<128x128xf32, #tpu.memory_space<hbm>>
      tpu.wait_dma2 semaphore(%run_scoped3A : memref<!tpu.dma_semaphore, #tpu.memory_space<semaphore_mem>>) src(%arg7 : memref<128x128xf32, #tpu.memory_space<vmem>>) dst(%dma_wait3A_61 : memref<128x128xf32, #tpu.memory_space<hbm>>)
      tpu.yield
    }) : () -> ()
    %add3A_51 = arith.constant 512 : i32
    %add3A_52 = arith.addi %mul3A_0, %add3A_51 : i32
    "tpu.region"() ({
      %run_scoped3A = tpu.sem_alloc : memref<!tpu.dma_semaphore, #tpu.memory_space<semaphore_mem>>
      %dma_start3A = arith.constant 0 : i32
      %dma_start3A_56 = tpu.memref_slice %arg6[%add3A_52, %dma_start3A] : memref<10240x128xf32, #tpu.memory_space<vmem_shared>> -> memref<128x128xf32, #tpu.memory_space<vmem_shared>>
      %dma_start3A_57 = arith.constant 0 : i32
      %dma_start3A_58 = tpu.memref_slice %arg6[%add3A_52, %dma_start3A_57] : memref<10240x128xf32, #tpu.memory_space<vmem_shared>> -> memref<128x128xf32, #tpu.memory_space<vmem_shared>>
      tpu.enqueue_dma source(%dma_start3A_58 : memref<128x128xf32, #tpu.memory_space<vmem_shared>>) target(%arg7 : memref<128x128xf32, #tpu.memory_space<vmem>>) target_semaphore(%run_scoped3A : memref<!tpu.dma_semaphore, #tpu.memory_space<semaphore_mem>>)
      %dma_wait3A = arith.constant 0 : i32
      %dma_wait3A_59 = tpu.memref_slice %arg6[%add3A_52, %dma_wait3A] : memref<10240x128xf32, #tpu.memory_space<vmem_shared>> -> memref<128x128xf32, #tpu.memory_space<vmem_shared>>
      %dma_wait3A_60 = arith.constant 0 : i32
      %dma_wait3A_61 = tpu.memref_slice %arg6[%add3A_52, %dma_wait3A_60] : memref<10240x128xf32, #tpu.memory_space<vmem_shared>> -> memref<128x128xf32, #tpu.memory_space<vmem_shared>>
      tpu.wait_dma2 semaphore(%run_scoped3A : memref<!tpu.dma_semaphore, #tpu.memory_space<semaphore_mem>>) src(%dma_wait3A_61 : memref<128x128xf32, #tpu.memory_space<vmem_shared>>) dst(%arg7 : memref<128x128xf32, #tpu.memory_space<vmem>>)
      tpu.yield
    }) : () -> ()
    %mul3A_53 = arith.constant 10240 : i32
    %mul3A_54 = arith.muli %arg0, %mul3A_53 : i32
    %add3A_55 = arith.addi %mul3A_54, %add3A_52 : i32
    "tpu.region"() ({
      %run_scoped3A = tpu.sem_alloc : memref<!tpu.dma_semaphore, #tpu.memory_space<semaphore_mem>>
      %dma_start3A = arith.constant 0 : i32
      %dma_start3A_56 = tpu.memref_slice %arg5[%add3A_55, %dma_start3A] : memref<20480x128xf32, #tpu.memory_space<hbm>> -> memref<128x128xf32, #tpu.memory_space<hbm>>
      %dma_start3A_57 = arith.constant 0 : i32
      %dma_start3A_58 = tpu.memref_slice %arg5[%add3A_55, %dma_start3A_57] : memref<20480x128xf32, #tpu.memory_space<hbm>> -> memref<128x128xf32, #tpu.memory_space<hbm>>
      tpu.enqueue_dma source(%arg7 : memref<128x128xf32, #tpu.memory_space<vmem>>) target(%dma_start3A_58 : memref<128x128xf32, #tpu.memory_space<hbm>>) target_semaphore(%run_scoped3A : memref<!tpu.dma_semaphore, #tpu.memory_space<semaphore_mem>>)
      %dma_wait3A = arith.constant 0 : i32
      %dma_wait3A_59 = tpu.memref_slice %arg5[%add3A_55, %dma_wait3A] : memref<20480x128xf32, #tpu.memory_space<hbm>> -> memref<128x128xf32, #tpu.memory_space<hbm>>
      %dma_wait3A_60 = arith.constant 0 : i32
      %dma_wait3A_61 = tpu.memref_slice %arg5[%add3A_55, %dma_wait3A_60] : memref<20480x128xf32, #tpu.memory_space<hbm>> -> memref<128x128xf32, #tpu.memory_space<hbm>>
      tpu.wait_dma2 semaphore(%run_scoped3A : memref<!tpu.dma_semaphore, #tpu.memory_space<semaphore_mem>>) src(%arg7 : memref<128x128xf32, #tpu.memory_space<vmem>>) dst(%dma_wait3A_61 : memref<128x128xf32, #tpu.memory_space<hbm>>)
      tpu.yield
    }) : () -> ()
    return
  }
}

#map = affine_map<(d0, d1) -> (0, 0)>
#map1 = affine_map<(d0, d1) -> (0, 0, 0, 0)>
#map2 = affine_map<(d0, d1) -> (0, 0, 0)>
module attributes {stable_mosaic.version = 14 : i64} {
  func.func @_agg(%arg0: i32, %arg1: i32, %arg2: memref<20480x128xf32, #tpu.memory_space<hbm>>, %arg3: memref<2x16x80x128xi32, #tpu.memory_space<hbm>>, %arg4: memref<16x80x128xi32, #tpu.memory_space<hbm>>, %arg5: memref<20480x128xf32, #tpu.memory_space<hbm>>, %arg6: memref<10240x128xf32, #tpu.memory_space<vmem_shared>>, %arg7: memref<128x128xf32, #tpu.memory_space<vmem>>, %arg8: memref<128x128xf32, #tpu.memory_space<vmem>>, %arg9: memref<40x128xi32, #tpu.memory_space<vmem>>, %arg10: memref<40x128xi32, #tpu.memory_space<vmem>>, %arg11: memref<!tpu.dma_semaphore, #tpu.memory_space<semaphore_mem>>, %arg12: memref<!tpu.dma_semaphore, #tpu.memory_space<semaphore_mem>>) attributes {dimension_semantics = [#tpu.dimension_semantics<core_parallel>, #tpu.dimension_semantics<subcore_parallel>], iteration_bounds = array<i64: 2, 16>, scalar_prefetch = 0 : i64, scratch_operands = 7 : i64, tpu.core_type = #tpu.core_type<sc_vector_subcore>, window_params = [{transform_indices = #map}, {transform_indices = #map1}, {transform_indices = #map2}, {transform_indices = #map}]} {
    %mul3A = arith.constant 640 : i32
    %mul3A_0 = arith.muli %arg1, %mul3A : i32
    %add3A = arith.constant 0 : i32
    %add3A_1 = arith.addi %mul3A_0, %add3A : i32
    %mul3A_2 = arith.constant 10240 : i32
    %mul3A_3 = arith.muli %arg0, %mul3A_2 : i32
    %add3A_4 = arith.addi %mul3A_3, %add3A_1 : i32
    "tpu.region"() ({
      %run_scoped3A = tpu.sem_alloc : memref<!tpu.dma_semaphore, #tpu.memory_space<semaphore_mem>>
      %dma_start3A = arith.constant 0 : i32
      %dma_start3A_56 = tpu.memref_slice %arg2[%add3A_4, %dma_start3A] : memref<20480x128xf32, #tpu.memory_space<hbm>> -> memref<128x128xf32, #tpu.memory_space<hbm>>
      %dma_start3A_57 = arith.constant 0 : i32
      %dma_start3A_58 = tpu.memref_slice %arg2[%add3A_4, %dma_start3A_57] : memref<20480x128xf32, #tpu.memory_space<hbm>> -> memref<128x128xf32, #tpu.memory_space<hbm>>
      tpu.enqueue_dma source(%dma_start3A_58 : memref<128x128xf32, #tpu.memory_space<hbm>>) target(%arg7 : memref<128x128xf32, #tpu.memory_space<vmem>>) target_semaphore(%run_scoped3A : memref<!tpu.dma_semaphore, #tpu.memory_space<semaphore_mem>>)
      %dma_wait3A = arith.constant 0 : i32
      %dma_wait3A_59 = tpu.memref_slice %arg2[%add3A_4, %dma_wait3A] : memref<20480x128xf32, #tpu.memory_space<hbm>> -> memref<128x128xf32, #tpu.memory_space<hbm>>
      %dma_wait3A_60 = arith.constant 0 : i32
      %dma_wait3A_61 = tpu.memref_slice %arg2[%add3A_4, %dma_wait3A_60] : memref<20480x128xf32, #tpu.memory_space<hbm>> -> memref<128x128xf32, #tpu.memory_space<hbm>>
      tpu.wait_dma2 semaphore(%run_scoped3A : memref<!tpu.dma_semaphore, #tpu.memory_space<semaphore_mem>>) src(%dma_wait3A_61 : memref<128x128xf32, #tpu.memory_space<hbm>>) dst(%arg7 : memref<128x128xf32, #tpu.memory_space<vmem>>)
      tpu.yield
    }) : () -> ()
    "tpu.region"() ({
      %run_scoped3A = tpu.sem_alloc : memref<!tpu.dma_semaphore, #tpu.memory_space<semaphore_mem>>
      %dma_start3A = arith.constant 0 : i32
      %dma_start3A_56 = tpu.memref_slice %arg6[%add3A_1, %dma_start3A] : memref<10240x128xf32, #tpu.memory_space<vmem_shared>> -> memref<128x128xf32, #tpu.memory_space<vmem_shared>>
      %dma_start3A_57 = arith.constant 0 : i32
      %dma_start3A_58 = tpu.memref_slice %arg6[%add3A_1, %dma_start3A_57] : memref<10240x128xf32, #tpu.memory_space<vmem_shared>> -> memref<128x128xf32, #tpu.memory_space<vmem_shared>>
      tpu.enqueue_dma source(%arg7 : memref<128x128xf32, #tpu.memory_space<vmem>>) target(%dma_start3A_58 : memref<128x128xf32, #tpu.memory_space<vmem_shared>>) target_semaphore(%run_scoped3A : memref<!tpu.dma_semaphore, #tpu.memory_space<semaphore_mem>>)
      %dma_wait3A = arith.constant 0 : i32
      %dma_wait3A_59 = tpu.memref_slice %arg6[%add3A_1, %dma_wait3A] : memref<10240x128xf32, #tpu.memory_space<vmem_shared>> -> memref<128x128xf32, #tpu.memory_space<vmem_shared>>
      %dma_wait3A_60 = arith.constant 0 : i32
      %dma_wait3A_61 = tpu.memref_slice %arg6[%add3A_1, %dma_wait3A_60] : memref<10240x128xf32, #tpu.memory_space<vmem_shared>> -> memref<128x128xf32, #tpu.memory_space<vmem_shared>>
      tpu.wait_dma2 semaphore(%run_scoped3A : memref<!tpu.dma_semaphore, #tpu.memory_space<semaphore_mem>>) src(%arg7 : memref<128x128xf32, #tpu.memory_space<vmem>>) dst(%dma_wait3A_61 : memref<128x128xf32, #tpu.memory_space<vmem_shared>>)
      tpu.yield
    }) : () -> ()
    %add3A_5 = arith.constant 128 : i32
    %add3A_6 = arith.addi %mul3A_0, %add3A_5 : i32
    %mul3A_7 = arith.constant 10240 : i32
    %mul3A_8 = arith.muli %arg0, %mul3A_7 : i32
    %add3A_9 = arith.addi %mul3A_8, %add3A_6 : i32
    "tpu.region"() ({
      %run_scoped3A = tpu.sem_alloc : memref<!tpu.dma_semaphore, #tpu.memory_space<semaphore_mem>>
      %dma_start3A = arith.constant 0 : i32
      %dma_start3A_56 = tpu.memref_slice %arg2[%add3A_9, %dma_start3A] : memref<20480x128xf32, #tpu.memory_space<hbm>> -> memref<128x128xf32, #tpu.memory_space<hbm>>
      %dma_start3A_57 = arith.constant 0 : i32
      %dma_start3A_58 = tpu.memref_slice %arg2[%add3A_9, %dma_start3A_57] : memref<20480x128xf32, #tpu.memory_space<hbm>> -> memref<128x128xf32, #tpu.memory_space<hbm>>
      tpu.enqueue_dma source(%dma_start3A_58 : memref<128x128xf32, #tpu.memory_space<hbm>>) target(%arg7 : memref<128x128xf32, #tpu.memory_space<vmem>>) target_semaphore(%run_scoped3A : memref<!tpu.dma_semaphore, #tpu.memory_space<semaphore_mem>>)
      %dma_wait3A = arith.constant 0 : i32
      %dma_wait3A_59 = tpu.memref_slice %arg2[%add3A_9, %dma_wait3A] : memref<20480x128xf32, #tpu.memory_space<hbm>> -> memref<128x128xf32, #tpu.memory_space<hbm>>
      %dma_wait3A_60 = arith.constant 0 : i32
      %dma_wait3A_61 = tpu.memref_slice %arg2[%add3A_9, %dma_wait3A_60] : memref<20480x128xf32, #tpu.memory_space<hbm>> -> memref<128x128xf32, #tpu.memory_space<hbm>>
      tpu.wait_dma2 semaphore(%run_scoped3A : memref<!tpu.dma_semaphore, #tpu.memory_space<semaphore_mem>>) src(%dma_wait3A_61 : memref<128x128xf32, #tpu.memory_space<hbm>>) dst(%arg7 : memref<128x128xf32, #tpu.memory_space<vmem>>)
      tpu.yield
    }) : () -> ()
    "tpu.region"() ({
      %run_scoped3A = tpu.sem_alloc : memref<!tpu.dma_semaphore, #tpu.memory_space<semaphore_mem>>
      %dma_start3A = arith.constant 0 : i32
      %dma_start3A_56 = tpu.memref_slice %arg6[%add3A_6, %dma_start3A] : memref<10240x128xf32, #tpu.memory_space<vmem_shared>> -> memref<128x128xf32, #tpu.memory_space<vmem_shared>>
      %dma_start3A_57 = arith.constant 0 : i32
      %dma_start3A_58 = tpu.memref_slice %arg6[%add3A_6, %dma_start3A_57] : memref<10240x128xf32, #tpu.memory_space<vmem_shared>> -> memref<128x128xf32, #tpu.memory_space<vmem_shared>>
      tpu.enqueue_dma source(%arg7 : memref<128x128xf32, #tpu.memory_space<vmem>>) target(%dma_start3A_58 : memref<128x128xf32, #tpu.memory_space<vmem_shared>>) target_semaphore(%run_scoped3A : memref<!tpu.dma_semaphore, #tpu.memory_space<semaphore_mem>>)
      %dma_wait3A = arith.constant 0 : i32
      %dma_wait3A_59 = tpu.memref_slice %arg6[%add3A_6, %dma_wait3A] : memref<10240x128xf32, #tpu.memory_space<vmem_shared>> -> memref<128x128xf32, #tpu.memory_space<vmem_shared>>
      %dma_wait3A_60 = arith.constant 0 : i32
      %dma_wait3A_61 = tpu.memref_slice %arg6[%add3A_6, %dma_wait3A_60] : memref<10240x128xf32, #tpu.memory_space<vmem_shared>> -> memref<128x128xf32, #tpu.memory_space<vmem_shared>>
      tpu.wait_dma2 semaphore(%run_scoped3A : memref<!tpu.dma_semaphore, #tpu.memory_space<semaphore_mem>>) src(%arg7 : memref<128x128xf32, #tpu.memory_space<vmem>>) dst(%dma_wait3A_61 : memref<128x128xf32, #tpu.memory_space<vmem_shared>>)
      tpu.yield
    }) : () -> ()
    %add3A_10 = arith.constant 256 : i32
    %add3A_11 = arith.addi %mul3A_0, %add3A_10 : i32
    %mul3A_12 = arith.constant 10240 : i32
    %mul3A_13 = arith.muli %arg0, %mul3A_12 : i32
    %add3A_14 = arith.addi %mul3A_13, %add3A_11 : i32
    "tpu.region"() ({
      %run_scoped3A = tpu.sem_alloc : memref<!tpu.dma_semaphore, #tpu.memory_space<semaphore_mem>>
      %dma_start3A = arith.constant 0 : i32
      %dma_start3A_56 = tpu.memref_slice %arg2[%add3A_14, %dma_start3A] : memref<20480x128xf32, #tpu.memory_space<hbm>> -> memref<128x128xf32, #tpu.memory_space<hbm>>
      %dma_start3A_57 = arith.constant 0 : i32
      %dma_start3A_58 = tpu.memref_slice %arg2[%add3A_14, %dma_start3A_57] : memref<20480x128xf32, #tpu.memory_space<hbm>> -> memref<128x128xf32, #tpu.memory_space<hbm>>
      tpu.enqueue_dma source(%dma_start3A_58 : memref<128x128xf32, #tpu.memory_space<hbm>>) target(%arg7 : memref<128x128xf32, #tpu.memory_space<vmem>>) target_semaphore(%run_scoped3A : memref<!tpu.dma_semaphore, #tpu.memory_space<semaphore_mem>>)
      %dma_wait3A = arith.constant 0 : i32
      %dma_wait3A_59 = tpu.memref_slice %arg2[%add3A_14, %dma_wait3A] : memref<20480x128xf32, #tpu.memory_space<hbm>> -> memref<128x128xf32, #tpu.memory_space<hbm>>
      %dma_wait3A_60 = arith.constant 0 : i32
      %dma_wait3A_61 = tpu.memref_slice %arg2[%add3A_14, %dma_wait3A_60] : memref<20480x128xf32, #tpu.memory_space<hbm>> -> memref<128x128xf32, #tpu.memory_space<hbm>>
      tpu.wait_dma2 semaphore(%run_scoped3A : memref<!tpu.dma_semaphore, #tpu.memory_space<semaphore_mem>>) src(%dma_wait3A_61 : memref<128x128xf32, #tpu.memory_space<hbm>>) dst(%arg7 : memref<128x128xf32, #tpu.memory_space<vmem>>)
      tpu.yield
    }) : () -> ()
    "tpu.region"() ({
      %run_scoped3A = tpu.sem_alloc : memref<!tpu.dma_semaphore, #tpu.memory_space<semaphore_mem>>
      %dma_start3A = arith.constant 0 : i32
      %dma_start3A_56 = tpu.memref_slice %arg6[%add3A_11, %dma_start3A] : memref<10240x128xf32, #tpu.memory_space<vmem_shared>> -> memref<128x128xf32, #tpu.memory_space<vmem_shared>>
      %dma_start3A_57 = arith.constant 0 : i32
      %dma_start3A_58 = tpu.memref_slice %arg6[%add3A_11, %dma_start3A_57] : memref<10240x128xf32, #tpu.memory_space<vmem_shared>> -> memref<128x128xf32, #tpu.memory_space<vmem_shared>>
      tpu.enqueue_dma source(%arg7 : memref<128x128xf32, #tpu.memory_space<vmem>>) target(%dma_start3A_58 : memref<128x128xf32, #tpu.memory_space<vmem_shared>>) target_semaphore(%run_scoped3A : memref<!tpu.dma_semaphore, #tpu.memory_space<semaphore_mem>>)
      %dma_wait3A = arith.constant 0 : i32
      %dma_wait3A_59 = tpu.memref_slice %arg6[%add3A_11, %dma_wait3A] : memref<10240x128xf32, #tpu.memory_space<vmem_shared>> -> memref<128x128xf32, #tpu.memory_space<vmem_shared>>
      %dma_wait3A_60 = arith.constant 0 : i32
      %dma_wait3A_61 = tpu.memref_slice %arg6[%add3A_11, %dma_wait3A_60] : memref<10240x128xf32, #tpu.memory_space<vmem_shared>> -> memref<128x128xf32, #tpu.memory_space<vmem_shared>>
      tpu.wait_dma2 semaphore(%run_scoped3A : memref<!tpu.dma_semaphore, #tpu.memory_space<semaphore_mem>>) src(%arg7 : memref<128x128xf32, #tpu.memory_space<vmem>>) dst(%dma_wait3A_61 : memref<128x128xf32, #tpu.memory_space<vmem_shared>>)
      tpu.yield
    }) : () -> ()
    %add3A_15 = arith.constant 384 : i32
    %add3A_16 = arith.addi %mul3A_0, %add3A_15 : i32
    %mul3A_17 = arith.constant 10240 : i32
    %mul3A_18 = arith.muli %arg0, %mul3A_17 : i32
    %add3A_19 = arith.addi %mul3A_18, %add3A_16 : i32
    "tpu.region"() ({
      %run_scoped3A = tpu.sem_alloc : memref<!tpu.dma_semaphore, #tpu.memory_space<semaphore_mem>>
      %dma_start3A = arith.constant 0 : i32
      %dma_start3A_56 = tpu.memref_slice %arg2[%add3A_19, %dma_start3A] : memref<20480x128xf32, #tpu.memory_space<hbm>> -> memref<128x128xf32, #tpu.memory_space<hbm>>
      %dma_start3A_57 = arith.constant 0 : i32
      %dma_start3A_58 = tpu.memref_slice %arg2[%add3A_19, %dma_start3A_57] : memref<20480x128xf32, #tpu.memory_space<hbm>> -> memref<128x128xf32, #tpu.memory_space<hbm>>
      tpu.enqueue_dma source(%dma_start3A_58 : memref<128x128xf32, #tpu.memory_space<hbm>>) target(%arg7 : memref<128x128xf32, #tpu.memory_space<vmem>>) target_semaphore(%run_scoped3A : memref<!tpu.dma_semaphore, #tpu.memory_space<semaphore_mem>>)
      %dma_wait3A = arith.constant 0 : i32
      %dma_wait3A_59 = tpu.memref_slice %arg2[%add3A_19, %dma_wait3A] : memref<20480x128xf32, #tpu.memory_space<hbm>> -> memref<128x128xf32, #tpu.memory_space<hbm>>
      %dma_wait3A_60 = arith.constant 0 : i32
      %dma_wait3A_61 = tpu.memref_slice %arg2[%add3A_19, %dma_wait3A_60] : memref<20480x128xf32, #tpu.memory_space<hbm>> -> memref<128x128xf32, #tpu.memory_space<hbm>>
      tpu.wait_dma2 semaphore(%run_scoped3A : memref<!tpu.dma_semaphore, #tpu.memory_space<semaphore_mem>>) src(%dma_wait3A_61 : memref<128x128xf32, #tpu.memory_space<hbm>>) dst(%arg7 : memref<128x128xf32, #tpu.memory_space<vmem>>)
      tpu.yield
    }) : () -> ()
    "tpu.region"() ({
      %run_scoped3A = tpu.sem_alloc : memref<!tpu.dma_semaphore, #tpu.memory_space<semaphore_mem>>
      %dma_start3A = arith.constant 0 : i32
      %dma_start3A_56 = tpu.memref_slice %arg6[%add3A_16, %dma_start3A] : memref<10240x128xf32, #tpu.memory_space<vmem_shared>> -> memref<128x128xf32, #tpu.memory_space<vmem_shared>>
      %dma_start3A_57 = arith.constant 0 : i32
      %dma_start3A_58 = tpu.memref_slice %arg6[%add3A_16, %dma_start3A_57] : memref<10240x128xf32, #tpu.memory_space<vmem_shared>> -> memref<128x128xf32, #tpu.memory_space<vmem_shared>>
      tpu.enqueue_dma source(%arg7 : memref<128x128xf32, #tpu.memory_space<vmem>>) target(%dma_start3A_58 : memref<128x128xf32, #tpu.memory_space<vmem_shared>>) target_semaphore(%run_scoped3A : memref<!tpu.dma_semaphore, #tpu.memory_space<semaphore_mem>>)
      %dma_wait3A = arith.constant 0 : i32
      %dma_wait3A_59 = tpu.memref_slice %arg6[%add3A_16, %dma_wait3A] : memref<10240x128xf32, #tpu.memory_space<vmem_shared>> -> memref<128x128xf32, #tpu.memory_space<vmem_shared>>
      %dma_wait3A_60 = arith.constant 0 : i32
      %dma_wait3A_61 = tpu.memref_slice %arg6[%add3A_16, %dma_wait3A_60] : memref<10240x128xf32, #tpu.memory_space<vmem_shared>> -> memref<128x128xf32, #tpu.memory_space<vmem_shared>>
      tpu.wait_dma2 semaphore(%run_scoped3A : memref<!tpu.dma_semaphore, #tpu.memory_space<semaphore_mem>>) src(%arg7 : memref<128x128xf32, #tpu.memory_space<vmem>>) dst(%dma_wait3A_61 : memref<128x128xf32, #tpu.memory_space<vmem_shared>>)
      tpu.yield
    }) : () -> ()
    %add3A_20 = arith.constant 512 : i32
    %add3A_21 = arith.addi %mul3A_0, %add3A_20 : i32
    %mul3A_22 = arith.constant 10240 : i32
    %mul3A_23 = arith.muli %arg0, %mul3A_22 : i32
    %add3A_24 = arith.addi %mul3A_23, %add3A_21 : i32
    "tpu.region"() ({
      %run_scoped3A = tpu.sem_alloc : memref<!tpu.dma_semaphore, #tpu.memory_space<semaphore_mem>>
      %dma_start3A = arith.constant 0 : i32
      %dma_start3A_56 = tpu.memref_slice %arg2[%add3A_24, %dma_start3A] : memref<20480x128xf32, #tpu.memory_space<hbm>> -> memref<128x128xf32, #tpu.memory_space<hbm>>
      %dma_start3A_57 = arith.constant 0 : i32
      %dma_start3A_58 = tpu.memref_slice %arg2[%add3A_24, %dma_start3A_57] : memref<20480x128xf32, #tpu.memory_space<hbm>> -> memref<128x128xf32, #tpu.memory_space<hbm>>
      tpu.enqueue_dma source(%dma_start3A_58 : memref<128x128xf32, #tpu.memory_space<hbm>>) target(%arg7 : memref<128x128xf32, #tpu.memory_space<vmem>>) target_semaphore(%run_scoped3A : memref<!tpu.dma_semaphore, #tpu.memory_space<semaphore_mem>>)
      %dma_wait3A = arith.constant 0 : i32
      %dma_wait3A_59 = tpu.memref_slice %arg2[%add3A_24, %dma_wait3A] : memref<20480x128xf32, #tpu.memory_space<hbm>> -> memref<128x128xf32, #tpu.memory_space<hbm>>
      %dma_wait3A_60 = arith.constant 0 : i32
      %dma_wait3A_61 = tpu.memref_slice %arg2[%add3A_24, %dma_wait3A_60] : memref<20480x128xf32, #tpu.memory_space<hbm>> -> memref<128x128xf32, #tpu.memory_space<hbm>>
      tpu.wait_dma2 semaphore(%run_scoped3A : memref<!tpu.dma_semaphore, #tpu.memory_space<semaphore_mem>>) src(%dma_wait3A_61 : memref<128x128xf32, #tpu.memory_space<hbm>>) dst(%arg7 : memref<128x128xf32, #tpu.memory_space<vmem>>)
      tpu.yield
    }) : () -> ()
    "tpu.region"() ({
      %run_scoped3A = tpu.sem_alloc : memref<!tpu.dma_semaphore, #tpu.memory_space<semaphore_mem>>
      %dma_start3A = arith.constant 0 : i32
      %dma_start3A_56 = tpu.memref_slice %arg6[%add3A_21, %dma_start3A] : memref<10240x128xf32, #tpu.memory_space<vmem_shared>> -> memref<128x128xf32, #tpu.memory_space<vmem_shared>>
      %dma_start3A_57 = arith.constant 0 : i32
      %dma_start3A_58 = tpu.memref_slice %arg6[%add3A_21, %dma_start3A_57] : memref<10240x128xf32, #tpu.memory_space<vmem_shared>> -> memref<128x128xf32, #tpu.memory_space<vmem_shared>>
      tpu.enqueue_dma source(%arg7 : memref<128x128xf32, #tpu.memory_space<vmem>>) target(%dma_start3A_58 : memref<128x128xf32, #tpu.memory_space<vmem_shared>>) target_semaphore(%run_scoped3A : memref<!tpu.dma_semaphore, #tpu.memory_space<semaphore_mem>>)
      %dma_wait3A = arith.constant 0 : i32
      %dma_wait3A_59 = tpu.memref_slice %arg6[%add3A_21, %dma_wait3A] : memref<10240x128xf32, #tpu.memory_space<vmem_shared>> -> memref<128x128xf32, #tpu.memory_space<vmem_shared>>
      %dma_wait3A_60 = arith.constant 0 : i32
      %dma_wait3A_61 = tpu.memref_slice %arg6[%add3A_21, %dma_wait3A_60] : memref<10240x128xf32, #tpu.memory_space<vmem_shared>> -> memref<128x128xf32, #tpu.memory_space<vmem_shared>>
      tpu.wait_dma2 semaphore(%run_scoped3A : memref<!tpu.dma_semaphore, #tpu.memory_space<semaphore_mem>>) src(%arg7 : memref<128x128xf32, #tpu.memory_space<vmem>>) dst(%dma_wait3A_61 : memref<128x128xf32, #tpu.memory_space<vmem_shared>>)
      tpu.yield
    }) : () -> ()
    %barrier3A = arith.constant 0 : index
    tpu.barrier barrier_id(%barrier3A)
    %scan3A = arith.constant 0 : i32
    %scan3A_25 = arith.constant 0 : i32
    %scan3A_26 = arith.constant 2 : i32
    %scan3A_27 = arith.addi %scan3A_25, %scan3A_26 : i32
    %scan3A_28 = arith.constant 1 : i32
    scf.for %scan3A_56 = %scan3A_25 to %scan3A_27 step %scan3A_28  : i32 {
      %mul3A_57 = arith.constant 40 : i32
      %mul3A_58 = arith.muli %scan3A_56, %mul3A_57 : i32
      "tpu.region"() ({
        %run_scoped3A = tpu.sem_alloc : memref<!tpu.dma_semaphore, #tpu.memory_space<semaphore_mem>>
        %dma_start3A_73 = arith.constant 0 : i32
        %dma_start3A_74 = tpu.memref_slice %arg3[%arg0, %arg1, %mul3A_58, %dma_start3A_73] : memref<2x16x80x128xi32, #tpu.memory_space<hbm>> -> memref<1x1x40x128xi32, #tpu.memory_space<hbm>>
        %dma_start3A_75 = tpu.memref_squeeze %dma_start3A_74 : memref<1x1x40x128xi32, #tpu.memory_space<hbm>> -> memref<40x128xi32, #tpu.memory_space<hbm>>
        %dma_start3A_76 = arith.constant 0 : i32
        %dma_start3A_77 = tpu.memref_slice %arg3[%arg0, %arg1, %mul3A_58, %dma_start3A_76] : memref<2x16x80x128xi32, #tpu.memory_space<hbm>> -> memref<1x1x40x128xi32, #tpu.memory_space<hbm>>
        %dma_start3A_78 = tpu.memref_squeeze %dma_start3A_77 : memref<1x1x40x128xi32, #tpu.memory_space<hbm>> -> memref<40x128xi32, #tpu.memory_space<hbm>>
        tpu.enqueue_dma source(%dma_start3A_78 : memref<40x128xi32, #tpu.memory_space<hbm>>) target(%arg9 : memref<40x128xi32, #tpu.memory_space<vmem>>) target_semaphore(%run_scoped3A : memref<!tpu.dma_semaphore, #tpu.memory_space<semaphore_mem>>)
        %dma_wait3A = arith.constant 0 : i32
        %dma_wait3A_79 = tpu.memref_slice %arg3[%arg0, %arg1, %mul3A_58, %dma_wait3A] : memref<2x16x80x128xi32, #tpu.memory_space<hbm>> -> memref<1x1x40x128xi32, #tpu.memory_space<hbm>>
        %dma_wait3A_80 = tpu.memref_squeeze %dma_wait3A_79 : memref<1x1x40x128xi32, #tpu.memory_space<hbm>> -> memref<40x128xi32, #tpu.memory_space<hbm>>
        %dma_wait3A_81 = arith.constant 0 : i32
        %dma_wait3A_82 = tpu.memref_slice %arg3[%arg0, %arg1, %mul3A_58, %dma_wait3A_81] : memref<2x16x80x128xi32, #tpu.memory_space<hbm>> -> memref<1x1x40x128xi32, #tpu.memory_space<hbm>>
        %dma_wait3A_83 = tpu.memref_squeeze %dma_wait3A_82 : memref<1x1x40x128xi32, #tpu.memory_space<hbm>> -> memref<40x128xi32, #tpu.memory_space<hbm>>
        tpu.wait_dma2 semaphore(%run_scoped3A : memref<!tpu.dma_semaphore, #tpu.memory_space<semaphore_mem>>) src(%dma_wait3A_83 : memref<40x128xi32, #tpu.memory_space<hbm>>) dst(%arg9 : memref<40x128xi32, #tpu.memory_space<vmem>>)
        tpu.yield
      }) : () -> ()
      %mul3A_59 = arith.constant 40 : i32
      %mul3A_60 = arith.muli %scan3A_56, %mul3A_59 : i32
      "tpu.region"() ({
        %run_scoped3A = tpu.sem_alloc : memref<!tpu.dma_semaphore, #tpu.memory_space<semaphore_mem>>
        %dma_start3A_73 = arith.constant 0 : i32
        %dma_start3A_74 = tpu.memref_slice %arg4[%arg1, %mul3A_60, %dma_start3A_73] : memref<16x80x128xi32, #tpu.memory_space<hbm>> -> memref<1x40x128xi32, #tpu.memory_space<hbm>>
        %dma_start3A_75 = tpu.memref_squeeze %dma_start3A_74 : memref<1x40x128xi32, #tpu.memory_space<hbm>> -> memref<40x128xi32, #tpu.memory_space<hbm>>
        %dma_start3A_76 = arith.constant 0 : i32
        %dma_start3A_77 = tpu.memref_slice %arg4[%arg1, %mul3A_60, %dma_start3A_76] : memref<16x80x128xi32, #tpu.memory_space<hbm>> -> memref<1x40x128xi32, #tpu.memory_space<hbm>>
        %dma_start3A_78 = tpu.memref_squeeze %dma_start3A_77 : memref<1x40x128xi32, #tpu.memory_space<hbm>> -> memref<40x128xi32, #tpu.memory_space<hbm>>
        tpu.enqueue_dma source(%dma_start3A_78 : memref<40x128xi32, #tpu.memory_space<hbm>>) target(%arg10 : memref<40x128xi32, #tpu.memory_space<vmem>>) target_semaphore(%run_scoped3A : memref<!tpu.dma_semaphore, #tpu.memory_space<semaphore_mem>>)
        %dma_wait3A = arith.constant 0 : i32
        %dma_wait3A_79 = tpu.memref_slice %arg4[%arg1, %mul3A_60, %dma_wait3A] : memref<16x80x128xi32, #tpu.memory_space<hbm>> -> memref<1x40x128xi32, #tpu.memory_space<hbm>>
        %dma_wait3A_80 = tpu.memref_squeeze %dma_wait3A_79 : memref<1x40x128xi32, #tpu.memory_space<hbm>> -> memref<40x128xi32, #tpu.memory_space<hbm>>
        %dma_wait3A_81 = arith.constant 0 : i32
        %dma_wait3A_82 = tpu.memref_slice %arg4[%arg1, %mul3A_60, %dma_wait3A_81] : memref<16x80x128xi32, #tpu.memory_space<hbm>> -> memref<1x40x128xi32, #tpu.memory_space<hbm>>
        %dma_wait3A_83 = tpu.memref_squeeze %dma_wait3A_82 : memref<1x40x128xi32, #tpu.memory_space<hbm>> -> memref<40x128xi32, #tpu.memory_space<hbm>>
        tpu.wait_dma2 semaphore(%run_scoped3A : memref<!tpu.dma_semaphore, #tpu.memory_space<semaphore_mem>>) src(%dma_wait3A_83 : memref<40x128xi32, #tpu.memory_space<hbm>>) dst(%arg10 : memref<40x128xi32, #tpu.memory_space<vmem>>)
        tpu.yield
      }) : () -> ()
      %dma_start3A = arith.constant 0 : i32
      %dma_start3A_61 = arith.constant 0 : i32
      %dma_start3A_62 = tpu.memref_slice %arg9[%dma_start3A, %dma_start3A_61] : memref<40x128xi32, #tpu.memory_space<vmem>> -> memref<1x128xi32, #tpu.memory_space<vmem>>
      %dma_start3A_63 = tpu.memref_squeeze %dma_start3A_62 : memref<1x128xi32, #tpu.memory_space<vmem>> -> memref<128xi32, #tpu.memory_space<vmem>>
      %dma_start3A_64 = arith.constant 0 : i32
      %dma_start3A_65 = arith.constant 0 : i32
      %dma_start3A_66 = tpu.memref_slice %arg2[%dma_start3A_64, %dma_start3A_65] : memref<20480x128xf32, #tpu.memory_space<hbm>> -> memref<20480x128xf32, #tpu.memory_space<hbm>>
      tpu.enqueue_indirect_dma source(%dma_start3A_66 : memref<20480x128xf32, #tpu.memory_space<hbm>>) target(%arg7 : memref<128x128xf32, #tpu.memory_space<vmem>>) offsets(%dma_start3A_63 : memref<128xi32, #tpu.memory_space<vmem>>) semaphore(%arg11 : memref<!tpu.dma_semaphore, #tpu.memory_space<semaphore_mem>>)
      %scan3A_67 = arith.constant 0 : i32
      %scan3A_68 = arith.constant 0 : i32
      %scan3A_69 = arith.constant 20 : i32
      %scan3A_70 = arith.addi %scan3A_68, %scan3A_69 : i32
      %scan3A_71 = arith.constant 1 : i32
      scf.for %scan3A_73 = %scan3A_68 to %scan3A_70 step %scan3A_71  : i32 {
        %mul3A_74 = arith.constant 2 : i32
        %mul3A_75 = arith.muli %scan3A_73, %mul3A_74 : i32
        %add3A_76 = arith.constant 1 : i32
        %add3A_77 = arith.addi %mul3A_75, %add3A_76 : i32
        %dma_start3A_78 = arith.constant 0 : i32
        %dma_start3A_79 = tpu.memref_slice %arg9[%add3A_77, %dma_start3A_78] : memref<40x128xi32, #tpu.memory_space<vmem>> -> memref<1x128xi32, #tpu.memory_space<vmem>>
        %dma_start3A_80 = tpu.memref_squeeze %dma_start3A_79 : memref<1x128xi32, #tpu.memory_space<vmem>> -> memref<128xi32, #tpu.memory_space<vmem>>
        %dma_start3A_81 = arith.constant 0 : i32
        %dma_start3A_82 = arith.constant 0 : i32
        %dma_start3A_83 = tpu.memref_slice %arg2[%dma_start3A_81, %dma_start3A_82] : memref<20480x128xf32, #tpu.memory_space<hbm>> -> memref<20480x128xf32, #tpu.memory_space<hbm>>
        tpu.enqueue_indirect_dma source(%dma_start3A_83 : memref<20480x128xf32, #tpu.memory_space<hbm>>) target(%arg8 : memref<128x128xf32, #tpu.memory_space<vmem>>) offsets(%dma_start3A_80 : memref<128xi32, #tpu.memory_space<vmem>>) semaphore(%arg12 : memref<!tpu.dma_semaphore, #tpu.memory_space<semaphore_mem>>)
        %dma_wait3A = arith.constant 0 : i32
        %dma_wait3A_84 = arith.constant 0 : i32
        %dma_wait3A_85 = tpu.memref_slice %arg9[%dma_wait3A, %dma_wait3A_84] : memref<40x128xi32, #tpu.memory_space<vmem>> -> memref<1x128xi32, #tpu.memory_space<vmem>>
        %dma_wait3A_86 = tpu.memref_squeeze %dma_wait3A_85 : memref<1x128xi32, #tpu.memory_space<vmem>> -> memref<128xi32, #tpu.memory_space<vmem>>
        %dma_wait3A_87 = arith.constant 0 : i32
        %dma_wait3A_88 = arith.constant 0 : i32
        %dma_wait3A_89 = tpu.memref_slice %arg2[%dma_wait3A_87, %dma_wait3A_88] : memref<20480x128xf32, #tpu.memory_space<hbm>> -> memref<20480x128xf32, #tpu.memory_space<hbm>>
        tpu.wait_indirect_dma semaphore(%arg11 : memref<!tpu.dma_semaphore, #tpu.memory_space<semaphore_mem>>) src(%dma_wait3A_89 : memref<20480x128xf32, #tpu.memory_space<hbm>>) dst(%arg7 : memref<128x128xf32, #tpu.memory_space<vmem>>)
        "tpu.region"() ({
          %run_scoped3A = tpu.sem_alloc : memref<!tpu.dma_semaphore, #tpu.memory_space<semaphore_mem>>
          %dma_start3A_101 = arith.constant 0 : i32
          %dma_start3A_102 = tpu.memref_slice %arg10[%mul3A_75, %dma_start3A_101] : memref<40x128xi32, #tpu.memory_space<vmem>> -> memref<1x128xi32, #tpu.memory_space<vmem>>
          %dma_start3A_103 = tpu.memref_squeeze %dma_start3A_102 : memref<1x128xi32, #tpu.memory_space<vmem>> -> memref<128xi32, #tpu.memory_space<vmem>>
          %dma_start3A_104 = arith.constant 0 : i32
          %dma_start3A_105 = arith.constant 0 : i32
          %dma_start3A_106 = tpu.memref_slice %arg6[%dma_start3A_104, %dma_start3A_105] : memref<10240x128xf32, #tpu.memory_space<vmem_shared>> -> memref<10240x128xf32, #tpu.memory_space<vmem_shared>>
          tpu.enqueue_indirect_dma source(%arg7 : memref<128x128xf32, #tpu.memory_space<vmem>>) target(%dma_start3A_106 : memref<10240x128xf32, #tpu.memory_space<vmem_shared>>) offsets(%dma_start3A_103 : memref<128xi32, #tpu.memory_space<vmem>>) semaphore(%run_scoped3A : memref<!tpu.dma_semaphore, #tpu.memory_space<semaphore_mem>>) {add = true}
          %dma_wait3A_107 = arith.constant 0 : i32
          %dma_wait3A_108 = tpu.memref_slice %arg10[%mul3A_75, %dma_wait3A_107] : memref<40x128xi32, #tpu.memory_space<vmem>> -> memref<1x128xi32, #tpu.memory_space<vmem>>
          %dma_wait3A_109 = tpu.memref_squeeze %dma_wait3A_108 : memref<1x128xi32, #tpu.memory_space<vmem>> -> memref<128xi32, #tpu.memory_space<vmem>>
          %dma_wait3A_110 = arith.constant 0 : i32
          %dma_wait3A_111 = arith.constant 0 : i32
          %dma_wait3A_112 = tpu.memref_slice %arg6[%dma_wait3A_110, %dma_wait3A_111] : memref<10240x128xf32, #tpu.memory_space<vmem_shared>> -> memref<10240x128xf32, #tpu.memory_space<vmem_shared>>
          tpu.wait_indirect_dma semaphore(%run_scoped3A : memref<!tpu.dma_semaphore, #tpu.memory_space<semaphore_mem>>) src(%arg7 : memref<128x128xf32, #tpu.memory_space<vmem>>) dst(%dma_wait3A_112 : memref<10240x128xf32, #tpu.memory_space<vmem_shared>>)
          tpu.yield
        }) : () -> ()
        %lt3A = arith.constant 19 : i32
        %lt3A_90 = arith.cmpi slt, %scan3A_73, %lt3A : i32
        %convert_element_type3A = arith.extui %lt3A_90 : i1 to i32
        %cond3A = arith.constant 0 : i32
        %cond3A_91 = arith.cmpi ne, %convert_element_type3A, %cond3A : i32
        scf.if %cond3A_91 {
          %add3A_101 = arith.constant 2 : i32
          %add3A_102 = arith.addi %mul3A_75, %add3A_101 : i32
          %dma_start3A_103 = arith.constant 0 : i32
          %dma_start3A_104 = tpu.memref_slice %arg9[%add3A_102, %dma_start3A_103] : memref<40x128xi32, #tpu.memory_space<vmem>> -> memref<1x128xi32, #tpu.memory_space<vmem>>
          %dma_start3A_105 = tpu.memref_squeeze %dma_start3A_104 : memref<1x128xi32, #tpu.memory_space<vmem>> -> memref<128xi32, #tpu.memory_space<vmem>>
          %dma_start3A_106 = arith.constant 0 : i32
          %dma_start3A_107 = arith.constant 0 : i32
          %dma_start3A_108 = tpu.memref_slice %arg2[%dma_start3A_106, %dma_start3A_107] : memref<20480x128xf32, #tpu.memory_space<hbm>> -> memref<20480x128xf32, #tpu.memory_space<hbm>>
          tpu.enqueue_indirect_dma source(%dma_start3A_108 : memref<20480x128xf32, #tpu.memory_space<hbm>>) target(%arg7 : memref<128x128xf32, #tpu.memory_space<vmem>>) offsets(%dma_start3A_105 : memref<128xi32, #tpu.memory_space<vmem>>) semaphore(%arg11 : memref<!tpu.dma_semaphore, #tpu.memory_space<semaphore_mem>>)
        } else {
        }
        %dma_wait3A_92 = arith.constant 0 : i32
        %dma_wait3A_93 = arith.constant 0 : i32
        %dma_wait3A_94 = tpu.memref_slice %arg9[%dma_wait3A_92, %dma_wait3A_93] : memref<40x128xi32, #tpu.memory_space<vmem>> -> memref<1x128xi32, #tpu.memory_space<vmem>>
        %dma_wait3A_95 = tpu.memref_squeeze %dma_wait3A_94 : memref<1x128xi32, #tpu.memory_space<vmem>> -> memref<128xi32, #tpu.memory_space<vmem>>
        %dma_wait3A_96 = arith.constant 0 : i32
        %dma_wait3A_97 = arith.constant 0 : i32
        %dma_wait3A_98 = tpu.memref_slice %arg2[%dma_wait3A_96, %dma_wait3A_97] : memref<20480x128xf32, #tpu.memory_space<hbm>> -> memref<20480x128xf32, #tpu.memory_space<hbm>>
        tpu.wait_indirect_dma semaphore(%arg12 : memref<!tpu.dma_semaphore, #tpu.memory_space<semaphore_mem>>) src(%dma_wait3A_98 : memref<20480x128xf32, #tpu.memory_space<hbm>>) dst(%arg8 : memref<128x128xf32, #tpu.memory_space<vmem>>)
        %add3A_99 = arith.constant 1 : i32
        %add3A_100 = arith.addi %mul3A_75, %add3A_99 : i32
        "tpu.region"() ({
          %run_scoped3A = tpu.sem_alloc : memref<!tpu.dma_semaphore, #tpu.memory_space<semaphore_mem>>
          %dma_start3A_101 = arith.constant 0 : i32
          %dma_start3A_102 = tpu.memref_slice %arg10[%add3A_100, %dma_start3A_101] : memref<40x128xi32, #tpu.memory_space<vmem>> -> memref<1x128xi32, #tpu.memory_space<vmem>>
          %dma_start3A_103 = tpu.memref_squeeze %dma_start3A_102 : memref<1x128xi32, #tpu.memory_space<vmem>> -> memref<128xi32, #tpu.memory_space<vmem>>
          %dma_start3A_104 = arith.constant 0 : i32
          %dma_start3A_105 = arith.constant 0 : i32
          %dma_start3A_106 = tpu.memref_slice %arg6[%dma_start3A_104, %dma_start3A_105] : memref<10240x128xf32, #tpu.memory_space<vmem_shared>> -> memref<10240x128xf32, #tpu.memory_space<vmem_shared>>
          tpu.enqueue_indirect_dma source(%arg8 : memref<128x128xf32, #tpu.memory_space<vmem>>) target(%dma_start3A_106 : memref<10240x128xf32, #tpu.memory_space<vmem_shared>>) offsets(%dma_start3A_103 : memref<128xi32, #tpu.memory_space<vmem>>) semaphore(%run_scoped3A : memref<!tpu.dma_semaphore, #tpu.memory_space<semaphore_mem>>) {add = true}
          %dma_wait3A_107 = arith.constant 0 : i32
          %dma_wait3A_108 = tpu.memref_slice %arg10[%add3A_100, %dma_wait3A_107] : memref<40x128xi32, #tpu.memory_space<vmem>> -> memref<1x128xi32, #tpu.memory_space<vmem>>
          %dma_wait3A_109 = tpu.memref_squeeze %dma_wait3A_108 : memref<1x128xi32, #tpu.memory_space<vmem>> -> memref<128xi32, #tpu.memory_space<vmem>>
          %dma_wait3A_110 = arith.constant 0 : i32
          %dma_wait3A_111 = arith.constant 0 : i32
          %dma_wait3A_112 = tpu.memref_slice %arg6[%dma_wait3A_110, %dma_wait3A_111] : memref<10240x128xf32, #tpu.memory_space<vmem_shared>> -> memref<10240x128xf32, #tpu.memory_space<vmem_shared>>
          tpu.wait_indirect_dma semaphore(%run_scoped3A : memref<!tpu.dma_semaphore, #tpu.memory_space<semaphore_mem>>) src(%arg8 : memref<128x128xf32, #tpu.memory_space<vmem>>) dst(%dma_wait3A_112 : memref<10240x128xf32, #tpu.memory_space<vmem_shared>>)
          tpu.yield
        }) : () -> ()
      }
      %scan3A_72 = arith.constant 20 : i32
    }
    %scan3A_29 = arith.constant 2 : i32
    %barrier3A_30 = arith.constant 0 : index
    tpu.barrier barrier_id(%barrier3A_30)
    %add3A_31 = arith.constant 0 : i32
    %add3A_32 = arith.addi %mul3A_0, %add3A_31 : i32
    "tpu.region"() ({
      %run_scoped3A = tpu.sem_alloc : memref<!tpu.dma_semaphore, #tpu.memory_space<semaphore_mem>>
      %dma_start3A = arith.constant 0 : i32
      %dma_start3A_56 = tpu.memref_slice %arg6[%add3A_32, %dma_start3A] : memref<10240x128xf32, #tpu.memory_space<vmem_shared>> -> memref<128x128xf32, #tpu.memory_space<vmem_shared>>
      %dma_start3A_57 = arith.constant 0 : i32
      %dma_start3A_58 = tpu.memref_slice %arg6[%add3A_32, %dma_start3A_57] : memref<10240x128xf32, #tpu.memory_space<vmem_shared>> -> memref<128x128xf32, #tpu.memory_space<vmem_shared>>
      tpu.enqueue_dma source(%dma_start3A_58 : memref<128x128xf32, #tpu.memory_space<vmem_shared>>) target(%arg7 : memref<128x128xf32, #tpu.memory_space<vmem>>) target_semaphore(%run_scoped3A : memref<!tpu.dma_semaphore, #tpu.memory_space<semaphore_mem>>)
      %dma_wait3A = arith.constant 0 : i32
      %dma_wait3A_59 = tpu.memref_slice %arg6[%add3A_32, %dma_wait3A] : memref<10240x128xf32, #tpu.memory_space<vmem_shared>> -> memref<128x128xf32, #tpu.memory_space<vmem_shared>>
      %dma_wait3A_60 = arith.constant 0 : i32
      %dma_wait3A_61 = tpu.memref_slice %arg6[%add3A_32, %dma_wait3A_60] : memref<10240x128xf32, #tpu.memory_space<vmem_shared>> -> memref<128x128xf32, #tpu.memory_space<vmem_shared>>
      tpu.wait_dma2 semaphore(%run_scoped3A : memref<!tpu.dma_semaphore, #tpu.memory_space<semaphore_mem>>) src(%dma_wait3A_61 : memref<128x128xf32, #tpu.memory_space<vmem_shared>>) dst(%arg7 : memref<128x128xf32, #tpu.memory_space<vmem>>)
      tpu.yield
    }) : () -> ()
    %mul3A_33 = arith.constant 10240 : i32
    %mul3A_34 = arith.muli %arg0, %mul3A_33 : i32
    %add3A_35 = arith.addi %mul3A_34, %add3A_32 : i32
    "tpu.region"() ({
      %run_scoped3A = tpu.sem_alloc : memref<!tpu.dma_semaphore, #tpu.memory_space<semaphore_mem>>
      %dma_start3A = arith.constant 0 : i32
      %dma_start3A_56 = tpu.memref_slice %arg5[%add3A_35, %dma_start3A] : memref<20480x128xf32, #tpu.memory_space<hbm>> -> memref<128x128xf32, #tpu.memory_space<hbm>>
      %dma_start3A_57 = arith.constant 0 : i32
      %dma_start3A_58 = tpu.memref_slice %arg5[%add3A_35, %dma_start3A_57] : memref<20480x128xf32, #tpu.memory_space<hbm>> -> memref<128x128xf32, #tpu.memory_space<hbm>>
      tpu.enqueue_dma source(%arg7 : memref<128x128xf32, #tpu.memory_space<vmem>>) target(%dma_start3A_58 : memref<128x128xf32, #tpu.memory_space<hbm>>) target_semaphore(%run_scoped3A : memref<!tpu.dma_semaphore, #tpu.memory_space<semaphore_mem>>)
      %dma_wait3A = arith.constant 0 : i32
      %dma_wait3A_59 = tpu.memref_slice %arg5[%add3A_35, %dma_wait3A] : memref<20480x128xf32, #tpu.memory_space<hbm>> -> memref<128x128xf32, #tpu.memory_space<hbm>>
      %dma_wait3A_60 = arith.constant 0 : i32
      %dma_wait3A_61 = tpu.memref_slice %arg5[%add3A_35, %dma_wait3A_60] : memref<20480x128xf32, #tpu.memory_space<hbm>> -> memref<128x128xf32, #tpu.memory_space<hbm>>
      tpu.wait_dma2 semaphore(%run_scoped3A : memref<!tpu.dma_semaphore, #tpu.memory_space<semaphore_mem>>) src(%arg7 : memref<128x128xf32, #tpu.memory_space<vmem>>) dst(%dma_wait3A_61 : memref<128x128xf32, #tpu.memory_space<hbm>>)
      tpu.yield
    }) : () -> ()
    %add3A_36 = arith.constant 128 : i32
    %add3A_37 = arith.addi %mul3A_0, %add3A_36 : i32
    "tpu.region"() ({
      %run_scoped3A = tpu.sem_alloc : memref<!tpu.dma_semaphore, #tpu.memory_space<semaphore_mem>>
      %dma_start3A = arith.constant 0 : i32
      %dma_start3A_56 = tpu.memref_slice %arg6[%add3A_37, %dma_start3A] : memref<10240x128xf32, #tpu.memory_space<vmem_shared>> -> memref<128x128xf32, #tpu.memory_space<vmem_shared>>
      %dma_start3A_57 = arith.constant 0 : i32
      %dma_start3A_58 = tpu.memref_slice %arg6[%add3A_37, %dma_start3A_57] : memref<10240x128xf32, #tpu.memory_space<vmem_shared>> -> memref<128x128xf32, #tpu.memory_space<vmem_shared>>
      tpu.enqueue_dma source(%dma_start3A_58 : memref<128x128xf32, #tpu.memory_space<vmem_shared>>) target(%arg7 : memref<128x128xf32, #tpu.memory_space<vmem>>) target_semaphore(%run_scoped3A : memref<!tpu.dma_semaphore, #tpu.memory_space<semaphore_mem>>)
      %dma_wait3A = arith.constant 0 : i32
      %dma_wait3A_59 = tpu.memref_slice %arg6[%add3A_37, %dma_wait3A] : memref<10240x128xf32, #tpu.memory_space<vmem_shared>> -> memref<128x128xf32, #tpu.memory_space<vmem_shared>>
      %dma_wait3A_60 = arith.constant 0 : i32
      %dma_wait3A_61 = tpu.memref_slice %arg6[%add3A_37, %dma_wait3A_60] : memref<10240x128xf32, #tpu.memory_space<vmem_shared>> -> memref<128x128xf32, #tpu.memory_space<vmem_shared>>
      tpu.wait_dma2 semaphore(%run_scoped3A : memref<!tpu.dma_semaphore, #tpu.memory_space<semaphore_mem>>) src(%dma_wait3A_61 : memref<128x128xf32, #tpu.memory_space<vmem_shared>>) dst(%arg7 : memref<128x128xf32, #tpu.memory_space<vmem>>)
      tpu.yield
    }) : () -> ()
    %mul3A_38 = arith.constant 10240 : i32
    %mul3A_39 = arith.muli %arg0, %mul3A_38 : i32
    %add3A_40 = arith.addi %mul3A_39, %add3A_37 : i32
    "tpu.region"() ({
      %run_scoped3A = tpu.sem_alloc : memref<!tpu.dma_semaphore, #tpu.memory_space<semaphore_mem>>
      %dma_start3A = arith.constant 0 : i32
      %dma_start3A_56 = tpu.memref_slice %arg5[%add3A_40, %dma_start3A] : memref<20480x128xf32, #tpu.memory_space<hbm>> -> memref<128x128xf32, #tpu.memory_space<hbm>>
      %dma_start3A_57 = arith.constant 0 : i32
      %dma_start3A_58 = tpu.memref_slice %arg5[%add3A_40, %dma_start3A_57] : memref<20480x128xf32, #tpu.memory_space<hbm>> -> memref<128x128xf32, #tpu.memory_space<hbm>>
      tpu.enqueue_dma source(%arg7 : memref<128x128xf32, #tpu.memory_space<vmem>>) target(%dma_start3A_58 : memref<128x128xf32, #tpu.memory_space<hbm>>) target_semaphore(%run_scoped3A : memref<!tpu.dma_semaphore, #tpu.memory_space<semaphore_mem>>)
      %dma_wait3A = arith.constant 0 : i32
      %dma_wait3A_59 = tpu.memref_slice %arg5[%add3A_40, %dma_wait3A] : memref<20480x128xf32, #tpu.memory_space<hbm>> -> memref<128x128xf32, #tpu.memory_space<hbm>>
      %dma_wait3A_60 = arith.constant 0 : i32
      %dma_wait3A_61 = tpu.memref_slice %arg5[%add3A_40, %dma_wait3A_60] : memref<20480x128xf32, #tpu.memory_space<hbm>> -> memref<128x128xf32, #tpu.memory_space<hbm>>
      tpu.wait_dma2 semaphore(%run_scoped3A : memref<!tpu.dma_semaphore, #tpu.memory_space<semaphore_mem>>) src(%arg7 : memref<128x128xf32, #tpu.memory_space<vmem>>) dst(%dma_wait3A_61 : memref<128x128xf32, #tpu.memory_space<hbm>>)
      tpu.yield
    }) : () -> ()
    %add3A_41 = arith.constant 256 : i32
    %add3A_42 = arith.addi %mul3A_0, %add3A_41 : i32
    "tpu.region"() ({
      %run_scoped3A = tpu.sem_alloc : memref<!tpu.dma_semaphore, #tpu.memory_space<semaphore_mem>>
      %dma_start3A = arith.constant 0 : i32
      %dma_start3A_56 = tpu.memref_slice %arg6[%add3A_42, %dma_start3A] : memref<10240x128xf32, #tpu.memory_space<vmem_shared>> -> memref<128x128xf32, #tpu.memory_space<vmem_shared>>
      %dma_start3A_57 = arith.constant 0 : i32
      %dma_start3A_58 = tpu.memref_slice %arg6[%add3A_42, %dma_start3A_57] : memref<10240x128xf32, #tpu.memory_space<vmem_shared>> -> memref<128x128xf32, #tpu.memory_space<vmem_shared>>
      tpu.enqueue_dma source(%dma_start3A_58 : memref<128x128xf32, #tpu.memory_space<vmem_shared>>) target(%arg7 : memref<128x128xf32, #tpu.memory_space<vmem>>) target_semaphore(%run_scoped3A : memref<!tpu.dma_semaphore, #tpu.memory_space<semaphore_mem>>)
      %dma_wait3A = arith.constant 0 : i32
      %dma_wait3A_59 = tpu.memref_slice %arg6[%add3A_42, %dma_wait3A] : memref<10240x128xf32, #tpu.memory_space<vmem_shared>> -> memref<128x128xf32, #tpu.memory_space<vmem_shared>>
      %dma_wait3A_60 = arith.constant 0 : i32
      %dma_wait3A_61 = tpu.memref_slice %arg6[%add3A_42, %dma_wait3A_60] : memref<10240x128xf32, #tpu.memory_space<vmem_shared>> -> memref<128x128xf32, #tpu.memory_space<vmem_shared>>
      tpu.wait_dma2 semaphore(%run_scoped3A : memref<!tpu.dma_semaphore, #tpu.memory_space<semaphore_mem>>) src(%dma_wait3A_61 : memref<128x128xf32, #tpu.memory_space<vmem_shared>>) dst(%arg7 : memref<128x128xf32, #tpu.memory_space<vmem>>)
      tpu.yield
    }) : () -> ()
    %mul3A_43 = arith.constant 10240 : i32
    %mul3A_44 = arith.muli %arg0, %mul3A_43 : i32
    %add3A_45 = arith.addi %mul3A_44, %add3A_42 : i32
    "tpu.region"() ({
      %run_scoped3A = tpu.sem_alloc : memref<!tpu.dma_semaphore, #tpu.memory_space<semaphore_mem>>
      %dma_start3A = arith.constant 0 : i32
      %dma_start3A_56 = tpu.memref_slice %arg5[%add3A_45, %dma_start3A] : memref<20480x128xf32, #tpu.memory_space<hbm>> -> memref<128x128xf32, #tpu.memory_space<hbm>>
      %dma_start3A_57 = arith.constant 0 : i32
      %dma_start3A_58 = tpu.memref_slice %arg5[%add3A_45, %dma_start3A_57] : memref<20480x128xf32, #tpu.memory_space<hbm>> -> memref<128x128xf32, #tpu.memory_space<hbm>>
      tpu.enqueue_dma source(%arg7 : memref<128x128xf32, #tpu.memory_space<vmem>>) target(%dma_start3A_58 : memref<128x128xf32, #tpu.memory_space<hbm>>) target_semaphore(%run_scoped3A : memref<!tpu.dma_semaphore, #tpu.memory_space<semaphore_mem>>)
      %dma_wait3A = arith.constant 0 : i32
      %dma_wait3A_59 = tpu.memref_slice %arg5[%add3A_45, %dma_wait3A] : memref<20480x128xf32, #tpu.memory_space<hbm>> -> memref<128x128xf32, #tpu.memory_space<hbm>>
      %dma_wait3A_60 = arith.constant 0 : i32
      %dma_wait3A_61 = tpu.memref_slice %arg5[%add3A_45, %dma_wait3A_60] : memref<20480x128xf32, #tpu.memory_space<hbm>> -> memref<128x128xf32, #tpu.memory_space<hbm>>
      tpu.wait_dma2 semaphore(%run_scoped3A : memref<!tpu.dma_semaphore, #tpu.memory_space<semaphore_mem>>) src(%arg7 : memref<128x128xf32, #tpu.memory_space<vmem>>) dst(%dma_wait3A_61 : memref<128x128xf32, #tpu.memory_space<hbm>>)
      tpu.yield
    }) : () -> ()
    %add3A_46 = arith.constant 384 : i32
    %add3A_47 = arith.addi %mul3A_0, %add3A_46 : i32
    "tpu.region"() ({
      %run_scoped3A = tpu.sem_alloc : memref<!tpu.dma_semaphore, #tpu.memory_space<semaphore_mem>>
      %dma_start3A = arith.constant 0 : i32
      %dma_start3A_56 = tpu.memref_slice %arg6[%add3A_47, %dma_start3A] : memref<10240x128xf32, #tpu.memory_space<vmem_shared>> -> memref<128x128xf32, #tpu.memory_space<vmem_shared>>
      %dma_start3A_57 = arith.constant 0 : i32
      %dma_start3A_58 = tpu.memref_slice %arg6[%add3A_47, %dma_start3A_57] : memref<10240x128xf32, #tpu.memory_space<vmem_shared>> -> memref<128x128xf32, #tpu.memory_space<vmem_shared>>
      tpu.enqueue_dma source(%dma_start3A_58 : memref<128x128xf32, #tpu.memory_space<vmem_shared>>) target(%arg7 : memref<128x128xf32, #tpu.memory_space<vmem>>) target_semaphore(%run_scoped3A : memref<!tpu.dma_semaphore, #tpu.memory_space<semaphore_mem>>)
      %dma_wait3A = arith.constant 0 : i32
      %dma_wait3A_59 = tpu.memref_slice %arg6[%add3A_47, %dma_wait3A] : memref<10240x128xf32, #tpu.memory_space<vmem_shared>> -> memref<128x128xf32, #tpu.memory_space<vmem_shared>>
      %dma_wait3A_60 = arith.constant 0 : i32
      %dma_wait3A_61 = tpu.memref_slice %arg6[%add3A_47, %dma_wait3A_60] : memref<10240x128xf32, #tpu.memory_space<vmem_shared>> -> memref<128x128xf32, #tpu.memory_space<vmem_shared>>
      tpu.wait_dma2 semaphore(%run_scoped3A : memref<!tpu.dma_semaphore, #tpu.memory_space<semaphore_mem>>) src(%dma_wait3A_61 : memref<128x128xf32, #tpu.memory_space<vmem_shared>>) dst(%arg7 : memref<128x128xf32, #tpu.memory_space<vmem>>)
      tpu.yield
    }) : () -> ()
    %mul3A_48 = arith.constant 10240 : i32
    %mul3A_49 = arith.muli %arg0, %mul3A_48 : i32
    %add3A_50 = arith.addi %mul3A_49, %add3A_47 : i32
    "tpu.region"() ({
      %run_scoped3A = tpu.sem_alloc : memref<!tpu.dma_semaphore, #tpu.memory_space<semaphore_mem>>
      %dma_start3A = arith.constant 0 : i32
      %dma_start3A_56 = tpu.memref_slice %arg5[%add3A_50, %dma_start3A] : memref<20480x128xf32, #tpu.memory_space<hbm>> -> memref<128x128xf32, #tpu.memory_space<hbm>>
      %dma_start3A_57 = arith.constant 0 : i32
      %dma_start3A_58 = tpu.memref_slice %arg5[%add3A_50, %dma_start3A_57] : memref<20480x128xf32, #tpu.memory_space<hbm>> -> memref<128x128xf32, #tpu.memory_space<hbm>>
      tpu.enqueue_dma source(%arg7 : memref<128x128xf32, #tpu.memory_space<vmem>>) target(%dma_start3A_58 : memref<128x128xf32, #tpu.memory_space<hbm>>) target_semaphore(%run_scoped3A : memref<!tpu.dma_semaphore, #tpu.memory_space<semaphore_mem>>)
      %dma_wait3A = arith.constant 0 : i32
      %dma_wait3A_59 = tpu.memref_slice %arg5[%add3A_50, %dma_wait3A] : memref<20480x128xf32, #tpu.memory_space<hbm>> -> memref<128x128xf32, #tpu.memory_space<hbm>>
      %dma_wait3A_60 = arith.constant 0 : i32
      %dma_wait3A_61 = tpu.memref_slice %arg5[%add3A_50, %dma_wait3A_60] : memref<20480x128xf32, #tpu.memory_space<hbm>> -> memref<128x128xf32, #tpu.memory_space<hbm>>
      tpu.wait_dma2 semaphore(%run_scoped3A : memref<!tpu.dma_semaphore, #tpu.memory_space<semaphore_mem>>) src(%arg7 : memref<128x128xf32, #tpu.memory_space<vmem>>) dst(%dma_wait3A_61 : memref<128x128xf32, #tpu.memory_space<hbm>>)
      tpu.yield
    }) : () -> ()
    %add3A_51 = arith.constant 512 : i32
    %add3A_52 = arith.addi %mul3A_0, %add3A_51 : i32
    "tpu.region"() ({
      %run_scoped3A = tpu.sem_alloc : memref<!tpu.dma_semaphore, #tpu.memory_space<semaphore_mem>>
      %dma_start3A = arith.constant 0 : i32
      %dma_start3A_56 = tpu.memref_slice %arg6[%add3A_52, %dma_start3A] : memref<10240x128xf32, #tpu.memory_space<vmem_shared>> -> memref<128x128xf32, #tpu.memory_space<vmem_shared>>
      %dma_start3A_57 = arith.constant 0 : i32
      %dma_start3A_58 = tpu.memref_slice %arg6[%add3A_52, %dma_start3A_57] : memref<10240x128xf32, #tpu.memory_space<vmem_shared>> -> memref<128x128xf32, #tpu.memory_space<vmem_shared>>
      tpu.enqueue_dma source(%dma_start3A_58 : memref<128x128xf32, #tpu.memory_space<vmem_shared>>) target(%arg7 : memref<128x128xf32, #tpu.memory_space<vmem>>) target_semaphore(%run_scoped3A : memref<!tpu.dma_semaphore, #tpu.memory_space<semaphore_mem>>)
      %dma_wait3A = arith.constant 0 : i32
      %dma_wait3A_59 = tpu.memref_slice %arg6[%add3A_52, %dma_wait3A] : memref<10240x128xf32, #tpu.memory_space<vmem_shared>> -> memref<128x128xf32, #tpu.memory_space<vmem_shared>>
      %dma_wait3A_60 = arith.constant 0 : i32
      %dma_wait3A_61 = tpu.memref_slice %arg6[%add3A_52, %dma_wait3A_60] : memref<10240x128xf32, #tpu.memory_space<vmem_shared>> -> memref<128x128xf32, #tpu.memory_space<vmem_shared>>
      tpu.wait_dma2 semaphore(%run_scoped3A : memref<!tpu.dma_semaphore, #tpu.memory_space<semaphore_mem>>) src(%dma_wait3A_61 : memref<128x128xf32, #tpu.memory_space<vmem_shared>>) dst(%arg7 : memref<128x128xf32, #tpu.memory_space<vmem>>)
      tpu.yield
    }) : () -> ()
    %mul3A_53 = arith.constant 10240 : i32
    %mul3A_54 = arith.muli %arg0, %mul3A_53 : i32
    %add3A_55 = arith.addi %mul3A_54, %add3A_52 : i32
    "tpu.region"() ({
      %run_scoped3A = tpu.sem_alloc : memref<!tpu.dma_semaphore, #tpu.memory_space<semaphore_mem>>
      %dma_start3A = arith.constant 0 : i32
      %dma_start3A_56 = tpu.memref_slice %arg5[%add3A_55, %dma_start3A] : memref<20480x128xf32, #tpu.memory_space<hbm>> -> memref<128x128xf32, #tpu.memory_space<hbm>>
      %dma_start3A_57 = arith.constant 0 : i32
      %dma_start3A_58 = tpu.memref_slice %arg5[%add3A_55, %dma_start3A_57] : memref<20480x128xf32, #tpu.memory_space<hbm>> -> memref<128x128xf32, #tpu.memory_space<hbm>>
      tpu.enqueue_dma source(%arg7 : memref<128x128xf32, #tpu.memory_space<vmem>>) target(%dma_start3A_58 : memref<128x128xf32, #tpu.memory_space<hbm>>) target_semaphore(%run_scoped3A : memref<!tpu.dma_semaphore, #tpu.memory_space<semaphore_mem>>)
      %dma_wait3A = arith.constant 0 : i32
      %dma_wait3A_59 = tpu.memref_slice %arg5[%add3A_55, %dma_wait3A] : memref<20480x128xf32, #tpu.memory_space<hbm>> -> memref<128x128xf32, #tpu.memory_space<hbm>>
      %dma_wait3A_60 = arith.constant 0 : i32
      %dma_wait3A_61 = tpu.memref_slice %arg5[%add3A_55, %dma_wait3A_60] : memref<20480x128xf32, #tpu.memory_space<hbm>> -> memref<128x128xf32, #tpu.memory_space<hbm>>
      tpu.wait_dma2 semaphore(%run_scoped3A : memref<!tpu.dma_semaphore, #tpu.memory_space<semaphore_mem>>) src(%arg7 : memref<128x128xf32, #tpu.memory_space<vmem>>) dst(%dma_wait3A_61 : memref<128x128xf32, #tpu.memory_space<hbm>>)
      tpu.yield
    }) : () -> ()
    return
  }
}

#map = affine_map<(d0, d1) -> (0, 0)>
#map1 = affine_map<(d0, d1) -> (0, 0, 0)>
module attributes {stable_mosaic.version = 14 : i64} {
  func.func @_agg_split(%arg0: i32, %arg1: i32, %arg2: memref<10240x128xf32, #tpu.memory_space<hbm>>, %arg3: memref<16x80x128xi32, #tpu.memory_space<hbm>>, %arg4: memref<16x80x128xi32, #tpu.memory_space<hbm>>, %arg5: memref<128x128xf32, #tpu.memory_space<hbm>>, %arg6: memref<20480x128xf32, #tpu.memory_space<hbm>>, %arg7: memref<10240x128xf32, #tpu.memory_space<vmem_shared>>, %arg8: memref<128x128xf32, #tpu.memory_space<vmem>>, %arg9: memref<128x128xf32, #tpu.memory_space<vmem>>, %arg10: memref<8x128xi32, #tpu.memory_space<vmem>>, %arg11: memref<8x128xi32, #tpu.memory_space<vmem>>, %arg12: memref<!tpu.dma_semaphore, #tpu.memory_space<semaphore_mem>>, %arg13: memref<!tpu.dma_semaphore, #tpu.memory_space<semaphore_mem>>) attributes {dimension_semantics = [#tpu.dimension_semantics<core_parallel>, #tpu.dimension_semantics<subcore_parallel>], iteration_bounds = array<i64: 2, 16>, scalar_prefetch = 0 : i64, scratch_operands = 7 : i64, tpu.core_type = #tpu.core_type<sc_vector_subcore>, window_params = [{transform_indices = #map}, {transform_indices = #map1}, {transform_indices = #map1}, {transform_indices = #map}, {transform_indices = #map}]} {
    %mul3A = arith.constant 640 : i32
    %mul3A_0 = arith.muli %arg1, %mul3A : i32
    %eq3A = arith.constant 0 : i32
    %eq3A_1 = arith.cmpi eq, %arg0, %eq3A : i32
    %convert_element_type3A = arith.extui %eq3A_1 : i1 to i32
    %cond3A = arith.constant 0 : i32
    %cond3A_2 = arith.cmpi ne, %convert_element_type3A, %cond3A : i32
    scf.if %cond3A_2 {
      %add3A_38 = arith.constant 0 : i32
      %add3A_39 = arith.addi %mul3A_0, %add3A_38 : i32
      "tpu.region"() ({
        %run_scoped3A = tpu.sem_alloc : memref<!tpu.dma_semaphore, #tpu.memory_space<semaphore_mem>>
        %dma_start3A = arith.constant 0 : i32
        %dma_start3A_48 = tpu.memref_slice %arg2[%add3A_39, %dma_start3A] : memref<10240x128xf32, #tpu.memory_space<hbm>> -> memref<128x128xf32, #tpu.memory_space<hbm>>
        %dma_start3A_49 = arith.constant 0 : i32
        %dma_start3A_50 = tpu.memref_slice %arg2[%add3A_39, %dma_start3A_49] : memref<10240x128xf32, #tpu.memory_space<hbm>> -> memref<128x128xf32, #tpu.memory_space<hbm>>
        tpu.enqueue_dma source(%dma_start3A_50 : memref<128x128xf32, #tpu.memory_space<hbm>>) target(%arg8 : memref<128x128xf32, #tpu.memory_space<vmem>>) target_semaphore(%run_scoped3A : memref<!tpu.dma_semaphore, #tpu.memory_space<semaphore_mem>>)
        %dma_wait3A = arith.constant 0 : i32
        %dma_wait3A_51 = tpu.memref_slice %arg2[%add3A_39, %dma_wait3A] : memref<10240x128xf32, #tpu.memory_space<hbm>> -> memref<128x128xf32, #tpu.memory_space<hbm>>
        %dma_wait3A_52 = arith.constant 0 : i32
        %dma_wait3A_53 = tpu.memref_slice %arg2[%add3A_39, %dma_wait3A_52] : memref<10240x128xf32, #tpu.memory_space<hbm>> -> memref<128x128xf32, #tpu.memory_space<hbm>>
        tpu.wait_dma2 semaphore(%run_scoped3A : memref<!tpu.dma_semaphore, #tpu.memory_space<semaphore_mem>>) src(%dma_wait3A_53 : memref<128x128xf32, #tpu.memory_space<hbm>>) dst(%arg8 : memref<128x128xf32, #tpu.memory_space<vmem>>)
        tpu.yield
      }) : () -> ()
      "tpu.region"() ({
        %run_scoped3A = tpu.sem_alloc : memref<!tpu.dma_semaphore, #tpu.memory_space<semaphore_mem>>
        %dma_start3A = arith.constant 0 : i32
        %dma_start3A_48 = tpu.memref_slice %arg7[%add3A_39, %dma_start3A] : memref<10240x128xf32, #tpu.memory_space<vmem_shared>> -> memref<128x128xf32, #tpu.memory_space<vmem_shared>>
        %dma_start3A_49 = arith.constant 0 : i32
        %dma_start3A_50 = tpu.memref_slice %arg7[%add3A_39, %dma_start3A_49] : memref<10240x128xf32, #tpu.memory_space<vmem_shared>> -> memref<128x128xf32, #tpu.memory_space<vmem_shared>>
        tpu.enqueue_dma source(%arg8 : memref<128x128xf32, #tpu.memory_space<vmem>>) target(%dma_start3A_50 : memref<128x128xf32, #tpu.memory_space<vmem_shared>>) target_semaphore(%run_scoped3A : memref<!tpu.dma_semaphore, #tpu.memory_space<semaphore_mem>>)
        %dma_wait3A = arith.constant 0 : i32
        %dma_wait3A_51 = tpu.memref_slice %arg7[%add3A_39, %dma_wait3A] : memref<10240x128xf32, #tpu.memory_space<vmem_shared>> -> memref<128x128xf32, #tpu.memory_space<vmem_shared>>
        %dma_wait3A_52 = arith.constant 0 : i32
        %dma_wait3A_53 = tpu.memref_slice %arg7[%add3A_39, %dma_wait3A_52] : memref<10240x128xf32, #tpu.memory_space<vmem_shared>> -> memref<128x128xf32, #tpu.memory_space<vmem_shared>>
        tpu.wait_dma2 semaphore(%run_scoped3A : memref<!tpu.dma_semaphore, #tpu.memory_space<semaphore_mem>>) src(%arg8 : memref<128x128xf32, #tpu.memory_space<vmem>>) dst(%dma_wait3A_53 : memref<128x128xf32, #tpu.memory_space<vmem_shared>>)
        tpu.yield
      }) : () -> ()
      %add3A_40 = arith.constant 128 : i32
      %add3A_41 = arith.addi %mul3A_0, %add3A_40 : i32
      "tpu.region"() ({
        %run_scoped3A = tpu.sem_alloc : memref<!tpu.dma_semaphore, #tpu.memory_space<semaphore_mem>>
        %dma_start3A = arith.constant 0 : i32
        %dma_start3A_48 = tpu.memref_slice %arg2[%add3A_41, %dma_start3A] : memref<10240x128xf32, #tpu.memory_space<hbm>> -> memref<128x128xf32, #tpu.memory_space<hbm>>
        %dma_start3A_49 = arith.constant 0 : i32
        %dma_start3A_50 = tpu.memref_slice %arg2[%add3A_41, %dma_start3A_49] : memref<10240x128xf32, #tpu.memory_space<hbm>> -> memref<128x128xf32, #tpu.memory_space<hbm>>
        tpu.enqueue_dma source(%dma_start3A_50 : memref<128x128xf32, #tpu.memory_space<hbm>>) target(%arg8 : memref<128x128xf32, #tpu.memory_space<vmem>>) target_semaphore(%run_scoped3A : memref<!tpu.dma_semaphore, #tpu.memory_space<semaphore_mem>>)
        %dma_wait3A = arith.constant 0 : i32
        %dma_wait3A_51 = tpu.memref_slice %arg2[%add3A_41, %dma_wait3A] : memref<10240x128xf32, #tpu.memory_space<hbm>> -> memref<128x128xf32, #tpu.memory_space<hbm>>
        %dma_wait3A_52 = arith.constant 0 : i32
        %dma_wait3A_53 = tpu.memref_slice %arg2[%add3A_41, %dma_wait3A_52] : memref<10240x128xf32, #tpu.memory_space<hbm>> -> memref<128x128xf32, #tpu.memory_space<hbm>>
        tpu.wait_dma2 semaphore(%run_scoped3A : memref<!tpu.dma_semaphore, #tpu.memory_space<semaphore_mem>>) src(%dma_wait3A_53 : memref<128x128xf32, #tpu.memory_space<hbm>>) dst(%arg8 : memref<128x128xf32, #tpu.memory_space<vmem>>)
        tpu.yield
      }) : () -> ()
      "tpu.region"() ({
        %run_scoped3A = tpu.sem_alloc : memref<!tpu.dma_semaphore, #tpu.memory_space<semaphore_mem>>
        %dma_start3A = arith.constant 0 : i32
        %dma_start3A_48 = tpu.memref_slice %arg7[%add3A_41, %dma_start3A] : memref<10240x128xf32, #tpu.memory_space<vmem_shared>> -> memref<128x128xf32, #tpu.memory_space<vmem_shared>>
        %dma_start3A_49 = arith.constant 0 : i32
        %dma_start3A_50 = tpu.memref_slice %arg7[%add3A_41, %dma_start3A_49] : memref<10240x128xf32, #tpu.memory_space<vmem_shared>> -> memref<128x128xf32, #tpu.memory_space<vmem_shared>>
        tpu.enqueue_dma source(%arg8 : memref<128x128xf32, #tpu.memory_space<vmem>>) target(%dma_start3A_50 : memref<128x128xf32, #tpu.memory_space<vmem_shared>>) target_semaphore(%run_scoped3A : memref<!tpu.dma_semaphore, #tpu.memory_space<semaphore_mem>>)
        %dma_wait3A = arith.constant 0 : i32
        %dma_wait3A_51 = tpu.memref_slice %arg7[%add3A_41, %dma_wait3A] : memref<10240x128xf32, #tpu.memory_space<vmem_shared>> -> memref<128x128xf32, #tpu.memory_space<vmem_shared>>
        %dma_wait3A_52 = arith.constant 0 : i32
        %dma_wait3A_53 = tpu.memref_slice %arg7[%add3A_41, %dma_wait3A_52] : memref<10240x128xf32, #tpu.memory_space<vmem_shared>> -> memref<128x128xf32, #tpu.memory_space<vmem_shared>>
        tpu.wait_dma2 semaphore(%run_scoped3A : memref<!tpu.dma_semaphore, #tpu.memory_space<semaphore_mem>>) src(%arg8 : memref<128x128xf32, #tpu.memory_space<vmem>>) dst(%dma_wait3A_53 : memref<128x128xf32, #tpu.memory_space<vmem_shared>>)
        tpu.yield
      }) : () -> ()
      %add3A_42 = arith.constant 256 : i32
      %add3A_43 = arith.addi %mul3A_0, %add3A_42 : i32
      "tpu.region"() ({
        %run_scoped3A = tpu.sem_alloc : memref<!tpu.dma_semaphore, #tpu.memory_space<semaphore_mem>>
        %dma_start3A = arith.constant 0 : i32
        %dma_start3A_48 = tpu.memref_slice %arg2[%add3A_43, %dma_start3A] : memref<10240x128xf32, #tpu.memory_space<hbm>> -> memref<128x128xf32, #tpu.memory_space<hbm>>
        %dma_start3A_49 = arith.constant 0 : i32
        %dma_start3A_50 = tpu.memref_slice %arg2[%add3A_43, %dma_start3A_49] : memref<10240x128xf32, #tpu.memory_space<hbm>> -> memref<128x128xf32, #tpu.memory_space<hbm>>
        tpu.enqueue_dma source(%dma_start3A_50 : memref<128x128xf32, #tpu.memory_space<hbm>>) target(%arg8 : memref<128x128xf32, #tpu.memory_space<vmem>>) target_semaphore(%run_scoped3A : memref<!tpu.dma_semaphore, #tpu.memory_space<semaphore_mem>>)
        %dma_wait3A = arith.constant 0 : i32
        %dma_wait3A_51 = tpu.memref_slice %arg2[%add3A_43, %dma_wait3A] : memref<10240x128xf32, #tpu.memory_space<hbm>> -> memref<128x128xf32, #tpu.memory_space<hbm>>
        %dma_wait3A_52 = arith.constant 0 : i32
        %dma_wait3A_53 = tpu.memref_slice %arg2[%add3A_43, %dma_wait3A_52] : memref<10240x128xf32, #tpu.memory_space<hbm>> -> memref<128x128xf32, #tpu.memory_space<hbm>>
        tpu.wait_dma2 semaphore(%run_scoped3A : memref<!tpu.dma_semaphore, #tpu.memory_space<semaphore_mem>>) src(%dma_wait3A_53 : memref<128x128xf32, #tpu.memory_space<hbm>>) dst(%arg8 : memref<128x128xf32, #tpu.memory_space<vmem>>)
        tpu.yield
      }) : () -> ()
      "tpu.region"() ({
        %run_scoped3A = tpu.sem_alloc : memref<!tpu.dma_semaphore, #tpu.memory_space<semaphore_mem>>
        %dma_start3A = arith.constant 0 : i32
        %dma_start3A_48 = tpu.memref_slice %arg7[%add3A_43, %dma_start3A] : memref<10240x128xf32, #tpu.memory_space<vmem_shared>> -> memref<128x128xf32, #tpu.memory_space<vmem_shared>>
        %dma_start3A_49 = arith.constant 0 : i32
        %dma_start3A_50 = tpu.memref_slice %arg7[%add3A_43, %dma_start3A_49] : memref<10240x128xf32, #tpu.memory_space<vmem_shared>> -> memref<128x128xf32, #tpu.memory_space<vmem_shared>>
        tpu.enqueue_dma source(%arg8 : memref<128x128xf32, #tpu.memory_space<vmem>>) target(%dma_start3A_50 : memref<128x128xf32, #tpu.memory_space<vmem_shared>>) target_semaphore(%run_scoped3A : memref<!tpu.dma_semaphore, #tpu.memory_space<semaphore_mem>>)
        %dma_wait3A = arith.constant 0 : i32
        %dma_wait3A_51 = tpu.memref_slice %arg7[%add3A_43, %dma_wait3A] : memref<10240x128xf32, #tpu.memory_space<vmem_shared>> -> memref<128x128xf32, #tpu.memory_space<vmem_shared>>
        %dma_wait3A_52 = arith.constant 0 : i32
        %dma_wait3A_53 = tpu.memref_slice %arg7[%add3A_43, %dma_wait3A_52] : memref<10240x128xf32, #tpu.memory_space<vmem_shared>> -> memref<128x128xf32, #tpu.memory_space<vmem_shared>>
        tpu.wait_dma2 semaphore(%run_scoped3A : memref<!tpu.dma_semaphore, #tpu.memory_space<semaphore_mem>>) src(%arg8 : memref<128x128xf32, #tpu.memory_space<vmem>>) dst(%dma_wait3A_53 : memref<128x128xf32, #tpu.memory_space<vmem_shared>>)
        tpu.yield
      }) : () -> ()
      %add3A_44 = arith.constant 384 : i32
      %add3A_45 = arith.addi %mul3A_0, %add3A_44 : i32
      "tpu.region"() ({
        %run_scoped3A = tpu.sem_alloc : memref<!tpu.dma_semaphore, #tpu.memory_space<semaphore_mem>>
        %dma_start3A = arith.constant 0 : i32
        %dma_start3A_48 = tpu.memref_slice %arg2[%add3A_45, %dma_start3A] : memref<10240x128xf32, #tpu.memory_space<hbm>> -> memref<128x128xf32, #tpu.memory_space<hbm>>
        %dma_start3A_49 = arith.constant 0 : i32
        %dma_start3A_50 = tpu.memref_slice %arg2[%add3A_45, %dma_start3A_49] : memref<10240x128xf32, #tpu.memory_space<hbm>> -> memref<128x128xf32, #tpu.memory_space<hbm>>
        tpu.enqueue_dma source(%dma_start3A_50 : memref<128x128xf32, #tpu.memory_space<hbm>>) target(%arg8 : memref<128x128xf32, #tpu.memory_space<vmem>>) target_semaphore(%run_scoped3A : memref<!tpu.dma_semaphore, #tpu.memory_space<semaphore_mem>>)
        %dma_wait3A = arith.constant 0 : i32
        %dma_wait3A_51 = tpu.memref_slice %arg2[%add3A_45, %dma_wait3A] : memref<10240x128xf32, #tpu.memory_space<hbm>> -> memref<128x128xf32, #tpu.memory_space<hbm>>
        %dma_wait3A_52 = arith.constant 0 : i32
        %dma_wait3A_53 = tpu.memref_slice %arg2[%add3A_45, %dma_wait3A_52] : memref<10240x128xf32, #tpu.memory_space<hbm>> -> memref<128x128xf32, #tpu.memory_space<hbm>>
        tpu.wait_dma2 semaphore(%run_scoped3A : memref<!tpu.dma_semaphore, #tpu.memory_space<semaphore_mem>>) src(%dma_wait3A_53 : memref<128x128xf32, #tpu.memory_space<hbm>>) dst(%arg8 : memref<128x128xf32, #tpu.memory_space<vmem>>)
        tpu.yield
      }) : () -> ()
      "tpu.region"() ({
        %run_scoped3A = tpu.sem_alloc : memref<!tpu.dma_semaphore, #tpu.memory_space<semaphore_mem>>
        %dma_start3A = arith.constant 0 : i32
        %dma_start3A_48 = tpu.memref_slice %arg7[%add3A_45, %dma_start3A] : memref<10240x128xf32, #tpu.memory_space<vmem_shared>> -> memref<128x128xf32, #tpu.memory_space<vmem_shared>>
        %dma_start3A_49 = arith.constant 0 : i32
        %dma_start3A_50 = tpu.memref_slice %arg7[%add3A_45, %dma_start3A_49] : memref<10240x128xf32, #tpu.memory_space<vmem_shared>> -> memref<128x128xf32, #tpu.memory_space<vmem_shared>>
        tpu.enqueue_dma source(%arg8 : memref<128x128xf32, #tpu.memory_space<vmem>>) target(%dma_start3A_50 : memref<128x128xf32, #tpu.memory_space<vmem_shared>>) target_semaphore(%run_scoped3A : memref<!tpu.dma_semaphore, #tpu.memory_space<semaphore_mem>>)
        %dma_wait3A = arith.constant 0 : i32
        %dma_wait3A_51 = tpu.memref_slice %arg7[%add3A_45, %dma_wait3A] : memref<10240x128xf32, #tpu.memory_space<vmem_shared>> -> memref<128x128xf32, #tpu.memory_space<vmem_shared>>
        %dma_wait3A_52 = arith.constant 0 : i32
        %dma_wait3A_53 = tpu.memref_slice %arg7[%add3A_45, %dma_wait3A_52] : memref<10240x128xf32, #tpu.memory_space<vmem_shared>> -> memref<128x128xf32, #tpu.memory_space<vmem_shared>>
        tpu.wait_dma2 semaphore(%run_scoped3A : memref<!tpu.dma_semaphore, #tpu.memory_space<semaphore_mem>>) src(%arg8 : memref<128x128xf32, #tpu.memory_space<vmem>>) dst(%dma_wait3A_53 : memref<128x128xf32, #tpu.memory_space<vmem_shared>>)
        tpu.yield
      }) : () -> ()
      %add3A_46 = arith.constant 512 : i32
      %add3A_47 = arith.addi %mul3A_0, %add3A_46 : i32
      "tpu.region"() ({
        %run_scoped3A = tpu.sem_alloc : memref<!tpu.dma_semaphore, #tpu.memory_space<semaphore_mem>>
        %dma_start3A = arith.constant 0 : i32
        %dma_start3A_48 = tpu.memref_slice %arg2[%add3A_47, %dma_start3A] : memref<10240x128xf32, #tpu.memory_space<hbm>> -> memref<128x128xf32, #tpu.memory_space<hbm>>
        %dma_start3A_49 = arith.constant 0 : i32
        %dma_start3A_50 = tpu.memref_slice %arg2[%add3A_47, %dma_start3A_49] : memref<10240x128xf32, #tpu.memory_space<hbm>> -> memref<128x128xf32, #tpu.memory_space<hbm>>
        tpu.enqueue_dma source(%dma_start3A_50 : memref<128x128xf32, #tpu.memory_space<hbm>>) target(%arg8 : memref<128x128xf32, #tpu.memory_space<vmem>>) target_semaphore(%run_scoped3A : memref<!tpu.dma_semaphore, #tpu.memory_space<semaphore_mem>>)
        %dma_wait3A = arith.constant 0 : i32
        %dma_wait3A_51 = tpu.memref_slice %arg2[%add3A_47, %dma_wait3A] : memref<10240x128xf32, #tpu.memory_space<hbm>> -> memref<128x128xf32, #tpu.memory_space<hbm>>
        %dma_wait3A_52 = arith.constant 0 : i32
        %dma_wait3A_53 = tpu.memref_slice %arg2[%add3A_47, %dma_wait3A_52] : memref<10240x128xf32, #tpu.memory_space<hbm>> -> memref<128x128xf32, #tpu.memory_space<hbm>>
        tpu.wait_dma2 semaphore(%run_scoped3A : memref<!tpu.dma_semaphore, #tpu.memory_space<semaphore_mem>>) src(%dma_wait3A_53 : memref<128x128xf32, #tpu.memory_space<hbm>>) dst(%arg8 : memref<128x128xf32, #tpu.memory_space<vmem>>)
        tpu.yield
      }) : () -> ()
      "tpu.region"() ({
        %run_scoped3A = tpu.sem_alloc : memref<!tpu.dma_semaphore, #tpu.memory_space<semaphore_mem>>
        %dma_start3A = arith.constant 0 : i32
        %dma_start3A_48 = tpu.memref_slice %arg7[%add3A_47, %dma_start3A] : memref<10240x128xf32, #tpu.memory_space<vmem_shared>> -> memref<128x128xf32, #tpu.memory_space<vmem_shared>>
        %dma_start3A_49 = arith.constant 0 : i32
        %dma_start3A_50 = tpu.memref_slice %arg7[%add3A_47, %dma_start3A_49] : memref<10240x128xf32, #tpu.memory_space<vmem_shared>> -> memref<128x128xf32, #tpu.memory_space<vmem_shared>>
        tpu.enqueue_dma source(%arg8 : memref<128x128xf32, #tpu.memory_space<vmem>>) target(%dma_start3A_50 : memref<128x128xf32, #tpu.memory_space<vmem_shared>>) target_semaphore(%run_scoped3A : memref<!tpu.dma_semaphore, #tpu.memory_space<semaphore_mem>>)
        %dma_wait3A = arith.constant 0 : i32
        %dma_wait3A_51 = tpu.memref_slice %arg7[%add3A_47, %dma_wait3A] : memref<10240x128xf32, #tpu.memory_space<vmem_shared>> -> memref<128x128xf32, #tpu.memory_space<vmem_shared>>
        %dma_wait3A_52 = arith.constant 0 : i32
        %dma_wait3A_53 = tpu.memref_slice %arg7[%add3A_47, %dma_wait3A_52] : memref<10240x128xf32, #tpu.memory_space<vmem_shared>> -> memref<128x128xf32, #tpu.memory_space<vmem_shared>>
        tpu.wait_dma2 semaphore(%run_scoped3A : memref<!tpu.dma_semaphore, #tpu.memory_space<semaphore_mem>>) src(%arg8 : memref<128x128xf32, #tpu.memory_space<vmem>>) dst(%dma_wait3A_53 : memref<128x128xf32, #tpu.memory_space<vmem_shared>>)
        tpu.yield
      }) : () -> ()
    } else {
    }
    %eq3A_3 = arith.constant 1 : i32
    %eq3A_4 = arith.cmpi eq, %arg0, %eq3A_3 : i32
    %convert_element_type3A_5 = arith.extui %eq3A_4 : i1 to i32
    %cond3A_6 = arith.constant 0 : i32
    %cond3A_7 = arith.cmpi ne, %convert_element_type3A_5, %cond3A_6 : i32
    scf.if %cond3A_7 {
      "tpu.region"() ({
        %run_scoped3A = tpu.sem_alloc : memref<!tpu.dma_semaphore, #tpu.memory_space<semaphore_mem>>
        tpu.enqueue_dma source(%arg5 : memref<128x128xf32, #tpu.memory_space<hbm>>) target(%arg8 : memref<128x128xf32, #tpu.memory_space<vmem>>) target_semaphore(%run_scoped3A : memref<!tpu.dma_semaphore, #tpu.memory_space<semaphore_mem>>)
        tpu.wait_dma2 semaphore(%run_scoped3A : memref<!tpu.dma_semaphore, #tpu.memory_space<semaphore_mem>>) src(%arg5 : memref<128x128xf32, #tpu.memory_space<hbm>>) dst(%arg8 : memref<128x128xf32, #tpu.memory_space<vmem>>)
        tpu.yield
      }) : () -> ()
      %add3A_38 = arith.constant 0 : i32
      %add3A_39 = arith.addi %mul3A_0, %add3A_38 : i32
      "tpu.region"() ({
        %run_scoped3A = tpu.sem_alloc : memref<!tpu.dma_semaphore, #tpu.memory_space<semaphore_mem>>
        %dma_start3A = arith.constant 0 : i32
        %dma_start3A_48 = tpu.memref_slice %arg7[%add3A_39, %dma_start3A] : memref<10240x128xf32, #tpu.memory_space<vmem_shared>> -> memref<128x128xf32, #tpu.memory_space<vmem_shared>>
        %dma_start3A_49 = arith.constant 0 : i32
        %dma_start3A_50 = tpu.memref_slice %arg7[%add3A_39, %dma_start3A_49] : memref<10240x128xf32, #tpu.memory_space<vmem_shared>> -> memref<128x128xf32, #tpu.memory_space<vmem_shared>>
        tpu.enqueue_dma source(%arg8 : memref<128x128xf32, #tpu.memory_space<vmem>>) target(%dma_start3A_50 : memref<128x128xf32, #tpu.memory_space<vmem_shared>>) target_semaphore(%run_scoped3A : memref<!tpu.dma_semaphore, #tpu.memory_space<semaphore_mem>>)
        %dma_wait3A = arith.constant 0 : i32
        %dma_wait3A_51 = tpu.memref_slice %arg7[%add3A_39, %dma_wait3A] : memref<10240x128xf32, #tpu.memory_space<vmem_shared>> -> memref<128x128xf32, #tpu.memory_space<vmem_shared>>
        %dma_wait3A_52 = arith.constant 0 : i32
        %dma_wait3A_53 = tpu.memref_slice %arg7[%add3A_39, %dma_wait3A_52] : memref<10240x128xf32, #tpu.memory_space<vmem_shared>> -> memref<128x128xf32, #tpu.memory_space<vmem_shared>>
        tpu.wait_dma2 semaphore(%run_scoped3A : memref<!tpu.dma_semaphore, #tpu.memory_space<semaphore_mem>>) src(%arg8 : memref<128x128xf32, #tpu.memory_space<vmem>>) dst(%dma_wait3A_53 : memref<128x128xf32, #tpu.memory_space<vmem_shared>>)
        tpu.yield
      }) : () -> ()
      %add3A_40 = arith.constant 128 : i32
      %add3A_41 = arith.addi %mul3A_0, %add3A_40 : i32
      "tpu.region"() ({
        %run_scoped3A = tpu.sem_alloc : memref<!tpu.dma_semaphore, #tpu.memory_space<semaphore_mem>>
        %dma_start3A = arith.constant 0 : i32
        %dma_start3A_48 = tpu.memref_slice %arg7[%add3A_41, %dma_start3A] : memref<10240x128xf32, #tpu.memory_space<vmem_shared>> -> memref<128x128xf32, #tpu.memory_space<vmem_shared>>
        %dma_start3A_49 = arith.constant 0 : i32
        %dma_start3A_50 = tpu.memref_slice %arg7[%add3A_41, %dma_start3A_49] : memref<10240x128xf32, #tpu.memory_space<vmem_shared>> -> memref<128x128xf32, #tpu.memory_space<vmem_shared>>
        tpu.enqueue_dma source(%arg8 : memref<128x128xf32, #tpu.memory_space<vmem>>) target(%dma_start3A_50 : memref<128x128xf32, #tpu.memory_space<vmem_shared>>) target_semaphore(%run_scoped3A : memref<!tpu.dma_semaphore, #tpu.memory_space<semaphore_mem>>)
        %dma_wait3A = arith.constant 0 : i32
        %dma_wait3A_51 = tpu.memref_slice %arg7[%add3A_41, %dma_wait3A] : memref<10240x128xf32, #tpu.memory_space<vmem_shared>> -> memref<128x128xf32, #tpu.memory_space<vmem_shared>>
        %dma_wait3A_52 = arith.constant 0 : i32
        %dma_wait3A_53 = tpu.memref_slice %arg7[%add3A_41, %dma_wait3A_52] : memref<10240x128xf32, #tpu.memory_space<vmem_shared>> -> memref<128x128xf32, #tpu.memory_space<vmem_shared>>
        tpu.wait_dma2 semaphore(%run_scoped3A : memref<!tpu.dma_semaphore, #tpu.memory_space<semaphore_mem>>) src(%arg8 : memref<128x128xf32, #tpu.memory_space<vmem>>) dst(%dma_wait3A_53 : memref<128x128xf32, #tpu.memory_space<vmem_shared>>)
        tpu.yield
      }) : () -> ()
      %add3A_42 = arith.constant 256 : i32
      %add3A_43 = arith.addi %mul3A_0, %add3A_42 : i32
      "tpu.region"() ({
        %run_scoped3A = tpu.sem_alloc : memref<!tpu.dma_semaphore, #tpu.memory_space<semaphore_mem>>
        %dma_start3A = arith.constant 0 : i32
        %dma_start3A_48 = tpu.memref_slice %arg7[%add3A_43, %dma_start3A] : memref<10240x128xf32, #tpu.memory_space<vmem_shared>> -> memref<128x128xf32, #tpu.memory_space<vmem_shared>>
        %dma_start3A_49 = arith.constant 0 : i32
        %dma_start3A_50 = tpu.memref_slice %arg7[%add3A_43, %dma_start3A_49] : memref<10240x128xf32, #tpu.memory_space<vmem_shared>> -> memref<128x128xf32, #tpu.memory_space<vmem_shared>>
        tpu.enqueue_dma source(%arg8 : memref<128x128xf32, #tpu.memory_space<vmem>>) target(%dma_start3A_50 : memref<128x128xf32, #tpu.memory_space<vmem_shared>>) target_semaphore(%run_scoped3A : memref<!tpu.dma_semaphore, #tpu.memory_space<semaphore_mem>>)
        %dma_wait3A = arith.constant 0 : i32
        %dma_wait3A_51 = tpu.memref_slice %arg7[%add3A_43, %dma_wait3A] : memref<10240x128xf32, #tpu.memory_space<vmem_shared>> -> memref<128x128xf32, #tpu.memory_space<vmem_shared>>
        %dma_wait3A_52 = arith.constant 0 : i32
        %dma_wait3A_53 = tpu.memref_slice %arg7[%add3A_43, %dma_wait3A_52] : memref<10240x128xf32, #tpu.memory_space<vmem_shared>> -> memref<128x128xf32, #tpu.memory_space<vmem_shared>>
        tpu.wait_dma2 semaphore(%run_scoped3A : memref<!tpu.dma_semaphore, #tpu.memory_space<semaphore_mem>>) src(%arg8 : memref<128x128xf32, #tpu.memory_space<vmem>>) dst(%dma_wait3A_53 : memref<128x128xf32, #tpu.memory_space<vmem_shared>>)
        tpu.yield
      }) : () -> ()
      %add3A_44 = arith.constant 384 : i32
      %add3A_45 = arith.addi %mul3A_0, %add3A_44 : i32
      "tpu.region"() ({
        %run_scoped3A = tpu.sem_alloc : memref<!tpu.dma_semaphore, #tpu.memory_space<semaphore_mem>>
        %dma_start3A = arith.constant 0 : i32
        %dma_start3A_48 = tpu.memref_slice %arg7[%add3A_45, %dma_start3A] : memref<10240x128xf32, #tpu.memory_space<vmem_shared>> -> memref<128x128xf32, #tpu.memory_space<vmem_shared>>
        %dma_start3A_49 = arith.constant 0 : i32
        %dma_start3A_50 = tpu.memref_slice %arg7[%add3A_45, %dma_start3A_49] : memref<10240x128xf32, #tpu.memory_space<vmem_shared>> -> memref<128x128xf32, #tpu.memory_space<vmem_shared>>
        tpu.enqueue_dma source(%arg8 : memref<128x128xf32, #tpu.memory_space<vmem>>) target(%dma_start3A_50 : memref<128x128xf32, #tpu.memory_space<vmem_shared>>) target_semaphore(%run_scoped3A : memref<!tpu.dma_semaphore, #tpu.memory_space<semaphore_mem>>)
        %dma_wait3A = arith.constant 0 : i32
        %dma_wait3A_51 = tpu.memref_slice %arg7[%add3A_45, %dma_wait3A] : memref<10240x128xf32, #tpu.memory_space<vmem_shared>> -> memref<128x128xf32, #tpu.memory_space<vmem_shared>>
        %dma_wait3A_52 = arith.constant 0 : i32
        %dma_wait3A_53 = tpu.memref_slice %arg7[%add3A_45, %dma_wait3A_52] : memref<10240x128xf32, #tpu.memory_space<vmem_shared>> -> memref<128x128xf32, #tpu.memory_space<vmem_shared>>
        tpu.wait_dma2 semaphore(%run_scoped3A : memref<!tpu.dma_semaphore, #tpu.memory_space<semaphore_mem>>) src(%arg8 : memref<128x128xf32, #tpu.memory_space<vmem>>) dst(%dma_wait3A_53 : memref<128x128xf32, #tpu.memory_space<vmem_shared>>)
        tpu.yield
      }) : () -> ()
      %add3A_46 = arith.constant 512 : i32
      %add3A_47 = arith.addi %mul3A_0, %add3A_46 : i32
      "tpu.region"() ({
        %run_scoped3A = tpu.sem_alloc : memref<!tpu.dma_semaphore, #tpu.memory_space<semaphore_mem>>
        %dma_start3A = arith.constant 0 : i32
        %dma_start3A_48 = tpu.memref_slice %arg7[%add3A_47, %dma_start3A] : memref<10240x128xf32, #tpu.memory_space<vmem_shared>> -> memref<128x128xf32, #tpu.memory_space<vmem_shared>>
        %dma_start3A_49 = arith.constant 0 : i32
        %dma_start3A_50 = tpu.memref_slice %arg7[%add3A_47, %dma_start3A_49] : memref<10240x128xf32, #tpu.memory_space<vmem_shared>> -> memref<128x128xf32, #tpu.memory_space<vmem_shared>>
        tpu.enqueue_dma source(%arg8 : memref<128x128xf32, #tpu.memory_space<vmem>>) target(%dma_start3A_50 : memref<128x128xf32, #tpu.memory_space<vmem_shared>>) target_semaphore(%run_scoped3A : memref<!tpu.dma_semaphore, #tpu.memory_space<semaphore_mem>>)
        %dma_wait3A = arith.constant 0 : i32
        %dma_wait3A_51 = tpu.memref_slice %arg7[%add3A_47, %dma_wait3A] : memref<10240x128xf32, #tpu.memory_space<vmem_shared>> -> memref<128x128xf32, #tpu.memory_space<vmem_shared>>
        %dma_wait3A_52 = arith.constant 0 : i32
        %dma_wait3A_53 = tpu.memref_slice %arg7[%add3A_47, %dma_wait3A_52] : memref<10240x128xf32, #tpu.memory_space<vmem_shared>> -> memref<128x128xf32, #tpu.memory_space<vmem_shared>>
        tpu.wait_dma2 semaphore(%run_scoped3A : memref<!tpu.dma_semaphore, #tpu.memory_space<semaphore_mem>>) src(%arg8 : memref<128x128xf32, #tpu.memory_space<vmem>>) dst(%dma_wait3A_53 : memref<128x128xf32, #tpu.memory_space<vmem_shared>>)
        tpu.yield
      }) : () -> ()
    } else {
    }
    %barrier3A = arith.constant 0 : index
    tpu.barrier barrier_id(%barrier3A)
    %scan3A = arith.constant 0 : i32
    %scan3A_8 = arith.constant 0 : i32
    %scan3A_9 = arith.constant 5 : i32
    %scan3A_10 = arith.addi %scan3A_8, %scan3A_9 : i32
    %scan3A_11 = arith.constant 1 : i32
    scf.for %scan3A_38 = %scan3A_8 to %scan3A_10 step %scan3A_11  : i32 {
      %mul3A_39 = arith.constant 40 : i32
      %mul3A_40 = arith.muli %arg0, %mul3A_39 : i32
      %mul3A_41 = arith.constant 8 : i32
      %mul3A_42 = arith.muli %scan3A_38, %mul3A_41 : i32
      %add3A_43 = arith.addi %mul3A_40, %mul3A_42 : i32
      "tpu.region"() ({
        %run_scoped3A = tpu.sem_alloc : memref<!tpu.dma_semaphore, #tpu.memory_space<semaphore_mem>>
        %dma_start3A_56 = arith.constant 0 : i32
        %dma_start3A_57 = tpu.memref_slice %arg3[%arg1, %add3A_43, %dma_start3A_56] : memref<16x80x128xi32, #tpu.memory_space<hbm>> -> memref<1x8x128xi32, #tpu.memory_space<hbm>>
        %dma_start3A_58 = tpu.memref_squeeze %dma_start3A_57 : memref<1x8x128xi32, #tpu.memory_space<hbm>> -> memref<8x128xi32, #tpu.memory_space<hbm>>
        %dma_start3A_59 = arith.constant 0 : i32
        %dma_start3A_60 = tpu.memref_slice %arg3[%arg1, %add3A_43, %dma_start3A_59] : memref<16x80x128xi32, #tpu.memory_space<hbm>> -> memref<1x8x128xi32, #tpu.memory_space<hbm>>
        %dma_start3A_61 = tpu.memref_squeeze %dma_start3A_60 : memref<1x8x128xi32, #tpu.memory_space<hbm>> -> memref<8x128xi32, #tpu.memory_space<hbm>>
        tpu.enqueue_dma source(%dma_start3A_61 : memref<8x128xi32, #tpu.memory_space<hbm>>) target(%arg10 : memref<8x128xi32, #tpu.memory_space<vmem>>) target_semaphore(%run_scoped3A : memref<!tpu.dma_semaphore, #tpu.memory_space<semaphore_mem>>)
        %dma_wait3A = arith.constant 0 : i32
        %dma_wait3A_62 = tpu.memref_slice %arg3[%arg1, %add3A_43, %dma_wait3A] : memref<16x80x128xi32, #tpu.memory_space<hbm>> -> memref<1x8x128xi32, #tpu.memory_space<hbm>>
        %dma_wait3A_63 = tpu.memref_squeeze %dma_wait3A_62 : memref<1x8x128xi32, #tpu.memory_space<hbm>> -> memref<8x128xi32, #tpu.memory_space<hbm>>
        %dma_wait3A_64 = arith.constant 0 : i32
        %dma_wait3A_65 = tpu.memref_slice %arg3[%arg1, %add3A_43, %dma_wait3A_64] : memref<16x80x128xi32, #tpu.memory_space<hbm>> -> memref<1x8x128xi32, #tpu.memory_space<hbm>>
        %dma_wait3A_66 = tpu.memref_squeeze %dma_wait3A_65 : memref<1x8x128xi32, #tpu.memory_space<hbm>> -> memref<8x128xi32, #tpu.memory_space<hbm>>
        tpu.wait_dma2 semaphore(%run_scoped3A : memref<!tpu.dma_semaphore, #tpu.memory_space<semaphore_mem>>) src(%dma_wait3A_66 : memref<8x128xi32, #tpu.memory_space<hbm>>) dst(%arg10 : memref<8x128xi32, #tpu.memory_space<vmem>>)
        tpu.yield
      }) : () -> ()
      "tpu.region"() ({
        %run_scoped3A = tpu.sem_alloc : memref<!tpu.dma_semaphore, #tpu.memory_space<semaphore_mem>>
        %dma_start3A_56 = arith.constant 0 : i32
        %dma_start3A_57 = tpu.memref_slice %arg4[%arg1, %add3A_43, %dma_start3A_56] : memref<16x80x128xi32, #tpu.memory_space<hbm>> -> memref<1x8x128xi32, #tpu.memory_space<hbm>>
        %dma_start3A_58 = tpu.memref_squeeze %dma_start3A_57 : memref<1x8x128xi32, #tpu.memory_space<hbm>> -> memref<8x128xi32, #tpu.memory_space<hbm>>
        %dma_start3A_59 = arith.constant 0 : i32
        %dma_start3A_60 = tpu.memref_slice %arg4[%arg1, %add3A_43, %dma_start3A_59] : memref<16x80x128xi32, #tpu.memory_space<hbm>> -> memref<1x8x128xi32, #tpu.memory_space<hbm>>
        %dma_start3A_61 = tpu.memref_squeeze %dma_start3A_60 : memref<1x8x128xi32, #tpu.memory_space<hbm>> -> memref<8x128xi32, #tpu.memory_space<hbm>>
        tpu.enqueue_dma source(%dma_start3A_61 : memref<8x128xi32, #tpu.memory_space<hbm>>) target(%arg11 : memref<8x128xi32, #tpu.memory_space<vmem>>) target_semaphore(%run_scoped3A : memref<!tpu.dma_semaphore, #tpu.memory_space<semaphore_mem>>)
        %dma_wait3A = arith.constant 0 : i32
        %dma_wait3A_62 = tpu.memref_slice %arg4[%arg1, %add3A_43, %dma_wait3A] : memref<16x80x128xi32, #tpu.memory_space<hbm>> -> memref<1x8x128xi32, #tpu.memory_space<hbm>>
        %dma_wait3A_63 = tpu.memref_squeeze %dma_wait3A_62 : memref<1x8x128xi32, #tpu.memory_space<hbm>> -> memref<8x128xi32, #tpu.memory_space<hbm>>
        %dma_wait3A_64 = arith.constant 0 : i32
        %dma_wait3A_65 = tpu.memref_slice %arg4[%arg1, %add3A_43, %dma_wait3A_64] : memref<16x80x128xi32, #tpu.memory_space<hbm>> -> memref<1x8x128xi32, #tpu.memory_space<hbm>>
        %dma_wait3A_66 = tpu.memref_squeeze %dma_wait3A_65 : memref<1x8x128xi32, #tpu.memory_space<hbm>> -> memref<8x128xi32, #tpu.memory_space<hbm>>
        tpu.wait_dma2 semaphore(%run_scoped3A : memref<!tpu.dma_semaphore, #tpu.memory_space<semaphore_mem>>) src(%dma_wait3A_66 : memref<8x128xi32, #tpu.memory_space<hbm>>) dst(%arg11 : memref<8x128xi32, #tpu.memory_space<vmem>>)
        tpu.yield
      }) : () -> ()
      %dma_start3A = arith.constant 0 : i32
      %dma_start3A_44 = arith.constant 0 : i32
      %dma_start3A_45 = tpu.memref_slice %arg10[%dma_start3A, %dma_start3A_44] : memref<8x128xi32, #tpu.memory_space<vmem>> -> memref<1x128xi32, #tpu.memory_space<vmem>>
      %dma_start3A_46 = tpu.memref_squeeze %dma_start3A_45 : memref<1x128xi32, #tpu.memory_space<vmem>> -> memref<128xi32, #tpu.memory_space<vmem>>
      %dma_start3A_47 = arith.constant 0 : i32
      %dma_start3A_48 = arith.constant 0 : i32
      %dma_start3A_49 = tpu.memref_slice %arg2[%dma_start3A_47, %dma_start3A_48] : memref<10240x128xf32, #tpu.memory_space<hbm>> -> memref<10240x128xf32, #tpu.memory_space<hbm>>
      tpu.enqueue_indirect_dma source(%dma_start3A_49 : memref<10240x128xf32, #tpu.memory_space<hbm>>) target(%arg8 : memref<128x128xf32, #tpu.memory_space<vmem>>) offsets(%dma_start3A_46 : memref<128xi32, #tpu.memory_space<vmem>>) semaphore(%arg12 : memref<!tpu.dma_semaphore, #tpu.memory_space<semaphore_mem>>)
      %scan3A_50 = arith.constant 0 : i32
      %scan3A_51 = arith.constant 0 : i32
      %scan3A_52 = arith.constant 4 : i32
      %scan3A_53 = arith.addi %scan3A_51, %scan3A_52 : i32
      %scan3A_54 = arith.constant 1 : i32
      scf.for %scan3A_56 = %scan3A_51 to %scan3A_53 step %scan3A_54  : i32 {
        %mul3A_57 = arith.constant 2 : i32
        %mul3A_58 = arith.muli %scan3A_56, %mul3A_57 : i32
        %add3A_59 = arith.constant 1 : i32
        %add3A_60 = arith.addi %mul3A_58, %add3A_59 : i32
        %dma_start3A_61 = arith.constant 0 : i32
        %dma_start3A_62 = tpu.memref_slice %arg10[%add3A_60, %dma_start3A_61] : memref<8x128xi32, #tpu.memory_space<vmem>> -> memref<1x128xi32, #tpu.memory_space<vmem>>
        %dma_start3A_63 = tpu.memref_squeeze %dma_start3A_62 : memref<1x128xi32, #tpu.memory_space<vmem>> -> memref<128xi32, #tpu.memory_space<vmem>>
        %dma_start3A_64 = arith.constant 0 : i32
        %dma_start3A_65 = arith.constant 0 : i32
        %dma_start3A_66 = tpu.memref_slice %arg2[%dma_start3A_64, %dma_start3A_65] : memref<10240x128xf32, #tpu.memory_space<hbm>> -> memref<10240x128xf32, #tpu.memory_space<hbm>>
        tpu.enqueue_indirect_dma source(%dma_start3A_66 : memref<10240x128xf32, #tpu.memory_space<hbm>>) target(%arg9 : memref<128x128xf32, #tpu.memory_space<vmem>>) offsets(%dma_start3A_63 : memref<128xi32, #tpu.memory_space<vmem>>) semaphore(%arg13 : memref<!tpu.dma_semaphore, #tpu.memory_space<semaphore_mem>>)
        %dma_wait3A = arith.constant 0 : i32
        %dma_wait3A_67 = arith.constant 0 : i32
        %dma_wait3A_68 = tpu.memref_slice %arg10[%dma_wait3A, %dma_wait3A_67] : memref<8x128xi32, #tpu.memory_space<vmem>> -> memref<1x128xi32, #tpu.memory_space<vmem>>
        %dma_wait3A_69 = tpu.memref_squeeze %dma_wait3A_68 : memref<1x128xi32, #tpu.memory_space<vmem>> -> memref<128xi32, #tpu.memory_space<vmem>>
        %dma_wait3A_70 = arith.constant 0 : i32
        %dma_wait3A_71 = arith.constant 0 : i32
        %dma_wait3A_72 = tpu.memref_slice %arg2[%dma_wait3A_70, %dma_wait3A_71] : memref<10240x128xf32, #tpu.memory_space<hbm>> -> memref<10240x128xf32, #tpu.memory_space<hbm>>
        tpu.wait_indirect_dma semaphore(%arg12 : memref<!tpu.dma_semaphore, #tpu.memory_space<semaphore_mem>>) src(%dma_wait3A_72 : memref<10240x128xf32, #tpu.memory_space<hbm>>) dst(%arg8 : memref<128x128xf32, #tpu.memory_space<vmem>>)
        "tpu.region"() ({
          %run_scoped3A = tpu.sem_alloc : memref<!tpu.dma_semaphore, #tpu.memory_space<semaphore_mem>>
          %dma_start3A_86 = arith.constant 0 : i32
          %dma_start3A_87 = tpu.memref_slice %arg11[%mul3A_58, %dma_start3A_86] : memref<8x128xi32, #tpu.memory_space<vmem>> -> memref<1x128xi32, #tpu.memory_space<vmem>>
          %dma_start3A_88 = tpu.memref_squeeze %dma_start3A_87 : memref<1x128xi32, #tpu.memory_space<vmem>> -> memref<128xi32, #tpu.memory_space<vmem>>
          %dma_start3A_89 = arith.constant 0 : i32
          %dma_start3A_90 = arith.constant 0 : i32
          %dma_start3A_91 = tpu.memref_slice %arg7[%dma_start3A_89, %dma_start3A_90] : memref<10240x128xf32, #tpu.memory_space<vmem_shared>> -> memref<10240x128xf32, #tpu.memory_space<vmem_shared>>
          tpu.enqueue_indirect_dma source(%arg8 : memref<128x128xf32, #tpu.memory_space<vmem>>) target(%dma_start3A_91 : memref<10240x128xf32, #tpu.memory_space<vmem_shared>>) offsets(%dma_start3A_88 : memref<128xi32, #tpu.memory_space<vmem>>) semaphore(%run_scoped3A : memref<!tpu.dma_semaphore, #tpu.memory_space<semaphore_mem>>) {add = true}
          %dma_wait3A_92 = arith.constant 0 : i32
          %dma_wait3A_93 = tpu.memref_slice %arg11[%mul3A_58, %dma_wait3A_92] : memref<8x128xi32, #tpu.memory_space<vmem>> -> memref<1x128xi32, #tpu.memory_space<vmem>>
          %dma_wait3A_94 = tpu.memref_squeeze %dma_wait3A_93 : memref<1x128xi32, #tpu.memory_space<vmem>> -> memref<128xi32, #tpu.memory_space<vmem>>
          %dma_wait3A_95 = arith.constant 0 : i32
          %dma_wait3A_96 = arith.constant 0 : i32
          %dma_wait3A_97 = tpu.memref_slice %arg7[%dma_wait3A_95, %dma_wait3A_96] : memref<10240x128xf32, #tpu.memory_space<vmem_shared>> -> memref<10240x128xf32, #tpu.memory_space<vmem_shared>>
          tpu.wait_indirect_dma semaphore(%run_scoped3A : memref<!tpu.dma_semaphore, #tpu.memory_space<semaphore_mem>>) src(%arg8 : memref<128x128xf32, #tpu.memory_space<vmem>>) dst(%dma_wait3A_97 : memref<10240x128xf32, #tpu.memory_space<vmem_shared>>)
          tpu.yield
        }) : () -> ()
        %lt3A = arith.constant 3 : i32
        %lt3A_73 = arith.cmpi slt, %scan3A_56, %lt3A : i32
        %convert_element_type3A_74 = arith.extui %lt3A_73 : i1 to i32
        %cond3A_75 = arith.constant 0 : i32
        %cond3A_76 = arith.cmpi ne, %convert_element_type3A_74, %cond3A_75 : i32
        scf.if %cond3A_76 {
          %add3A_86 = arith.constant 2 : i32
          %add3A_87 = arith.addi %mul3A_58, %add3A_86 : i32
          %dma_start3A_88 = arith.constant 0 : i32
          %dma_start3A_89 = tpu.memref_slice %arg10[%add3A_87, %dma_start3A_88] : memref<8x128xi32, #tpu.memory_space<vmem>> -> memref<1x128xi32, #tpu.memory_space<vmem>>
          %dma_start3A_90 = tpu.memref_squeeze %dma_start3A_89 : memref<1x128xi32, #tpu.memory_space<vmem>> -> memref<128xi32, #tpu.memory_space<vmem>>
          %dma_start3A_91 = arith.constant 0 : i32
          %dma_start3A_92 = arith.constant 0 : i32
          %dma_start3A_93 = tpu.memref_slice %arg2[%dma_start3A_91, %dma_start3A_92] : memref<10240x128xf32, #tpu.memory_space<hbm>> -> memref<10240x128xf32, #tpu.memory_space<hbm>>
          tpu.enqueue_indirect_dma source(%dma_start3A_93 : memref<10240x128xf32, #tpu.memory_space<hbm>>) target(%arg8 : memref<128x128xf32, #tpu.memory_space<vmem>>) offsets(%dma_start3A_90 : memref<128xi32, #tpu.memory_space<vmem>>) semaphore(%arg12 : memref<!tpu.dma_semaphore, #tpu.memory_space<semaphore_mem>>)
        } else {
        }
        %dma_wait3A_77 = arith.constant 0 : i32
        %dma_wait3A_78 = arith.constant 0 : i32
        %dma_wait3A_79 = tpu.memref_slice %arg10[%dma_wait3A_77, %dma_wait3A_78] : memref<8x128xi32, #tpu.memory_space<vmem>> -> memref<1x128xi32, #tpu.memory_space<vmem>>
        %dma_wait3A_80 = tpu.memref_squeeze %dma_wait3A_79 : memref<1x128xi32, #tpu.memory_space<vmem>> -> memref<128xi32, #tpu.memory_space<vmem>>
        %dma_wait3A_81 = arith.constant 0 : i32
        %dma_wait3A_82 = arith.constant 0 : i32
        %dma_wait3A_83 = tpu.memref_slice %arg2[%dma_wait3A_81, %dma_wait3A_82] : memref<10240x128xf32, #tpu.memory_space<hbm>> -> memref<10240x128xf32, #tpu.memory_space<hbm>>
        tpu.wait_indirect_dma semaphore(%arg13 : memref<!tpu.dma_semaphore, #tpu.memory_space<semaphore_mem>>) src(%dma_wait3A_83 : memref<10240x128xf32, #tpu.memory_space<hbm>>) dst(%arg9 : memref<128x128xf32, #tpu.memory_space<vmem>>)
        %add3A_84 = arith.constant 1 : i32
        %add3A_85 = arith.addi %mul3A_58, %add3A_84 : i32
        "tpu.region"() ({
          %run_scoped3A = tpu.sem_alloc : memref<!tpu.dma_semaphore, #tpu.memory_space<semaphore_mem>>
          %dma_start3A_86 = arith.constant 0 : i32
          %dma_start3A_87 = tpu.memref_slice %arg11[%add3A_85, %dma_start3A_86] : memref<8x128xi32, #tpu.memory_space<vmem>> -> memref<1x128xi32, #tpu.memory_space<vmem>>
          %dma_start3A_88 = tpu.memref_squeeze %dma_start3A_87 : memref<1x128xi32, #tpu.memory_space<vmem>> -> memref<128xi32, #tpu.memory_space<vmem>>
          %dma_start3A_89 = arith.constant 0 : i32
          %dma_start3A_90 = arith.constant 0 : i32
          %dma_start3A_91 = tpu.memref_slice %arg7[%dma_start3A_89, %dma_start3A_90] : memref<10240x128xf32, #tpu.memory_space<vmem_shared>> -> memref<10240x128xf32, #tpu.memory_space<vmem_shared>>
          tpu.enqueue_indirect_dma source(%arg9 : memref<128x128xf32, #tpu.memory_space<vmem>>) target(%dma_start3A_91 : memref<10240x128xf32, #tpu.memory_space<vmem_shared>>) offsets(%dma_start3A_88 : memref<128xi32, #tpu.memory_space<vmem>>) semaphore(%run_scoped3A : memref<!tpu.dma_semaphore, #tpu.memory_space<semaphore_mem>>) {add = true}
          %dma_wait3A_92 = arith.constant 0 : i32
          %dma_wait3A_93 = tpu.memref_slice %arg11[%add3A_85, %dma_wait3A_92] : memref<8x128xi32, #tpu.memory_space<vmem>> -> memref<1x128xi32, #tpu.memory_space<vmem>>
          %dma_wait3A_94 = tpu.memref_squeeze %dma_wait3A_93 : memref<1x128xi32, #tpu.memory_space<vmem>> -> memref<128xi32, #tpu.memory_space<vmem>>
          %dma_wait3A_95 = arith.constant 0 : i32
          %dma_wait3A_96 = arith.constant 0 : i32
          %dma_wait3A_97 = tpu.memref_slice %arg7[%dma_wait3A_95, %dma_wait3A_96] : memref<10240x128xf32, #tpu.memory_space<vmem_shared>> -> memref<10240x128xf32, #tpu.memory_space<vmem_shared>>
          tpu.wait_indirect_dma semaphore(%run_scoped3A : memref<!tpu.dma_semaphore, #tpu.memory_space<semaphore_mem>>) src(%arg9 : memref<128x128xf32, #tpu.memory_space<vmem>>) dst(%dma_wait3A_97 : memref<10240x128xf32, #tpu.memory_space<vmem_shared>>)
          tpu.yield
        }) : () -> ()
      }
      %scan3A_55 = arith.constant 4 : i32
    }
    %scan3A_12 = arith.constant 5 : i32
    %barrier3A_13 = arith.constant 0 : index
    tpu.barrier barrier_id(%barrier3A_13)
    %add3A = arith.constant 0 : i32
    %add3A_14 = arith.addi %mul3A_0, %add3A : i32
    "tpu.region"() ({
      %run_scoped3A = tpu.sem_alloc : memref<!tpu.dma_semaphore, #tpu.memory_space<semaphore_mem>>
      %dma_start3A = arith.constant 0 : i32
      %dma_start3A_38 = tpu.memref_slice %arg7[%add3A_14, %dma_start3A] : memref<10240x128xf32, #tpu.memory_space<vmem_shared>> -> memref<128x128xf32, #tpu.memory_space<vmem_shared>>
      %dma_start3A_39 = arith.constant 0 : i32
      %dma_start3A_40 = tpu.memref_slice %arg7[%add3A_14, %dma_start3A_39] : memref<10240x128xf32, #tpu.memory_space<vmem_shared>> -> memref<128x128xf32, #tpu.memory_space<vmem_shared>>
      tpu.enqueue_dma source(%dma_start3A_40 : memref<128x128xf32, #tpu.memory_space<vmem_shared>>) target(%arg8 : memref<128x128xf32, #tpu.memory_space<vmem>>) target_semaphore(%run_scoped3A : memref<!tpu.dma_semaphore, #tpu.memory_space<semaphore_mem>>)
      %dma_wait3A = arith.constant 0 : i32
      %dma_wait3A_41 = tpu.memref_slice %arg7[%add3A_14, %dma_wait3A] : memref<10240x128xf32, #tpu.memory_space<vmem_shared>> -> memref<128x128xf32, #tpu.memory_space<vmem_shared>>
      %dma_wait3A_42 = arith.constant 0 : i32
      %dma_wait3A_43 = tpu.memref_slice %arg7[%add3A_14, %dma_wait3A_42] : memref<10240x128xf32, #tpu.memory_space<vmem_shared>> -> memref<128x128xf32, #tpu.memory_space<vmem_shared>>
      tpu.wait_dma2 semaphore(%run_scoped3A : memref<!tpu.dma_semaphore, #tpu.memory_space<semaphore_mem>>) src(%dma_wait3A_43 : memref<128x128xf32, #tpu.memory_space<vmem_shared>>) dst(%arg8 : memref<128x128xf32, #tpu.memory_space<vmem>>)
      tpu.yield
    }) : () -> ()
    %mul3A_15 = arith.constant 10240 : i32
    %mul3A_16 = arith.muli %arg0, %mul3A_15 : i32
    %add3A_17 = arith.addi %mul3A_16, %add3A_14 : i32
    "tpu.region"() ({
      %run_scoped3A = tpu.sem_alloc : memref<!tpu.dma_semaphore, #tpu.memory_space<semaphore_mem>>
      %dma_start3A = arith.constant 0 : i32
      %dma_start3A_38 = tpu.memref_slice %arg6[%add3A_17, %dma_start3A] : memref<20480x128xf32, #tpu.memory_space<hbm>> -> memref<128x128xf32, #tpu.memory_space<hbm>>
      %dma_start3A_39 = arith.constant 0 : i32
      %dma_start3A_40 = tpu.memref_slice %arg6[%add3A_17, %dma_start3A_39] : memref<20480x128xf32, #tpu.memory_space<hbm>> -> memref<128x128xf32, #tpu.memory_space<hbm>>
      tpu.enqueue_dma source(%arg8 : memref<128x128xf32, #tpu.memory_space<vmem>>) target(%dma_start3A_40 : memref<128x128xf32, #tpu.memory_space<hbm>>) target_semaphore(%run_scoped3A : memref<!tpu.dma_semaphore, #tpu.memory_space<semaphore_mem>>)
      %dma_wait3A = arith.constant 0 : i32
      %dma_wait3A_41 = tpu.memref_slice %arg6[%add3A_17, %dma_wait3A] : memref<20480x128xf32, #tpu.memory_space<hbm>> -> memref<128x128xf32, #tpu.memory_space<hbm>>
      %dma_wait3A_42 = arith.constant 0 : i32
      %dma_wait3A_43 = tpu.memref_slice %arg6[%add3A_17, %dma_wait3A_42] : memref<20480x128xf32, #tpu.memory_space<hbm>> -> memref<128x128xf32, #tpu.memory_space<hbm>>
      tpu.wait_dma2 semaphore(%run_scoped3A : memref<!tpu.dma_semaphore, #tpu.memory_space<semaphore_mem>>) src(%arg8 : memref<128x128xf32, #tpu.memory_space<vmem>>) dst(%dma_wait3A_43 : memref<128x128xf32, #tpu.memory_space<hbm>>)
      tpu.yield
    }) : () -> ()
    %add3A_18 = arith.constant 128 : i32
    %add3A_19 = arith.addi %mul3A_0, %add3A_18 : i32
    "tpu.region"() ({
      %run_scoped3A = tpu.sem_alloc : memref<!tpu.dma_semaphore, #tpu.memory_space<semaphore_mem>>
      %dma_start3A = arith.constant 0 : i32
      %dma_start3A_38 = tpu.memref_slice %arg7[%add3A_19, %dma_start3A] : memref<10240x128xf32, #tpu.memory_space<vmem_shared>> -> memref<128x128xf32, #tpu.memory_space<vmem_shared>>
      %dma_start3A_39 = arith.constant 0 : i32
      %dma_start3A_40 = tpu.memref_slice %arg7[%add3A_19, %dma_start3A_39] : memref<10240x128xf32, #tpu.memory_space<vmem_shared>> -> memref<128x128xf32, #tpu.memory_space<vmem_shared>>
      tpu.enqueue_dma source(%dma_start3A_40 : memref<128x128xf32, #tpu.memory_space<vmem_shared>>) target(%arg8 : memref<128x128xf32, #tpu.memory_space<vmem>>) target_semaphore(%run_scoped3A : memref<!tpu.dma_semaphore, #tpu.memory_space<semaphore_mem>>)
      %dma_wait3A = arith.constant 0 : i32
      %dma_wait3A_41 = tpu.memref_slice %arg7[%add3A_19, %dma_wait3A] : memref<10240x128xf32, #tpu.memory_space<vmem_shared>> -> memref<128x128xf32, #tpu.memory_space<vmem_shared>>
      %dma_wait3A_42 = arith.constant 0 : i32
      %dma_wait3A_43 = tpu.memref_slice %arg7[%add3A_19, %dma_wait3A_42] : memref<10240x128xf32, #tpu.memory_space<vmem_shared>> -> memref<128x128xf32, #tpu.memory_space<vmem_shared>>
      tpu.wait_dma2 semaphore(%run_scoped3A : memref<!tpu.dma_semaphore, #tpu.memory_space<semaphore_mem>>) src(%dma_wait3A_43 : memref<128x128xf32, #tpu.memory_space<vmem_shared>>) dst(%arg8 : memref<128x128xf32, #tpu.memory_space<vmem>>)
      tpu.yield
    }) : () -> ()
    %mul3A_20 = arith.constant 10240 : i32
    %mul3A_21 = arith.muli %arg0, %mul3A_20 : i32
    %add3A_22 = arith.addi %mul3A_21, %add3A_19 : i32
    "tpu.region"() ({
      %run_scoped3A = tpu.sem_alloc : memref<!tpu.dma_semaphore, #tpu.memory_space<semaphore_mem>>
      %dma_start3A = arith.constant 0 : i32
      %dma_start3A_38 = tpu.memref_slice %arg6[%add3A_22, %dma_start3A] : memref<20480x128xf32, #tpu.memory_space<hbm>> -> memref<128x128xf32, #tpu.memory_space<hbm>>
      %dma_start3A_39 = arith.constant 0 : i32
      %dma_start3A_40 = tpu.memref_slice %arg6[%add3A_22, %dma_start3A_39] : memref<20480x128xf32, #tpu.memory_space<hbm>> -> memref<128x128xf32, #tpu.memory_space<hbm>>
      tpu.enqueue_dma source(%arg8 : memref<128x128xf32, #tpu.memory_space<vmem>>) target(%dma_start3A_40 : memref<128x128xf32, #tpu.memory_space<hbm>>) target_semaphore(%run_scoped3A : memref<!tpu.dma_semaphore, #tpu.memory_space<semaphore_mem>>)
      %dma_wait3A = arith.constant 0 : i32
      %dma_wait3A_41 = tpu.memref_slice %arg6[%add3A_22, %dma_wait3A] : memref<20480x128xf32, #tpu.memory_space<hbm>> -> memref<128x128xf32, #tpu.memory_space<hbm>>
      %dma_wait3A_42 = arith.constant 0 : i32
      %dma_wait3A_43 = tpu.memref_slice %arg6[%add3A_22, %dma_wait3A_42] : memref<20480x128xf32, #tpu.memory_space<hbm>> -> memref<128x128xf32, #tpu.memory_space<hbm>>
      tpu.wait_dma2 semaphore(%run_scoped3A : memref<!tpu.dma_semaphore, #tpu.memory_space<semaphore_mem>>) src(%arg8 : memref<128x128xf32, #tpu.memory_space<vmem>>) dst(%dma_wait3A_43 : memref<128x128xf32, #tpu.memory_space<hbm>>)
      tpu.yield
    }) : () -> ()
    %add3A_23 = arith.constant 256 : i32
    %add3A_24 = arith.addi %mul3A_0, %add3A_23 : i32
    "tpu.region"() ({
      %run_scoped3A = tpu.sem_alloc : memref<!tpu.dma_semaphore, #tpu.memory_space<semaphore_mem>>
      %dma_start3A = arith.constant 0 : i32
      %dma_start3A_38 = tpu.memref_slice %arg7[%add3A_24, %dma_start3A] : memref<10240x128xf32, #tpu.memory_space<vmem_shared>> -> memref<128x128xf32, #tpu.memory_space<vmem_shared>>
      %dma_start3A_39 = arith.constant 0 : i32
      %dma_start3A_40 = tpu.memref_slice %arg7[%add3A_24, %dma_start3A_39] : memref<10240x128xf32, #tpu.memory_space<vmem_shared>> -> memref<128x128xf32, #tpu.memory_space<vmem_shared>>
      tpu.enqueue_dma source(%dma_start3A_40 : memref<128x128xf32, #tpu.memory_space<vmem_shared>>) target(%arg8 : memref<128x128xf32, #tpu.memory_space<vmem>>) target_semaphore(%run_scoped3A : memref<!tpu.dma_semaphore, #tpu.memory_space<semaphore_mem>>)
      %dma_wait3A = arith.constant 0 : i32
      %dma_wait3A_41 = tpu.memref_slice %arg7[%add3A_24, %dma_wait3A] : memref<10240x128xf32, #tpu.memory_space<vmem_shared>> -> memref<128x128xf32, #tpu.memory_space<vmem_shared>>
      %dma_wait3A_42 = arith.constant 0 : i32
      %dma_wait3A_43 = tpu.memref_slice %arg7[%add3A_24, %dma_wait3A_42] : memref<10240x128xf32, #tpu.memory_space<vmem_shared>> -> memref<128x128xf32, #tpu.memory_space<vmem_shared>>
      tpu.wait_dma2 semaphore(%run_scoped3A : memref<!tpu.dma_semaphore, #tpu.memory_space<semaphore_mem>>) src(%dma_wait3A_43 : memref<128x128xf32, #tpu.memory_space<vmem_shared>>) dst(%arg8 : memref<128x128xf32, #tpu.memory_space<vmem>>)
      tpu.yield
    }) : () -> ()
    %mul3A_25 = arith.constant 10240 : i32
    %mul3A_26 = arith.muli %arg0, %mul3A_25 : i32
    %add3A_27 = arith.addi %mul3A_26, %add3A_24 : i32
    "tpu.region"() ({
      %run_scoped3A = tpu.sem_alloc : memref<!tpu.dma_semaphore, #tpu.memory_space<semaphore_mem>>
      %dma_start3A = arith.constant 0 : i32
      %dma_start3A_38 = tpu.memref_slice %arg6[%add3A_27, %dma_start3A] : memref<20480x128xf32, #tpu.memory_space<hbm>> -> memref<128x128xf32, #tpu.memory_space<hbm>>
      %dma_start3A_39 = arith.constant 0 : i32
      %dma_start3A_40 = tpu.memref_slice %arg6[%add3A_27, %dma_start3A_39] : memref<20480x128xf32, #tpu.memory_space<hbm>> -> memref<128x128xf32, #tpu.memory_space<hbm>>
      tpu.enqueue_dma source(%arg8 : memref<128x128xf32, #tpu.memory_space<vmem>>) target(%dma_start3A_40 : memref<128x128xf32, #tpu.memory_space<hbm>>) target_semaphore(%run_scoped3A : memref<!tpu.dma_semaphore, #tpu.memory_space<semaphore_mem>>)
      %dma_wait3A = arith.constant 0 : i32
      %dma_wait3A_41 = tpu.memref_slice %arg6[%add3A_27, %dma_wait3A] : memref<20480x128xf32, #tpu.memory_space<hbm>> -> memref<128x128xf32, #tpu.memory_space<hbm>>
      %dma_wait3A_42 = arith.constant 0 : i32
      %dma_wait3A_43 = tpu.memref_slice %arg6[%add3A_27, %dma_wait3A_42] : memref<20480x128xf32, #tpu.memory_space<hbm>> -> memref<128x128xf32, #tpu.memory_space<hbm>>
      tpu.wait_dma2 semaphore(%run_scoped3A : memref<!tpu.dma_semaphore, #tpu.memory_space<semaphore_mem>>) src(%arg8 : memref<128x128xf32, #tpu.memory_space<vmem>>) dst(%dma_wait3A_43 : memref<128x128xf32, #tpu.memory_space<hbm>>)
      tpu.yield
    }) : () -> ()
    %add3A_28 = arith.constant 384 : i32
    %add3A_29 = arith.addi %mul3A_0, %add3A_28 : i32
    "tpu.region"() ({
      %run_scoped3A = tpu.sem_alloc : memref<!tpu.dma_semaphore, #tpu.memory_space<semaphore_mem>>
      %dma_start3A = arith.constant 0 : i32
      %dma_start3A_38 = tpu.memref_slice %arg7[%add3A_29, %dma_start3A] : memref<10240x128xf32, #tpu.memory_space<vmem_shared>> -> memref<128x128xf32, #tpu.memory_space<vmem_shared>>
      %dma_start3A_39 = arith.constant 0 : i32
      %dma_start3A_40 = tpu.memref_slice %arg7[%add3A_29, %dma_start3A_39] : memref<10240x128xf32, #tpu.memory_space<vmem_shared>> -> memref<128x128xf32, #tpu.memory_space<vmem_shared>>
      tpu.enqueue_dma source(%dma_start3A_40 : memref<128x128xf32, #tpu.memory_space<vmem_shared>>) target(%arg8 : memref<128x128xf32, #tpu.memory_space<vmem>>) target_semaphore(%run_scoped3A : memref<!tpu.dma_semaphore, #tpu.memory_space<semaphore_mem>>)
      %dma_wait3A = arith.constant 0 : i32
      %dma_wait3A_41 = tpu.memref_slice %arg7[%add3A_29, %dma_wait3A] : memref<10240x128xf32, #tpu.memory_space<vmem_shared>> -> memref<128x128xf32, #tpu.memory_space<vmem_shared>>
      %dma_wait3A_42 = arith.constant 0 : i32
      %dma_wait3A_43 = tpu.memref_slice %arg7[%add3A_29, %dma_wait3A_42] : memref<10240x128xf32, #tpu.memory_space<vmem_shared>> -> memref<128x128xf32, #tpu.memory_space<vmem_shared>>
      tpu.wait_dma2 semaphore(%run_scoped3A : memref<!tpu.dma_semaphore, #tpu.memory_space<semaphore_mem>>) src(%dma_wait3A_43 : memref<128x128xf32, #tpu.memory_space<vmem_shared>>) dst(%arg8 : memref<128x128xf32, #tpu.memory_space<vmem>>)
      tpu.yield
    }) : () -> ()
    %mul3A_30 = arith.constant 10240 : i32
    %mul3A_31 = arith.muli %arg0, %mul3A_30 : i32
    %add3A_32 = arith.addi %mul3A_31, %add3A_29 : i32
    "tpu.region"() ({
      %run_scoped3A = tpu.sem_alloc : memref<!tpu.dma_semaphore, #tpu.memory_space<semaphore_mem>>
      %dma_start3A = arith.constant 0 : i32
      %dma_start3A_38 = tpu.memref_slice %arg6[%add3A_32, %dma_start3A] : memref<20480x128xf32, #tpu.memory_space<hbm>> -> memref<128x128xf32, #tpu.memory_space<hbm>>
      %dma_start3A_39 = arith.constant 0 : i32
      %dma_start3A_40 = tpu.memref_slice %arg6[%add3A_32, %dma_start3A_39] : memref<20480x128xf32, #tpu.memory_space<hbm>> -> memref<128x128xf32, #tpu.memory_space<hbm>>
      tpu.enqueue_dma source(%arg8 : memref<128x128xf32, #tpu.memory_space<vmem>>) target(%dma_start3A_40 : memref<128x128xf32, #tpu.memory_space<hbm>>) target_semaphore(%run_scoped3A : memref<!tpu.dma_semaphore, #tpu.memory_space<semaphore_mem>>)
      %dma_wait3A = arith.constant 0 : i32
      %dma_wait3A_41 = tpu.memref_slice %arg6[%add3A_32, %dma_wait3A] : memref<20480x128xf32, #tpu.memory_space<hbm>> -> memref<128x128xf32, #tpu.memory_space<hbm>>
      %dma_wait3A_42 = arith.constant 0 : i32
      %dma_wait3A_43 = tpu.memref_slice %arg6[%add3A_32, %dma_wait3A_42] : memref<20480x128xf32, #tpu.memory_space<hbm>> -> memref<128x128xf32, #tpu.memory_space<hbm>>
      tpu.wait_dma2 semaphore(%run_scoped3A : memref<!tpu.dma_semaphore, #tpu.memory_space<semaphore_mem>>) src(%arg8 : memref<128x128xf32, #tpu.memory_space<vmem>>) dst(%dma_wait3A_43 : memref<128x128xf32, #tpu.memory_space<hbm>>)
      tpu.yield
    }) : () -> ()
    %add3A_33 = arith.constant 512 : i32
    %add3A_34 = arith.addi %mul3A_0, %add3A_33 : i32
    "tpu.region"() ({
      %run_scoped3A = tpu.sem_alloc : memref<!tpu.dma_semaphore, #tpu.memory_space<semaphore_mem>>
      %dma_start3A = arith.constant 0 : i32
      %dma_start3A_38 = tpu.memref_slice %arg7[%add3A_34, %dma_start3A] : memref<10240x128xf32, #tpu.memory_space<vmem_shared>> -> memref<128x128xf32, #tpu.memory_space<vmem_shared>>
      %dma_start3A_39 = arith.constant 0 : i32
      %dma_start3A_40 = tpu.memref_slice %arg7[%add3A_34, %dma_start3A_39] : memref<10240x128xf32, #tpu.memory_space<vmem_shared>> -> memref<128x128xf32, #tpu.memory_space<vmem_shared>>
      tpu.enqueue_dma source(%dma_start3A_40 : memref<128x128xf32, #tpu.memory_space<vmem_shared>>) target(%arg8 : memref<128x128xf32, #tpu.memory_space<vmem>>) target_semaphore(%run_scoped3A : memref<!tpu.dma_semaphore, #tpu.memory_space<semaphore_mem>>)
      %dma_wait3A = arith.constant 0 : i32
      %dma_wait3A_41 = tpu.memref_slice %arg7[%add3A_34, %dma_wait3A] : memref<10240x128xf32, #tpu.memory_space<vmem_shared>> -> memref<128x128xf32, #tpu.memory_space<vmem_shared>>
      %dma_wait3A_42 = arith.constant 0 : i32
      %dma_wait3A_43 = tpu.memref_slice %arg7[%add3A_34, %dma_wait3A_42] : memref<10240x128xf32, #tpu.memory_space<vmem_shared>> -> memref<128x128xf32, #tpu.memory_space<vmem_shared>>
      tpu.wait_dma2 semaphore(%run_scoped3A : memref<!tpu.dma_semaphore, #tpu.memory_space<semaphore_mem>>) src(%dma_wait3A_43 : memref<128x128xf32, #tpu.memory_space<vmem_shared>>) dst(%arg8 : memref<128x128xf32, #tpu.memory_space<vmem>>)
      tpu.yield
    }) : () -> ()
    %mul3A_35 = arith.constant 10240 : i32
    %mul3A_36 = arith.muli %arg0, %mul3A_35 : i32
    %add3A_37 = arith.addi %mul3A_36, %add3A_34 : i32
    "tpu.region"() ({
      %run_scoped3A = tpu.sem_alloc : memref<!tpu.dma_semaphore, #tpu.memory_space<semaphore_mem>>
      %dma_start3A = arith.constant 0 : i32
      %dma_start3A_38 = tpu.memref_slice %arg6[%add3A_37, %dma_start3A] : memref<20480x128xf32, #tpu.memory_space<hbm>> -> memref<128x128xf32, #tpu.memory_space<hbm>>
      %dma_start3A_39 = arith.constant 0 : i32
      %dma_start3A_40 = tpu.memref_slice %arg6[%add3A_37, %dma_start3A_39] : memref<20480x128xf32, #tpu.memory_space<hbm>> -> memref<128x128xf32, #tpu.memory_space<hbm>>
      tpu.enqueue_dma source(%arg8 : memref<128x128xf32, #tpu.memory_space<vmem>>) target(%dma_start3A_40 : memref<128x128xf32, #tpu.memory_space<hbm>>) target_semaphore(%run_scoped3A : memref<!tpu.dma_semaphore, #tpu.memory_space<semaphore_mem>>)
      %dma_wait3A = arith.constant 0 : i32
      %dma_wait3A_41 = tpu.memref_slice %arg6[%add3A_37, %dma_wait3A] : memref<20480x128xf32, #tpu.memory_space<hbm>> -> memref<128x128xf32, #tpu.memory_space<hbm>>
      %dma_wait3A_42 = arith.constant 0 : i32
      %dma_wait3A_43 = tpu.memref_slice %arg6[%add3A_37, %dma_wait3A_42] : memref<20480x128xf32, #tpu.memory_space<hbm>> -> memref<128x128xf32, #tpu.memory_space<hbm>>
      tpu.wait_dma2 semaphore(%run_scoped3A : memref<!tpu.dma_semaphore, #tpu.memory_space<semaphore_mem>>) src(%arg8 : memref<128x128xf32, #tpu.memory_space<vmem>>) dst(%dma_wait3A_43 : memref<128x128xf32, #tpu.memory_space<hbm>>)
      tpu.yield
    }) : () -> ()
    return
  }
}

module attributes {stable_mosaic.version = 14 : i64} {
  func.func @_pre_body(%arg0: i32, %arg1: memref<1024x256xf32, #tpu.memory_space<vmem>>, %arg2: memref<2x1024x16xf32, #tpu.memory_space<vmem>>, %arg3: memref<256x256xf32, #tpu.memory_space<vmem>>, %arg4: memref<2x1024x128xf32, #tpu.memory_space<vmem>>) attributes {dimension_semantics = [#tpu.dimension_semantics<arbitrary>], iteration_bounds = array<i64: 10>, scalar_prefetch = 0 : i64, scratch_operands = 0 : i64, tpu.core_type = #tpu.core_type<tc>, window_params = [{transform_indices = @transform_0, window_bounds = array<i64: 1024, 256>}, {transform_indices = @transform_1, window_bounds = array<i64: 2, 1024, 16>}, {pipeline_mode = #tpu.pipeline_mode<synchronous>, transform_indices = @transform_2, window_bounds = array<i64: 256, 256>}, {transform_indices = @transform_3, window_bounds = array<i64: 2, 1024, 128>}]} {
    %get3A = arith.constant 0 : index
    %get3A_0 = arith.constant 0 : index
    %get3A_1 = arith.constant 0 : index
    %get3A_2 = vector.load %arg2[%get3A, %get3A_0, %get3A_1] : memref<2x1024x16xf32, #tpu.memory_space<vmem>>, vector<1x1024x1xf32>
    %get3A_3 = vector.shape_cast %get3A_2 : vector<1x1024x1xf32> to vector<1024x1xf32>
    %get3A_4 = arith.constant 1 : index
    %get3A_5 = arith.constant 0 : index
    %get3A_6 = arith.constant 0 : index
    %get3A_7 = vector.load %arg2[%get3A_4, %get3A_5, %get3A_6] : memref<2x1024x16xf32, #tpu.memory_space<vmem>>, vector<1x1024x1xf32>
    %get3A_8 = vector.shape_cast %get3A_7 : vector<1x1024x1xf32> to vector<1024x1xf32>
    %add3A = arith.addf %get3A_3, %get3A_8 : vector<1024x1xf32>
    %add3A_9 = arith.constant 1.000000e+00 : f32
    %add3A_10 = vector.broadcast %add3A_9 : f32 to vector<1024x1xf32>
    %add3A_11 = arith.addf %add3A, %add3A_10 : vector<1024x1xf32>
    %rsqrt3A = math.rsqrt %add3A_11 : vector<1024x1xf32>
    %get3A_12 = arith.constant 0 : index
    %get3A_13 = arith.constant 0 : index
    %get3A_14 = vector.load %arg1[%get3A_12, %get3A_13] : memref<1024x256xf32, #tpu.memory_space<vmem>>, vector<1024x256xf32>
    %get3A_15 = arith.constant 0 : index
    %get3A_16 = arith.constant 0 : index
    %get3A_17 = vector.load %arg3[%get3A_15, %get3A_16] : memref<256x256xf32, #tpu.memory_space<vmem>>, vector<256x256xf32>
    %dot_general3A = arith.constant dense<0.000000e+00> : vector<1024x256xf32>
    %dot_general3A_18 = tpu.matmul %get3A_14, %get3A_17, %dot_general3A {dimension_numbers = #tpu.dot_dimension_numbers<[1], [0], [0], [1], [0, 0, 1, 1], [], []>, precision = #tpu.contract_precision<fp32>, transpose_lhs_hint = false} : vector<1024x256xf32>, vector<256x256xf32>, vector<1024x256xf32> -> vector<1024x256xf32>
    %mul3A = vector.broadcast %rsqrt3A : vector<1024x1xf32> to vector<1024x256xf32>
    %mul3A_19 = arith.mulf %mul3A, %dot_general3A_18 : vector<1024x256xf32>
    %slice3A = vector.extract_strided_slice %mul3A_19 {offsets = [0, 0], sizes = [1024, 128], strides = [1, 1]} : vector<1024x256xf32> to vector<1024x128xf32>
    %swap3A = arith.constant 0 : index
    %swap3A_20 = arith.constant 0 : index
    %swap3A_21 = arith.constant 0 : index
    %swap3A_22 = vector.load %arg4[%swap3A, %swap3A_20, %swap3A_21] : memref<2x1024x128xf32, #tpu.memory_space<vmem>>, vector<1x1024x128xf32>
    %swap3A_23 = vector.shape_cast %swap3A_22 : vector<1x1024x128xf32> to vector<1024x128xf32>
    %swap3A_24 = vector.shape_cast %slice3A : vector<1024x128xf32> to vector<1x1024x128xf32>
    tpu.vector_store %arg4[%swap3A, %swap3A_20, %swap3A_21], %swap3A_24 {strides = array<i32>} : memref<2x1024x128xf32, #tpu.memory_space<vmem>>, vector<1x1024x128xf32>,
    %slice3A_25 = vector.extract_strided_slice %mul3A_19 {offsets = [0, 128], sizes = [1024, 128], strides = [1, 1]} : vector<1024x256xf32> to vector<1024x128xf32>
    %swap3A_26 = arith.constant 1 : index
    %swap3A_27 = arith.constant 0 : index
    %swap3A_28 = arith.constant 0 : index
    %swap3A_29 = vector.load %arg4[%swap3A_26, %swap3A_27, %swap3A_28] : memref<2x1024x128xf32, #tpu.memory_space<vmem>>, vector<1x1024x128xf32>
    %swap3A_30 = vector.shape_cast %swap3A_29 : vector<1x1024x128xf32> to vector<1024x128xf32>
    %swap3A_31 = vector.shape_cast %slice3A_25 : vector<1024x128xf32> to vector<1x1024x128xf32>
    tpu.vector_store %arg4[%swap3A_26, %swap3A_27, %swap3A_28], %swap3A_31 {strides = array<i32>} : memref<2x1024x128xf32, #tpu.memory_space<vmem>>, vector<1x1024x128xf32>,
    return
  }
  func.func @transform_0(%arg0: i32) -> (i32, i32) {
    %c0_i32 = arith.constant 0 : i32
    %c0_i32_0 = arith.constant 0 : i32
    return %arg0, %c0_i32 : i32, i32
  }
  func.func @transform_1(%arg0: i32) -> (i32, i32, i32) {
    %c0_i32 = arith.constant 0 : i32
    %c0_i32_0 = arith.constant 0 : i32
    %c0_i32_1 = arith.constant 0 : i32
    return %c0_i32, %arg0, %c0_i32_0 : i32, i32, i32
  }
  func.func @transform_2(%arg0: i32) -> (i32, i32) {
    %c0_i32 = arith.constant 0 : i32
    %c0_i32_0 = arith.constant 0 : i32
    %c0_i32_1 = arith.constant 0 : i32
    return %c0_i32, %c0_i32_0 : i32, i32
  }
  func.func @transform_3(%arg0: i32) -> (i32, i32, i32) {
    %c0_i32 = arith.constant 0 : i32
    %c0_i32_0 = arith.constant 0 : i32
    %c0_i32_1 = arith.constant 0 : i32
    return %c0_i32, %arg0, %c0_i32_0 : i32, i32, i32
  }
}

module attributes {stable_mosaic.version = 14 : i64} {
  func.func @_mid_body(%arg0: i32, %arg1: memref<2x1024x128xf32, #tpu.memory_space<vmem>>, %arg2: memref<2x1024x16xf32, #tpu.memory_space<vmem>>, %arg3: memref<1x256xf32, #tpu.memory_space<vmem>>, %arg4: memref<1x256xf32, #tpu.memory_space<vmem>>, %arg5: memref<1x256xf32, #tpu.memory_space<vmem>>, %arg6: memref<256x256xf32, #tpu.memory_space<vmem>>, %arg7: memref<2x1024x128xf32, #tpu.memory_space<vmem>>) attributes {dimension_semantics = [#tpu.dimension_semantics<arbitrary>], iteration_bounds = array<i64: 10>, scalar_prefetch = 0 : i64, scratch_operands = 0 : i64, tpu.core_type = #tpu.core_type<tc>, window_params = [{transform_indices = @transform_0, window_bounds = array<i64: 2, 1024, 128>}, {transform_indices = @transform_1, window_bounds = array<i64: 2, 1024, 16>}, {pipeline_mode = #tpu.pipeline_mode<synchronous>, transform_indices = @transform_2, window_bounds = array<i64: 1, 256>}, {pipeline_mode = #tpu.pipeline_mode<synchronous>, transform_indices = @transform_3, window_bounds = array<i64: 1, 256>}, {pipeline_mode = #tpu.pipeline_mode<synchronous>, transform_indices = @transform_4, window_bounds = array<i64: 1, 256>}, {pipeline_mode = #tpu.pipeline_mode<synchronous>, transform_indices = @transform_5, window_bounds = array<i64: 256, 256>}, {transform_indices = @transform_6, window_bounds = array<i64: 2, 1024, 128>}]} {
    %get3A = arith.constant 0 : index
    %get3A_0 = arith.constant 0 : index
    %get3A_1 = arith.constant 0 : index
    %get3A_2 = vector.load %arg2[%get3A, %get3A_0, %get3A_1] : memref<2x1024x16xf32, #tpu.memory_space<vmem>>, vector<1x1024x1xf32>
    %get3A_3 = vector.shape_cast %get3A_2 : vector<1x1024x1xf32> to vector<1024x1xf32>
    %get3A_4 = arith.constant 1 : index
    %get3A_5 = arith.constant 0 : index
    %get3A_6 = arith.constant 0 : index
    %get3A_7 = vector.load %arg2[%get3A_4, %get3A_5, %get3A_6] : memref<2x1024x16xf32, #tpu.memory_space<vmem>>, vector<1x1024x1xf32>
    %get3A_8 = vector.shape_cast %get3A_7 : vector<1x1024x1xf32> to vector<1024x1xf32>
    %add3A = arith.addf %get3A_3, %get3A_8 : vector<1024x1xf32>
    %add3A_9 = arith.constant 1.000000e+00 : f32
    %add3A_10 = vector.broadcast %add3A_9 : f32 to vector<1024x1xf32>
    %add3A_11 = arith.addf %add3A, %add3A_10 : vector<1024x1xf32>
    %rsqrt3A = math.rsqrt %add3A_11 : vector<1024x1xf32>
    %get3A_12 = arith.constant 0 : index
    %get3A_13 = arith.constant 0 : index
    %get3A_14 = arith.constant 0 : index
    %get3A_15 = vector.load %arg1[%get3A_12, %get3A_13, %get3A_14] : memref<2x1024x128xf32, #tpu.memory_space<vmem>>, vector<1x1024x128xf32>
    %get3A_16 = vector.shape_cast %get3A_15 : vector<1x1024x128xf32> to vector<1024x128xf32>
    %get3A_17 = arith.constant 1 : index
    %get3A_18 = arith.constant 0 : index
    %get3A_19 = arith.constant 0 : index
    %get3A_20 = vector.load %arg1[%get3A_17, %get3A_18, %get3A_19] : memref<2x1024x128xf32, #tpu.memory_space<vmem>>, vector<1x1024x128xf32>
    %get3A_21 = vector.shape_cast %get3A_20 : vector<1x1024x128xf32> to vector<1024x128xf32>
    %concatenate3A = tpu.concatenate %get3A_16, %get3A_21 in 1 : vector<1024x128xf32>, vector<1024x128xf32> -> vector<1024x256xf32>
    %mul3A = vector.broadcast %rsqrt3A : vector<1024x1xf32> to vector<1024x256xf32>
    %mul3A_22 = arith.mulf %concatenate3A, %mul3A : vector<1024x256xf32>
    %get3A_23 = arith.constant 0 : index
    %get3A_24 = arith.constant 0 : index
    %get3A_25 = vector.load %arg3[%get3A_23, %get3A_24] : memref<1x256xf32, #tpu.memory_space<vmem>>, vector<1x256xf32>
    %add3A_26 = vector.broadcast %get3A_25 : vector<1x256xf32> to vector<1024x256xf32>
    %add3A_27 = arith.addf %mul3A_22, %add3A_26 : vector<1024x256xf32>
    %get3A_28 = arith.constant 0 : index
    %get3A_29 = arith.constant 0 : index
    %get3A_30 = vector.load %arg4[%get3A_28, %get3A_29] : memref<1x256xf32, #tpu.memory_space<vmem>>, vector<1x256xf32>
    %mul3A_31 = arith.constant 0.999994993 : f32
    %mul3A_32 = vector.broadcast %mul3A_31 : f32 to vector<1x256xf32>
    %mul3A_33 = arith.mulf %get3A_30, %mul3A_32 : vector<1x256xf32>
    %mul3A_34 = vector.broadcast %mul3A_33 : vector<1x256xf32> to vector<1024x256xf32>
    %mul3A_35 = arith.mulf %mul3A_34, %add3A_27 : vector<1024x256xf32>
    %get3A_36 = arith.constant 0 : index
    %get3A_37 = arith.constant 0 : index
    %get3A_38 = vector.load %arg5[%get3A_36, %get3A_37] : memref<1x256xf32, #tpu.memory_space<vmem>>, vector<1x256xf32>
    %add3A_39 = vector.broadcast %get3A_38 : vector<1x256xf32> to vector<1024x256xf32>
    %add3A_40 = arith.addf %mul3A_35, %add3A_39 : vector<1024x256xf32>
    %max3A = arith.constant 0.000000e+00 : f32
    %max3A_41 = vector.broadcast %max3A : f32 to vector<1024x256xf32>
    %max3A_42 = arith.maximumf %add3A_40, %max3A_41 : vector<1024x256xf32>
    %get3A_43 = arith.constant 0 : index
    %get3A_44 = arith.constant 0 : index
    %get3A_45 = vector.load %arg6[%get3A_43, %get3A_44] : memref<256x256xf32, #tpu.memory_space<vmem>>, vector<256x256xf32>
    %dot_general3A = arith.constant dense<0.000000e+00> : vector<1024x256xf32>
    %dot_general3A_46 = tpu.matmul %max3A_42, %get3A_45, %dot_general3A {dimension_numbers = #tpu.dot_dimension_numbers<[1], [0], [0], [1], [0, 0, 1, 1], [], []>, precision = #tpu.contract_precision<fp32>, transpose_lhs_hint = false} : vector<1024x256xf32>, vector<256x256xf32>, vector<1024x256xf32> -> vector<1024x256xf32>
    %mul3A_47 = vector.broadcast %rsqrt3A : vector<1024x1xf32> to vector<1024x256xf32>
    %mul3A_48 = arith.mulf %mul3A_47, %dot_general3A_46 : vector<1024x256xf32>
    %mul3A_49 = arith.constant 1024 : i32
    %mul3A_50 = arith.muli %arg0, %mul3A_49 : i32
    %iota3A = tpu.iota {dimensions = array<i32: 0>} : vector<1024x1xi32>
    %add3A_51 = vector.broadcast %mul3A_50 : i32 to vector<1024x1xi32>
    %add3A_52 = arith.addi %add3A_51, %iota3A : vector<1024x1xi32>
    %lt3A = arith.constant 10000 : i32
    %lt3A_53 = vector.broadcast %lt3A : i32 to vector<1024x1xi32>
    %lt3A_54 = arith.cmpi slt, %add3A_52, %lt3A_53 : vector<1024x1xi32>
    %jit3A = arith.constant 0.000000e+00 : f32
    %broadcast_in_dim3A = vector.shape_cast %lt3A_54 : vector<1024x1xi1> to vector<1024x1xi1>
    %broadcast_in_dim3A_55 = vector.broadcast %broadcast_in_dim3A : vector<1024x1xi1> to vector<1024x256xi1>
    %broadcast_in_dim3A_56 = vector.broadcast %jit3A : f32 to vector<1024x256xf32>
    %select_n3A = arith.select %broadcast_in_dim3A_55, %mul3A_48, %broadcast_in_dim3A_56 : vector<1024x256xi1>, vector<1024x256xf32>
    %slice3A = vector.extract_strided_slice %select_n3A {offsets = [0, 0], sizes = [1024, 128], strides = [1, 1]} : vector<1024x256xf32> to vector<1024x128xf32>
    %swap3A = arith.constant 0 : index
    %swap3A_57 = arith.constant 0 : index
    %swap3A_58 = arith.constant 0 : index
    %swap3A_59 = vector.load %arg7[%swap3A, %swap3A_57, %swap3A_58] : memref<2x1024x128xf32, #tpu.memory_space<vmem>>, vector<1x1024x128xf32>
    %swap3A_60 = vector.shape_cast %swap3A_59 : vector<1x1024x128xf32> to vector<1024x128xf32>
    %swap3A_61 = vector.shape_cast %slice3A : vector<1024x128xf32> to vector<1x1024x128xf32>
    tpu.vector_store %arg7[%swap3A, %swap3A_57, %swap3A_58], %swap3A_61 {strides = array<i32>} : memref<2x1024x128xf32, #tpu.memory_space<vmem>>, vector<1x1024x128xf32>,
    %slice3A_62 = vector.extract_strided_slice %select_n3A {offsets = [0, 128], sizes = [1024, 128], strides = [1, 1]} : vector<1024x256xf32> to vector<1024x128xf32>
    %swap3A_63 = arith.constant 1 : index
    %swap3A_64 = arith.constant 0 : index
    %swap3A_65 = arith.constant 0 : index
    %swap3A_66 = vector.load %arg7[%swap3A_63, %swap3A_64, %swap3A_65] : memref<2x1024x128xf32, #tpu.memory_space<vmem>>, vector<1x1024x128xf32>
    %swap3A_67 = vector.shape_cast %swap3A_66 : vector<1x1024x128xf32> to vector<1024x128xf32>
    %swap3A_68 = vector.shape_cast %slice3A_62 : vector<1024x128xf32> to vector<1x1024x128xf32>
    tpu.vector_store %arg7[%swap3A_63, %swap3A_64, %swap3A_65], %swap3A_68 {strides = array<i32>} : memref<2x1024x128xf32, #tpu.memory_space<vmem>>, vector<1x1024x128xf32>,
    return
  }
  func.func @transform_0(%arg0: i32) -> (i32, i32, i32) {
    %c0_i32 = arith.constant 0 : i32
    %c0_i32_0 = arith.constant 0 : i32
    %c0_i32_1 = arith.constant 0 : i32
    return %c0_i32, %arg0, %c0_i32_0 : i32, i32, i32
  }
  func.func @transform_1(%arg0: i32) -> (i32, i32, i32) {
    %c0_i32 = arith.constant 0 : i32
    %c0_i32_0 = arith.constant 0 : i32
    %c0_i32_1 = arith.constant 0 : i32
    return %c0_i32, %arg0, %c0_i32_0 : i32, i32, i32
  }
  func.func @transform_2(%arg0: i32) -> (i32, i32) {
    %c0_i32 = arith.constant 0 : i32
    %c0_i32_0 = arith.constant 0 : i32
    %c0_i32_1 = arith.constant 0 : i32
    return %c0_i32, %c0_i32_0 : i32, i32
  }
  func.func @transform_3(%arg0: i32) -> (i32, i32) {
    %c0_i32 = arith.constant 0 : i32
    %c0_i32_0 = arith.constant 0 : i32
    %c0_i32_1 = arith.constant 0 : i32
    return %c0_i32, %c0_i32_0 : i32, i32
  }
  func.func @transform_4(%arg0: i32) -> (i32, i32) {
    %c0_i32 = arith.constant 0 : i32
    %c0_i32_0 = arith.constant 0 : i32
    %c0_i32_1 = arith.constant 0 : i32
    return %c0_i32, %c0_i32_0 : i32, i32
  }
  func.func @transform_5(%arg0: i32) -> (i32, i32) {
    %c0_i32 = arith.constant 0 : i32
    %c0_i32_0 = arith.constant 0 : i32
    %c0_i32_1 = arith.constant 0 : i32
    return %c0_i32, %c0_i32_0 : i32, i32
  }
  func.func @transform_6(%arg0: i32) -> (i32, i32, i32) {
    %c0_i32 = arith.constant 0 : i32
    %c0_i32_0 = arith.constant 0 : i32
    %c0_i32_1 = arith.constant 0 : i32
    return %c0_i32, %arg0, %c0_i32_0 : i32, i32, i32
  }
}

module attributes {stable_mosaic.version = 14 : i64} {
  func.func @_mid_body(%arg0: i32, %arg1: memref<2x1024x128xf32, #tpu.memory_space<vmem>>, %arg2: memref<2x1024x16xf32, #tpu.memory_space<vmem>>, %arg3: memref<1x256xf32, #tpu.memory_space<vmem>>, %arg4: memref<1x256xf32, #tpu.memory_space<vmem>>, %arg5: memref<1x256xf32, #tpu.memory_space<vmem>>, %arg6: memref<256x128xf32, #tpu.memory_space<vmem>>, %arg7: memref<1024x128xf32, #tpu.memory_space<vmem>>) attributes {dimension_semantics = [#tpu.dimension_semantics<arbitrary>], iteration_bounds = array<i64: 10>, scalar_prefetch = 0 : i64, scratch_operands = 0 : i64, tpu.core_type = #tpu.core_type<tc>, window_params = [{transform_indices = @transform_0, window_bounds = array<i64: 2, 1024, 128>}, {transform_indices = @transform_1, window_bounds = array<i64: 2, 1024, 16>}, {pipeline_mode = #tpu.pipeline_mode<synchronous>, transform_indices = @transform_2, window_bounds = array<i64: 1, 256>}, {pipeline_mode = #tpu.pipeline_mode<synchronous>, transform_indices = @transform_3, window_bounds = array<i64: 1, 256>}, {pipeline_mode = #tpu.pipeline_mode<synchronous>, transform_indices = @transform_4, window_bounds = array<i64: 1, 256>}, {pipeline_mode = #tpu.pipeline_mode<synchronous>, transform_indices = @transform_5, window_bounds = array<i64: 256, 128>}, {transform_indices = @transform_6, window_bounds = array<i64: 1024, 128>}]} {
    %get3A = arith.constant 0 : index
    %get3A_0 = arith.constant 0 : index
    %get3A_1 = arith.constant 0 : index
    %get3A_2 = vector.load %arg2[%get3A, %get3A_0, %get3A_1] : memref<2x1024x16xf32, #tpu.memory_space<vmem>>, vector<1x1024x1xf32>
    %get3A_3 = vector.shape_cast %get3A_2 : vector<1x1024x1xf32> to vector<1024x1xf32>
    %get3A_4 = arith.constant 1 : index
    %get3A_5 = arith.constant 0 : index
    %get3A_6 = arith.constant 0 : index
    %get3A_7 = vector.load %arg2[%get3A_4, %get3A_5, %get3A_6] : memref<2x1024x16xf32, #tpu.memory_space<vmem>>, vector<1x1024x1xf32>
    %get3A_8 = vector.shape_cast %get3A_7 : vector<1x1024x1xf32> to vector<1024x1xf32>
    %add3A = arith.addf %get3A_3, %get3A_8 : vector<1024x1xf32>
    %add3A_9 = arith.constant 1.000000e+00 : f32
    %add3A_10 = vector.broadcast %add3A_9 : f32 to vector<1024x1xf32>
    %add3A_11 = arith.addf %add3A, %add3A_10 : vector<1024x1xf32>
    %rsqrt3A = math.rsqrt %add3A_11 : vector<1024x1xf32>
    %get3A_12 = arith.constant 0 : index
    %get3A_13 = arith.constant 0 : index
    %get3A_14 = arith.constant 0 : index
    %get3A_15 = vector.load %arg1[%get3A_12, %get3A_13, %get3A_14] : memref<2x1024x128xf32, #tpu.memory_space<vmem>>, vector<1x1024x128xf32>
    %get3A_16 = vector.shape_cast %get3A_15 : vector<1x1024x128xf32> to vector<1024x128xf32>
    %get3A_17 = arith.constant 1 : index
    %get3A_18 = arith.constant 0 : index
    %get3A_19 = arith.constant 0 : index
    %get3A_20 = vector.load %arg1[%get3A_17, %get3A_18, %get3A_19] : memref<2x1024x128xf32, #tpu.memory_space<vmem>>, vector<1x1024x128xf32>
    %get3A_21 = vector.shape_cast %get3A_20 : vector<1x1024x128xf32> to vector<1024x128xf32>
    %concatenate3A = tpu.concatenate %get3A_16, %get3A_21 in 1 : vector<1024x128xf32>, vector<1024x128xf32> -> vector<1024x256xf32>
    %mul3A = vector.broadcast %rsqrt3A : vector<1024x1xf32> to vector<1024x256xf32>
    %mul3A_22 = arith.mulf %concatenate3A, %mul3A : vector<1024x256xf32>
    %get3A_23 = arith.constant 0 : index
    %get3A_24 = arith.constant 0 : index
    %get3A_25 = vector.load %arg3[%get3A_23, %get3A_24] : memref<1x256xf32, #tpu.memory_space<vmem>>, vector<1x256xf32>
    %add3A_26 = vector.broadcast %get3A_25 : vector<1x256xf32> to vector<1024x256xf32>
    %add3A_27 = arith.addf %mul3A_22, %add3A_26 : vector<1024x256xf32>
    %get3A_28 = arith.constant 0 : index
    %get3A_29 = arith.constant 0 : index
    %get3A_30 = vector.load %arg4[%get3A_28, %get3A_29] : memref<1x256xf32, #tpu.memory_space<vmem>>, vector<1x256xf32>
    %mul3A_31 = arith.constant 0.999994993 : f32
    %mul3A_32 = vector.broadcast %mul3A_31 : f32 to vector<1x256xf32>
    %mul3A_33 = arith.mulf %get3A_30, %mul3A_32 : vector<1x256xf32>
    %mul3A_34 = vector.broadcast %mul3A_33 : vector<1x256xf32> to vector<1024x256xf32>
    %mul3A_35 = arith.mulf %mul3A_34, %add3A_27 : vector<1024x256xf32>
    %get3A_36 = arith.constant 0 : index
    %get3A_37 = arith.constant 0 : index
    %get3A_38 = vector.load %arg5[%get3A_36, %get3A_37] : memref<1x256xf32, #tpu.memory_space<vmem>>, vector<1x256xf32>
    %add3A_39 = vector.broadcast %get3A_38 : vector<1x256xf32> to vector<1024x256xf32>
    %add3A_40 = arith.addf %mul3A_35, %add3A_39 : vector<1024x256xf32>
    %max3A = arith.constant 0.000000e+00 : f32
    %max3A_41 = vector.broadcast %max3A : f32 to vector<1024x256xf32>
    %max3A_42 = arith.maximumf %add3A_40, %max3A_41 : vector<1024x256xf32>
    %get3A_43 = arith.constant 0 : index
    %get3A_44 = arith.constant 0 : index
    %get3A_45 = vector.load %arg6[%get3A_43, %get3A_44] : memref<256x128xf32, #tpu.memory_space<vmem>>, vector<256x128xf32>
    %dot_general3A = arith.constant dense<0.000000e+00> : vector<1024x128xf32>
    %dot_general3A_46 = tpu.matmul %max3A_42, %get3A_45, %dot_general3A {dimension_numbers = #tpu.dot_dimension_numbers<[1], [0], [0], [1], [0, 0, 1, 1], [], []>, precision = #tpu.contract_precision<fp32>, transpose_lhs_hint = false} : vector<1024x256xf32>, vector<256x128xf32>, vector<1024x128xf32> -> vector<1024x128xf32>
    %mul3A_47 = vector.broadcast %rsqrt3A : vector<1024x1xf32> to vector<1024x128xf32>
    %mul3A_48 = arith.mulf %mul3A_47, %dot_general3A_46 : vector<1024x128xf32>
    %mul3A_49 = arith.constant 1024 : i32
    %mul3A_50 = arith.muli %arg0, %mul3A_49 : i32
    %iota3A = tpu.iota {dimensions = array<i32: 0>} : vector<1024x1xi32>
    %add3A_51 = vector.broadcast %mul3A_50 : i32 to vector<1024x1xi32>
    %add3A_52 = arith.addi %add3A_51, %iota3A : vector<1024x1xi32>
    %lt3A = arith.constant 10000 : i32
    %lt3A_53 = vector.broadcast %lt3A : i32 to vector<1024x1xi32>
    %lt3A_54 = arith.cmpi slt, %add3A_52, %lt3A_53 : vector<1024x1xi32>
    %jit3A = arith.constant 0.000000e+00 : f32
    %broadcast_in_dim3A = vector.shape_cast %lt3A_54 : vector<1024x1xi1> to vector<1024x1xi1>
    %broadcast_in_dim3A_55 = vector.broadcast %broadcast_in_dim3A : vector<1024x1xi1> to vector<1024x128xi1>
    %broadcast_in_dim3A_56 = vector.broadcast %jit3A : f32 to vector<1024x128xf32>
    %select_n3A = arith.select %broadcast_in_dim3A_55, %mul3A_48, %broadcast_in_dim3A_56 : vector<1024x128xi1>, vector<1024x128xf32>
    %swap3A = arith.constant 0 : index
    %swap3A_57 = arith.constant 0 : index
    %swap3A_58 = vector.load %arg7[%swap3A, %swap3A_57] : memref<1024x128xf32, #tpu.memory_space<vmem>>, vector<1024x128xf32>
    tpu.vector_store %arg7[%swap3A, %swap3A_57], %select_n3A {strides = array<i32>} : memref<1024x128xf32, #tpu.memory_space<vmem>>, vector<1024x128xf32>,
    return
  }
  func.func @transform_0(%arg0: i32) -> (i32, i32, i32) {
    %c0_i32 = arith.constant 0 : i32
    %c0_i32_0 = arith.constant 0 : i32
    %c0_i32_1 = arith.constant 0 : i32
    return %c0_i32, %arg0, %c0_i32_0 : i32, i32, i32
  }
  func.func @transform_1(%arg0: i32) -> (i32, i32, i32) {
    %c0_i32 = arith.constant 0 : i32
    %c0_i32_0 = arith.constant 0 : i32
    %c0_i32_1 = arith.constant 0 : i32
    return %c0_i32, %arg0, %c0_i32_0 : i32, i32, i32
  }
  func.func @transform_2(%arg0: i32) -> (i32, i32) {
    %c0_i32 = arith.constant 0 : i32
    %c0_i32_0 = arith.constant 0 : i32
    %c0_i32_1 = arith.constant 0 : i32
    return %c0_i32, %c0_i32_0 : i32, i32
  }
  func.func @transform_3(%arg0: i32) -> (i32, i32) {
    %c0_i32 = arith.constant 0 : i32
    %c0_i32_0 = arith.constant 0 : i32
    %c0_i32_1 = arith.constant 0 : i32
    return %c0_i32, %c0_i32_0 : i32, i32
  }
  func.func @transform_4(%arg0: i32) -> (i32, i32) {
    %c0_i32 = arith.constant 0 : i32
    %c0_i32_0 = arith.constant 0 : i32
    %c0_i32_1 = arith.constant 0 : i32
    return %c0_i32, %c0_i32_0 : i32, i32
  }
  func.func @transform_5(%arg0: i32) -> (i32, i32) {
    %c0_i32 = arith.constant 0 : i32
    %c0_i32_0 = arith.constant 0 : i32
    %c0_i32_1 = arith.constant 0 : i32
    return %c0_i32, %c0_i32_0 : i32, i32
  }
  func.func @transform_6(%arg0: i32) -> (i32, i32) {
    %c0_i32 = arith.constant 0 : i32
    %c0_i32_0 = arith.constant 0 : i32
    return %arg0, %c0_i32 : i32, i32
  }
}

module attributes {stable_mosaic.version = 14 : i64} {
  func.func @_final_body(%arg0: i32, %arg1: memref<2x1024x128xf32, #tpu.memory_space<vmem>>, %arg2: memref<2x1024x16xf32, #tpu.memory_space<vmem>>, %arg3: memref<1x128xf32, #tpu.memory_space<vmem>>, %arg4: memref<1024x128xf32, #tpu.memory_space<vmem>>) attributes {dimension_semantics = [#tpu.dimension_semantics<arbitrary>], iteration_bounds = array<i64: 10>, scalar_prefetch = 0 : i64, scratch_operands = 0 : i64, tpu.core_type = #tpu.core_type<tc>, window_params = [{transform_indices = @transform_0, window_bounds = array<i64: 2, 1024, 128>}, {transform_indices = @transform_1, window_bounds = array<i64: 2, 1024, 16>}, {pipeline_mode = #tpu.pipeline_mode<synchronous>, transform_indices = @transform_2, window_bounds = array<i64: 1, 128>}, {transform_indices = @transform_3, window_bounds = array<i64: 1024, 128>}]} {
    %get3A = arith.constant 0 : index
    %get3A_0 = arith.constant 0 : index
    %get3A_1 = arith.constant 0 : index
    %get3A_2 = vector.load %arg2[%get3A, %get3A_0, %get3A_1] : memref<2x1024x16xf32, #tpu.memory_space<vmem>>, vector<1x1024x1xf32>
    %get3A_3 = vector.shape_cast %get3A_2 : vector<1x1024x1xf32> to vector<1024x1xf32>
    %get3A_4 = arith.constant 1 : index
    %get3A_5 = arith.constant 0 : index
    %get3A_6 = arith.constant 0 : index
    %get3A_7 = vector.load %arg2[%get3A_4, %get3A_5, %get3A_6] : memref<2x1024x16xf32, #tpu.memory_space<vmem>>, vector<1x1024x1xf32>
    %get3A_8 = vector.shape_cast %get3A_7 : vector<1x1024x1xf32> to vector<1024x1xf32>
    %add3A = arith.addf %get3A_3, %get3A_8 : vector<1024x1xf32>
    %add3A_9 = arith.constant 1.000000e+00 : f32
    %add3A_10 = vector.broadcast %add3A_9 : f32 to vector<1024x1xf32>
    %add3A_11 = arith.addf %add3A, %add3A_10 : vector<1024x1xf32>
    %rsqrt3A = math.rsqrt %add3A_11 : vector<1024x1xf32>
    %get3A_12 = arith.constant 0 : index
    %get3A_13 = arith.constant 0 : index
    %get3A_14 = arith.constant 0 : index
    %get3A_15 = vector.load %arg1[%get3A_12, %get3A_13, %get3A_14] : memref<2x1024x128xf32, #tpu.memory_space<vmem>>, vector<1x1024x128xf32>
    %get3A_16 = vector.shape_cast %get3A_15 : vector<1x1024x128xf32> to vector<1024x128xf32>
    %get3A_17 = arith.constant 1 : index
    %get3A_18 = arith.constant 0 : index
    %get3A_19 = arith.constant 0 : index
    %get3A_20 = vector.load %arg1[%get3A_17, %get3A_18, %get3A_19] : memref<2x1024x128xf32, #tpu.memory_space<vmem>>, vector<1x1024x128xf32>
    %get3A_21 = vector.shape_cast %get3A_20 : vector<1x1024x128xf32> to vector<1024x128xf32>
    %add3A_22 = arith.addf %get3A_16, %get3A_21 : vector<1024x128xf32>
    %mul3A = vector.broadcast %rsqrt3A : vector<1024x1xf32> to vector<1024x128xf32>
    %mul3A_23 = arith.mulf %add3A_22, %mul3A : vector<1024x128xf32>
    %get3A_24 = arith.constant 0 : index
    %get3A_25 = arith.constant 0 : index
    %get3A_26 = vector.load %arg3[%get3A_24, %get3A_25] : memref<1x128xf32, #tpu.memory_space<vmem>>, vector<1x128xf32>
    %add3A_27 = vector.broadcast %get3A_26 : vector<1x128xf32> to vector<1024x128xf32>
    %add3A_28 = arith.addf %mul3A_23, %add3A_27 : vector<1024x128xf32>
    %reduce_max3A = arith.constant dense<0xFF800000> : vector<1024xf32>
    %reduce_max3A_29 = vector.multi_reduction <maximumf>, %add3A_28, %reduce_max3A [1] : vector<1024x128xf32> to vector<1024xf32>
    %broadcast_in_dim3A = vector.shape_cast %reduce_max3A_29 : vector<1024xf32> to vector<1024x1xf32>
    %sub3A = vector.broadcast %broadcast_in_dim3A : vector<1024x1xf32> to vector<1024x128xf32>
    %sub3A_30 = arith.subf %add3A_28, %sub3A : vector<1024x128xf32>
    %exp3A = math.exp %sub3A_30 : vector<1024x128xf32>
    %sub3A_31 = vector.broadcast %broadcast_in_dim3A : vector<1024x1xf32> to vector<1024x128xf32>
    %sub3A_32 = arith.subf %add3A_28, %sub3A_31 : vector<1024x128xf32>
    %reduce_sum3A = arith.constant dense<0.000000e+00> : vector<1024xf32>
    %reduce_sum3A_33 = vector.multi_reduction <add>, %exp3A, %reduce_sum3A [1] : vector<1024x128xf32> to vector<1024xf32>
    %broadcast_in_dim3A_34 = vector.shape_cast %reduce_sum3A_33 : vector<1024xf32> to vector<1024x1xf32>
    %log3A = math.log %broadcast_in_dim3A_34 : vector<1024x1xf32>
    %sub3A_35 = vector.broadcast %log3A : vector<1024x1xf32> to vector<1024x128xf32>
    %sub3A_36 = arith.subf %sub3A_32, %sub3A_35 : vector<1024x128xf32>
    %swap3A = arith.constant 0 : index
    %swap3A_37 = arith.constant 0 : index
    %swap3A_38 = vector.load %arg4[%swap3A, %swap3A_37] : memref<1024x128xf32, #tpu.memory_space<vmem>>, vector<1024x128xf32>
    tpu.vector_store %arg4[%swap3A, %swap3A_37], %sub3A_36 {strides = array<i32>} : memref<1024x128xf32, #tpu.memory_space<vmem>>, vector<1024x128xf32>,
    return
  }
  func.func @transform_0(%arg0: i32) -> (i32, i32, i32) {
    %c0_i32 = arith.constant 0 : i32
    %c0_i32_0 = arith.constant 0 : i32
    %c0_i32_1 = arith.constant 0 : i32
    return %c0_i32, %arg0, %c0_i32_0 : i32, i32, i32
  }
  func.func @transform_1(%arg0: i32) -> (i32, i32, i32) {
    %c0_i32 = arith.constant 0 : i32
    %c0_i32_0 = arith.constant 0 : i32
    %c0_i32_1 = arith.constant 0 : i32
    return %c0_i32, %arg0, %c0_i32_0 : i32, i32, i32
  }
  func.func @transform_2(%arg0: i32) -> (i32, i32) {
    %c0_i32 = arith.constant 0 : i32
    %c0_i32_0 = arith.constant 0 : i32
    %c0_i32_1 = arith.constant 0 : i32
    return %c0_i32, %c0_i32_0 : i32, i32
  }
  func.func @transform_3(%arg0: i32) -> (i32, i32) {
    %c0_i32 = arith.constant 0 : i32
    %c0_i32_0 = arith.constant 0 : i32
    return %arg0, %c0_i32 : i32, i32
  }
}

</mosaic_0001>

<sc_bundles>
// kernel: kernel.14.cloned.1.call-start
scs
__scs_entry_jumppad:
0x0: {  	(pc) =	sbr.rel $0x88, $3  }
0x1: {  	(tag) =	ssettag $0x0;
	lr =	simm.s32 $0x1  }
0x2: {  	[smem:$0x3F8D] =	sst lr;
	_ =	strace $0xD0000000  }
0x3: {  	_ = 	snop  }
0x4: {  	_ = 	snop  }
0x5: {  	_ = 	snop  }
0x6: {  	_ = 	snop  }
0x7: {  	_ = 	snop  }
__scs_overlays_trampoline_lowered:
0x8: {  	[smem:$0x3F9C] =	sst s0  }
0x9: {  	[smem:$0x3F9D] =	sst s1  }
0xa: {  	[smem:$0x3F9E] =	sst s2  }
0xb: {  	[smem:$0x3F9F] =	sst s3  }
0xc: {  	[smem:$0x3FA0] =	sst s4  }
0xd: {  	[smem:$0x3FA1] =	sst s5  }
0xe: {  	[smem:$0x3FA2] =	sst s6  }
0xf: {  	[smem:$0x3FA3] =	sst s7  }
0x10: {  	[smem:$0x3FA4] =	sst s8  }
0x11: {  	[smem:$0x3FA5] =	sst s9;
	s0 =	simm.s32 @!p0 $0x0  }
0x12: {  	s1 =	sld [smem:$0x3F8B];
	s0 =	simm.s32 @p0 $0x1  }
0x13: {  	[smem:$0x3FA6] =	sst s0;
	s0 =	simm.s32 @!p1 $0x0  }
0x14: {  	s2 =	sld [smem:$0x3F8A];
	s0 =	simm.s32 @p1 $0x1  }
0x15: {  	[smem:$0x3FA7] =	sst s0;
	s0 =	simm.s32 @!p2 $0x0  }
0x16: {  	s3 =	sld [smem:$0x3FDB];
	s0 =	simm.s32 @p2 $0x1  }
0x17: {  	s4 =	simm.s32 $0x1BF5;
	[smem:$0x3FA9] =	sst s0  }
0x18: {  	s0 =	sld [smem:$0x3F8C];
	_ =	swait.ge [sflag:s4], $0x0  }
0x19: {  	s7 =	sld [smem:$0x3F8D]  }
0x1a: {  	s8 =	sadd.s32 $0xFFFFE003, lr  }
0x1b: {  	s9 =	sadd.s32 $0xFFFFFEF7, lr;
	s5 =	simm.s32 $0xFFFFFFFF;
	p2 =	slt.u32 s8, $0xFFFFF086  }
0x1c: {  	p1 =	slt.u32 s9, $0xF7A;
	s5 =	simm.s32 @!p2 $0x0  }
0x1d: {  	s5 =	simm.s32 @p1 $0x1;
	p0 =	seq.s32 s7, s2  }
0x1e: {  	s7 =	smul.u32 @!p0 $0xF7A, s2;
	p2 =	seq.s32 @!p0 s5, $0x0  }
0x1f: {  	s9 =	smul.u32 $0xF7A, s1;
	s8 =	simm.s32 @!p0 $0x1BF5;
	p2 =	por !p2, p0  }
0x20: {  	[sflag:s8] =	ssyncset.s32 @!p0 $0xFFFFF086;
	s6 =	sadd.s32 @!p0 s3, s7;
	s7 =	simm.s32 @!p0 $0x108  }
0x21: {  	s3 =	sadd.s32 s3, s9;
	s6 =	sadd.s32 @!p0 $0x88, s6;
	s7 =	simm.s32 @p2 $0x1082  }
0x22: {  	[simem:s7], [sflag:s8] =	dma.local @!p0 [hbm:s6], $0xF7A  }
0x23: {  	s9 =	sor.u32 $0xD0000000, s2;
	s6 =	simm.s32 $0x108;
	_ =	swait.ge @!p0 [sflag:s8], $0x0  }
0x24: {  	s3 =	sadd.s32 $0x88, s3;
	s6 =	simm.s32 @!p1 $0x1082;
	[sflag:s4] =	ssyncset.s32 $0xFFFFF086  }
0x25: {  	[simem:s6], [sflag:s4] =	dma.local [hbm:s3], $0xF7A  }
0x26: {  	[smem:$0x3F8D] =	sst s1;
	(tag) =	ssettag s2;
	_ =	strace s9  }
0x27: {  	s1 =	sld [smem:$0x3F9D]  }
0x28: {  	s2 =	sld [smem:$0x3F9E]  }
0x29: {  	s4 =	sld [smem:$0x3FA0]  }
0x2a: {  	p0 =	seq.s32 s5, $0x0;
	s5 =	sld [smem:$0x3FA1]  }
0x2b: {  	s6 =	sld [smem:$0x3FA2]  }
0x2c: {  	s7 =	sld [smem:$0x3FA3]  }
0x2d: {  	s3 =	simm.s32 $0x108;
	s8 =	sld [smem:$0x3FA4]  }
0x2e: {  	s3 =	simm.s32 @!p0 $0x1082;
	s9 =	sld [smem:$0x3FA5]  }
0x2f: {  	lr =	sadd.s32 s0, s3;
	s0 =	sld [smem:$0x3F9C]  }
0x30: {  	s3 =	sld [smem:$0x3F9F]  }
0x31: {  	[smem:$0x3FA8] =	sst s10  }
0x32: {  	s10 =	sld [smem:$0x3FA6];
	_ =	sdelay $0x3  }
0x33: {  	p0 =	seq.s32 s10, $0x1;
	s10 =	sld [smem:$0x3FA8];
	_ =	sdelay $0x3  }
0x34: {  	[smem:$0x3FA8] =	sst s10  }
0x35: {  	s10 =	sld [smem:$0x3FA7];
	_ =	sdelay $0x3  }
0x36: {  	p1 =	seq.s32 s10, $0x1;
	s10 =	sld [smem:$0x3FA8];
	_ =	sdelay $0x3  }
0x37: {  	[smem:$0x3FA8] =	sst s10  }
0x38: {  	s10 =	sld [smem:$0x3FA9]  }
0x39: {  	_ = 	snop;
	(pc) =	sbr.ind lr, $3  }
0x3a: {  	_ = 	snop  }
0x3b: {  	_ = 	snop  }
0x3c: {  	p2 =	seq.s32 s10, $0x1;
	s10 =	sld [smem:$0x3FA8]  }
0x3d: {  	_ =	shalt  }
0x3e: {  	_ =	shalt  }
0x3f: {  	_ =	shalt  }
0x40: {  	_ =	shalt  }
0x41: {  	_ =	shalt  }
0x42: {  	_ =	shalt  }
0x43: {  	_ =	shalt  }
0x44: {  	_ =	shalt  }
0x45: {  	_ =	shalt  }
0x46: {  	_ =	shalt  }
0x47: {  	_ =	shalt  }
0x48: {  	_ =	shalt  }
0x49: {  	_ =	shalt  }
0x4a: {  	_ =	shalt  }
0x4b: {  	_ =	shalt  }
0x4c: {  	_ =	shalt  }
0x4d: {  	_ =	shalt  }
0x4e: {  	_ =	shalt  }
0x4f: {  	_ =	shalt  }
0x50: {  	_ =	shalt  }
0x51: {  	_ =	shalt  }
0x52: {  	_ =	shalt  }
0x53: {  	_ =	shalt  }
0x54: {  	_ =	shalt  }
0x55: {  	_ =	shalt  }
0x56: {  	_ =	shalt  }
0x57: {  	_ =	shalt  }
0x58: {  	_ =	shalt  }
0x59: {  	_ =	shalt  }
0x5a: {  	_ =	shalt  }
0x5b: {  	_ =	shalt  }
0x5c: {  	_ =	shalt  }
0x5d: {  	_ =	shalt  }
0x5e: {  	_ =	shalt  }
0x5f: {  	_ =	shalt  }
0x60: {  	_ =	shalt  }
0x61: {  	_ =	shalt  }
0x62: {  	_ =	shalt  }
0x63: {  	_ =	shalt  }
0x64: {  	_ =	shalt  }
0x65: {  	_ =	shalt  }
0x66: {  	_ =	shalt  }
0x67: {  	_ =	shalt  }
0x68: {  	_ =	shalt  }
0x69: {  	_ =	shalt  }
0x6a: {  	_ =	shalt  }
0x6b: {  	_ =	shalt  }
0x6c: {  	_ =	shalt  }
0x6d: {  	_ =	shalt  }
0x6e: {  	_ =	shalt  }
0x6f: {  	_ =	shalt  }
0x70: {  	_ =	shalt  }
0x71: {  	_ =	shalt  }
0x72: {  	_ =	shalt  }
0x73: {  	_ =	shalt  }
0x74: {  	_ =	shalt  }
0x75: {  	_ =	shalt  }
0x76: {  	_ =	shalt  }
0x77: {  	_ =	shalt  }
0x78: {  	_ =	shalt  }
0x79: {  	_ =	shalt  }
0x7a: {  	_ =	shalt  }
0x7b: {  	_ =	shalt  }
0x7c: {  	_ =	shalt  }
0x7d: {  	_ =	shalt  }
0x7e: {  	_ =	shalt  }
0x7f: {  	_ =	shalt  }
0x80: {  	_ =	shalt  }
0x81: {  	_ =	shalt  }
0x82: {  	_ =	shalt  }
0x83: {  	_ =	shalt  }
0x84: {  	_ =	shalt  }
0x85: {  	_ =	shalt  }
0x86: {  	_ =	shalt  }
0x87: {  	_ =	shalt  }
.Lfunc_end0:
.L_simem_size_0:
called_computation_lowered:
.L_overlay_start_0:
0x88: {  	s2 =	sld [smem:$0x3FD9]  }
0x89: {  	s3 =	sld [smem:$0x3FFE];
	_ =	sdelay $0x1  }
0x8a: {  	s1 =	srdreg.scid  }
0x8b: {  	s0 =	sand.u32 $0x1, s1  }
0x8c: {  	s16 =	sshll.u32 s0, $0xA;
	s2 =	sadd.s32 s3, s2  }
0x8d: {  	s2 =	sadd.s32 s2, s16  }
0x8e: {  	[smem:$0x3FB4] =	sst s2  }
0x8f: {  	_ = 	snop  }
0x90: {  	(tm) =	ssettm $0x1  }
0x91: {  	s17 =	sld [smem:$0x3FFB];
	_ =	sdelay $0x3  }
0x92: {  	_ =	strace s17  }
0x93: {  	s2 =	sld [smem:$0x3FFC];
	_ =	sdelay $0x3  }
0x94: {  	_ =	strace s2  }
0x95: {  	s2 =	sld [smem:$0x3FFD];
	_ =	sdelay $0x3  }
0x96: {  	_ =	strace s2  }
0x97: {  	_ =	strace $0x8FFFFFFF  }
0x98: {  	s18 =	sld [smem:$0x3FDB];
	_ =	sdelay $0x1  }
0x99: {  	s19 =	simm.s32 $_scs_section_size  }
0x9a: {  	s4 =	simm.s32 $_size__tile_overlayer_lowered;
	s5 =	simm.s32 $_tile_overlayer_lowered  }
0x9b: {  	s22 =	simm.s32 $0x1BFF;
	s21 =	sshll.u32 s5, $0x1;
	s2 =	sadd.s32 s19, s18  }
0x9c: {  	s6 =	simm.s32 $0x0;
	s20 =	sshll.u32 s4, $0x1;
	s4 =	sadd.s32 s21, s2  }
0x9d: {  	[timem:s6], [sflag:s22] =	dma.local [hbm:s4], s20  }
0x9e: {  	_ =	swait.ge [sflag:s22], s20  }
0x9f: {  	s3 =	ssub.s32 $0x0, s20;
	[sflag:s22] =	ssyncset.done $0x0  }
0xa0: {  	[sflag:s22] =	ssyncadd.s32 s3;
	_ =	sdelay $0x1  }
0xa1: {  	s23 =	simm.s32 $0x1B8B  }
0xa2: {  	_ =	swait.ge [sflag:s23], $0x1  }
0xa3: {  	[sflag:s23] =	ssyncset.done $0x0  }
0xa4: {  	s25 =	simm.s32 $0x1B8E;
	s24 =	sld [smem:$0x3FFE];
	[sflag:s23] =	ssyncadd.s32 $0xFFFFFFFF  }
0xa5: {  	s26 =	simm.s32 $execute0_lowered;
	[smem:$0x3FD2] =	sst s25  }
0xa6: {  	s4 =	sshll.u32 s26, $0x1;
	_ =	strace $0x80000046;
	[dreg:$0x1] =	wrdreg $0xFFFFFFFF  }
0xa7: {  	s28 =	simm.s32 $_size_execute0_lowered;
	s2 =	sadd.s32 s2, s4;
	[dreg:$0x0] =	wrdreg $0x0  }
0xa8: {  	s4 =	sshll.u32 s28, $0x1;
	[dreg:$0x2] =	wrdreg s2  }
0xa9: {  	[dreg:$0x3] =	wrdreg s4  }
0xaa: {  	[dreg:$0x4] =	wrdreg $0xC0  }
0xab: {  	_ =	task [dreg:s6], $0x5FFFF  }
0xac: {  	[dreg:$0x1] =	wrdreg $0xFFFFFFFF  }
0xad: {  	[dreg:$0x0] =	wrdreg $0x60  }
0xae: {  	[dreg:$0x2] =	wrdreg s24  }
0xaf: {  	[dreg:$0x3] =	wrdreg $0x0  }
0xb0: {  	[dreg:$0x4] =	wrdreg $0x9  }
0xb1: {  	_ =	task.clear_ibuf [dreg:s6], $0x5FFFF;
	_ =	strace $0x90000046  }
0xb2: {  	s29 =	simm.s32 $0x9;
	_ =	strace $0x80000048  }
0xb3: {  	_ =	swait.ge [sflag:s29], $0x1  }
0xb4: {  	[sflag:s29] =	ssyncadd.s32 $0xFFFFFFFF  }
0xb5: {  	_ =	strace $0x90000048  }
0xb6: {  	_ =	sfence  }
0xb7: {  	s30 =	sld [smem:$0x0];
	_ =	sdelay $0x2  }
0xb8: {  	s31 =	sshll.u32 s1, $0xD;
	s1 =	sshrl.u32 s1, $0x2  }
0xb9: {  	s3 =	sand.u32 $0x4000, s31;
	s1 =	sadd.s32 s1, s30  }
0xba: {  	s0 =	sor.u32 s3, s0;
	s1 =	sshll.u32 s1, $0x11  }
0xbb: {  	s0 =	sor.u32 s1, s0  }
0xbc: {  	s0 =	sadd.s32 $0x8F2B, s0  }
0xbd: {  	[sflag:s0] =	ssyncadd.remote.s32 $0x1  }
0xbe: {  	_ =	sfence.sel $0xFFFF  }
0xbf: {  	[dreg:$0x0] =	wrdreg $0xFFFFFFFF;
	(pc) =	sbr.abs _section_cstart, $3  }
0xc0: {  	[dreg:$0x1] =	wrdreg $0xFFFFFFFF  }
0xc1: {  	_ =	task.clear_ibuf [dreg:s6], $0x2FFFF;
	_ =	strace $0x9FFFFFFF  }
0xc2: {  	(tm) =	ssettm $0x7FFFFFFF  }
0xc3: {  	_ =	shalt  }
tec
execute0_lowered:
.L_overlay_start_1:
0x0: {  	(tag) =	ssettag $0x1  }
0x1: {  	s4 =	rddreg [dreg:$0x0];
	s1 =	srdreg.scid  }
0x2: {  	s0 =	stileid.u32;
	s2 =	rddreg [dreg:$0x1]  }
0x3: {  	s3 =	simm.s32 $0x0;
	s19 =	simm.s32 $0x80;
	s5 =	smul.u32 $0x2800, s0  }
0x4: {  	s20 =	simm.s32 $0x2800;
	s21 =	simm.s32 $0x0;
	s9 =	smul.u32 $0x280, s0  }
0x5: {  	s6 =	sand.u32 $0x1, s1;
	s1 =	rddreg [dreg:$0x2];
	s8 =	smul.u32 $0x50000, s0  }
0x6: {  	[smem:$0x7FF] =	sst s3;
	s14 =	sadd.s32 $0xA600, s4;
	s7 =	smul.u32 $0x1400, s6  }
0x7: {  	_ =	strace $0x80000047;
	s23 =	ssub.s32 $0x2, s6;
	s17 =	smul.u32 $0x2800, s6  }
0x8: {  	s24 =	sshrl.u32 s23, $0x1;
	s25 =	sshrl.u32 s8, $0x2;
	s11 =	sadd.s32 $0x80, s9  }
0x9: {  	s12 =	sadd.s32 $0x100, s9;
	s13 =	sadd.s32 $0x180, s9;
	s16 =	sadd.s32 $0x200, s9  }
0xa: {  	s5 =	sadd.s32 s7, s5;
	s15 =	ssub.s32 s23, s24;
	s26 =	sshll.u32 s11, $0x7  }
0xb: {  	s28 =	sshll.u32 s12, $0x7;
	s29 =	sshll.u32 s13, $0x7;
	s30 =	sshll.u32 s16, $0x7  }
0xc: {  	s18 =	sadd.s32 s9, s17;
	s11 =	sadd.s32 s17, s11;
	s12 =	sadd.s32 s17, s12  }
0xd: {  	s13 =	sadd.s32 s17, s13;
	s16 =	sadd.s32 s17, s16;
	s17 =	simm.s32 $0x1  }
0xe: {  	s5 =	sshrl.u32 s5, $0x3;
	s6 =	sadd.s32 s28, s2;
	s7 =	sadd.s32 s29, s2  }
0xf: {  	s8 =	sadd.s32 s30, s2;
	s31 =	sshll.u32 s18, $0x4;
	s11 =	sshll.u32 s11, $0x4  }
0x10: {  	s12 =	sshll.u32 s12, $0x4;
	s13 =	sshll.u32 s13, $0x4;
	s16 =	sshll.u32 s16, $0x4  }
0x11: {  	s15 =	smax.u32 s15, $0x1;
	s18 =	simm.s32 $0xA800;
	s10 =	sadd.s32 s5, s4  }
0x12: {  	s4 =	sadd.s32 s25, s2;
	s5 =	sadd.s32 s26, s2;
	s11 =	sadd.s32 s14, s11  }
0x13: {  	s12 =	sadd.s32 s14, s12;
	s13 =	sadd.s32 s14, s13;
	s9 =	sadd.s32 $0x5600, s10  }
0x14: {  	v0 =	vimm.f32 $1.000000000e+00;
	v1 =	vimm.f32 $0.0e+00;
	s10 =	sadd.s32 s14, s31;
	s14 =	sadd.s32 s14, s16;
	s16 =	simm.s32 $0x6800  }
.LBB2_1:
0x15: {  	s22 =	simm.s32 $0x200;
	s23 =	simm.s32 $0x0  }
.LBB2_2:
0x16: {  	p0 =	sne.s32 s22, $0xFE00;
	[tilespmem:s23+$0x2800] =	vst v0;
	s24 =	smov.u32 s22;
	s22 =	sadd.s32 $0x200, s22  }
.Ltmp0:
0x17: {  	[tilespmem:s23+$0x6800] =	vst v1;
	(pc) =	sbr.rel @p0 .LBB2_2-.Ltmp0, $2  }
0x18: {  	_ =	sdelay $0x2  }
0x19: {  	s23 =	sshra.s32 s24, $0x2  }
0x1a: {  	[tilespmem:s23+$0x2800] =	vst v0  }
0x1b: {  	[tilespmem:s23+$0x6800] =	vst v1  }
0x1c: {  	[spmem:s4] =	stream.linear.scatter [tilespmem:s16], [sflag:$0x1], $0x4000, $0x38;
	[tilespmem:$0xBC00] =	vst v63  }
0x1d: {  	_ =	swait.ge [sflag:s17], $0x4000  }
0x1e: {  	[sflag:s17] =	ssyncset.done $0x0  }
0x1f: {  	[sflag:s17] =	ssyncadd.s32 $0xFFFFC000  }
0x20: {  	[spmem:s5] =	stream.linear.scatter [tilespmem:s16], [sflag:$0x1], $0x4000, $0x38;
	[tilespmem:$0xBC00] =	vst v63  }
0x21: {  	_ =	swait.ge [sflag:s17], $0x4000  }
0x22: {  	[sflag:s17] =	ssyncset.done $0x0  }
0x23: {  	[sflag:s17] =	ssyncadd.s32 $0xFFFFC000  }
0x24: {  	[spmem:s6] =	stream.linear.scatter [tilespmem:s16], [sflag:$0x1], $0x4000, $0x38;
	[tilespmem:$0xBC00] =	vst v63  }
0x25: {  	_ =	swait.ge [sflag:s17], $0x4000  }
0x26: {  	[sflag:s17] =	ssyncset.done $0x0  }
0x27: {  	[sflag:s17] =	ssyncadd.s32 $0xFFFFC000  }
0x28: {  	[spmem:s7] =	stream.linear.scatter [tilespmem:s16], [sflag:$0x1], $0x4000, $0x38;
	[tilespmem:$0xBC00] =	vst v63  }
0x29: {  	_ =	swait.ge [sflag:s17], $0x4000  }
0x2a: {  	[sflag:s17] =	ssyncset.done $0x0  }
0x2b: {  	[sflag:s17] =	ssyncadd.s32 $0xFFFFC000  }
0x2c: {  	[spmem:s8] =	stream.linear.scatter [tilespmem:s16], [sflag:$0x1], $0x4000, $0x38;
	[tilespmem:$0xBC00] =	vst v63  }
0x2d: {  	_ =	swait.ge [sflag:s17], $0x4000  }
0x2e: {  	[sflag:s17] =	ssyncset.done $0x0  }
0x2f: {  	s22 =	simm.s32 $0x0;
	[sflag:s17] =	ssyncadd.s32 $0xFFFFC000  }
0x30: {  	[tilespmem:s18], [sflag:$0x1] =	stream.linear.gather [hbm4b:s9+s22], $0x1400, $0x38;
	[tilespmem:$0xBC00] =	vst v63  }
0x31: {  	_ =	swait.ge [sflag:s17], $0x1400  }
0x32: {  	[sflag:s17] =	ssyncset.done $0x0  }
0x33: {  	[sflag:s17] =	ssyncadd.s32 $0xFFFFEC00  }
0x34: {  	s31 =	simm.s32 $0xA800;
	[bflag:$0x0] =	sbarrier.arrive $0xFFFF  }
0x35: {  	[spmem:s2] =	stream.indirect.scatter.add.f32 [tilespmem:s20], [sflag:$0x1], $0x10, s31, s19, $0xb8;
	[tilespmem:$0xBC00] =	vst v63  }
0x36: {  	s22 =	simm.s32 $0x200;
	_ =	swait.ge [sflag:s17], $0x800  }
.LBB2_4:
0x37: {  	s23 =	sshra.s32 s22, $0x2;
	[sflag:s17] =	ssyncset.done $0x0;
	p0 =	sne.s32 s22, $0x4E00  }
.Ltmp1:
0x38: {  	s23 =	sadd.s32 $0xA800, s23;
	[sflag:s17] =	ssyncadd.s32 $0xFFFFF800;
	(pc) =	sbr.rel @p0 .LBB2_4-.Ltmp1, $3  }
0x39: {  	[spmem:s2] =	stream.indirect.scatter.add.f32 [tilespmem:s20], [sflag:$0x1], $0x10, s23, s19, $0xb8;
	[tilespmem:$0xBC00] =	vst v63  }
0x3a: {  	s22 =	sadd.s32 $0x200, s22;
	_ =	sdelay $0x1  }
0x3b: {  	_ =	swait.ge [sflag:s17], $0x800  }
0x3c: {  	[sflag:s17] =	ssyncset.done $0x0  }
0x3d: {  	[sflag:s17] =	ssyncadd.s32 $0xFFFFF800  }
0x3e: {  	[bflag:$0x0] =	sbarrier.arrive $0xFFFF  }
0x3f: {  	[tilespmem:s16], [sflag:$0x1] =	stream.linear.gather [spmem:s4], $0x4000, $0x38;
	[tilespmem:$0xBC00] =	vst v63  }
0x40: {  	_ =	swait.ge [sflag:s17], $0x4000  }
0x41: {  	[sflag:s17] =	ssyncset.done $0x0  }
0x42: {  	[sflag:s17] =	ssyncadd.s32 $0xFFFFC000  }
0x43: {  	[hbm4b:s10+s3] =	stream.linear.scatter [tilespmem:s16], [sflag:$0x1], $0x4000, $0x38;
	[tilespmem:$0xBC00] =	vst v63  }
0x44: {  	_ =	swait.ge [sflag:s17], $0x4000  }
0x45: {  	[sflag:s17] =	ssyncset.done $0x0  }
0x46: {  	[sflag:s17] =	ssyncadd.s32 $0xFFFFC000  }
0x47: {  	[tilespmem:s16], [sflag:$0x1] =	stream.linear.gather [spmem:s5], $0x4000, $0x38;
	[tilespmem:$0xBC00] =	vst v63  }
0x48: {  	_ =	swait.ge [sflag:s17], $0x4000  }
0x49: {  	[sflag:s17] =	ssyncset.done $0x0  }
0x4a: {  	[sflag:s17] =	ssyncadd.s32 $0xFFFFC000  }
0x4b: {  	[hbm4b:s11+s3] =	stream.linear.scatter [tilespmem:s16], [sflag:$0x1], $0x4000, $0x38;
	[tilespmem:$0xBC00] =	vst v63  }
0x4c: {  	_ =	swait.ge [sflag:s17], $0x4000  }
0x4d: {  	[sflag:s17] =	ssyncset.done $0x0  }
0x4e: {  	[sflag:s17] =	ssyncadd.s32 $0xFFFFC000  }
0x4f: {  	[tilespmem:s16], [sflag:$0x1] =	stream.linear.gather [spmem:s6], $0x4000, $0x38;
	[tilespmem:$0xBC00] =	vst v63  }
0x50: {  	_ =	swait.ge [sflag:s17], $0x4000  }
0x51: {  	[sflag:s17] =	ssyncset.done $0x0  }
0x52: {  	[sflag:s17] =	ssyncadd.s32 $0xFFFFC000  }
0x53: {  	[hbm4b:s12+s3] =	stream.linear.scatter [tilespmem:s16], [sflag:$0x1], $0x4000, $0x38;
	[tilespmem:$0xBC00] =	vst v63  }
0x54: {  	_ =	swait.ge [sflag:s17], $0x4000  }
0x55: {  	[sflag:s17] =	ssyncset.done $0x0  }
0x56: {  	[sflag:s17] =	ssyncadd.s32 $0xFFFFC000  }
0x57: {  	[tilespmem:s16], [sflag:$0x1] =	stream.linear.gather [spmem:s7], $0x4000, $0x38;
	[tilespmem:$0xBC00] =	vst v63  }
0x58: {  	_ =	swait.ge [sflag:s17], $0x4000  }
0x59: {  	[sflag:s17] =	ssyncset.done $0x0  }
0x5a: {  	[sflag:s17] =	ssyncadd.s32 $0xFFFFC000  }
0x5b: {  	[hbm4b:s13+s3] =	stream.linear.scatter [tilespmem:s16], [sflag:$0x1], $0x4000, $0x38;
	[tilespmem:$0xBC00] =	vst v63  }
0x5c: {  	_ =	swait.ge [sflag:s17], $0x4000  }
0x5d: {  	[sflag:s17] =	ssyncset.done $0x0  }
0x5e: {  	[sflag:s17] =	ssyncadd.s32 $0xFFFFC000  }
0x5f: {  	[tilespmem:s16], [sflag:$0x1] =	stream.linear.gather [spmem:s8], $0x4000, $0x38;
	[tilespmem:$0xBC00] =	vst v63  }
0x60: {  	s21 =	sadd.s32 $0x1, s21;
	_ =	swait.ge [sflag:s17], $0x4000  }
0x61: {  	p0 =	sne.s32 s21, s15;
	[sflag:s17] =	ssyncset.done $0x0  }
.Ltmp2:
0x62: {  	[sflag:s17] =	ssyncadd.s32 $0xFFFFC000;
	(pc) =	sbr.rel @p0 .LBB2_1-.Ltmp2, $4  }
0x63: {  	[hbm4b:s14+s3] =	stream.linear.scatter [tilespmem:s16], [sflag:$0x1], $0x4000, $0x38;
	[tilespmem:$0xBC00] =	vst v63  }
0x64: {  	_ =	swait.ge [sflag:s17], $0x4000  }
0x65: {  	[sflag:s17] =	ssyncset.done $0x0  }
0x66: {  	[sflag:s17] =	ssyncadd.s32 $0xFFFFC000  }
0x67: {  	_ =	sfence.sel $0x180000  }
0x68: {  	[bflag:$0x0] =	sbarrier.arrive $0xFFFF  }
0x69: {  	p0 =	sne.s32 s0, $0x0;
	_ =	strace $0x90000047  }
0x6a: {  	s0 =	sadd.s32 @!p0 $0x100000, s1;
	[bflag:$0x2] =	sbarrier.arrive $0xFFFF  }
0x6b: {  	[sflag:s0] =	ssyncadd.tile.s32 @!p0 $0x1;
	_ =	shalt  }
.Lfunc_end2:
_tile_overlayer_lowered:
.L_overlay_start_2:
0x6c: {  	(tag) =	ssettag $0x2  }
0x6d: {  	s0 =	rddreg [dreg:$0x0];
	s2 =	stileid.u32  }
0x6e: {  	s1 =	rddreg [dreg:$0x1];
	p0 =	sne.s32 s2, $0x0  }
0x6f: {  	s3 =	rddreg [dreg:$0x2];
	[bflag:$0x3] =	sbarrier.arrive $0xFFFF;
	s2 =	simm.s32 @!p0 $0x1C01  }
0x70: {  	[timem:s3], [sflag:s2] =	dma.local @!p0 [hbm:s0], s1  }
0x71: {  	s0 =	simm.s32 @!p0 $0x1  }
0x72: {  	_ =	swait.ge @!p0 [sflag:s0], s1  }
0x73: {  	s1 =	ssub.s32 @!p0 $0x0, s1;
	[sflag:s0] =	ssyncset.done @!p0 $0x0  }
0x74: {  	[sflag:s0] =	ssyncadd.s32 @!p0 s1  }
0x75: {  	[bflag:$0x3] =	sbarrier.arrive $0xFFFF  }
0x76: {  	_ =	shalt  }

// kernel: kernel.17.cloned.1.call-start
scs
__scs_entry_jumppad:
0x0: {  	(pc) =	sbr.rel $0x88, $3  }
0x1: {  	(tag) =	ssettag $0x0;
	lr =	simm.s32 $0x1  }
0x2: {  	[smem:$0x3F8D] =	sst lr;
	_ =	strace $0xD0000000  }
0x3: {  	_ = 	snop  }
0x4: {  	_ = 	snop  }
0x5: {  	_ = 	snop  }
0x6: {  	_ = 	snop  }
0x7: {  	_ = 	snop  }
__scs_overlays_trampoline_lowered:
0x8: {  	[smem:$0x3F9C] =	sst s0  }
0x9: {  	[smem:$0x3F9D] =	sst s1  }
0xa: {  	[smem:$0x3F9E] =	sst s2  }
0xb: {  	[smem:$0x3F9F] =	sst s3  }
0xc: {  	[smem:$0x3FA0] =	sst s4  }
0xd: {  	[smem:$0x3FA1] =	sst s5  }
0xe: {  	[smem:$0x3FA2] =	sst s6  }
0xf: {  	[smem:$0x3FA3] =	sst s7  }
0x10: {  	[smem:$0x3FA4] =	sst s8  }
0x11: {  	[smem:$0x3FA5] =	sst s9;
	s0 =	simm.s32 @!p0 $0x0  }
0x12: {  	s1 =	sld [smem:$0x3F8B];
	s0 =	simm.s32 @p0 $0x1  }
0x13: {  	[smem:$0x3FA6] =	sst s0;
	s0 =	simm.s32 @!p1 $0x0  }
0x14: {  	s2 =	sld [smem:$0x3F8A];
	s0 =	simm.s32 @p1 $0x1  }
0x15: {  	[smem:$0x3FA7] =	sst s0;
	s0 =	simm.s32 @!p2 $0x0  }
0x16: {  	s3 =	sld [smem:$0x3FDB];
	s0 =	simm.s32 @p2 $0x1  }
0x17: {  	s4 =	simm.s32 $0x1BF5;
	[smem:$0x3FA9] =	sst s0  }
0x18: {  	s0 =	sld [smem:$0x3F8C];
	_ =	swait.ge [sflag:s4], $0x0  }
0x19: {  	s7 =	sld [smem:$0x3F8D]  }
0x1a: {  	s8 =	sadd.s32 $0xFFFFE003, lr  }
0x1b: {  	s9 =	sadd.s32 $0xFFFFFEF7, lr;
	s5 =	simm.s32 $0xFFFFFFFF;
	p2 =	slt.u32 s8, $0xFFFFF086  }
0x1c: {  	p1 =	slt.u32 s9, $0xF7A;
	s5 =	simm.s32 @!p2 $0x0  }
0x1d: {  	s5 =	simm.s32 @p1 $0x1;
	p0 =	seq.s32 s7, s2  }
0x1e: {  	s7 =	smul.u32 @!p0 $0xF7A, s2;
	p2 =	seq.s32 @!p0 s5, $0x0  }
0x1f: {  	s9 =	smul.u32 $0xF7A, s1;
	s8 =	simm.s32 @!p0 $0x1BF5;
	p2 =	por !p2, p0  }
0x20: {  	[sflag:s8] =	ssyncset.s32 @!p0 $0xFFFFF086;
	s6 =	sadd.s32 @!p0 s3, s7;
	s7 =	simm.s32 @!p0 $0x108  }
0x21: {  	s3 =	sadd.s32 s3, s9;
	s6 =	sadd.s32 @!p0 $0x88, s6;
	s7 =	simm.s32 @p2 $0x1082  }
0x22: {  	[simem:s7], [sflag:s8] =	dma.local @!p0 [hbm:s6], $0xF7A  }
0x23: {  	s9 =	sor.u32 $0xD0000000, s2;
	s6 =	simm.s32 $0x108;
	_ =	swait.ge @!p0 [sflag:s8], $0x0  }
0x24: {  	s3 =	sadd.s32 $0x88, s3;
	s6 =	simm.s32 @!p1 $0x1082;
	[sflag:s4] =	ssyncset.s32 $0xFFFFF086  }
0x25: {  	[simem:s6], [sflag:s4] =	dma.local [hbm:s3], $0xF7A  }
0x26: {  	[smem:$0x3F8D] =	sst s1;
	(tag) =	ssettag s2;
	_ =	strace s9  }
0x27: {  	s1 =	sld [smem:$0x3F9D]  }
0x28: {  	s2 =	sld [smem:$0x3F9E]  }
0x29: {  	s4 =	sld [smem:$0x3FA0]  }
0x2a: {  	p0 =	seq.s32 s5, $0x0;
	s5 =	sld [smem:$0x3FA1]  }
0x2b: {  	s6 =	sld [smem:$0x3FA2]  }
0x2c: {  	s7 =	sld [smem:$0x3FA3]  }
0x2d: {  	s3 =	simm.s32 $0x108;
	s8 =	sld [smem:$0x3FA4]  }
0x2e: {  	s3 =	simm.s32 @!p0 $0x1082;
	s9 =	sld [smem:$0x3FA5]  }
0x2f: {  	lr =	sadd.s32 s0, s3;
	s0 =	sld [smem:$0x3F9C]  }
0x30: {  	s3 =	sld [smem:$0x3F9F]  }
0x31: {  	[smem:$0x3FA8] =	sst s10  }
0x32: {  	s10 =	sld [smem:$0x3FA6];
	_ =	sdelay $0x3  }
0x33: {  	p0 =	seq.s32 s10, $0x1;
	s10 =	sld [smem:$0x3FA8];
	_ =	sdelay $0x3  }
0x34: {  	[smem:$0x3FA8] =	sst s10  }
0x35: {  	s10 =	sld [smem:$0x3FA7];
	_ =	sdelay $0x3  }
0x36: {  	p1 =	seq.s32 s10, $0x1;
	s10 =	sld [smem:$0x3FA8];
	_ =	sdelay $0x3  }
0x37: {  	[smem:$0x3FA8] =	sst s10  }
0x38: {  	s10 =	sld [smem:$0x3FA9]  }
0x39: {  	_ = 	snop;
	(pc) =	sbr.ind lr, $3  }
0x3a: {  	_ = 	snop  }
0x3b: {  	_ = 	snop  }
0x3c: {  	p2 =	seq.s32 s10, $0x1;
	s10 =	sld [smem:$0x3FA8]  }
0x3d: {  	_ =	shalt  }
0x3e: {  	_ =	shalt  }
0x3f: {  	_ =	shalt  }
0x40: {  	_ =	shalt  }
0x41: {  	_ =	shalt  }
0x42: {  	_ =	shalt  }
0x43: {  	_ =	shalt  }
0x44: {  	_ =	shalt  }
0x45: {  	_ =	shalt  }
0x46: {  	_ =	shalt  }
0x47: {  	_ =	shalt  }
0x48: {  	_ =	shalt  }
0x49: {  	_ =	shalt  }
0x4a: {  	_ =	shalt  }
0x4b: {  	_ =	shalt  }
0x4c: {  	_ =	shalt  }
0x4d: {  	_ =	shalt  }
0x4e: {  	_ =	shalt  }
0x4f: {  	_ =	shalt  }
0x50: {  	_ =	shalt  }
0x51: {  	_ =	shalt  }
0x52: {  	_ =	shalt  }
0x53: {  	_ =	shalt  }
0x54: {  	_ =	shalt  }
0x55: {  	_ =	shalt  }
0x56: {  	_ =	shalt  }
0x57: {  	_ =	shalt  }
0x58: {  	_ =	shalt  }
0x59: {  	_ =	shalt  }
0x5a: {  	_ =	shalt  }
0x5b: {  	_ =	shalt  }
0x5c: {  	_ =	shalt  }
0x5d: {  	_ =	shalt  }
0x5e: {  	_ =	shalt  }
0x5f: {  	_ =	shalt  }
0x60: {  	_ =	shalt  }
0x61: {  	_ =	shalt  }
0x62: {  	_ =	shalt  }
0x63: {  	_ =	shalt  }
0x64: {  	_ =	shalt  }
0x65: {  	_ =	shalt  }
0x66: {  	_ =	shalt  }
0x67: {  	_ =	shalt  }
0x68: {  	_ =	shalt  }
0x69: {  	_ =	shalt  }
0x6a: {  	_ =	shalt  }
0x6b: {  	_ =	shalt  }
0x6c: {  	_ =	shalt  }
0x6d: {  	_ =	shalt  }
0x6e: {  	_ =	shalt  }
0x6f: {  	_ =	shalt  }
0x70: {  	_ =	shalt  }
0x71: {  	_ =	shalt  }
0x72: {  	_ =	shalt  }
0x73: {  	_ =	shalt  }
0x74: {  	_ =	shalt  }
0x75: {  	_ =	shalt  }
0x76: {  	_ =	shalt  }
0x77: {  	_ =	shalt  }
0x78: {  	_ =	shalt  }
0x79: {  	_ =	shalt  }
0x7a: {  	_ =	shalt  }
0x7b: {  	_ =	shalt  }
0x7c: {  	_ =	shalt  }
0x7d: {  	_ =	shalt  }
0x7e: {  	_ =	shalt  }
0x7f: {  	_ =	shalt  }
0x80: {  	_ =	shalt  }
0x81: {  	_ =	shalt  }
0x82: {  	_ =	shalt  }
0x83: {  	_ =	shalt  }
0x84: {  	_ =	shalt  }
0x85: {  	_ =	shalt  }
0x86: {  	_ =	shalt  }
0x87: {  	_ =	shalt  }
.Lfunc_end0:
.L_simem_size_0:
called_computation.1_lowered:
.L_overlay_start_0:
0x88: {  	s2 =	sld [smem:$0x3FD9]  }
0x89: {  	s3 =	sld [smem:$0x3FFE];
	_ =	sdelay $0x1  }
0x8a: {  	s1 =	srdreg.scid  }
0x8b: {  	s0 =	sand.u32 $0x1, s1  }
0x8c: {  	s17 =	sshll.u32 s0, $0xA;
	s2 =	sadd.s32 s3, s2  }
0x8d: {  	s2 =	sadd.s32 s2, s17  }
0x8e: {  	[smem:$0x3FB4] =	sst s2  }
0x8f: {  	_ = 	snop  }
0x90: {  	s2 =	sld [smem:$0x3FD0];
	(tm) =	ssettm $0x1  }
0x91: {  	s18 =	sld [smem:$0x3FFB];
	_ =	sdelay $0x3  }
0x92: {  	_ =	strace s18  }
0x93: {  	s3 =	sld [smem:$0x3FFC];
	_ =	sdelay $0x3  }
0x94: {  	_ =	strace s3  }
0x95: {  	s3 =	sld [smem:$0x3FFD];
	_ =	sdelay $0x3  }
0x96: {  	_ =	strace s3  }
0x97: {  	_ =	strace $0x8FFFFFFF  }
0x98: {  	s19 =	sld [smem:$0x3FDB];
	_ =	sdelay $0x1  }
0x99: {  	s4 =	simm.s32 $_scs_section_size  }
0x9a: {  	s5 =	simm.s32 $_size__tile_overlayer_lowered;
	s6 =	simm.s32 $_tile_overlayer_lowered  }
0x9b: {  	s22 =	simm.s32 $0x1BFF;
	s21 =	sshll.u32 s6, $0x1;
	s3 =	sadd.s32 s4, s19  }
0x9c: {  	s7 =	simm.s32 $0x0;
	s20 =	sshll.u32 s5, $0x1;
	s5 =	sadd.s32 s21, s3  }
0x9d: {  	[timem:s7], [sflag:s22] =	dma.local [hbm:s5], s20  }
0x9e: {  	_ =	swait.ge [sflag:s22], s20  }
0x9f: {  	s4 =	ssub.s32 $0x0, s20;
	[sflag:s22] =	ssyncset.done $0x0  }
0xa0: {  	[sflag:s22] =	ssyncadd.s32 s4;
	_ =	sdelay $0x1  }
0xa1: {  	s23 =	simm.s32 $0x1B8B  }
0xa2: {  	_ =	swait.ge [sflag:s23], $0x1  }
0xa3: {  	[sflag:s23] =	ssyncset.done $0x0  }
0xa4: {  	s25 =	simm.s32 $0x1B8E;
	s24 =	sld [smem:$0x3FFE];
	[sflag:s23] =	ssyncadd.s32 $0xFFFFFFFF  }
0xa5: {  	s26 =	simm.s32 $execute0_lowered;
	[smem:$0x3FD2] =	sst s25  }
0xa6: {  	s5 =	sshll.u32 s26, $0x1;
	_ =	strace $0x80000049;
	[dreg:$0x1] =	wrdreg $0xFFFFFFFF  }
0xa7: {  	s28 =	simm.s32 $_size_execute0_lowered;
	s3 =	sadd.s32 s3, s5;
	[dreg:$0x0] =	wrdreg $0x0  }
0xa8: {  	s5 =	sshll.u32 s28, $0x1;
	[dreg:$0x2] =	wrdreg s3  }
0xa9: {  	[dreg:$0x3] =	wrdreg s5  }
0xaa: {  	[dreg:$0x4] =	wrdreg $0xC0  }
0xab: {  	_ =	task [dreg:s7], $0x5FFFF  }
0xac: {  	[dreg:$0x1] =	wrdreg $0xFFFFFFFF  }
0xad: {  	[dreg:$0x0] =	wrdreg $0x60  }
0xae: {  	[dreg:$0x2] =	wrdreg s24  }
0xaf: {  	[dreg:$0x3] =	wrdreg s2  }
0xb0: {  	[dreg:$0x4] =	wrdreg $0x0  }
0xb1: {  	[dreg:$0x5] =	wrdreg $0x9  }
0xb2: {  	_ =	task.clear_ibuf [dreg:s7], $0x6FFFF;
	_ =	strace $0x90000049  }
0xb3: {  	s29 =	simm.s32 $0x9;
	_ =	strace $0x8000004B  }
0xb4: {  	_ =	swait.ge [sflag:s29], $0x1  }
0xb5: {  	[sflag:s29] =	ssyncadd.s32 $0xFFFFFFFF  }
0xb6: {  	_ =	strace $0x9000004B  }
0xb7: {  	_ =	sfence  }
0xb8: {  	s30 =	sld [smem:$0x0];
	_ =	sdelay $0x2  }
0xb9: {  	s31 =	sshll.u32 s1, $0xD;
	s1 =	sshrl.u32 s1, $0x2  }
0xba: {  	s3 =	sand.u32 $0x4000, s31;
	s1 =	sadd.s32 s1, s30  }
0xbb: {  	s0 =	sor.u32 s3, s0;
	s1 =	sshll.u32 s1, $0x11  }
0xbc: {  	s0 =	sor.u32 s1, s0  }
0xbd: {  	s0 =	sadd.s32 $0x8F2B, s0  }
0xbe: {  	[sflag:s0] =	ssyncadd.remote.s32 $0x1  }
0xbf: {  	_ =	sfence.sel $0xFFFF  }
0xc0: {  	[dreg:$0x0] =	wrdreg $0xFFFFFFFF;
	(pc) =	sbr.abs _section_cstart, $3  }
0xc1: {  	[dreg:$0x1] =	wrdreg $0xFFFFFFFF  }
0xc2: {  	_ =	task.clear_ibuf [dreg:s7], $0x2FFFF;
	_ =	strace $0x9FFFFFFF  }
0xc3: {  	(tm) =	ssettm $0x7FFFFFFF  }
tec
execute0_lowered:
.L_overlay_start_1:
0x0: {  	(tag) =	ssettag $0x1  }
0x1: {  	s0 =	rddreg [dreg:$0x0]  }
0x2: {  	s1 =	rddreg [dreg:$0x1]  }
0x3: {  	s2 =	rddreg [dreg:$0x2];
	s3 =	simm.s32 $0x0;
	s12 =	stileid.u32  }
0x4: {  	s4 =	srdreg.scid;
	s28 =	simm.s32 $0x1C000;
	s5 =	smul.u32 $0x2800, s12  }
0x5: {  	s29 =	simm.s32 $0x1D400;
	s30 =	simm.s32 $0x80;
	s9 =	smul.u32 $0x280, s12  }
0x6: {  	s31 =	simm.s32 $0x18000;
	s7 =	sand.u32 $0x1, s4;
	s12 =	smul.u32 $0x50000, s12  }
0x7: {  	[smem:$0x7FF] =	sst s3;
	s4 =	sadd.s32 $0x5F600, s0;
	s11 =	smul.u32 $0x2800, s7  }
0x8: {  	_ =	strace $0x8000004A;
	s21 =	ssub.s32 $0x2, s7;
	s7 =	smul.u32 $0x28000, s7  }
0x9: {  	s6 =	sshrl.u32 s5, $0x3;
	s8 =	sshrl.u32 s21, $0x1;
	s22 =	sadd.s32 $0x80, s9  }
0xa: {  	s24 =	sshrl.u32 s12, $0x2;
	s26 =	sadd.s32 $0x100, s9;
	s20 =	sadd.s32 $0x180, s9  }
0xb: {  	s13 =	sadd.s32 s6, s0;
	s0 =	sadd.s32 $0xAF600, s0;
	s10 =	sadd.s32 s9, s11  }
0xc: {  	s15 =	ssub.s32 s21, s8;
	s25 =	sadd.s32 s11, s22;
	s6 =	sadd.s32 s24, s2  }
0xd: {  	s8 =	sshll.u32 s22, $0x7;
	s19 =	sadd.s32 s11, s26;
	s21 =	sadd.s32 s11, s20  }
0xe: {  	s9 =	sadd.s32 $0x200, s9;
	s12 =	sshll.u32 s20, $0x7;
	s5 =	sadd.s32 s7, s5  }
0xf: {  	s7 =	simm.s32 $0x1E700;
	s16 =	sshll.u32 s10, $0x4;
	s17 =	sshll.u32 s25, $0x4  }
0x10: {  	s8 =	sadd.s32 s8, s2;
	s10 =	sshll.u32 s26, $0x7;
	s11 =	sadd.s32 s11, s9  }
0x11: {  	s9 =	sshll.u32 s9, $0x7;
	s12 =	sadd.s32 s12, s2;
	s5 =	sshrl.u32 s5, $0x3  }
0x12: {  	s20 =	smax.u32 s15, $0x1;
	s23 =	sadd.s32 s4, s16;
	s18 =	sadd.s32 s4, s17  }
0x13: {  	s10 =	sadd.s32 s10, s2;
	s11 =	sshll.u32 s11, $0x4;
	[dreg:$0x4] =	wrdreg s23  }
0x14: {  	s24 =	sadd.s32 s0, s17;
	[dreg:$0x5] =	wrdreg s18;
	s18 =	sshll.u32 s19, $0x4  }
0x15: {  	s19 =	sshll.u32 s21, $0x4;
	s22 =	sadd.s32 s4, s11;
	s23 =	sadd.s32 s0, s16  }
0x16: {  	[dreg:$0xa] =	wrdreg s24;
	s21 =	sadd.s32 s1, s5;
	s24 =	sadd.s32 $0x5880, s13  }
0x17: {  	s1 =	simm.s32 $0x2;
	s5 =	simm.s32 $0x1D380;
	[dreg:$0x8] =	wrdreg s22  }
0x18: {  	s14 =	sadd.s32 s4, s18;
	[dreg:$0x9] =	wrdreg s23;
	s25 =	sadd.s32 s0, s18  }
0x19: {  	s26 =	sadd.s32 s0, s19;
	s22 =	sadd.s32 $0x5600, s13;
	[dreg:$0x6] =	wrdreg s14  }
0x1a: {  	s23 =	sadd.s32 $0x280, s21;
	s14 =	sadd.s32 s4, s19;
	[dreg:$0xb] =	wrdreg s25  }
0x1b: {  	[dreg:$0xc] =	wrdreg s26;
	s19 =	sadd.s32 s0, s11;
	s25 =	simm.s32 $0x14000  }
0x1c: {  	s26 =	simm.s32 $0x3;
	s0 =	simm.s32 $0x1;
	s11 =	simm.s32 $0x0  }
0x1d: {  	[dreg:$0x7] =	wrdreg s14;
	s14 =	sadd.s32 s9, s2;
	s9 =	simm.s32 $0x1E780  }
.LBB2_1:
0x1e: {  	s13 =	rddreg [dreg:$0x4]  }
0x1f: {  	[tilespmem:s25], [sflag:$0x3] =	stream.linear.gather [hbm4b:s13+s3], $0x4000, $0x38;
	[tilespmem:$0x1E800] =	vst v63  }
0x20: {  	_ =	swait.ge [sflag:s26], $0x4000  }
0x21: {  	[sflag:s26] =	ssyncset.done $0x0  }
0x22: {  	[sflag:s26] =	ssyncadd.s32 $0xFFFFC000  }
0x23: {  	[spmem:s6] =	stream.linear.scatter [tilespmem:s25], [sflag:$0x3], $0x4000, $0x38;
	[tilespmem:$0x1E800] =	vst v63  }
0x24: {  	_ =	swait.ge [sflag:s26], $0x4000  }
0x25: {  	[sflag:s26] =	ssyncset.done $0x0  }
0x26: {  	s15 =	rddreg [dreg:$0x5];
	[sflag:s26] =	ssyncadd.s32 $0xFFFFC000  }
0x27: {  	[tilespmem:s25], [sflag:$0x3] =	stream.linear.gather [hbm4b:s15+s3], $0x4000, $0x38;
	[tilespmem:$0x1E800] =	vst v63  }
0x28: {  	_ =	swait.ge [sflag:s26], $0x4000  }
0x29: {  	[sflag:s26] =	ssyncset.done $0x0  }
0x2a: {  	[sflag:s26] =	ssyncadd.s32 $0xFFFFC000  }
0x2b: {  	[spmem:s8] =	stream.linear.scatter [tilespmem:s25], [sflag:$0x3], $0x4000, $0x38;
	[tilespmem:$0x1E800] =	vst v63  }
0x2c: {  	_ =	swait.ge [sflag:s26], $0x4000  }
0x2d: {  	[sflag:s26] =	ssyncset.done $0x0  }
0x2e: {  	s16 =	rddreg [dreg:$0x6];
	[sflag:s26] =	ssyncadd.s32 $0xFFFFC000  }
0x2f: {  	[tilespmem:s25], [sflag:$0x3] =	stream.linear.gather [hbm4b:s16+s3], $0x4000, $0x38;
	[tilespmem:$0x1E800] =	vst v63  }
0x30: {  	_ =	swait.ge [sflag:s26], $0x4000  }
0x31: {  	[sflag:s26] =	ssyncset.done $0x0  }
0x32: {  	[sflag:s26] =	ssyncadd.s32 $0xFFFFC000  }
0x33: {  	[spmem:s10] =	stream.linear.scatter [tilespmem:s25], [sflag:$0x3], $0x4000, $0x38;
	[tilespmem:$0x1E800] =	vst v63  }
0x34: {  	_ =	swait.ge [sflag:s26], $0x4000  }
0x35: {  	[sflag:s26] =	ssyncset.done $0x0  }
0x36: {  	s17 =	rddreg [dreg:$0x7];
	[sflag:s26] =	ssyncadd.s32 $0xFFFFC000  }
0x37: {  	[tilespmem:s25], [sflag:$0x3] =	stream.linear.gather [hbm4b:s17+s3], $0x4000, $0x38;
	[tilespmem:$0x1E800] =	vst v63  }
0x38: {  	_ =	swait.ge [sflag:s26], $0x4000  }
0x39: {  	[sflag:s26] =	ssyncset.done $0x0  }
0x3a: {  	[sflag:s26] =	ssyncadd.s32 $0xFFFFC000  }
0x3b: {  	[spmem:s12] =	stream.linear.scatter [tilespmem:s25], [sflag:$0x3], $0x4000, $0x38;
	[tilespmem:$0x1E800] =	vst v63  }
0x3c: {  	_ =	swait.ge [sflag:s26], $0x4000  }
0x3d: {  	[sflag:s26] =	ssyncset.done $0x0  }
0x3e: {  	s18 =	rddreg [dreg:$0x8];
	[sflag:s26] =	ssyncadd.s32 $0xFFFFC000  }
0x3f: {  	[tilespmem:s25], [sflag:$0x3] =	stream.linear.gather [hbm4b:s18+s3], $0x4000, $0x38;
	[tilespmem:$0x1E800] =	vst v63  }
0x40: {  	_ =	swait.ge [sflag:s26], $0x4000  }
0x41: {  	[sflag:s26] =	ssyncset.done $0x0  }
0x42: {  	[sflag:s26] =	ssyncadd.s32 $0xFFFFC000  }
0x43: {  	[spmem:s14] =	stream.linear.scatter [tilespmem:s25], [sflag:$0x3], $0x4000, $0x38;
	[tilespmem:$0x1E800] =	vst v63  }
0x44: {  	_ =	swait.ge [sflag:s26], $0x4000  }
0x45: {  	[sflag:s26] =	ssyncset.done $0x0  }
0x46: {  	[sflag:s26] =	ssyncadd.s32 $0xFFFFC000  }
0x47: {  	[bflag:$0x0] =	sbarrier.arrive $0xFFFF  }
0x48: {  	[tilespmem:s28], [sflag:$0x3] =	stream.linear.gather [hbm4b:s21+s3], $0x1400, $0x38;
	[tilespmem:$0x1E800] =	vst v63  }
0x49: {  	_ =	swait.ge [sflag:s26], $0x1400  }
0x4a: {  	[sflag:s26] =	ssyncset.done $0x0  }
0x4b: {  	[sflag:s26] =	ssyncadd.s32 $0xFFFFEC00  }
0x4c: {  	[tilespmem:s29], [sflag:$0x3] =	stream.linear.gather [hbm4b:s22+s3], $0x1400, $0x38;
	[tilespmem:$0x1E800] =	vst v63  }
0x4d: {  	_ =	swait.ge [sflag:s26], $0x1400  }
0x4e: {  	[sflag:s26] =	ssyncset.done $0x0  }
0x4f: {  	[sflag:s26] =	ssyncadd.s32 $0xFFFFEC00  }
0x50: {  	[tilespmem:s25], [sflag:$0x1] =	stream.indirect.gather [hbm4b:s4+s30], $0x80, s28, s30, $0xb8;
	[tilespmem:$0x1E800] =	vst v63  }
0x51: {  	s15 =	simm.s32 $0x1C080  }
0x52: {  	[tilespmem:s31], [sflag:$0x2] =	stream.indirect.gather [hbm4b:s4+s30], $0x80, s15, s30, $0xb8;
	[tilespmem:$0x1E800] =	vst v63  }
0x53: {  	_ =	swait.ge [sflag:s0], $0x4000  }
0x54: {  	[sflag:s0] =	ssyncset.done $0x0  }
0x55: {  	s16 =	simm.s32 $0x1D400;
	[sflag:s0] =	ssyncadd.s32 $0xFFFFC000  }
0x56: {  	[spmem:s2] =	stream.indirect.scatter.add.f32 [tilespmem:s25], [sflag:$0x3], $0x80, s16, s30, $0xb8;
	[tilespmem:$0x1E800] =	vst v63  }
0x57: {  	_ =	swait.ge [sflag:s26], $0x4000  }
0x58: {  	[sflag:s26] =	ssyncset.done $0x0  }
0x59: {  	s17 =	simm.s32 $0x1C100;
	[sflag:s26] =	ssyncadd.s32 $0xFFFFC000  }
0x5a: {  	[tilespmem:s25], [sflag:$0x1] =	stream.indirect.gather [hbm4b:s4+s30], $0x80, s17, s30, $0xb8;
	[tilespmem:$0x1E800] =	vst v63  }
0x5b: {  	_ =	swait.ge [sflag:s1], $0x4000  }
0x5c: {  	[sflag:s1] =	ssyncset.done $0x0  }
0x5d: {  	s18 =	simm.s32 $0x1D480;
	[sflag:s1] =	ssyncadd.s32 $0xFFFFC000  }
0x5e: {  	[spmem:s2] =	stream.indirect.scatter.add.f32 [tilespmem:s31], [sflag:$0x3], $0x80, s18, s30, $0xb8;
	[tilespmem:$0x1E800] =	vst v63  }
0x5f: {  	_ =	swait.ge [sflag:s26], $0x4000  }
0x60: {  	s13 =	simm.s32 $0x100;
	s15 =	simm.s32 $0x800;
	[sflag:s26] =	ssyncset.done $0x0  }
.LBB2_2:
0x61: {  	s16 =	sadd.s32 $0x1C080, s13  }
0x62: {  	[sflag:s26] =	ssyncadd.s32 $0xFFFFC000;
	s17 =	smov.u32 s15;
	s18 =	sadd.s32 $0x400, s15  }
0x63: {  	[tilespmem:s31], [sflag:$0x2] =	stream.indirect.gather [hbm4b:s4+s30], $0x80, s16, s30, $0xb8;
	[tilespmem:$0x1E800] =	vst v63  }
0x64: {  	p0 =	sne.s32 s15, $0x4800;
	_ =	swait.ge [sflag:s0], $0x4000  }
0x65: {  	[sflag:s0] =	ssyncset.done $0x0  }
0x66: {  	s15 =	sadd.s32 $0x1D400, s13;
	[sflag:s0] =	ssyncadd.s32 $0xFFFFC000  }
0x67: {  	[spmem:s2] =	stream.indirect.scatter.add.f32 [tilespmem:s25], [sflag:$0x3], $0x80, s15, s30, $0xb8;
	[tilespmem:$0x1E800] =	vst v63  }
0x68: {  	_ =	swait.ge [sflag:s26], $0x4000  }
0x69: {  	[sflag:s26] =	ssyncset.done $0x0  }
0x6a: {  	s15 =	sadd.s32 $0x1C100, s13;
	[sflag:s26] =	ssyncadd.s32 $0xFFFFC000  }
0x6b: {  	[tilespmem:s25], [sflag:$0x1] =	stream.indirect.gather [hbm4b:s4+s30], $0x80, s15, s30, $0xb8;
	[tilespmem:$0x1E800] =	vst v63  }
0x6c: {  	_ =	swait.ge [sflag:s1], $0x4000  }
.Ltmp0:
0x6d: {  	[sflag:s1] =	ssyncset.done $0x0;
	(pc) =	sbr.rel @p0 .LBB2_2-.Ltmp0, $4  }
0x6e: {  	s13 =	sadd.s32 $0x1D480, s13;
	[sflag:s1] =	ssyncadd.s32 $0xFFFFC000  }
0x6f: {  	[spmem:s2] =	stream.indirect.scatter.add.f32 [tilespmem:s31], [sflag:$0x3], $0x80, s13, s30, $0xb8;
	[tilespmem:$0x1E800] =	vst v63  }
0x70: {  	_ =	swait.ge [sflag:s26], $0x4000  }
0x71: {  	s15 =	smov.u32 s18;
	s13 =	sshra.s32 s17, $0x2;
	[sflag:s26] =	ssyncset.done $0x0  }
0x72: {  	s15 =	sadd.s32 $0x1C080, s13;
	[sflag:s26] =	ssyncadd.s32 $0xFFFFC000  }
0x73: {  	[tilespmem:s31], [sflag:$0x2] =	stream.indirect.gather [hbm4b:s4+s30], $0x80, s15, s30, $0xb8;
	[tilespmem:$0x1E800] =	vst v63  }
0x74: {  	_ =	swait.ge [sflag:s0], $0x4000  }
0x75: {  	[sflag:s0] =	ssyncset.done $0x0  }
0x76: {  	s18 =	sadd.s32 $0x1D400, s13;
	[sflag:s0] =	ssyncadd.s32 $0xFFFFC000  }
0x77: {  	[spmem:s2] =	stream.indirect.scatter.add.f32 [tilespmem:s25], [sflag:$0x3], $0x80, s18, s30, $0xb8;
	[tilespmem:$0x1E800] =	vst v63  }
0x78: {  	_ =	swait.ge [sflag:s26], $0x4000  }
0x79: {  	[sflag:s26] =	ssyncset.done $0x0  }
0x7a: {  	s16 =	sadd.s32 $0x1C100, s13;
	[sflag:s26] =	ssyncadd.s32 $0xFFFFC000  }
0x7b: {  	[tilespmem:s25], [sflag:$0x1] =	stream.indirect.gather [hbm4b:s4+s30], $0x80, s16, s30, $0xb8;
	[tilespmem:$0x1E800] =	vst v63  }
0x7c: {  	_ =	swait.ge [sflag:s1], $0x4000  }
0x7d: {  	[sflag:s1] =	ssyncset.done $0x0  }
0x7e: {  	s17 =	sadd.s32 $0x1D480, s13;
	[sflag:s1] =	ssyncadd.s32 $0xFFFFC000  }
0x7f: {  	[spmem:s2] =	stream.indirect.scatter.add.f32 [tilespmem:s31], [sflag:$0x3], $0x80, s17, s30, $0xb8;
	[tilespmem:$0x1E800] =	vst v63  }
0x80: {  	_ =	swait.ge [sflag:s26], $0x4000  }
0x81: {  	[sflag:s26] =	ssyncset.done $0x0  }
0x82: {  	[sflag:s26] =	ssyncadd.s32 $0xFFFFC000  }
0x83: {  	[tilespmem:s31], [sflag:$0x2] =	stream.indirect.gather [hbm4b:s4+s30], $0x80, s5, s30, $0xb8;
	[tilespmem:$0x1E800] =	vst v63  }
0x84: {  	_ =	swait.ge [sflag:s0], $0x4000  }
0x85: {  	[sflag:s0] =	ssyncset.done $0x0  }
0x86: {  	[sflag:s0] =	ssyncadd.s32 $0xFFFFC000  }
0x87: {  	[spmem:s2] =	stream.indirect.scatter.add.f32 [tilespmem:s25], [sflag:$0x3], $0x80, s7, s30, $0xb8;
	[tilespmem:$0x1E800] =	vst v63  }
0x88: {  	_ =	swait.ge [sflag:s26], $0x4000  }
0x89: {  	[sflag:s26] =	ssyncset.done $0x0  }
0x8a: {  	[sflag:s26] =	ssyncadd.s32 $0xFFFFC000  }
0x8b: {  	_ =	swait.ge [sflag:s1], $0x4000  }
0x8c: {  	[sflag:s1] =	ssyncset.done $0x0  }
0x8d: {  	[sflag:s1] =	ssyncadd.s32 $0xFFFFC000  }
0x8e: {  	[spmem:s2] =	stream.indirect.scatter.add.f32 [tilespmem:s31], [sflag:$0x3], $0x80, s9, s30, $0xb8;
	[tilespmem:$0x1E800] =	vst v63  }
0x8f: {  	_ =	swait.ge [sflag:s26], $0x4000  }
0x90: {  	[sflag:s26] =	ssyncset.done $0x0  }
0x91: {  	s18 =	simm.s32 $0x0;
	[sflag:s26] =	ssyncadd.s32 $0xFFFFC000  }
0x92: {  	[tilespmem:s28], [sflag:$0x3] =	stream.linear.gather [hbm4b:s23+s18], $0x1400, $0x38;
	[tilespmem:$0x1E800] =	vst v63  }
0x93: {  	_ =	swait.ge [sflag:s26], $0x1400  }
0x94: {  	[sflag:s26] =	ssyncset.done $0x0  }
0x95: {  	[sflag:s26] =	ssyncadd.s32 $0xFFFFEC00  }
0x96: {  	[tilespmem:s29], [sflag:$0x3] =	stream.linear.gather [hbm4b:s24+s18], $0x1400, $0x38;
	[tilespmem:$0x1E800] =	vst v63  }
0x97: {  	_ =	swait.ge [sflag:s26], $0x1400  }
0x98: {  	[sflag:s26] =	ssyncset.done $0x0  }
0x99: {  	[sflag:s26] =	ssyncadd.s32 $0xFFFFEC00  }
0x9a: {  	[tilespmem:s25], [sflag:$0x1] =	stream.indirect.gather [hbm4b:s4+s30], $0x80, s28, s30, $0xb8;
	[tilespmem:$0x1E800] =	vst v63  }
0x9b: {  	s15 =	simm.s32 $0x1C080  }
0x9c: {  	[tilespmem:s31], [sflag:$0x2] =	stream.indirect.gather [hbm4b:s4+s30], $0x80, s15, s30, $0xb8;
	[tilespmem:$0x1E800] =	vst v63  }
0x9d: {  	_ =	swait.ge [sflag:s0], $0x4000  }
0x9e: {  	[sflag:s0] =	ssyncset.done $0x0  }
0x9f: {  	s16 =	simm.s32 $0x1D400;
	[sflag:s0] =	ssyncadd.s32 $0xFFFFC000  }
0xa0: {  	[spmem:s2] =	stream.indirect.scatter.add.f32 [tilespmem:s25], [sflag:$0x3], $0x80, s16, s30, $0xb8;
	[tilespmem:$0x1E800] =	vst v63  }
0xa1: {  	_ =	swait.ge [sflag:s26], $0x4000  }
0xa2: {  	[sflag:s26] =	ssyncset.done $0x0  }
0xa3: {  	s17 =	simm.s32 $0x1C100;
	[sflag:s26] =	ssyncadd.s32 $0xFFFFC000  }
0xa4: {  	[tilespmem:s25], [sflag:$0x1] =	stream.indirect.gather [hbm4b:s4+s30], $0x80, s17, s30, $0xb8;
	[tilespmem:$0x1E800] =	vst v63  }
0xa5: {  	_ =	swait.ge [sflag:s1], $0x4000  }
0xa6: {  	[sflag:s1] =	ssyncset.done $0x0  }
0xa7: {  	s18 =	simm.s32 $0x1D480;
	[sflag:s1] =	ssyncadd.s32 $0xFFFFC000  }
0xa8: {  	[spmem:s2] =	stream.indirect.scatter.add.f32 [tilespmem:s31], [sflag:$0x3], $0x80, s18, s30, $0xb8;
	[tilespmem:$0x1E800] =	vst v63  }
0xa9: {  	_ =	swait.ge [sflag:s26], $0x4000  }
0xaa: {  	s13 =	simm.s32 $0x100;
	s15 =	simm.s32 $0x800;
	[sflag:s26] =	ssyncset.done $0x0  }
.LBB2_4:
0xab: {  	s16 =	sadd.s32 $0x1C080, s13  }
0xac: {  	[sflag:s26] =	ssyncadd.s32 $0xFFFFC000;
	s17 =	smov.u32 s15;
	s18 =	sadd.s32 $0x400, s15  }
0xad: {  	[tilespmem:s31], [sflag:$0x2] =	stream.indirect.gather [hbm4b:s4+s30], $0x80, s16, s30, $0xb8;
	[tilespmem:$0x1E800] =	vst v63  }
0xae: {  	p0 =	sne.s32 s15, $0x4800;
	_ =	swait.ge [sflag:s0], $0x4000  }
0xaf: {  	[sflag:s0] =	ssyncset.done $0x0  }
0xb0: {  	s15 =	sadd.s32 $0x1D400, s13;
	[sflag:s0] =	ssyncadd.s32 $0xFFFFC000  }
0xb1: {  	[spmem:s2] =	stream.indirect.scatter.add.f32 [tilespmem:s25], [sflag:$0x3], $0x80, s15, s30, $0xb8;
	[tilespmem:$0x1E800] =	vst v63  }
0xb2: {  	_ =	swait.ge [sflag:s26], $0x4000  }
0xb3: {  	[sflag:s26] =	ssyncset.done $0x0  }
0xb4: {  	s15 =	sadd.s32 $0x1C100, s13;
	[sflag:s26] =	ssyncadd.s32 $0xFFFFC000  }
0xb5: {  	[tilespmem:s25], [sflag:$0x1] =	stream.indirect.gather [hbm4b:s4+s30], $0x80, s15, s30, $0xb8;
	[tilespmem:$0x1E800] =	vst v63  }
0xb6: {  	_ =	swait.ge [sflag:s1], $0x4000  }
.Ltmp1:
0xb7: {  	[sflag:s1] =	ssyncset.done $0x0;
	(pc) =	sbr.rel @p0 .LBB2_4-.Ltmp1, $4  }
0xb8: {  	s13 =	sadd.s32 $0x1D480, s13;
	[sflag:s1] =	ssyncadd.s32 $0xFFFFC000  }
0xb9: {  	[spmem:s2] =	stream.indirect.scatter.add.f32 [tilespmem:s31], [sflag:$0x3], $0x80, s13, s30, $0xb8;
	[tilespmem:$0x1E800] =	vst v63  }
0xba: {  	_ =	swait.ge [sflag:s26], $0x4000  }
0xbb: {  	s15 =	smov.u32 s18;
	s13 =	sshra.s32 s17, $0x2;
	[sflag:s26] =	ssyncset.done $0x0  }
0xbc: {  	s15 =	sadd.s32 $0x1C080, s13;
	[sflag:s26] =	ssyncadd.s32 $0xFFFFC000  }
0xbd: {  	[tilespmem:s31], [sflag:$0x2] =	stream.indirect.gather [hbm4b:s4+s30], $0x80, s15, s30, $0xb8;
	[tilespmem:$0x1E800] =	vst v63  }
0xbe: {  	_ =	swait.ge [sflag:s0], $0x4000  }
0xbf: {  	[sflag:s0] =	ssyncset.done $0x0  }
0xc0: {  	s16 =	sadd.s32 $0x1D400, s13;
	[sflag:s0] =	ssyncadd.s32 $0xFFFFC000  }
0xc1: {  	[spmem:s2] =	stream.indirect.scatter.add.f32 [tilespmem:s25], [sflag:$0x3], $0x80, s16, s30, $0xb8;
	[tilespmem:$0x1E800] =	vst v63  }
0xc2: {  	_ =	swait.ge [sflag:s26], $0x4000  }
0xc3: {  	[sflag:s26] =	ssyncset.done $0x0  }
0xc4: {  	s17 =	sadd.s32 $0x1C100, s13;
	[sflag:s26] =	ssyncadd.s32 $0xFFFFC000  }
0xc5: {  	[tilespmem:s25], [sflag:$0x1] =	stream.indirect.gather [hbm4b:s4+s30], $0x80, s17, s30, $0xb8;
	[tilespmem:$0x1E800] =	vst v63  }
0xc6: {  	_ =	swait.ge [sflag:s1], $0x4000  }
0xc7: {  	[sflag:s1] =	ssyncset.done $0x0  }
0xc8: {  	s18 =	sadd.s32 $0x1D480, s13;
	[sflag:s1] =	ssyncadd.s32 $0xFFFFC000  }
0xc9: {  	[spmem:s2] =	stream.indirect.scatter.add.f32 [tilespmem:s31], [sflag:$0x3], $0x80, s18, s30, $0xb8;
	[tilespmem:$0x1E800] =	vst v63  }
0xca: {  	_ =	swait.ge [sflag:s26], $0x4000  }
0xcb: {  	[sflag:s26] =	ssyncset.done $0x0  }
0xcc: {  	[sflag:s26] =	ssyncadd.s32 $0xFFFFC000  }
0xcd: {  	[tilespmem:s31], [sflag:$0x2] =	stream.indirect.gather [hbm4b:s4+s30], $0x80, s5, s30, $0xb8;
	[tilespmem:$0x1E800] =	vst v63  }
0xce: {  	_ =	swait.ge [sflag:s0], $0x4000  }
0xcf: {  	[sflag:s0] =	ssyncset.done $0x0  }
0xd0: {  	[sflag:s0] =	ssyncadd.s32 $0xFFFFC000  }
0xd1: {  	[spmem:s2] =	stream.indirect.scatter.add.f32 [tilespmem:s25], [sflag:$0x3], $0x80, s7, s30, $0xb8;
	[tilespmem:$0x1E800] =	vst v63  }
0xd2: {  	_ =	swait.ge [sflag:s26], $0x4000  }
0xd3: {  	[sflag:s26] =	ssyncset.done $0x0  }
0xd4: {  	[sflag:s26] =	ssyncadd.s32 $0xFFFFC000  }
0xd5: {  	_ =	swait.ge [sflag:s1], $0x4000  }
0xd6: {  	[sflag:s1] =	ssyncset.done $0x0  }
0xd7: {  	[sflag:s1] =	ssyncadd.s32 $0xFFFFC000  }
0xd8: {  	[spmem:s2] =	stream.indirect.scatter.add.f32 [tilespmem:s31], [sflag:$0x3], $0x80, s9, s30, $0xb8;
	[tilespmem:$0x1E800] =	vst v63  }
0xd9: {  	_ =	swait.ge [sflag:s26], $0x4000  }
0xda: {  	[sflag:s26] =	ssyncset.done $0x0  }
0xdb: {  	[sflag:s26] =	ssyncadd.s32 $0xFFFFC000  }
0xdc: {  	[bflag:$0x0] =	sbarrier.arrive $0xFFFF  }
0xdd: {  	[tilespmem:s25], [sflag:$0x3] =	stream.linear.gather [spmem:s6], $0x4000, $0x38;
	[tilespmem:$0x1E800] =	vst v63  }
0xde: {  	_ =	swait.ge [sflag:s26], $0x4000  }
0xdf: {  	[sflag:s26] =	ssyncset.done $0x0  }
0xe0: {  	s15 =	rddreg [dreg:$0x9];
	[sflag:s26] =	ssyncadd.s32 $0xFFFFC000  }
0xe1: {  	[hbm4b:s15+s3] =	stream.linear.scatter [tilespmem:s25], [sflag:$0x3], $0x4000, $0x38;
	[tilespmem:$0x1E800] =	vst v63  }
0xe2: {  	_ =	swait.ge [sflag:s26], $0x4000  }
0xe3: {  	[sflag:s26] =	ssyncset.done $0x0  }
0xe4: {  	[sflag:s26] =	ssyncadd.s32 $0xFFFFC000  }
0xe5: {  	[tilespmem:s25], [sflag:$0x3] =	stream.linear.gather [spmem:s8], $0x4000, $0x38;
	[tilespmem:$0x1E800] =	vst v63  }
0xe6: {  	_ =	swait.ge [sflag:s26], $0x4000  }
0xe7: {  	[sflag:s26] =	ssyncset.done $0x0  }
0xe8: {  	s16 =	rddreg [dreg:$0xa];
	[sflag:s26] =	ssyncadd.s32 $0xFFFFC000  }
0xe9: {  	[hbm4b:s16+s3] =	stream.linear.scatter [tilespmem:s25], [sflag:$0x3], $0x4000, $0x38;
	[tilespmem:$0x1E800] =	vst v63  }
0xea: {  	_ =	swait.ge [sflag:s26], $0x4000  }
0xeb: {  	[sflag:s26] =	ssyncset.done $0x0  }
0xec: {  	[sflag:s26] =	ssyncadd.s32 $0xFFFFC000  }
0xed: {  	[tilespmem:s25], [sflag:$0x3] =	stream.linear.gather [spmem:s10], $0x4000, $0x38;
	[tilespmem:$0x1E800] =	vst v63  }
0xee: {  	_ =	swait.ge [sflag:s26], $0x4000  }
0xef: {  	[sflag:s26] =	ssyncset.done $0x0  }
0xf0: {  	s17 =	rddreg [dreg:$0xb];
	[sflag:s26] =	ssyncadd.s32 $0xFFFFC000  }
0xf1: {  	[hbm4b:s17+s3] =	stream.linear.scatter [tilespmem:s25], [sflag:$0x3], $0x4000, $0x38;
	[tilespmem:$0x1E800] =	vst v63  }
0xf2: {  	_ =	swait.ge [sflag:s26], $0x4000  }
0xf3: {  	[sflag:s26] =	ssyncset.done $0x0  }
0xf4: {  	[sflag:s26] =	ssyncadd.s32 $0xFFFFC000  }
0xf5: {  	[tilespmem:s25], [sflag:$0x3] =	stream.linear.gather [spmem:s12], $0x4000, $0x38;
	[tilespmem:$0x1E800] =	vst v63  }
0xf6: {  	_ =	swait.ge [sflag:s26], $0x4000  }
0xf7: {  	[sflag:s26] =	ssyncset.done $0x0  }
0xf8: {  	s18 =	rddreg [dreg:$0xc];
	[sflag:s26] =	ssyncadd.s32 $0xFFFFC000  }
0xf9: {  	[hbm4b:s18+s3] =	stream.linear.scatter [tilespmem:s25], [sflag:$0x3], $0x4000, $0x38;
	[tilespmem:$0x1E800] =	vst v63  }
0xfa: {  	_ =	swait.ge [sflag:s26], $0x4000  }
0xfb: {  	[sflag:s26] =	ssyncset.done $0x0  }
0xfc: {  	[sflag:s26] =	ssyncadd.s32 $0xFFFFC000  }
0xfd: {  	[tilespmem:s25], [sflag:$0x3] =	stream.linear.gather [spmem:s14], $0x4000, $0x38;
	[tilespmem:$0x1E800] =	vst v63  }
0xfe: {  	s11 =	sadd.s32 $0x1, s11;
	_ =	swait.ge [sflag:s26], $0x4000  }
0xff: {  	p0 =	sne.s32 s11, s20;
	[sflag:s26] =	ssyncset.done $0x0  }
.Ltmp2:
0x100: {  	[sflag:s26] =	ssyncadd.s32 $0xFFFFC000;
	(pc) =	sbr.rel @p0 .LBB2_1-.Ltmp2, $4  }
0x101: {  	[hbm4b:s19+s3] =	stream.linear.scatter [tilespmem:s25], [sflag:$0x3], $0x4000, $0x38;
	[tilespmem:$0x1E800] =	vst v63  }
0x102: {  	_ =	swait.ge [sflag:s26], $0x4000  }
0x103: {  	[sflag:s26] =	ssyncset.done $0x0  }
0x104: {  	[sflag:s26] =	ssyncadd.s32 $0xFFFFC000  }
0x105: {  	_ =	sfence.sel $0x180000  }
0x106: {  	[bflag:$0x0] =	sbarrier.arrive $0xFFFF  }
0x107: {  	_ =	strace $0x9000004A  }
0x108: {  	s0 =	stileid.u32;
	[bflag:$0x2] =	sbarrier.arrive $0xFFFF  }
0x109: {  	p0 =	sne.s32 s0, $0x0;
	s0 =	rddreg [dreg:$0x3]  }
0x10a: {  	s0 =	sadd.s32 @!p0 $0x100000, s0  }
0x10b: {  	[sflag:s0] =	ssyncadd.tile.s32 @!p0 $0x1;
	_ =	shalt  }
.Lfunc_end2:
_tile_overlayer_lowered:
.L_overlay_start_2:
0x10c: {  	(tag) =	ssettag $0x2  }
0x10d: {  	s0 =	rddreg [dreg:$0x0];
	s2 =	stileid.u32  }
0x10e: {  	s1 =	rddreg [dreg:$0x1];
	p0 =	sne.s32 s2, $0x0  }
0x10f: {  	s3 =	rddreg [dreg:$0x2];
	[bflag:$0x3] =	sbarrier.arrive $0xFFFF;
	s2 =	simm.s32 @!p0 $0x1C03  }
0x110: {  	[timem:s3], [sflag:s2] =	dma.local @!p0 [hbm:s0], s1  }
0x111: {  	s0 =	simm.s32 @!p0 $0x3  }
0x112: {  	_ =	swait.ge @!p0 [sflag:s0], s1  }
0x113: {  	s1 =	ssub.s32 @!p0 $0x0, s1;
	[sflag:s0] =	ssyncset.done @!p0 $0x0  }
0x114: {  	[sflag:s0] =	ssyncadd.s32 @!p0 s1  }
0x115: {  	[bflag:$0x3] =	sbarrier.arrive $0xFFFF  }
0x116: {  	_ =	shalt  }

// kernel: kernel.20.cloned.1.call-start
scs
__scs_entry_jumppad:
0x0: {  	(pc) =	sbr.rel $0x88, $3  }
0x1: {  	(tag) =	ssettag $0x0;
	lr =	simm.s32 $0x1  }
0x2: {  	[smem:$0x3F8D] =	sst lr;
	_ =	strace $0xD0000000  }
0x3: {  	_ = 	snop  }
0x4: {  	_ = 	snop  }
0x5: {  	_ = 	snop  }
0x6: {  	_ = 	snop  }
0x7: {  	_ = 	snop  }
__scs_overlays_trampoline_lowered:
0x8: {  	[smem:$0x3F9C] =	sst s0  }
0x9: {  	[smem:$0x3F9D] =	sst s1  }
0xa: {  	[smem:$0x3F9E] =	sst s2  }
0xb: {  	[smem:$0x3F9F] =	sst s3  }
0xc: {  	[smem:$0x3FA0] =	sst s4  }
0xd: {  	[smem:$0x3FA1] =	sst s5  }
0xe: {  	[smem:$0x3FA2] =	sst s6  }
0xf: {  	[smem:$0x3FA3] =	sst s7  }
0x10: {  	[smem:$0x3FA4] =	sst s8  }
0x11: {  	[smem:$0x3FA5] =	sst s9;
	s0 =	simm.s32 @!p0 $0x0  }
0x12: {  	s1 =	sld [smem:$0x3F8B];
	s0 =	simm.s32 @p0 $0x1  }
0x13: {  	[smem:$0x3FA6] =	sst s0;
	s0 =	simm.s32 @!p1 $0x0  }
0x14: {  	s2 =	sld [smem:$0x3F8A];
	s0 =	simm.s32 @p1 $0x1  }
0x15: {  	[smem:$0x3FA7] =	sst s0;
	s0 =	simm.s32 @!p2 $0x0  }
0x16: {  	s3 =	sld [smem:$0x3FDB];
	s0 =	simm.s32 @p2 $0x1  }
0x17: {  	s4 =	simm.s32 $0x1BF5;
	[smem:$0x3FA9] =	sst s0  }
0x18: {  	s0 =	sld [smem:$0x3F8C];
	_ =	swait.ge [sflag:s4], $0x0  }
0x19: {  	s7 =	sld [smem:$0x3F8D]  }
0x1a: {  	s8 =	sadd.s32 $0xFFFFE003, lr  }
0x1b: {  	s9 =	sadd.s32 $0xFFFFFEF7, lr;
	s5 =	simm.s32 $0xFFFFFFFF;
	p2 =	slt.u32 s8, $0xFFFFF086  }
0x1c: {  	p1 =	slt.u32 s9, $0xF7A;
	s5 =	simm.s32 @!p2 $0x0  }
0x1d: {  	s5 =	simm.s32 @p1 $0x1;
	p0 =	seq.s32 s7, s2  }
0x1e: {  	s7 =	smul.u32 @!p0 $0xF7A, s2;
	p2 =	seq.s32 @!p0 s5, $0x0  }
0x1f: {  	s9 =	smul.u32 $0xF7A, s1;
	s8 =	simm.s32 @!p0 $0x1BF5;
	p2 =	por !p2, p0  }
0x20: {  	[sflag:s8] =	ssyncset.s32 @!p0 $0xFFFFF086;
	s6 =	sadd.s32 @!p0 s3, s7;
	s7 =	simm.s32 @!p0 $0x108  }
0x21: {  	s3 =	sadd.s32 s3, s9;
	s6 =	sadd.s32 @!p0 $0x88, s6;
	s7 =	simm.s32 @p2 $0x1082  }
0x22: {  	[simem:s7], [sflag:s8] =	dma.local @!p0 [hbm:s6], $0xF7A  }
0x23: {  	s9 =	sor.u32 $0xD0000000, s2;
	s6 =	simm.s32 $0x108;
	_ =	swait.ge @!p0 [sflag:s8], $0x0  }
0x24: {  	s3 =	sadd.s32 $0x88, s3;
	s6 =	simm.s32 @!p1 $0x1082;
	[sflag:s4] =	ssyncset.s32 $0xFFFFF086  }
0x25: {  	[simem:s6], [sflag:s4] =	dma.local [hbm:s3], $0xF7A  }
0x26: {  	[smem:$0x3F8D] =	sst s1;
	(tag) =	ssettag s2;
	_ =	strace s9  }
0x27: {  	s1 =	sld [smem:$0x3F9D]  }
0x28: {  	s2 =	sld [smem:$0x3F9E]  }
0x29: {  	s4 =	sld [smem:$0x3FA0]  }
0x2a: {  	p0 =	seq.s32 s5, $0x0;
	s5 =	sld [smem:$0x3FA1]  }
0x2b: {  	s6 =	sld [smem:$0x3FA2]  }
0x2c: {  	s7 =	sld [smem:$0x3FA3]  }
0x2d: {  	s3 =	simm.s32 $0x108;
	s8 =	sld [smem:$0x3FA4]  }
0x2e: {  	s3 =	simm.s32 @!p0 $0x1082;
	s9 =	sld [smem:$0x3FA5]  }
0x2f: {  	lr =	sadd.s32 s0, s3;
	s0 =	sld [smem:$0x3F9C]  }
0x30: {  	s3 =	sld [smem:$0x3F9F]  }
0x31: {  	[smem:$0x3FA8] =	sst s10  }
0x32: {  	s10 =	sld [smem:$0x3FA6];
	_ =	sdelay $0x3  }
0x33: {  	p0 =	seq.s32 s10, $0x1;
	s10 =	sld [smem:$0x3FA8];
	_ =	sdelay $0x3  }
0x34: {  	[smem:$0x3FA8] =	sst s10  }
0x35: {  	s10 =	sld [smem:$0x3FA7];
	_ =	sdelay $0x3  }
0x36: {  	p1 =	seq.s32 s10, $0x1;
	s10 =	sld [smem:$0x3FA8];
	_ =	sdelay $0x3  }
0x37: {  	[smem:$0x3FA8] =	sst s10  }
0x38: {  	s10 =	sld [smem:$0x3FA9]  }
0x39: {  	_ = 	snop;
	(pc) =	sbr.ind lr, $3  }
0x3a: {  	_ = 	snop  }
0x3b: {  	_ = 	snop  }
0x3c: {  	p2 =	seq.s32 s10, $0x1;
	s10 =	sld [smem:$0x3FA8]  }
0x3d: {  	_ =	shalt  }
0x3e: {  	_ =	shalt  }
0x3f: {  	_ =	shalt  }
0x40: {  	_ =	shalt  }
0x41: {  	_ =	shalt  }
0x42: {  	_ =	shalt  }
0x43: {  	_ =	shalt  }
0x44: {  	_ =	shalt  }
0x45: {  	_ =	shalt  }
0x46: {  	_ =	shalt  }
0x47: {  	_ =	shalt  }
0x48: {  	_ =	shalt  }
0x49: {  	_ =	shalt  }
0x4a: {  	_ =	shalt  }
0x4b: {  	_ =	shalt  }
0x4c: {  	_ =	shalt  }
0x4d: {  	_ =	shalt  }
0x4e: {  	_ =	shalt  }
0x4f: {  	_ =	shalt  }
0x50: {  	_ =	shalt  }
0x51: {  	_ =	shalt  }
0x52: {  	_ =	shalt  }
0x53: {  	_ =	shalt  }
0x54: {  	_ =	shalt  }
0x55: {  	_ =	shalt  }
0x56: {  	_ =	shalt  }
0x57: {  	_ =	shalt  }
0x58: {  	_ =	shalt  }
0x59: {  	_ =	shalt  }
0x5a: {  	_ =	shalt  }
0x5b: {  	_ =	shalt  }
0x5c: {  	_ =	shalt  }
0x5d: {  	_ =	shalt  }
0x5e: {  	_ =	shalt  }
0x5f: {  	_ =	shalt  }
0x60: {  	_ =	shalt  }
0x61: {  	_ =	shalt  }
0x62: {  	_ =	shalt  }
0x63: {  	_ =	shalt  }
0x64: {  	_ =	shalt  }
0x65: {  	_ =	shalt  }
0x66: {  	_ =	shalt  }
0x67: {  	_ =	shalt  }
0x68: {  	_ =	shalt  }
0x69: {  	_ =	shalt  }
0x6a: {  	_ =	shalt  }
0x6b: {  	_ =	shalt  }
0x6c: {  	_ =	shalt  }
0x6d: {  	_ =	shalt  }
0x6e: {  	_ =	shalt  }
0x6f: {  	_ =	shalt  }
0x70: {  	_ =	shalt  }
0x71: {  	_ =	shalt  }
0x72: {  	_ =	shalt  }
0x73: {  	_ =	shalt  }
0x74: {  	_ =	shalt  }
0x75: {  	_ =	shalt  }
0x76: {  	_ =	shalt  }
0x77: {  	_ =	shalt  }
0x78: {  	_ =	shalt  }
0x79: {  	_ =	shalt  }
0x7a: {  	_ =	shalt  }
0x7b: {  	_ =	shalt  }
0x7c: {  	_ =	shalt  }
0x7d: {  	_ =	shalt  }
0x7e: {  	_ =	shalt  }
0x7f: {  	_ =	shalt  }
0x80: {  	_ =	shalt  }
0x81: {  	_ =	shalt  }
0x82: {  	_ =	shalt  }
0x83: {  	_ =	shalt  }
0x84: {  	_ =	shalt  }
0x85: {  	_ =	shalt  }
0x86: {  	_ =	shalt  }
0x87: {  	_ =	shalt  }
.Lfunc_end0:
.L_simem_size_0:
called_computation.2_lowered:
.L_overlay_start_0:
0x88: {  	s2 =	sld [smem:$0x3FD9]  }
0x89: {  	s3 =	sld [smem:$0x3FFE];
	_ =	sdelay $0x1  }
0x8a: {  	s1 =	srdreg.scid  }
0x8b: {  	s0 =	sand.u32 $0x1, s1  }
0x8c: {  	s17 =	sshll.u32 s0, $0xA;
	s2 =	sadd.s32 s3, s2  }
0x8d: {  	s2 =	sadd.s32 s2, s17  }
0x8e: {  	[smem:$0x3FB4] =	sst s2  }
0x8f: {  	_ = 	snop  }
0x90: {  	s2 =	sld [smem:$0x3FD0];
	(tm) =	ssettm $0x1  }
0x91: {  	s18 =	sld [smem:$0x3FFB];
	_ =	sdelay $0x3  }
0x92: {  	_ =	strace s18  }
0x93: {  	s3 =	sld [smem:$0x3FFC];
	_ =	sdelay $0x3  }
0x94: {  	_ =	strace s3  }
0x95: {  	s3 =	sld [smem:$0x3FFD];
	_ =	sdelay $0x3  }
0x96: {  	_ =	strace s3  }
0x97: {  	_ =	strace $0x8FFFFFFF  }
0x98: {  	s19 =	sld [smem:$0x3FDB];
	_ =	sdelay $0x1  }
0x99: {  	s4 =	simm.s32 $_scs_section_size  }
0x9a: {  	s5 =	simm.s32 $_size__tile_overlayer_lowered;
	s6 =	simm.s32 $_tile_overlayer_lowered  }
0x9b: {  	s22 =	simm.s32 $0x1BFF;
	s21 =	sshll.u32 s6, $0x1;
	s3 =	sadd.s32 s4, s19  }
0x9c: {  	s7 =	simm.s32 $0x0;
	s20 =	sshll.u32 s5, $0x1;
	s5 =	sadd.s32 s21, s3  }
0x9d: {  	[timem:s7], [sflag:s22] =	dma.local [hbm:s5], s20  }
0x9e: {  	_ =	swait.ge [sflag:s22], s20  }
0x9f: {  	s4 =	ssub.s32 $0x0, s20;
	[sflag:s22] =	ssyncset.done $0x0  }
0xa0: {  	[sflag:s22] =	ssyncadd.s32 s4;
	_ =	sdelay $0x1  }
0xa1: {  	s23 =	simm.s32 $0x1B8B  }
0xa2: {  	_ =	swait.ge [sflag:s23], $0x1  }
0xa3: {  	[sflag:s23] =	ssyncset.done $0x0  }
0xa4: {  	s25 =	simm.s32 $0x1B8E;
	s24 =	sld [smem:$0x3FFE];
	[sflag:s23] =	ssyncadd.s32 $0xFFFFFFFF  }
0xa5: {  	s26 =	simm.s32 $execute0_lowered;
	[smem:$0x3FD2] =	sst s25  }
0xa6: {  	s5 =	sshll.u32 s26, $0x1;
	_ =	strace $0x8000004C;
	[dreg:$0x1] =	wrdreg $0xFFFFFFFF  }
0xa7: {  	s28 =	simm.s32 $_size_execute0_lowered;
	s3 =	sadd.s32 s3, s5;
	[dreg:$0x0] =	wrdreg $0x0  }
0xa8: {  	s5 =	sshll.u32 s28, $0x1;
	[dreg:$0x2] =	wrdreg s3  }
0xa9: {  	[dreg:$0x3] =	wrdreg s5  }
0xaa: {  	[dreg:$0x4] =	wrdreg $0xC0  }
0xab: {  	_ =	task [dreg:s7], $0x5FFFF  }
0xac: {  	[dreg:$0x1] =	wrdreg $0xFFFFFFFF  }
0xad: {  	[dreg:$0x0] =	wrdreg $0x60  }
0xae: {  	[dreg:$0x2] =	wrdreg s24  }
0xaf: {  	[dreg:$0x3] =	wrdreg s2  }
0xb0: {  	[dreg:$0x4] =	wrdreg $0x0  }
0xb1: {  	[dreg:$0x5] =	wrdreg $0x9  }
0xb2: {  	_ =	task.clear_ibuf [dreg:s7], $0x6FFFF;
	_ =	strace $0x9000004C  }
0xb3: {  	s29 =	simm.s32 $0x9;
	_ =	strace $0x8000004E  }
0xb4: {  	_ =	swait.ge [sflag:s29], $0x1  }
0xb5: {  	[sflag:s29] =	ssyncadd.s32 $0xFFFFFFFF  }
0xb6: {  	_ =	strace $0x9000004E  }
0xb7: {  	_ =	sfence  }
0xb8: {  	s30 =	sld [smem:$0x0];
	_ =	sdelay $0x2  }
0xb9: {  	s31 =	sshll.u32 s1, $0xD;
	s1 =	sshrl.u32 s1, $0x2  }
0xba: {  	s3 =	sand.u32 $0x4000, s31;
	s1 =	sadd.s32 s1, s30  }
0xbb: {  	s0 =	sor.u32 s3, s0;
	s1 =	sshll.u32 s1, $0x11  }
0xbc: {  	s0 =	sor.u32 s1, s0  }
0xbd: {  	s0 =	sadd.s32 $0x8F2B, s0  }
0xbe: {  	[sflag:s0] =	ssyncadd.remote.s32 $0x1  }
0xbf: {  	_ =	sfence.sel $0xFFFF  }
0xc0: {  	[dreg:$0x0] =	wrdreg $0xFFFFFFFF;
	(pc) =	sbr.abs _section_cstart, $3  }
0xc1: {  	[dreg:$0x1] =	wrdreg $0xFFFFFFFF  }
0xc2: {  	_ =	task.clear_ibuf [dreg:s7], $0x2FFFF;
	_ =	strace $0x9FFFFFFF  }
0xc3: {  	(tm) =	ssettm $0x7FFFFFFF  }
tec
execute0_lowered:
.L_overlay_start_1:
0x0: {  	(tag) =	ssettag $0x1  }
0x1: {  	s0 =	rddreg [dreg:$0x0]  }
0x2: {  	s1 =	rddreg [dreg:$0x1]  }
0x3: {  	s2 =	rddreg [dreg:$0x2];
	s3 =	simm.s32 $0x0;
	s12 =	stileid.u32  }
0x4: {  	s4 =	srdreg.scid;
	s28 =	simm.s32 $0x1C000;
	s5 =	smul.u32 $0x2800, s12  }
0x5: {  	s29 =	simm.s32 $0x1D400;
	s30 =	simm.s32 $0x80;
	s9 =	smul.u32 $0x280, s12  }
0x6: {  	s31 =	simm.s32 $0x18000;
	s7 =	sand.u32 $0x1, s4;
	s12 =	smul.u32 $0x50000, s12  }
0x7: {  	[smem:$0x7FF] =	sst s3;
	s4 =	sadd.s32 $0x5F600, s0;
	s11 =	smul.u32 $0x2800, s7  }
0x8: {  	_ =	strace $0x8000004D;
	s21 =	ssub.s32 $0x2, s7;
	s7 =	smul.u32 $0x28000, s7  }
0x9: {  	s6 =	sshrl.u32 s5, $0x3;
	s8 =	sshrl.u32 s21, $0x1;
	s22 =	sadd.s32 $0x80, s9  }
0xa: {  	s24 =	sshrl.u32 s12, $0x2;
	s26 =	sadd.s32 $0x100, s9;
	s20 =	sadd.s32 $0x180, s9  }
0xb: {  	s13 =	sadd.s32 s6, s0;
	s0 =	sadd.s32 $0xAF600, s0;
	s10 =	sadd.s32 s9, s11  }
0xc: {  	s15 =	ssub.s32 s21, s8;
	s25 =	sadd.s32 s11, s22;
	s6 =	sadd.s32 s24, s2  }
0xd: {  	s8 =	sshll.u32 s22, $0x7;
	s19 =	sadd.s32 s11, s26;
	s21 =	sadd.s32 s11, s20  }
0xe: {  	s9 =	sadd.s32 $0x200, s9;
	s12 =	sshll.u32 s20, $0x7;
	s5 =	sadd.s32 s7, s5  }
0xf: {  	s7 =	simm.s32 $0x1E700;
	s16 =	sshll.u32 s10, $0x4;
	s17 =	sshll.u32 s25, $0x4  }
0x10: {  	s8 =	sadd.s32 s8, s2;
	s10 =	sshll.u32 s26, $0x7;
	s11 =	sadd.s32 s11, s9  }
0x11: {  	s9 =	sshll.u32 s9, $0x7;
	s12 =	sadd.s32 s12, s2;
	s5 =	sshrl.u32 s5, $0x3  }
0x12: {  	s20 =	smax.u32 s15, $0x1;
	s23 =	sadd.s32 s4, s16;
	s18 =	sadd.s32 s4, s17  }
0x13: {  	s10 =	sadd.s32 s10, s2;
	s11 =	sshll.u32 s11, $0x4;
	[dreg:$0x4] =	wrdreg s23  }
0x14: {  	s24 =	sadd.s32 s0, s17;
	[dreg:$0x5] =	wrdreg s18;
	s18 =	sshll.u32 s19, $0x4  }
0x15: {  	s19 =	sshll.u32 s21, $0x4;
	s22 =	sadd.s32 s4, s11;
	s23 =	sadd.s32 s0, s16  }
0x16: {  	[dreg:$0xa] =	wrdreg s24;
	s21 =	sadd.s32 s1, s5;
	s24 =	sadd.s32 $0x5880, s13  }
0x17: {  	s1 =	simm.s32 $0x2;
	s5 =	simm.s32 $0x1D380;
	[dreg:$0x8] =	wrdreg s22  }
0x18: {  	s14 =	sadd.s32 s4, s18;
	[dreg:$0x9] =	wrdreg s23;
	s25 =	sadd.s32 s0, s18  }
0x19: {  	s26 =	sadd.s32 s0, s19;
	s22 =	sadd.s32 $0x5600, s13;
	[dreg:$0x6] =	wrdreg s14  }
0x1a: {  	s23 =	sadd.s32 $0x280, s21;
	s14 =	sadd.s32 s4, s19;
	[dreg:$0xb] =	wrdreg s25  }
0x1b: {  	[dreg:$0xc] =	wrdreg s26;
	s19 =	sadd.s32 s0, s11;
	s25 =	simm.s32 $0x14000  }
0x1c: {  	s26 =	simm.s32 $0x3;
	s0 =	simm.s32 $0x1;
	s11 =	simm.s32 $0x0  }
0x1d: {  	[dreg:$0x7] =	wrdreg s14;
	s14 =	sadd.s32 s9, s2;
	s9 =	simm.s32 $0x1E780  }
.LBB2_1:
0x1e: {  	s13 =	rddreg [dreg:$0x4]  }
0x1f: {  	[tilespmem:s25], [sflag:$0x3] =	stream.linear.gather [hbm4b:s13+s3], $0x4000, $0x38;
	[tilespmem:$0x1E800] =	vst v63  }
0x20: {  	_ =	swait.ge [sflag:s26], $0x4000  }
0x21: {  	[sflag:s26] =	ssyncset.done $0x0  }
0x22: {  	[sflag:s26] =	ssyncadd.s32 $0xFFFFC000  }
0x23: {  	[spmem:s6] =	stream.linear.scatter [tilespmem:s25], [sflag:$0x3], $0x4000, $0x38;
	[tilespmem:$0x1E800] =	vst v63  }
0x24: {  	_ =	swait.ge [sflag:s26], $0x4000  }
0x25: {  	[sflag:s26] =	ssyncset.done $0x0  }
0x26: {  	s15 =	rddreg [dreg:$0x5];
	[sflag:s26] =	ssyncadd.s32 $0xFFFFC000  }
0x27: {  	[tilespmem:s25], [sflag:$0x3] =	stream.linear.gather [hbm4b:s15+s3], $0x4000, $0x38;
	[tilespmem:$0x1E800] =	vst v63  }
0x28: {  	_ =	swait.ge [sflag:s26], $0x4000  }
0x29: {  	[sflag:s26] =	ssyncset.done $0x0  }
0x2a: {  	[sflag:s26] =	ssyncadd.s32 $0xFFFFC000  }
0x2b: {  	[spmem:s8] =	stream.linear.scatter [tilespmem:s25], [sflag:$0x3], $0x4000, $0x38;
	[tilespmem:$0x1E800] =	vst v63  }
0x2c: {  	_ =	swait.ge [sflag:s26], $0x4000  }
0x2d: {  	[sflag:s26] =	ssyncset.done $0x0  }
0x2e: {  	s16 =	rddreg [dreg:$0x6];
	[sflag:s26] =	ssyncadd.s32 $0xFFFFC000  }
0x2f: {  	[tilespmem:s25], [sflag:$0x3] =	stream.linear.gather [hbm4b:s16+s3], $0x4000, $0x38;
	[tilespmem:$0x1E800] =	vst v63  }
0x30: {  	_ =	swait.ge [sflag:s26], $0x4000  }
0x31: {  	[sflag:s26] =	ssyncset.done $0x0  }
0x32: {  	[sflag:s26] =	ssyncadd.s32 $0xFFFFC000  }
0x33: {  	[spmem:s10] =	stream.linear.scatter [tilespmem:s25], [sflag:$0x3], $0x4000, $0x38;
	[tilespmem:$0x1E800] =	vst v63  }
0x34: {  	_ =	swait.ge [sflag:s26], $0x4000  }
0x35: {  	[sflag:s26] =	ssyncset.done $0x0  }
0x36: {  	s17 =	rddreg [dreg:$0x7];
	[sflag:s26] =	ssyncadd.s32 $0xFFFFC000  }
0x37: {  	[tilespmem:s25], [sflag:$0x3] =	stream.linear.gather [hbm4b:s17+s3], $0x4000, $0x38;
	[tilespmem:$0x1E800] =	vst v63  }
0x38: {  	_ =	swait.ge [sflag:s26], $0x4000  }
0x39: {  	[sflag:s26] =	ssyncset.done $0x0  }
0x3a: {  	[sflag:s26] =	ssyncadd.s32 $0xFFFFC000  }
0x3b: {  	[spmem:s12] =	stream.linear.scatter [tilespmem:s25], [sflag:$0x3], $0x4000, $0x38;
	[tilespmem:$0x1E800] =	vst v63  }
0x3c: {  	_ =	swait.ge [sflag:s26], $0x4000  }
0x3d: {  	[sflag:s26] =	ssyncset.done $0x0  }
0x3e: {  	s18 =	rddreg [dreg:$0x8];
	[sflag:s26] =	ssyncadd.s32 $0xFFFFC000  }
0x3f: {  	[tilespmem:s25], [sflag:$0x3] =	stream.linear.gather [hbm4b:s18+s3], $0x4000, $0x38;
	[tilespmem:$0x1E800] =	vst v63  }
0x40: {  	_ =	swait.ge [sflag:s26], $0x4000  }
0x41: {  	[sflag:s26] =	ssyncset.done $0x0  }
0x42: {  	[sflag:s26] =	ssyncadd.s32 $0xFFFFC000  }
0x43: {  	[spmem:s14] =	stream.linear.scatter [tilespmem:s25], [sflag:$0x3], $0x4000, $0x38;
	[tilespmem:$0x1E800] =	vst v63  }
0x44: {  	_ =	swait.ge [sflag:s26], $0x4000  }
0x45: {  	[sflag:s26] =	ssyncset.done $0x0  }
0x46: {  	[sflag:s26] =	ssyncadd.s32 $0xFFFFC000  }
0x47: {  	[bflag:$0x0] =	sbarrier.arrive $0xFFFF  }
0x48: {  	[tilespmem:s28], [sflag:$0x3] =	stream.linear.gather [hbm4b:s21+s3], $0x1400, $0x38;
	[tilespmem:$0x1E800] =	vst v63  }
0x49: {  	_ =	swait.ge [sflag:s26], $0x1400  }
0x4a: {  	[sflag:s26] =	ssyncset.done $0x0  }
0x4b: {  	[sflag:s26] =	ssyncadd.s32 $0xFFFFEC00  }
0x4c: {  	[tilespmem:s29], [sflag:$0x3] =	stream.linear.gather [hbm4b:s22+s3], $0x1400, $0x38;
	[tilespmem:$0x1E800] =	vst v63  }
0x4d: {  	_ =	swait.ge [sflag:s26], $0x1400  }
0x4e: {  	[sflag:s26] =	ssyncset.done $0x0  }
0x4f: {  	[sflag:s26] =	ssyncadd.s32 $0xFFFFEC00  }
0x50: {  	[tilespmem:s25], [sflag:$0x1] =	stream.indirect.gather [hbm4b:s4+s30], $0x80, s28, s30, $0xb8;
	[tilespmem:$0x1E800] =	vst v63  }
0x51: {  	s15 =	simm.s32 $0x1C080  }
0x52: {  	[tilespmem:s31], [sflag:$0x2] =	stream.indirect.gather [hbm4b:s4+s30], $0x80, s15, s30, $0xb8;
	[tilespmem:$0x1E800] =	vst v63  }
0x53: {  	_ =	swait.ge [sflag:s0], $0x4000  }
0x54: {  	[sflag:s0] =	ssyncset.done $0x0  }
0x55: {  	s16 =	simm.s32 $0x1D400;
	[sflag:s0] =	ssyncadd.s32 $0xFFFFC000  }
0x56: {  	[spmem:s2] =	stream.indirect.scatter.add.f32 [tilespmem:s25], [sflag:$0x3], $0x80, s16, s30, $0xb8;
	[tilespmem:$0x1E800] =	vst v63  }
0x57: {  	_ =	swait.ge [sflag:s26], $0x4000  }
0x58: {  	[sflag:s26] =	ssyncset.done $0x0  }
0x59: {  	s17 =	simm.s32 $0x1C100;
	[sflag:s26] =	ssyncadd.s32 $0xFFFFC000  }
0x5a: {  	[tilespmem:s25], [sflag:$0x1] =	stream.indirect.gather [hbm4b:s4+s30], $0x80, s17, s30, $0xb8;
	[tilespmem:$0x1E800] =	vst v63  }
0x5b: {  	_ =	swait.ge [sflag:s1], $0x4000  }
0x5c: {  	[sflag:s1] =	ssyncset.done $0x0  }
0x5d: {  	s18 =	simm.s32 $0x1D480;
	[sflag:s1] =	ssyncadd.s32 $0xFFFFC000  }
0x5e: {  	[spmem:s2] =	stream.indirect.scatter.add.f32 [tilespmem:s31], [sflag:$0x3], $0x80, s18, s30, $0xb8;
	[tilespmem:$0x1E800] =	vst v63  }
0x5f: {  	_ =	swait.ge [sflag:s26], $0x4000  }
0x60: {  	s13 =	simm.s32 $0x100;
	s15 =	simm.s32 $0x800;
	[sflag:s26] =	ssyncset.done $0x0  }
.LBB2_2:
0x61: {  	s16 =	sadd.s32 $0x1C080, s13  }
0x62: {  	[sflag:s26] =	ssyncadd.s32 $0xFFFFC000;
	s17 =	smov.u32 s15;
	s18 =	sadd.s32 $0x400, s15  }
0x63: {  	[tilespmem:s31], [sflag:$0x2] =	stream.indirect.gather [hbm4b:s4+s30], $0x80, s16, s30, $0xb8;
	[tilespmem:$0x1E800] =	vst v63  }
0x64: {  	p0 =	sne.s32 s15, $0x4800;
	_ =	swait.ge [sflag:s0], $0x4000  }
0x65: {  	[sflag:s0] =	ssyncset.done $0x0  }
0x66: {  	s15 =	sadd.s32 $0x1D400, s13;
	[sflag:s0] =	ssyncadd.s32 $0xFFFFC000  }
0x67: {  	[spmem:s2] =	stream.indirect.scatter.add.f32 [tilespmem:s25], [sflag:$0x3], $0x80, s15, s30, $0xb8;
	[tilespmem:$0x1E800] =	vst v63  }
0x68: {  	_ =	swait.ge [sflag:s26], $0x4000  }
0x69: {  	[sflag:s26] =	ssyncset.done $0x0  }
0x6a: {  	s15 =	sadd.s32 $0x1C100, s13;
	[sflag:s26] =	ssyncadd.s32 $0xFFFFC000  }
0x6b: {  	[tilespmem:s25], [sflag:$0x1] =	stream.indirect.gather [hbm4b:s4+s30], $0x80, s15, s30, $0xb8;
	[tilespmem:$0x1E800] =	vst v63  }
0x6c: {  	_ =	swait.ge [sflag:s1], $0x4000  }
.Ltmp0:
0x6d: {  	[sflag:s1] =	ssyncset.done $0x0;
	(pc) =	sbr.rel @p0 .LBB2_2-.Ltmp0, $4  }
0x6e: {  	s13 =	sadd.s32 $0x1D480, s13;
	[sflag:s1] =	ssyncadd.s32 $0xFFFFC000  }
0x6f: {  	[spmem:s2] =	stream.indirect.scatter.add.f32 [tilespmem:s31], [sflag:$0x3], $0x80, s13, s30, $0xb8;
	[tilespmem:$0x1E800] =	vst v63  }
0x70: {  	_ =	swait.ge [sflag:s26], $0x4000  }
0x71: {  	s15 =	smov.u32 s18;
	s13 =	sshra.s32 s17, $0x2;
	[sflag:s26] =	ssyncset.done $0x0  }
0x72: {  	s15 =	sadd.s32 $0x1C080, s13;
	[sflag:s26] =	ssyncadd.s32 $0xFFFFC000  }
0x73: {  	[tilespmem:s31], [sflag:$0x2] =	stream.indirect.gather [hbm4b:s4+s30], $0x80, s15, s30, $0xb8;
	[tilespmem:$0x1E800] =	vst v63  }
0x74: {  	_ =	swait.ge [sflag:s0], $0x4000  }
0x75: {  	[sflag:s0] =	ssyncset.done $0x0  }
0x76: {  	s18 =	sadd.s32 $0x1D400, s13;
	[sflag:s0] =	ssyncadd.s32 $0xFFFFC000  }
0x77: {  	[spmem:s2] =	stream.indirect.scatter.add.f32 [tilespmem:s25], [sflag:$0x3], $0x80, s18, s30, $0xb8;
	[tilespmem:$0x1E800] =	vst v63  }
0x78: {  	_ =	swait.ge [sflag:s26], $0x4000  }
0x79: {  	[sflag:s26] =	ssyncset.done $0x0  }
0x7a: {  	s16 =	sadd.s32 $0x1C100, s13;
	[sflag:s26] =	ssyncadd.s32 $0xFFFFC000  }
0x7b: {  	[tilespmem:s25], [sflag:$0x1] =	stream.indirect.gather [hbm4b:s4+s30], $0x80, s16, s30, $0xb8;
	[tilespmem:$0x1E800] =	vst v63  }
0x7c: {  	_ =	swait.ge [sflag:s1], $0x4000  }
0x7d: {  	[sflag:s1] =	ssyncset.done $0x0  }
0x7e: {  	s17 =	sadd.s32 $0x1D480, s13;
	[sflag:s1] =	ssyncadd.s32 $0xFFFFC000  }
0x7f: {  	[spmem:s2] =	stream.indirect.scatter.add.f32 [tilespmem:s31], [sflag:$0x3], $0x80, s17, s30, $0xb8;
	[tilespmem:$0x1E800] =	vst v63  }
0x80: {  	_ =	swait.ge [sflag:s26], $0x4000  }
0x81: {  	[sflag:s26] =	ssyncset.done $0x0  }
0x82: {  	[sflag:s26] =	ssyncadd.s32 $0xFFFFC000  }
0x83: {  	[tilespmem:s31], [sflag:$0x2] =	stream.indirect.gather [hbm4b:s4+s30], $0x80, s5, s30, $0xb8;
	[tilespmem:$0x1E800] =	vst v63  }
0x84: {  	_ =	swait.ge [sflag:s0], $0x4000  }
0x85: {  	[sflag:s0] =	ssyncset.done $0x0  }
0x86: {  	[sflag:s0] =	ssyncadd.s32 $0xFFFFC000  }
0x87: {  	[spmem:s2] =	stream.indirect.scatter.add.f32 [tilespmem:s25], [sflag:$0x3], $0x80, s7, s30, $0xb8;
	[tilespmem:$0x1E800] =	vst v63  }
0x88: {  	_ =	swait.ge [sflag:s26], $0x4000  }
0x89: {  	[sflag:s26] =	ssyncset.done $0x0  }
0x8a: {  	[sflag:s26] =	ssyncadd.s32 $0xFFFFC000  }
0x8b: {  	_ =	swait.ge [sflag:s1], $0x4000  }
0x8c: {  	[sflag:s1] =	ssyncset.done $0x0  }
0x8d: {  	[sflag:s1] =	ssyncadd.s32 $0xFFFFC000  }
0x8e: {  	[spmem:s2] =	stream.indirect.scatter.add.f32 [tilespmem:s31], [sflag:$0x3], $0x80, s9, s30, $0xb8;
	[tilespmem:$0x1E800] =	vst v63  }
0x8f: {  	_ =	swait.ge [sflag:s26], $0x4000  }
0x90: {  	[sflag:s26] =	ssyncset.done $0x0  }
0x91: {  	s18 =	simm.s32 $0x0;
	[sflag:s26] =	ssyncadd.s32 $0xFFFFC000  }
0x92: {  	[tilespmem:s28], [sflag:$0x3] =	stream.linear.gather [hbm4b:s23+s18], $0x1400, $0x38;
	[tilespmem:$0x1E800] =	vst v63  }
0x93: {  	_ =	swait.ge [sflag:s26], $0x1400  }
0x94: {  	[sflag:s26] =	ssyncset.done $0x0  }
0x95: {  	[sflag:s26] =	ssyncadd.s32 $0xFFFFEC00  }
0x96: {  	[tilespmem:s29], [sflag:$0x3] =	stream.linear.gather [hbm4b:s24+s18], $0x1400, $0x38;
	[tilespmem:$0x1E800] =	vst v63  }
0x97: {  	_ =	swait.ge [sflag:s26], $0x1400  }
0x98: {  	[sflag:s26] =	ssyncset.done $0x0  }
0x99: {  	[sflag:s26] =	ssyncadd.s32 $0xFFFFEC00  }
0x9a: {  	[tilespmem:s25], [sflag:$0x1] =	stream.indirect.gather [hbm4b:s4+s30], $0x80, s28, s30, $0xb8;
	[tilespmem:$0x1E800] =	vst v63  }
0x9b: {  	s15 =	simm.s32 $0x1C080  }
0x9c: {  	[tilespmem:s31], [sflag:$0x2] =	stream.indirect.gather [hbm4b:s4+s30], $0x80, s15, s30, $0xb8;
	[tilespmem:$0x1E800] =	vst v63  }
0x9d: {  	_ =	swait.ge [sflag:s0], $0x4000  }
0x9e: {  	[sflag:s0] =	ssyncset.done $0x0  }
0x9f: {  	s16 =	simm.s32 $0x1D400;
	[sflag:s0] =	ssyncadd.s32 $0xFFFFC000  }
0xa0: {  	[spmem:s2] =	stream.indirect.scatter.add.f32 [tilespmem:s25], [sflag:$0x3], $0x80, s16, s30, $0xb8;
	[tilespmem:$0x1E800] =	vst v63  }
0xa1: {  	_ =	swait.ge [sflag:s26], $0x4000  }
0xa2: {  	[sflag:s26] =	ssyncset.done $0x0  }
0xa3: {  	s17 =	simm.s32 $0x1C100;
	[sflag:s26] =	ssyncadd.s32 $0xFFFFC000  }
0xa4: {  	[tilespmem:s25], [sflag:$0x1] =	stream.indirect.gather [hbm4b:s4+s30], $0x80, s17, s30, $0xb8;
	[tilespmem:$0x1E800] =	vst v63  }
0xa5: {  	_ =	swait.ge [sflag:s1], $0x4000  }
0xa6: {  	[sflag:s1] =	ssyncset.done $0x0  }
0xa7: {  	s18 =	simm.s32 $0x1D480;
	[sflag:s1] =	ssyncadd.s32 $0xFFFFC000  }
0xa8: {  	[spmem:s2] =	stream.indirect.scatter.add.f32 [tilespmem:s31], [sflag:$0x3], $0x80, s18, s30, $0xb8;
	[tilespmem:$0x1E800] =	vst v63  }
0xa9: {  	_ =	swait.ge [sflag:s26], $0x4000  }
0xaa: {  	s13 =	simm.s32 $0x100;
	s15 =	simm.s32 $0x800;
	[sflag:s26] =	ssyncset.done $0x0  }
.LBB2_4:
0xab: {  	s16 =	sadd.s32 $0x1C080, s13  }
0xac: {  	[sflag:s26] =	ssyncadd.s32 $0xFFFFC000;
	s17 =	smov.u32 s15;
	s18 =	sadd.s32 $0x400, s15  }
0xad: {  	[tilespmem:s31], [sflag:$0x2] =	stream.indirect.gather [hbm4b:s4+s30], $0x80, s16, s30, $0xb8;
	[tilespmem:$0x1E800] =	vst v63  }
0xae: {  	p0 =	sne.s32 s15, $0x4800;
	_ =	swait.ge [sflag:s0], $0x4000  }
0xaf: {  	[sflag:s0] =	ssyncset.done $0x0  }
0xb0: {  	s15 =	sadd.s32 $0x1D400, s13;
	[sflag:s0] =	ssyncadd.s32 $0xFFFFC000  }
0xb1: {  	[spmem:s2] =	stream.indirect.scatter.add.f32 [tilespmem:s25], [sflag:$0x3], $0x80, s15, s30, $0xb8;
	[tilespmem:$0x1E800] =	vst v63  }
0xb2: {  	_ =	swait.ge [sflag:s26], $0x4000  }
0xb3: {  	[sflag:s26] =	ssyncset.done $0x0  }
0xb4: {  	s15 =	sadd.s32 $0x1C100, s13;
	[sflag:s26] =	ssyncadd.s32 $0xFFFFC000  }
0xb5: {  	[tilespmem:s25], [sflag:$0x1] =	stream.indirect.gather [hbm4b:s4+s30], $0x80, s15, s30, $0xb8;
	[tilespmem:$0x1E800] =	vst v63  }
0xb6: {  	_ =	swait.ge [sflag:s1], $0x4000  }
.Ltmp1:
0xb7: {  	[sflag:s1] =	ssyncset.done $0x0;
	(pc) =	sbr.rel @p0 .LBB2_4-.Ltmp1, $4  }
0xb8: {  	s13 =	sadd.s32 $0x1D480, s13;
	[sflag:s1] =	ssyncadd.s32 $0xFFFFC000  }
0xb9: {  	[spmem:s2] =	stream.indirect.scatter.add.f32 [tilespmem:s31], [sflag:$0x3], $0x80, s13, s30, $0xb8;
	[tilespmem:$0x1E800] =	vst v63  }
0xba: {  	_ =	swait.ge [sflag:s26], $0x4000  }
0xbb: {  	s15 =	smov.u32 s18;
	s13 =	sshra.s32 s17, $0x2;
	[sflag:s26] =	ssyncset.done $0x0  }
0xbc: {  	s15 =	sadd.s32 $0x1C080, s13;
	[sflag:s26] =	ssyncadd.s32 $0xFFFFC000  }
0xbd: {  	[tilespmem:s31], [sflag:$0x2] =	stream.indirect.gather [hbm4b:s4+s30], $0x80, s15, s30, $0xb8;
	[tilespmem:$0x1E800] =	vst v63  }
0xbe: {  	_ =	swait.ge [sflag:s0], $0x4000  }
0xbf: {  	[sflag:s0] =	ssyncset.done $0x0  }
0xc0: {  	s16 =	sadd.s32 $0x1D400, s13;
	[sflag:s0] =	ssyncadd.s32 $0xFFFFC000  }
0xc1: {  	[spmem:s2] =	stream.indirect.scatter.add.f32 [tilespmem:s25], [sflag:$0x3], $0x80, s16, s30, $0xb8;
	[tilespmem:$0x1E800] =	vst v63  }
0xc2: {  	_ =	swait.ge [sflag:s26], $0x4000  }
0xc3: {  	[sflag:s26] =	ssyncset.done $0x0  }
0xc4: {  	s17 =	sadd.s32 $0x1C100, s13;
	[sflag:s26] =	ssyncadd.s32 $0xFFFFC000  }
0xc5: {  	[tilespmem:s25], [sflag:$0x1] =	stream.indirect.gather [hbm4b:s4+s30], $0x80, s17, s30, $0xb8;
	[tilespmem:$0x1E800] =	vst v63  }
0xc6: {  	_ =	swait.ge [sflag:s1], $0x4000  }
0xc7: {  	[sflag:s1] =	ssyncset.done $0x0  }
0xc8: {  	s18 =	sadd.s32 $0x1D480, s13;
	[sflag:s1] =	ssyncadd.s32 $0xFFFFC000  }
0xc9: {  	[spmem:s2] =	stream.indirect.scatter.add.f32 [tilespmem:s31], [sflag:$0x3], $0x80, s18, s30, $0xb8;
	[tilespmem:$0x1E800] =	vst v63  }
0xca: {  	_ =	swait.ge [sflag:s26], $0x4000  }
0xcb: {  	[sflag:s26] =	ssyncset.done $0x0  }
0xcc: {  	[sflag:s26] =	ssyncadd.s32 $0xFFFFC000  }
0xcd: {  	[tilespmem:s31], [sflag:$0x2] =	stream.indirect.gather [hbm4b:s4+s30], $0x80, s5, s30, $0xb8;
	[tilespmem:$0x1E800] =	vst v63  }
0xce: {  	_ =	swait.ge [sflag:s0], $0x4000  }
0xcf: {  	[sflag:s0] =	ssyncset.done $0x0  }
0xd0: {  	[sflag:s0] =	ssyncadd.s32 $0xFFFFC000  }
0xd1: {  	[spmem:s2] =	stream.indirect.scatter.add.f32 [tilespmem:s25], [sflag:$0x3], $0x80, s7, s30, $0xb8;
	[tilespmem:$0x1E800] =	vst v63  }
0xd2: {  	_ =	swait.ge [sflag:s26], $0x4000  }
0xd3: {  	[sflag:s26] =	ssyncset.done $0x0  }
0xd4: {  	[sflag:s26] =	ssyncadd.s32 $0xFFFFC000  }
0xd5: {  	_ =	swait.ge [sflag:s1], $0x4000  }
0xd6: {  	[sflag:s1] =	ssyncset.done $0x0  }
0xd7: {  	[sflag:s1] =	ssyncadd.s32 $0xFFFFC000  }
0xd8: {  	[spmem:s2] =	stream.indirect.scatter.add.f32 [tilespmem:s31], [sflag:$0x3], $0x80, s9, s30, $0xb8;
	[tilespmem:$0x1E800] =	vst v63  }
0xd9: {  	_ =	swait.ge [sflag:s26], $0x4000  }
0xda: {  	[sflag:s26] =	ssyncset.done $0x0  }
0xdb: {  	[sflag:s26] =	ssyncadd.s32 $0xFFFFC000  }
0xdc: {  	[bflag:$0x0] =	sbarrier.arrive $0xFFFF  }
0xdd: {  	[tilespmem:s25], [sflag:$0x3] =	stream.linear.gather [spmem:s6], $0x4000, $0x38;
	[tilespmem:$0x1E800] =	vst v63  }
0xde: {  	_ =	swait.ge [sflag:s26], $0x4000  }
0xdf: {  	[sflag:s26] =	ssyncset.done $0x0  }
0xe0: {  	s15 =	rddreg [dreg:$0x9];
	[sflag:s26] =	ssyncadd.s32 $0xFFFFC000  }
0xe1: {  	[hbm4b:s15+s3] =	stream.linear.scatter [tilespmem:s25], [sflag:$0x3], $0x4000, $0x38;
	[tilespmem:$0x1E800] =	vst v63  }
0xe2: {  	_ =	swait.ge [sflag:s26], $0x4000  }
0xe3: {  	[sflag:s26] =	ssyncset.done $0x0  }
0xe4: {  	[sflag:s26] =	ssyncadd.s32 $0xFFFFC000  }
0xe5: {  	[tilespmem:s25], [sflag:$0x3] =	stream.linear.gather [spmem:s8], $0x4000, $0x38;
	[tilespmem:$0x1E800] =	vst v63  }
0xe6: {  	_ =	swait.ge [sflag:s26], $0x4000  }
0xe7: {  	[sflag:s26] =	ssyncset.done $0x0  }
0xe8: {  	s16 =	rddreg [dreg:$0xa];
	[sflag:s26] =	ssyncadd.s32 $0xFFFFC000  }
0xe9: {  	[hbm4b:s16+s3] =	stream.linear.scatter [tilespmem:s25], [sflag:$0x3], $0x4000, $0x38;
	[tilespmem:$0x1E800] =	vst v63  }
0xea: {  	_ =	swait.ge [sflag:s26], $0x4000  }
0xeb: {  	[sflag:s26] =	ssyncset.done $0x0  }
0xec: {  	[sflag:s26] =	ssyncadd.s32 $0xFFFFC000  }
0xed: {  	[tilespmem:s25], [sflag:$0x3] =	stream.linear.gather [spmem:s10], $0x4000, $0x38;
	[tilespmem:$0x1E800] =	vst v63  }
0xee: {  	_ =	swait.ge [sflag:s26], $0x4000  }
0xef: {  	[sflag:s26] =	ssyncset.done $0x0  }
0xf0: {  	s17 =	rddreg [dreg:$0xb];
	[sflag:s26] =	ssyncadd.s32 $0xFFFFC000  }
0xf1: {  	[hbm4b:s17+s3] =	stream.linear.scatter [tilespmem:s25], [sflag:$0x3], $0x4000, $0x38;
	[tilespmem:$0x1E800] =	vst v63  }
0xf2: {  	_ =	swait.ge [sflag:s26], $0x4000  }
0xf3: {  	[sflag:s26] =	ssyncset.done $0x0  }
0xf4: {  	[sflag:s26] =	ssyncadd.s32 $0xFFFFC000  }
0xf5: {  	[tilespmem:s25], [sflag:$0x3] =	stream.linear.gather [spmem:s12], $0x4000, $0x38;
	[tilespmem:$0x1E800] =	vst v63  }
0xf6: {  	_ =	swait.ge [sflag:s26], $0x4000  }
0xf7: {  	[sflag:s26] =	ssyncset.done $0x0  }
0xf8: {  	s18 =	rddreg [dreg:$0xc];
	[sflag:s26] =	ssyncadd.s32 $0xFFFFC000  }
0xf9: {  	[hbm4b:s18+s3] =	stream.linear.scatter [tilespmem:s25], [sflag:$0x3], $0x4000, $0x38;
	[tilespmem:$0x1E800] =	vst v63  }
0xfa: {  	_ =	swait.ge [sflag:s26], $0x4000  }
0xfb: {  	[sflag:s26] =	ssyncset.done $0x0  }
0xfc: {  	[sflag:s26] =	ssyncadd.s32 $0xFFFFC000  }
0xfd: {  	[tilespmem:s25], [sflag:$0x3] =	stream.linear.gather [spmem:s14], $0x4000, $0x38;
	[tilespmem:$0x1E800] =	vst v63  }
0xfe: {  	s11 =	sadd.s32 $0x1, s11;
	_ =	swait.ge [sflag:s26], $0x4000  }
0xff: {  	p0 =	sne.s32 s11, s20;
	[sflag:s26] =	ssyncset.done $0x0  }
.Ltmp2:
0x100: {  	[sflag:s26] =	ssyncadd.s32 $0xFFFFC000;
	(pc) =	sbr.rel @p0 .LBB2_1-.Ltmp2, $4  }
0x101: {  	[hbm4b:s19+s3] =	stream.linear.scatter [tilespmem:s25], [sflag:$0x3], $0x4000, $0x38;
	[tilespmem:$0x1E800] =	vst v63  }
0x102: {  	_ =	swait.ge [sflag:s26], $0x4000  }
0x103: {  	[sflag:s26] =	ssyncset.done $0x0  }
0x104: {  	[sflag:s26] =	ssyncadd.s32 $0xFFFFC000  }
0x105: {  	_ =	sfence.sel $0x180000  }
0x106: {  	[bflag:$0x0] =	sbarrier.arrive $0xFFFF  }
0x107: {  	_ =	strace $0x9000004D  }
0x108: {  	s0 =	stileid.u32;
	[bflag:$0x2] =	sbarrier.arrive $0xFFFF  }
0x109: {  	p0 =	sne.s32 s0, $0x0;
	s0 =	rddreg [dreg:$0x3]  }
0x10a: {  	s0 =	sadd.s32 @!p0 $0x100000, s0  }
0x10b: {  	[sflag:s0] =	ssyncadd.tile.s32 @!p0 $0x1;
	_ =	shalt  }
.Lfunc_end2:
_tile_overlayer_lowered:
.L_overlay_start_2:
0x10c: {  	(tag) =	ssettag $0x2  }
0x10d: {  	s0 =	rddreg [dreg:$0x0];
	s2 =	stileid.u32  }
0x10e: {  	s1 =	rddreg [dreg:$0x1];
	p0 =	sne.s32 s2, $0x0  }
0x10f: {  	s3 =	rddreg [dreg:$0x2];
	[bflag:$0x3] =	sbarrier.arrive $0xFFFF;
	s2 =	simm.s32 @!p0 $0x1C03  }
0x110: {  	[timem:s3], [sflag:s2] =	dma.local @!p0 [hbm:s0], s1  }
0x111: {  	s0 =	simm.s32 @!p0 $0x3  }
0x112: {  	_ =	swait.ge @!p0 [sflag:s0], s1  }
0x113: {  	s1 =	ssub.s32 @!p0 $0x0, s1;
	[sflag:s0] =	ssyncset.done @!p0 $0x0  }
0x114: {  	[sflag:s0] =	ssyncadd.s32 @!p0 s1  }
0x115: {  	[bflag:$0x3] =	sbarrier.arrive $0xFFFF  }
0x116: {  	_ =	shalt  }

// kernel: kernel.23.cloned.1.call-start
scs
__scs_entry_jumppad:
0x0: {  	(pc) =	sbr.rel $0x88, $3  }
0x1: {  	(tag) =	ssettag $0x0;
	lr =	simm.s32 $0x1  }
0x2: {  	[smem:$0x3F8D] =	sst lr;
	_ =	strace $0xD0000000  }
0x3: {  	_ = 	snop  }
0x4: {  	_ = 	snop  }
0x5: {  	_ = 	snop  }
0x6: {  	_ = 	snop  }
0x7: {  	_ = 	snop  }
__scs_overlays_trampoline_lowered:
0x8: {  	[smem:$0x3F9C] =	sst s0  }
0x9: {  	[smem:$0x3F9D] =	sst s1  }
0xa: {  	[smem:$0x3F9E] =	sst s2  }
0xb: {  	[smem:$0x3F9F] =	sst s3  }
0xc: {  	[smem:$0x3FA0] =	sst s4  }
0xd: {  	[smem:$0x3FA1] =	sst s5  }
0xe: {  	[smem:$0x3FA2] =	sst s6  }
0xf: {  	[smem:$0x3FA3] =	sst s7  }
0x10: {  	[smem:$0x3FA4] =	sst s8  }
0x11: {  	[smem:$0x3FA5] =	sst s9;
	s0 =	simm.s32 @!p0 $0x0  }
0x12: {  	s1 =	sld [smem:$0x3F8B];
	s0 =	simm.s32 @p0 $0x1  }
0x13: {  	[smem:$0x3FA6] =	sst s0;
	s0 =	simm.s32 @!p1 $0x0  }
0x14: {  	s2 =	sld [smem:$0x3F8A];
	s0 =	simm.s32 @p1 $0x1  }
0x15: {  	[smem:$0x3FA7] =	sst s0;
	s0 =	simm.s32 @!p2 $0x0  }
0x16: {  	s3 =	sld [smem:$0x3FDB];
	s0 =	simm.s32 @p2 $0x1  }
0x17: {  	s4 =	simm.s32 $0x1BF5;
	[smem:$0x3FA9] =	sst s0  }
0x18: {  	s0 =	sld [smem:$0x3F8C];
	_ =	swait.ge [sflag:s4], $0x0  }
0x19: {  	s7 =	sld [smem:$0x3F8D]  }
0x1a: {  	s8 =	sadd.s32 $0xFFFFE003, lr  }
0x1b: {  	s9 =	sadd.s32 $0xFFFFFEF7, lr;
	s5 =	simm.s32 $0xFFFFFFFF;
	p2 =	slt.u32 s8, $0xFFFFF086  }
0x1c: {  	p1 =	slt.u32 s9, $0xF7A;
	s5 =	simm.s32 @!p2 $0x0  }
0x1d: {  	s5 =	simm.s32 @p1 $0x1;
	p0 =	seq.s32 s7, s2  }
0x1e: {  	s7 =	smul.u32 @!p0 $0xF7A, s2;
	p2 =	seq.s32 @!p0 s5, $0x0  }
0x1f: {  	s9 =	smul.u32 $0xF7A, s1;
	s8 =	simm.s32 @!p0 $0x1BF5;
	p2 =	por !p2, p0  }
0x20: {  	[sflag:s8] =	ssyncset.s32 @!p0 $0xFFFFF086;
	s6 =	sadd.s32 @!p0 s3, s7;
	s7 =	simm.s32 @!p0 $0x108  }
0x21: {  	s3 =	sadd.s32 s3, s9;
	s6 =	sadd.s32 @!p0 $0x88, s6;
	s7 =	simm.s32 @p2 $0x1082  }
0x22: {  	[simem:s7], [sflag:s8] =	dma.local @!p0 [hbm:s6], $0xF7A  }
0x23: {  	s9 =	sor.u32 $0xD0000000, s2;
	s6 =	simm.s32 $0x108;
	_ =	swait.ge @!p0 [sflag:s8], $0x0  }
0x24: {  	s3 =	sadd.s32 $0x88, s3;
	s6 =	simm.s32 @!p1 $0x1082;
	[sflag:s4] =	ssyncset.s32 $0xFFFFF086  }
0x25: {  	[simem:s6], [sflag:s4] =	dma.local [hbm:s3], $0xF7A  }
0x26: {  	[smem:$0x3F8D] =	sst s1;
	(tag) =	ssettag s2;
	_ =	strace s9  }
0x27: {  	s1 =	sld [smem:$0x3F9D]  }
0x28: {  	s2 =	sld [smem:$0x3F9E]  }
0x29: {  	s4 =	sld [smem:$0x3FA0]  }
0x2a: {  	p0 =	seq.s32 s5, $0x0;
	s5 =	sld [smem:$0x3FA1]  }
0x2b: {  	s6 =	sld [smem:$0x3FA2]  }
0x2c: {  	s7 =	sld [smem:$0x3FA3]  }
0x2d: {  	s3 =	simm.s32 $0x108;
	s8 =	sld [smem:$0x3FA4]  }
0x2e: {  	s3 =	simm.s32 @!p0 $0x1082;
	s9 =	sld [smem:$0x3FA5]  }
0x2f: {  	lr =	sadd.s32 s0, s3;
	s0 =	sld [smem:$0x3F9C]  }
0x30: {  	s3 =	sld [smem:$0x3F9F]  }
0x31: {  	[smem:$0x3FA8] =	sst s10  }
0x32: {  	s10 =	sld [smem:$0x3FA6];
	_ =	sdelay $0x3  }
0x33: {  	p0 =	seq.s32 s10, $0x1;
	s10 =	sld [smem:$0x3FA8];
	_ =	sdelay $0x3  }
0x34: {  	[smem:$0x3FA8] =	sst s10  }
0x35: {  	s10 =	sld [smem:$0x3FA7];
	_ =	sdelay $0x3  }
0x36: {  	p1 =	seq.s32 s10, $0x1;
	s10 =	sld [smem:$0x3FA8];
	_ =	sdelay $0x3  }
0x37: {  	[smem:$0x3FA8] =	sst s10  }
0x38: {  	s10 =	sld [smem:$0x3FA9]  }
0x39: {  	_ = 	snop;
	(pc) =	sbr.ind lr, $3  }
0x3a: {  	_ = 	snop  }
0x3b: {  	_ = 	snop  }
0x3c: {  	p2 =	seq.s32 s10, $0x1;
	s10 =	sld [smem:$0x3FA8]  }
0x3d: {  	_ =	shalt  }
0x3e: {  	_ =	shalt  }
0x3f: {  	_ =	shalt  }
0x40: {  	_ =	shalt  }
0x41: {  	_ =	shalt  }
0x42: {  	_ =	shalt  }
0x43: {  	_ =	shalt  }
0x44: {  	_ =	shalt  }
0x45: {  	_ =	shalt  }
0x46: {  	_ =	shalt  }
0x47: {  	_ =	shalt  }
0x48: {  	_ =	shalt  }
0x49: {  	_ =	shalt  }
0x4a: {  	_ =	shalt  }
0x4b: {  	_ =	shalt  }
0x4c: {  	_ =	shalt  }
0x4d: {  	_ =	shalt  }
0x4e: {  	_ =	shalt  }
0x4f: {  	_ =	shalt  }
0x50: {  	_ =	shalt  }
0x51: {  	_ =	shalt  }
0x52: {  	_ =	shalt  }
0x53: {  	_ =	shalt  }
0x54: {  	_ =	shalt  }
0x55: {  	_ =	shalt  }
0x56: {  	_ =	shalt  }
0x57: {  	_ =	shalt  }
0x58: {  	_ =	shalt  }
0x59: {  	_ =	shalt  }
0x5a: {  	_ =	shalt  }
0x5b: {  	_ =	shalt  }
0x5c: {  	_ =	shalt  }
0x5d: {  	_ =	shalt  }
0x5e: {  	_ =	shalt  }
0x5f: {  	_ =	shalt  }
0x60: {  	_ =	shalt  }
0x61: {  	_ =	shalt  }
0x62: {  	_ =	shalt  }
0x63: {  	_ =	shalt  }
0x64: {  	_ =	shalt  }
0x65: {  	_ =	shalt  }
0x66: {  	_ =	shalt  }
0x67: {  	_ =	shalt  }
0x68: {  	_ =	shalt  }
0x69: {  	_ =	shalt  }
0x6a: {  	_ =	shalt  }
0x6b: {  	_ =	shalt  }
0x6c: {  	_ =	shalt  }
0x6d: {  	_ =	shalt  }
0x6e: {  	_ =	shalt  }
0x6f: {  	_ =	shalt  }
0x70: {  	_ =	shalt  }
0x71: {  	_ =	shalt  }
0x72: {  	_ =	shalt  }
0x73: {  	_ =	shalt  }
0x74: {  	_ =	shalt  }
0x75: {  	_ =	shalt  }
0x76: {  	_ =	shalt  }
0x77: {  	_ =	shalt  }
0x78: {  	_ =	shalt  }
0x79: {  	_ =	shalt  }
0x7a: {  	_ =	shalt  }
0x7b: {  	_ =	shalt  }
0x7c: {  	_ =	shalt  }
0x7d: {  	_ =	shalt  }
0x7e: {  	_ =	shalt  }
0x7f: {  	_ =	shalt  }
0x80: {  	_ =	shalt  }
0x81: {  	_ =	shalt  }
0x82: {  	_ =	shalt  }
0x83: {  	_ =	shalt  }
0x84: {  	_ =	shalt  }
0x85: {  	_ =	shalt  }
0x86: {  	_ =	shalt  }
0x87: {  	_ =	shalt  }
.Lfunc_end0:
.L_simem_size_0:
called_computation.3_lowered:
.L_overlay_start_0:
0x88: {  	s2 =	sld [smem:$0x3FD9]  }
0x89: {  	s3 =	sld [smem:$0x3FFE];
	_ =	sdelay $0x1  }
0x8a: {  	s1 =	srdreg.scid  }
0x8b: {  	s0 =	sand.u32 $0x1, s1  }
0x8c: {  	s17 =	sshll.u32 s0, $0xA;
	s2 =	sadd.s32 s3, s2  }
0x8d: {  	s2 =	sadd.s32 s2, s17  }
0x8e: {  	[smem:$0x3FB4] =	sst s2  }
0x8f: {  	_ = 	snop  }
0x90: {  	s2 =	sld [smem:$0x3FD0];
	(tm) =	ssettm $0x1  }
0x91: {  	s18 =	sld [smem:$0x3FFB];
	_ =	sdelay $0x3  }
0x92: {  	_ =	strace s18  }
0x93: {  	s3 =	sld [smem:$0x3FFC];
	_ =	sdelay $0x3  }
0x94: {  	_ =	strace s3  }
0x95: {  	s3 =	sld [smem:$0x3FFD];
	_ =	sdelay $0x3  }
0x96: {  	_ =	strace s3  }
0x97: {  	_ =	strace $0x8FFFFFFF  }
0x98: {  	s19 =	sld [smem:$0x3FDB];
	_ =	sdelay $0x1  }
0x99: {  	s4 =	simm.s32 $_scs_section_size  }
0x9a: {  	s5 =	simm.s32 $_size__tile_overlayer_lowered;
	s6 =	simm.s32 $_tile_overlayer_lowered  }
0x9b: {  	s22 =	simm.s32 $0x1BFF;
	s21 =	sshll.u32 s6, $0x1;
	s3 =	sadd.s32 s4, s19  }
0x9c: {  	s7 =	simm.s32 $0x0;
	s20 =	sshll.u32 s5, $0x1;
	s5 =	sadd.s32 s21, s3  }
0x9d: {  	[timem:s7], [sflag:s22] =	dma.local [hbm:s5], s20  }
0x9e: {  	_ =	swait.ge [sflag:s22], s20  }
0x9f: {  	s4 =	ssub.s32 $0x0, s20;
	[sflag:s22] =	ssyncset.done $0x0  }
0xa0: {  	[sflag:s22] =	ssyncadd.s32 s4;
	_ =	sdelay $0x1  }
0xa1: {  	s23 =	simm.s32 $0x1B8B  }
0xa2: {  	_ =	swait.ge [sflag:s23], $0x1  }
0xa3: {  	[sflag:s23] =	ssyncset.done $0x0  }
0xa4: {  	s25 =	simm.s32 $0x1B8E;
	s24 =	sld [smem:$0x3FFE];
	[sflag:s23] =	ssyncadd.s32 $0xFFFFFFFF  }
0xa5: {  	s26 =	simm.s32 $execute0_lowered;
	[smem:$0x3FD2] =	sst s25  }
0xa6: {  	s5 =	sshll.u32 s26, $0x1;
	_ =	strace $0x8000004F;
	[dreg:$0x1] =	wrdreg $0xFFFFFFFF  }
0xa7: {  	s28 =	simm.s32 $_size_execute0_lowered;
	s3 =	sadd.s32 s3, s5;
	[dreg:$0x0] =	wrdreg $0x0  }
0xa8: {  	s5 =	sshll.u32 s28, $0x1;
	[dreg:$0x2] =	wrdreg s3  }
0xa9: {  	[dreg:$0x3] =	wrdreg s5  }
0xaa: {  	[dreg:$0x4] =	wrdreg $0xC0  }
0xab: {  	_ =	task [dreg:s7], $0x5FFFF  }
0xac: {  	[dreg:$0x1] =	wrdreg $0xFFFFFFFF  }
0xad: {  	[dreg:$0x0] =	wrdreg $0x60  }
0xae: {  	[dreg:$0x2] =	wrdreg s24  }
0xaf: {  	[dreg:$0x3] =	wrdreg s2  }
0xb0: {  	[dreg:$0x4] =	wrdreg $0x0  }
0xb1: {  	[dreg:$0x5] =	wrdreg $0x9  }
0xb2: {  	_ =	task.clear_ibuf [dreg:s7], $0x6FFFF;
	_ =	strace $0x9000004F  }
0xb3: {  	s29 =	simm.s32 $0x9;
	_ =	strace $0x80000051  }
0xb4: {  	_ =	swait.ge [sflag:s29], $0x1  }
0xb5: {  	[sflag:s29] =	ssyncadd.s32 $0xFFFFFFFF  }
0xb6: {  	_ =	strace $0x90000051  }
0xb7: {  	_ =	sfence  }
0xb8: {  	s30 =	sld [smem:$0x0];
	_ =	sdelay $0x2  }
0xb9: {  	s31 =	sshll.u32 s1, $0xD;
	s1 =	sshrl.u32 s1, $0x2  }
0xba: {  	s3 =	sand.u32 $0x4000, s31;
	s1 =	sadd.s32 s1, s30  }
0xbb: {  	s0 =	sor.u32 s3, s0;
	s1 =	sshll.u32 s1, $0x11  }
0xbc: {  	s0 =	sor.u32 s1, s0  }
0xbd: {  	s0 =	sadd.s32 $0x8F2B, s0  }
0xbe: {  	[sflag:s0] =	ssyncadd.remote.s32 $0x1  }
0xbf: {  	_ =	sfence.sel $0xFFFF  }
0xc0: {  	[dreg:$0x0] =	wrdreg $0xFFFFFFFF;
	(pc) =	sbr.abs _section_cstart, $3  }
0xc1: {  	[dreg:$0x1] =	wrdreg $0xFFFFFFFF  }
0xc2: {  	_ =	task.clear_ibuf [dreg:s7], $0x2FFFF;
	_ =	strace $0x9FFFFFFF  }
0xc3: {  	(tm) =	ssettm $0x7FFFFFFF  }
tec
execute0_lowered:
.L_overlay_start_1:
0x0: {  	(tag) =	ssettag $0x1  }
0x1: {  	s0 =	rddreg [dreg:$0x0]  }
0x2: {  	s1 =	rddreg [dreg:$0x1]  }
0x3: {  	s2 =	rddreg [dreg:$0x2];
	s3 =	simm.s32 $0x0;
	s12 =	stileid.u32  }
0x4: {  	s4 =	srdreg.scid;
	s28 =	simm.s32 $0x1C000;
	s5 =	smul.u32 $0x2800, s12  }
0x5: {  	s29 =	simm.s32 $0x1D400;
	s30 =	simm.s32 $0x80;
	s9 =	smul.u32 $0x280, s12  }
0x6: {  	s31 =	simm.s32 $0x18000;
	s7 =	sand.u32 $0x1, s4;
	s12 =	smul.u32 $0x50000, s12  }
0x7: {  	[smem:$0x7FF] =	sst s3;
	s4 =	sadd.s32 $0x5F600, s0;
	s11 =	smul.u32 $0x2800, s7  }
0x8: {  	_ =	strace $0x80000050;
	s21 =	ssub.s32 $0x2, s7;
	s7 =	smul.u32 $0x28000, s7  }
0x9: {  	s6 =	sshrl.u32 s5, $0x3;
	s8 =	sshrl.u32 s21, $0x1;
	s22 =	sadd.s32 $0x80, s9  }
0xa: {  	s24 =	sshrl.u32 s12, $0x2;
	s26 =	sadd.s32 $0x100, s9;
	s20 =	sadd.s32 $0x180, s9  }
0xb: {  	s13 =	sadd.s32 s6, s0;
	s0 =	sadd.s32 $0xAF600, s0;
	s10 =	sadd.s32 s9, s11  }
0xc: {  	s15 =	ssub.s32 s21, s8;
	s25 =	sadd.s32 s11, s22;
	s6 =	sadd.s32 s24, s2  }
0xd: {  	s8 =	sshll.u32 s22, $0x7;
	s19 =	sadd.s32 s11, s26;
	s21 =	sadd.s32 s11, s20  }
0xe: {  	s9 =	sadd.s32 $0x200, s9;
	s12 =	sshll.u32 s20, $0x7;
	s5 =	sadd.s32 s7, s5  }
0xf: {  	s7 =	simm.s32 $0x1E700;
	s16 =	sshll.u32 s10, $0x4;
	s17 =	sshll.u32 s25, $0x4  }
0x10: {  	s8 =	sadd.s32 s8, s2;
	s10 =	sshll.u32 s26, $0x7;
	s11 =	sadd.s32 s11, s9  }
0x11: {  	s9 =	sshll.u32 s9, $0x7;
	s12 =	sadd.s32 s12, s2;
	s5 =	sshrl.u32 s5, $0x3  }
0x12: {  	s20 =	smax.u32 s15, $0x1;
	s23 =	sadd.s32 s4, s16;
	s18 =	sadd.s32 s4, s17  }
0x13: {  	s10 =	sadd.s32 s10, s2;
	s11 =	sshll.u32 s11, $0x4;
	[dreg:$0x4] =	wrdreg s23  }
0x14: {  	s24 =	sadd.s32 s0, s17;
	[dreg:$0x5] =	wrdreg s18;
	s18 =	sshll.u32 s19, $0x4  }
0x15: {  	s19 =	sshll.u32 s21, $0x4;
	s22 =	sadd.s32 s4, s11;
	s23 =	sadd.s32 s0, s16  }
0x16: {  	[dreg:$0xa] =	wrdreg s24;
	s21 =	sadd.s32 s1, s5;
	s24 =	sadd.s32 $0x5880, s13  }
0x17: {  	s1 =	simm.s32 $0x2;
	s5 =	simm.s32 $0x1D380;
	[dreg:$0x8] =	wrdreg s22  }
0x18: {  	s14 =	sadd.s32 s4, s18;
	[dreg:$0x9] =	wrdreg s23;
	s25 =	sadd.s32 s0, s18  }
0x19: {  	s26 =	sadd.s32 s0, s19;
	s22 =	sadd.s32 $0x5600, s13;
	[dreg:$0x6] =	wrdreg s14  }
0x1a: {  	s23 =	sadd.s32 $0x280, s21;
	s14 =	sadd.s32 s4, s19;
	[dreg:$0xb] =	wrdreg s25  }
0x1b: {  	[dreg:$0xc] =	wrdreg s26;
	s19 =	sadd.s32 s0, s11;
	s25 =	simm.s32 $0x14000  }
0x1c: {  	s26 =	simm.s32 $0x3;
	s0 =	simm.s32 $0x1;
	s11 =	simm.s32 $0x0  }
0x1d: {  	[dreg:$0x7] =	wrdreg s14;
	s14 =	sadd.s32 s9, s2;
	s9 =	simm.s32 $0x1E780  }
.LBB2_1:
0x1e: {  	s13 =	rddreg [dreg:$0x4]  }
0x1f: {  	[tilespmem:s25], [sflag:$0x3] =	stream.linear.gather [hbm4b:s13+s3], $0x4000, $0x38;
	[tilespmem:$0x1E800] =	vst v63  }
0x20: {  	_ =	swait.ge [sflag:s26], $0x4000  }
0x21: {  	[sflag:s26] =	ssyncset.done $0x0  }
0x22: {  	[sflag:s26] =	ssyncadd.s32 $0xFFFFC000  }
0x23: {  	[spmem:s6] =	stream.linear.scatter [tilespmem:s25], [sflag:$0x3], $0x4000, $0x38;
	[tilespmem:$0x1E800] =	vst v63  }
0x24: {  	_ =	swait.ge [sflag:s26], $0x4000  }
0x25: {  	[sflag:s26] =	ssyncset.done $0x0  }
0x26: {  	s15 =	rddreg [dreg:$0x5];
	[sflag:s26] =	ssyncadd.s32 $0xFFFFC000  }
0x27: {  	[tilespmem:s25], [sflag:$0x3] =	stream.linear.gather [hbm4b:s15+s3], $0x4000, $0x38;
	[tilespmem:$0x1E800] =	vst v63  }
0x28: {  	_ =	swait.ge [sflag:s26], $0x4000  }
0x29: {  	[sflag:s26] =	ssyncset.done $0x0  }
0x2a: {  	[sflag:s26] =	ssyncadd.s32 $0xFFFFC000  }
0x2b: {  	[spmem:s8] =	stream.linear.scatter [tilespmem:s25], [sflag:$0x3], $0x4000, $0x38;
	[tilespmem:$0x1E800] =	vst v63  }
0x2c: {  	_ =	swait.ge [sflag:s26], $0x4000  }
0x2d: {  	[sflag:s26] =	ssyncset.done $0x0  }
0x2e: {  	s16 =	rddreg [dreg:$0x6];
	[sflag:s26] =	ssyncadd.s32 $0xFFFFC000  }
0x2f: {  	[tilespmem:s25], [sflag:$0x3] =	stream.linear.gather [hbm4b:s16+s3], $0x4000, $0x38;
	[tilespmem:$0x1E800] =	vst v63  }
0x30: {  	_ =	swait.ge [sflag:s26], $0x4000  }
0x31: {  	[sflag:s26] =	ssyncset.done $0x0  }
0x32: {  	[sflag:s26] =	ssyncadd.s32 $0xFFFFC000  }
0x33: {  	[spmem:s10] =	stream.linear.scatter [tilespmem:s25], [sflag:$0x3], $0x4000, $0x38;
	[tilespmem:$0x1E800] =	vst v63  }
0x34: {  	_ =	swait.ge [sflag:s26], $0x4000  }
0x35: {  	[sflag:s26] =	ssyncset.done $0x0  }
0x36: {  	s17 =	rddreg [dreg:$0x7];
	[sflag:s26] =	ssyncadd.s32 $0xFFFFC000  }
0x37: {  	[tilespmem:s25], [sflag:$0x3] =	stream.linear.gather [hbm4b:s17+s3], $0x4000, $0x38;
	[tilespmem:$0x1E800] =	vst v63  }
0x38: {  	_ =	swait.ge [sflag:s26], $0x4000  }
0x39: {  	[sflag:s26] =	ssyncset.done $0x0  }
0x3a: {  	[sflag:s26] =	ssyncadd.s32 $0xFFFFC000  }
0x3b: {  	[spmem:s12] =	stream.linear.scatter [tilespmem:s25], [sflag:$0x3], $0x4000, $0x38;
	[tilespmem:$0x1E800] =	vst v63  }
0x3c: {  	_ =	swait.ge [sflag:s26], $0x4000  }
0x3d: {  	[sflag:s26] =	ssyncset.done $0x0  }
0x3e: {  	s18 =	rddreg [dreg:$0x8];
	[sflag:s26] =	ssyncadd.s32 $0xFFFFC000  }
0x3f: {  	[tilespmem:s25], [sflag:$0x3] =	stream.linear.gather [hbm4b:s18+s3], $0x4000, $0x38;
	[tilespmem:$0x1E800] =	vst v63  }
0x40: {  	_ =	swait.ge [sflag:s26], $0x4000  }
0x41: {  	[sflag:s26] =	ssyncset.done $0x0  }
0x42: {  	[sflag:s26] =	ssyncadd.s32 $0xFFFFC000  }
0x43: {  	[spmem:s14] =	stream.linear.scatter [tilespmem:s25], [sflag:$0x3], $0x4000, $0x38;
	[tilespmem:$0x1E800] =	vst v63  }
0x44: {  	_ =	swait.ge [sflag:s26], $0x4000  }
0x45: {  	[sflag:s26] =	ssyncset.done $0x0  }
0x46: {  	[sflag:s26] =	ssyncadd.s32 $0xFFFFC000  }
0x47: {  	[bflag:$0x0] =	sbarrier.arrive $0xFFFF  }
0x48: {  	[tilespmem:s28], [sflag:$0x3] =	stream.linear.gather [hbm4b:s21+s3], $0x1400, $0x38;
	[tilespmem:$0x1E800] =	vst v63  }
0x49: {  	_ =	swait.ge [sflag:s26], $0x1400  }
0x4a: {  	[sflag:s26] =	ssyncset.done $0x0  }
0x4b: {  	[sflag:s26] =	ssyncadd.s32 $0xFFFFEC00  }
0x4c: {  	[tilespmem:s29], [sflag:$0x3] =	stream.linear.gather [hbm4b:s22+s3], $0x1400, $0x38;
	[tilespmem:$0x1E800] =	vst v63  }
0x4d: {  	_ =	swait.ge [sflag:s26], $0x1400  }
0x4e: {  	[sflag:s26] =	ssyncset.done $0x0  }
0x4f: {  	[sflag:s26] =	ssyncadd.s32 $0xFFFFEC00  }
0x50: {  	[tilespmem:s25], [sflag:$0x1] =	stream.indirect.gather [hbm4b:s4+s30], $0x80, s28, s30, $0xb8;
	[tilespmem:$0x1E800] =	vst v63  }
0x51: {  	s15 =	simm.s32 $0x1C080  }
0x52: {  	[tilespmem:s31], [sflag:$0x2] =	stream.indirect.gather [hbm4b:s4+s30], $0x80, s15, s30, $0xb8;
	[tilespmem:$0x1E800] =	vst v63  }
0x53: {  	_ =	swait.ge [sflag:s0], $0x4000  }
0x54: {  	[sflag:s0] =	ssyncset.done $0x0  }
0x55: {  	s16 =	simm.s32 $0x1D400;
	[sflag:s0] =	ssyncadd.s32 $0xFFFFC000  }
0x56: {  	[spmem:s2] =	stream.indirect.scatter.add.f32 [tilespmem:s25], [sflag:$0x3], $0x80, s16, s30, $0xb8;
	[tilespmem:$0x1E800] =	vst v63  }
0x57: {  	_ =	swait.ge [sflag:s26], $0x4000  }
0x58: {  	[sflag:s26] =	ssyncset.done $0x0  }
0x59: {  	s17 =	simm.s32 $0x1C100;
	[sflag:s26] =	ssyncadd.s32 $0xFFFFC000  }
0x5a: {  	[tilespmem:s25], [sflag:$0x1] =	stream.indirect.gather [hbm4b:s4+s30], $0x80, s17, s30, $0xb8;
	[tilespmem:$0x1E800] =	vst v63  }
0x5b: {  	_ =	swait.ge [sflag:s1], $0x4000  }
0x5c: {  	[sflag:s1] =	ssyncset.done $0x0  }
0x5d: {  	s18 =	simm.s32 $0x1D480;
	[sflag:s1] =	ssyncadd.s32 $0xFFFFC000  }
0x5e: {  	[spmem:s2] =	stream.indirect.scatter.add.f32 [tilespmem:s31], [sflag:$0x3], $0x80, s18, s30, $0xb8;
	[tilespmem:$0x1E800] =	vst v63  }
0x5f: {  	_ =	swait.ge [sflag:s26], $0x4000  }
0x60: {  	s13 =	simm.s32 $0x100;
	s15 =	simm.s32 $0x800;
	[sflag:s26] =	ssyncset.done $0x0  }
.LBB2_2:
0x61: {  	s16 =	sadd.s32 $0x1C080, s13  }
0x62: {  	[sflag:s26] =	ssyncadd.s32 $0xFFFFC000;
	s17 =	smov.u32 s15;
	s18 =	sadd.s32 $0x400, s15  }
0x63: {  	[tilespmem:s31], [sflag:$0x2] =	stream.indirect.gather [hbm4b:s4+s30], $0x80, s16, s30, $0xb8;
	[tilespmem:$0x1E800] =	vst v63  }
0x64: {  	p0 =	sne.s32 s15, $0x4800;
	_ =	swait.ge [sflag:s0], $0x4000  }
0x65: {  	[sflag:s0] =	ssyncset.done $0x0  }
0x66: {  	s15 =	sadd.s32 $0x1D400, s13;
	[sflag:s0] =	ssyncadd.s32 $0xFFFFC000  }
0x67: {  	[spmem:s2] =	stream.indirect.scatter.add.f32 [tilespmem:s25], [sflag:$0x3], $0x80, s15, s30, $0xb8;
	[tilespmem:$0x1E800] =	vst v63  }
0x68: {  	_ =	swait.ge [sflag:s26], $0x4000  }
0x69: {  	[sflag:s26] =	ssyncset.done $0x0  }
0x6a: {  	s15 =	sadd.s32 $0x1C100, s13;
	[sflag:s26] =	ssyncadd.s32 $0xFFFFC000  }
0x6b: {  	[tilespmem:s25], [sflag:$0x1] =	stream.indirect.gather [hbm4b:s4+s30], $0x80, s15, s30, $0xb8;
	[tilespmem:$0x1E800] =	vst v63  }
0x6c: {  	_ =	swait.ge [sflag:s1], $0x4000  }
.Ltmp0:
0x6d: {  	[sflag:s1] =	ssyncset.done $0x0;
	(pc) =	sbr.rel @p0 .LBB2_2-.Ltmp0, $4  }
0x6e: {  	s13 =	sadd.s32 $0x1D480, s13;
	[sflag:s1] =	ssyncadd.s32 $0xFFFFC000  }
0x6f: {  	[spmem:s2] =	stream.indirect.scatter.add.f32 [tilespmem:s31], [sflag:$0x3], $0x80, s13, s30, $0xb8;
	[tilespmem:$0x1E800] =	vst v63  }
0x70: {  	_ =	swait.ge [sflag:s26], $0x4000  }
0x71: {  	s15 =	smov.u32 s18;
	s13 =	sshra.s32 s17, $0x2;
	[sflag:s26] =	ssyncset.done $0x0  }
0x72: {  	s15 =	sadd.s32 $0x1C080, s13;
	[sflag:s26] =	ssyncadd.s32 $0xFFFFC000  }
0x73: {  	[tilespmem:s31], [sflag:$0x2] =	stream.indirect.gather [hbm4b:s4+s30], $0x80, s15, s30, $0xb8;
	[tilespmem:$0x1E800] =	vst v63  }
0x74: {  	_ =	swait.ge [sflag:s0], $0x4000  }
0x75: {  	[sflag:s0] =	ssyncset.done $0x0  }
0x76: {  	s18 =	sadd.s32 $0x1D400, s13;
	[sflag:s0] =	ssyncadd.s32 $0xFFFFC000  }
0x77: {  	[spmem:s2] =	stream.indirect.scatter.add.f32 [tilespmem:s25], [sflag:$0x3], $0x80, s18, s30, $0xb8;
	[tilespmem:$0x1E800] =	vst v63  }
0x78: {  	_ =	swait.ge [sflag:s26], $0x4000  }
0x79: {  	[sflag:s26] =	ssyncset.done $0x0  }
0x7a: {  	s16 =	sadd.s32 $0x1C100, s13;
	[sflag:s26] =	ssyncadd.s32 $0xFFFFC000  }
0x7b: {  	[tilespmem:s25], [sflag:$0x1] =	stream.indirect.gather [hbm4b:s4+s30], $0x80, s16, s30, $0xb8;
	[tilespmem:$0x1E800] =	vst v63  }
0x7c: {  	_ =	swait.ge [sflag:s1], $0x4000  }
0x7d: {  	[sflag:s1] =	ssyncset.done $0x0  }
0x7e: {  	s17 =	sadd.s32 $0x1D480, s13;
	[sflag:s1] =	ssyncadd.s32 $0xFFFFC000  }
0x7f: {  	[spmem:s2] =	stream.indirect.scatter.add.f32 [tilespmem:s31], [sflag:$0x3], $0x80, s17, s30, $0xb8;
	[tilespmem:$0x1E800] =	vst v63  }
0x80: {  	_ =	swait.ge [sflag:s26], $0x4000  }
0x81: {  	[sflag:s26] =	ssyncset.done $0x0  }
0x82: {  	[sflag:s26] =	ssyncadd.s32 $0xFFFFC000  }
0x83: {  	[tilespmem:s31], [sflag:$0x2] =	stream.indirect.gather [hbm4b:s4+s30], $0x80, s5, s30, $0xb8;
	[tilespmem:$0x1E800] =	vst v63  }
0x84: {  	_ =	swait.ge [sflag:s0], $0x4000  }
0x85: {  	[sflag:s0] =	ssyncset.done $0x0  }
0x86: {  	[sflag:s0] =	ssyncadd.s32 $0xFFFFC000  }
0x87: {  	[spmem:s2] =	stream.indirect.scatter.add.f32 [tilespmem:s25], [sflag:$0x3], $0x80, s7, s30, $0xb8;
	[tilespmem:$0x1E800] =	vst v63  }
0x88: {  	_ =	swait.ge [sflag:s26], $0x4000  }
0x89: {  	[sflag:s26] =	ssyncset.done $0x0  }
0x8a: {  	[sflag:s26] =	ssyncadd.s32 $0xFFFFC000  }
0x8b: {  	_ =	swait.ge [sflag:s1], $0x4000  }
0x8c: {  	[sflag:s1] =	ssyncset.done $0x0  }
0x8d: {  	[sflag:s1] =	ssyncadd.s32 $0xFFFFC000  }
0x8e: {  	[spmem:s2] =	stream.indirect.scatter.add.f32 [tilespmem:s31], [sflag:$0x3], $0x80, s9, s30, $0xb8;
	[tilespmem:$0x1E800] =	vst v63  }
0x8f: {  	_ =	swait.ge [sflag:s26], $0x4000  }
0x90: {  	[sflag:s26] =	ssyncset.done $0x0  }
0x91: {  	s18 =	simm.s32 $0x0;
	[sflag:s26] =	ssyncadd.s32 $0xFFFFC000  }
0x92: {  	[tilespmem:s28], [sflag:$0x3] =	stream.linear.gather [hbm4b:s23+s18], $0x1400, $0x38;
	[tilespmem:$0x1E800] =	vst v63  }
0x93: {  	_ =	swait.ge [sflag:s26], $0x1400  }
0x94: {  	[sflag:s26] =	ssyncset.done $0x0  }
0x95: {  	[sflag:s26] =	ssyncadd.s32 $0xFFFFEC00  }
0x96: {  	[tilespmem:s29], [sflag:$0x3] =	stream.linear.gather [hbm4b:s24+s18], $0x1400, $0x38;
	[tilespmem:$0x1E800] =	vst v63  }
0x97: {  	_ =	swait.ge [sflag:s26], $0x1400  }
0x98: {  	[sflag:s26] =	ssyncset.done $0x0  }
0x99: {  	[sflag:s26] =	ssyncadd.s32 $0xFFFFEC00  }
0x9a: {  	[tilespmem:s25], [sflag:$0x1] =	stream.indirect.gather [hbm4b:s4+s30], $0x80, s28, s30, $0xb8;
	[tilespmem:$0x1E800] =	vst v63  }
0x9b: {  	s15 =	simm.s32 $0x1C080  }
0x9c: {  	[tilespmem:s31], [sflag:$0x2] =	stream.indirect.gather [hbm4b:s4+s30], $0x80, s15, s30, $0xb8;
	[tilespmem:$0x1E800] =	vst v63  }
0x9d: {  	_ =	swait.ge [sflag:s0], $0x4000  }
0x9e: {  	[sflag:s0] =	ssyncset.done $0x0  }
0x9f: {  	s16 =	simm.s32 $0x1D400;
	[sflag:s0] =	ssyncadd.s32 $0xFFFFC000  }
0xa0: {  	[spmem:s2] =	stream.indirect.scatter.add.f32 [tilespmem:s25], [sflag:$0x3], $0x80, s16, s30, $0xb8;
	[tilespmem:$0x1E800] =	vst v63  }
0xa1: {  	_ =	swait.ge [sflag:s26], $0x4000  }
0xa2: {  	[sflag:s26] =	ssyncset.done $0x0  }
0xa3: {  	s17 =	simm.s32 $0x1C100;
	[sflag:s26] =	ssyncadd.s32 $0xFFFFC000  }
0xa4: {  	[tilespmem:s25], [sflag:$0x1] =	stream.indirect.gather [hbm4b:s4+s30], $0x80, s17, s30, $0xb8;
	[tilespmem:$0x1E800] =	vst v63  }
0xa5: {  	_ =	swait.ge [sflag:s1], $0x4000  }
0xa6: {  	[sflag:s1] =	ssyncset.done $0x0  }
0xa7: {  	s18 =	simm.s32 $0x1D480;
	[sflag:s1] =	ssyncadd.s32 $0xFFFFC000  }
0xa8: {  	[spmem:s2] =	stream.indirect.scatter.add.f32 [tilespmem:s31], [sflag:$0x3], $0x80, s18, s30, $0xb8;
	[tilespmem:$0x1E800] =	vst v63  }
0xa9: {  	_ =	swait.ge [sflag:s26], $0x4000  }
0xaa: {  	s13 =	simm.s32 $0x100;
	s15 =	simm.s32 $0x800;
	[sflag:s26] =	ssyncset.done $0x0  }
.LBB2_4:
0xab: {  	s16 =	sadd.s32 $0x1C080, s13  }
0xac: {  	[sflag:s26] =	ssyncadd.s32 $0xFFFFC000;
	s17 =	smov.u32 s15;
	s18 =	sadd.s32 $0x400, s15  }
0xad: {  	[tilespmem:s31], [sflag:$0x2] =	stream.indirect.gather [hbm4b:s4+s30], $0x80, s16, s30, $0xb8;
	[tilespmem:$0x1E800] =	vst v63  }
0xae: {  	p0 =	sne.s32 s15, $0x4800;
	_ =	swait.ge [sflag:s0], $0x4000  }
0xaf: {  	[sflag:s0] =	ssyncset.done $0x0  }
0xb0: {  	s15 =	sadd.s32 $0x1D400, s13;
	[sflag:s0] =	ssyncadd.s32 $0xFFFFC000  }
0xb1: {  	[spmem:s2] =	stream.indirect.scatter.add.f32 [tilespmem:s25], [sflag:$0x3], $0x80, s15, s30, $0xb8;
	[tilespmem:$0x1E800] =	vst v63  }
0xb2: {  	_ =	swait.ge [sflag:s26], $0x4000  }
0xb3: {  	[sflag:s26] =	ssyncset.done $0x0  }
0xb4: {  	s15 =	sadd.s32 $0x1C100, s13;
	[sflag:s26] =	ssyncadd.s32 $0xFFFFC000  }
0xb5: {  	[tilespmem:s25], [sflag:$0x1] =	stream.indirect.gather [hbm4b:s4+s30], $0x80, s15, s30, $0xb8;
	[tilespmem:$0x1E800] =	vst v63  }
0xb6: {  	_ =	swait.ge [sflag:s1], $0x4000  }
.Ltmp1:
0xb7: {  	[sflag:s1] =	ssyncset.done $0x0;
	(pc) =	sbr.rel @p0 .LBB2_4-.Ltmp1, $4  }
0xb8: {  	s13 =	sadd.s32 $0x1D480, s13;
	[sflag:s1] =	ssyncadd.s32 $0xFFFFC000  }
0xb9: {  	[spmem:s2] =	stream.indirect.scatter.add.f32 [tilespmem:s31], [sflag:$0x3], $0x80, s13, s30, $0xb8;
	[tilespmem:$0x1E800] =	vst v63  }
0xba: {  	_ =	swait.ge [sflag:s26], $0x4000  }
0xbb: {  	s15 =	smov.u32 s18;
	s13 =	sshra.s32 s17, $0x2;
	[sflag:s26] =	ssyncset.done $0x0  }
0xbc: {  	s15 =	sadd.s32 $0x1C080, s13;
	[sflag:s26] =	ssyncadd.s32 $0xFFFFC000  }
0xbd: {  	[tilespmem:s31], [sflag:$0x2] =	stream.indirect.gather [hbm4b:s4+s30], $0x80, s15, s30, $0xb8;
	[tilespmem:$0x1E800] =	vst v63  }
0xbe: {  	_ =	swait.ge [sflag:s0], $0x4000  }
0xbf: {  	[sflag:s0] =	ssyncset.done $0x0  }
0xc0: {  	s16 =	sadd.s32 $0x1D400, s13;
	[sflag:s0] =	ssyncadd.s32 $0xFFFFC000  }
0xc1: {  	[spmem:s2] =	stream.indirect.scatter.add.f32 [tilespmem:s25], [sflag:$0x3], $0x80, s16, s30, $0xb8;
	[tilespmem:$0x1E800] =	vst v63  }
0xc2: {  	_ =	swait.ge [sflag:s26], $0x4000  }
0xc3: {  	[sflag:s26] =	ssyncset.done $0x0  }
0xc4: {  	s17 =	sadd.s32 $0x1C100, s13;
	[sflag:s26] =	ssyncadd.s32 $0xFFFFC000  }
0xc5: {  	[tilespmem:s25], [sflag:$0x1] =	stream.indirect.gather [hbm4b:s4+s30], $0x80, s17, s30, $0xb8;
	[tilespmem:$0x1E800] =	vst v63  }
0xc6: {  	_ =	swait.ge [sflag:s1], $0x4000  }
0xc7: {  	[sflag:s1] =	ssyncset.done $0x0  }
0xc8: {  	s18 =	sadd.s32 $0x1D480, s13;
	[sflag:s1] =	ssyncadd.s32 $0xFFFFC000  }
0xc9: {  	[spmem:s2] =	stream.indirect.scatter.add.f32 [tilespmem:s31], [sflag:$0x3], $0x80, s18, s30, $0xb8;
	[tilespmem:$0x1E800] =	vst v63  }
0xca: {  	_ =	swait.ge [sflag:s26], $0x4000  }
0xcb: {  	[sflag:s26] =	ssyncset.done $0x0  }
0xcc: {  	[sflag:s26] =	ssyncadd.s32 $0xFFFFC000  }
0xcd: {  	[tilespmem:s31], [sflag:$0x2] =	stream.indirect.gather [hbm4b:s4+s30], $0x80, s5, s30, $0xb8;
	[tilespmem:$0x1E800] =	vst v63  }
0xce: {  	_ =	swait.ge [sflag:s0], $0x4000  }
0xcf: {  	[sflag:s0] =	ssyncset.done $0x0  }
0xd0: {  	[sflag:s0] =	ssyncadd.s32 $0xFFFFC000  }
0xd1: {  	[spmem:s2] =	stream.indirect.scatter.add.f32 [tilespmem:s25], [sflag:$0x3], $0x80, s7, s30, $0xb8;
	[tilespmem:$0x1E800] =	vst v63  }
0xd2: {  	_ =	swait.ge [sflag:s26], $0x4000  }
0xd3: {  	[sflag:s26] =	ssyncset.done $0x0  }
0xd4: {  	[sflag:s26] =	ssyncadd.s32 $0xFFFFC000  }
0xd5: {  	_ =	swait.ge [sflag:s1], $0x4000  }
0xd6: {  	[sflag:s1] =	ssyncset.done $0x0  }
0xd7: {  	[sflag:s1] =	ssyncadd.s32 $0xFFFFC000  }
0xd8: {  	[spmem:s2] =	stream.indirect.scatter.add.f32 [tilespmem:s31], [sflag:$0x3], $0x80, s9, s30, $0xb8;
	[tilespmem:$0x1E800] =	vst v63  }
0xd9: {  	_ =	swait.ge [sflag:s26], $0x4000  }
0xda: {  	[sflag:s26] =	ssyncset.done $0x0  }
0xdb: {  	[sflag:s26] =	ssyncadd.s32 $0xFFFFC000  }
0xdc: {  	[bflag:$0x0] =	sbarrier.arrive $0xFFFF  }
0xdd: {  	[tilespmem:s25], [sflag:$0x3] =	stream.linear.gather [spmem:s6], $0x4000, $0x38;
	[tilespmem:$0x1E800] =	vst v63  }
0xde: {  	_ =	swait.ge [sflag:s26], $0x4000  }
0xdf: {  	[sflag:s26] =	ssyncset.done $0x0  }
0xe0: {  	s15 =	rddreg [dreg:$0x9];
	[sflag:s26] =	ssyncadd.s32 $0xFFFFC000  }
0xe1: {  	[hbm4b:s15+s3] =	stream.linear.scatter [tilespmem:s25], [sflag:$0x3], $0x4000, $0x38;
	[tilespmem:$0x1E800] =	vst v63  }
0xe2: {  	_ =	swait.ge [sflag:s26], $0x4000  }
0xe3: {  	[sflag:s26] =	ssyncset.done $0x0  }
0xe4: {  	[sflag:s26] =	ssyncadd.s32 $0xFFFFC000  }
0xe5: {  	[tilespmem:s25], [sflag:$0x3] =	stream.linear.gather [spmem:s8], $0x4000, $0x38;
	[tilespmem:$0x1E800] =	vst v63  }
0xe6: {  	_ =	swait.ge [sflag:s26], $0x4000  }
0xe7: {  	[sflag:s26] =	ssyncset.done $0x0  }
0xe8: {  	s16 =	rddreg [dreg:$0xa];
	[sflag:s26] =	ssyncadd.s32 $0xFFFFC000  }
0xe9: {  	[hbm4b:s16+s3] =	stream.linear.scatter [tilespmem:s25], [sflag:$0x3], $0x4000, $0x38;
	[tilespmem:$0x1E800] =	vst v63  }
0xea: {  	_ =	swait.ge [sflag:s26], $0x4000  }
0xeb: {  	[sflag:s26] =	ssyncset.done $0x0  }
0xec: {  	[sflag:s26] =	ssyncadd.s32 $0xFFFFC000  }
0xed: {  	[tilespmem:s25], [sflag:$0x3] =	stream.linear.gather [spmem:s10], $0x4000, $0x38;
	[tilespmem:$0x1E800] =	vst v63  }
0xee: {  	_ =	swait.ge [sflag:s26], $0x4000  }
0xef: {  	[sflag:s26] =	ssyncset.done $0x0  }
0xf0: {  	s17 =	rddreg [dreg:$0xb];
	[sflag:s26] =	ssyncadd.s32 $0xFFFFC000  }
0xf1: {  	[hbm4b:s17+s3] =	stream.linear.scatter [tilespmem:s25], [sflag:$0x3], $0x4000, $0x38;
	[tilespmem:$0x1E800] =	vst v63  }
0xf2: {  	_ =	swait.ge [sflag:s26], $0x4000  }
0xf3: {  	[sflag:s26] =	ssyncset.done $0x0  }
0xf4: {  	[sflag:s26] =	ssyncadd.s32 $0xFFFFC000  }
0xf5: {  	[tilespmem:s25], [sflag:$0x3] =	stream.linear.gather [spmem:s12], $0x4000, $0x38;
	[tilespmem:$0x1E800] =	vst v63  }
0xf6: {  	_ =	swait.ge [sflag:s26], $0x4000  }
0xf7: {  	[sflag:s26] =	ssyncset.done $0x0  }
0xf8: {  	s18 =	rddreg [dreg:$0xc];
	[sflag:s26] =	ssyncadd.s32 $0xFFFFC000  }
0xf9: {  	[hbm4b:s18+s3] =	stream.linear.scatter [tilespmem:s25], [sflag:$0x3], $0x4000, $0x38;
	[tilespmem:$0x1E800] =	vst v63  }
0xfa: {  	_ =	swait.ge [sflag:s26], $0x4000  }
0xfb: {  	[sflag:s26] =	ssyncset.done $0x0  }
0xfc: {  	[sflag:s26] =	ssyncadd.s32 $0xFFFFC000  }
0xfd: {  	[tilespmem:s25], [sflag:$0x3] =	stream.linear.gather [spmem:s14], $0x4000, $0x38;
	[tilespmem:$0x1E800] =	vst v63  }
0xfe: {  	s11 =	sadd.s32 $0x1, s11;
	_ =	swait.ge [sflag:s26], $0x4000  }
0xff: {  	p0 =	sne.s32 s11, s20;
	[sflag:s26] =	ssyncset.done $0x0  }
.Ltmp2:
0x100: {  	[sflag:s26] =	ssyncadd.s32 $0xFFFFC000;
	(pc) =	sbr.rel @p0 .LBB2_1-.Ltmp2, $4  }
0x101: {  	[hbm4b:s19+s3] =	stream.linear.scatter [tilespmem:s25], [sflag:$0x3], $0x4000, $0x38;
	[tilespmem:$0x1E800] =	vst v63  }
0x102: {  	_ =	swait.ge [sflag:s26], $0x4000  }
0x103: {  	[sflag:s26] =	ssyncset.done $0x0  }
0x104: {  	[sflag:s26] =	ssyncadd.s32 $0xFFFFC000  }
0x105: {  	_ =	sfence.sel $0x180000  }
0x106: {  	[bflag:$0x0] =	sbarrier.arrive $0xFFFF  }
0x107: {  	_ =	strace $0x90000050  }
0x108: {  	s0 =	stileid.u32;
	[bflag:$0x2] =	sbarrier.arrive $0xFFFF  }
0x109: {  	p0 =	sne.s32 s0, $0x0;
	s0 =	rddreg [dreg:$0x3]  }
0x10a: {  	s0 =	sadd.s32 @!p0 $0x100000, s0  }
0x10b: {  	[sflag:s0] =	ssyncadd.tile.s32 @!p0 $0x1;
	_ =	shalt  }
.Lfunc_end2:
_tile_overlayer_lowered:
.L_overlay_start_2:
0x10c: {  	(tag) =	ssettag $0x2  }
0x10d: {  	s0 =	rddreg [dreg:$0x0];
	s2 =	stileid.u32  }
0x10e: {  	s1 =	rddreg [dreg:$0x1];
	p0 =	sne.s32 s2, $0x0  }
0x10f: {  	s3 =	rddreg [dreg:$0x2];
	[bflag:$0x3] =	sbarrier.arrive $0xFFFF;
	s2 =	simm.s32 @!p0 $0x1C03  }
0x110: {  	[timem:s3], [sflag:s2] =	dma.local @!p0 [hbm:s0], s1  }
0x111: {  	s0 =	simm.s32 @!p0 $0x3  }
0x112: {  	_ =	swait.ge @!p0 [sflag:s0], s1  }
0x113: {  	s1 =	ssub.s32 @!p0 $0x0, s1;
	[sflag:s0] =	ssyncset.done @!p0 $0x0  }
0x114: {  	[sflag:s0] =	ssyncadd.s32 @!p0 s1  }
0x115: {  	[bflag:$0x3] =	sbarrier.arrive $0xFFFF  }
0x116: {  	_ =	shalt  }

// kernel: kernel.26.cloned.1.call-start
scs
__scs_entry_jumppad:
0x0: {  	(pc) =	sbr.rel $0x88, $3  }
0x1: {  	(tag) =	ssettag $0x0;
	lr =	simm.s32 $0x1  }
0x2: {  	[smem:$0x3F8D] =	sst lr;
	_ =	strace $0xD0000000  }
0x3: {  	_ = 	snop  }
0x4: {  	_ = 	snop  }
0x5: {  	_ = 	snop  }
0x6: {  	_ = 	snop  }
0x7: {  	_ = 	snop  }
__scs_overlays_trampoline_lowered:
0x8: {  	[smem:$0x3F9C] =	sst s0  }
0x9: {  	[smem:$0x3F9D] =	sst s1  }
0xa: {  	[smem:$0x3F9E] =	sst s2  }
0xb: {  	[smem:$0x3F9F] =	sst s3  }
0xc: {  	[smem:$0x3FA0] =	sst s4  }
0xd: {  	[smem:$0x3FA1] =	sst s5  }
0xe: {  	[smem:$0x3FA2] =	sst s6  }
0xf: {  	[smem:$0x3FA3] =	sst s7  }
0x10: {  	[smem:$0x3FA4] =	sst s8  }
0x11: {  	[smem:$0x3FA5] =	sst s9;
	s0 =	simm.s32 @!p0 $0x0  }
0x12: {  	s1 =	sld [smem:$0x3F8B];
	s0 =	simm.s32 @p0 $0x1  }
0x13: {  	[smem:$0x3FA6] =	sst s0;
	s0 =	simm.s32 @!p1 $0x0  }
0x14: {  	s2 =	sld [smem:$0x3F8A];
	s0 =	simm.s32 @p1 $0x1  }
0x15: {  	[smem:$0x3FA7] =	sst s0;
	s0 =	simm.s32 @!p2 $0x0  }
0x16: {  	s3 =	sld [smem:$0x3FDB];
	s0 =	simm.s32 @p2 $0x1  }
0x17: {  	s4 =	simm.s32 $0x1BF5;
	[smem:$0x3FA9] =	sst s0  }
0x18: {  	s0 =	sld [smem:$0x3F8C];
	_ =	swait.ge [sflag:s4], $0x0  }
0x19: {  	s7 =	sld [smem:$0x3F8D]  }
0x1a: {  	s8 =	sadd.s32 $0xFFFFE003, lr  }
0x1b: {  	s9 =	sadd.s32 $0xFFFFFEF7, lr;
	s5 =	simm.s32 $0xFFFFFFFF;
	p2 =	slt.u32 s8, $0xFFFFF086  }
0x1c: {  	p1 =	slt.u32 s9, $0xF7A;
	s5 =	simm.s32 @!p2 $0x0  }
0x1d: {  	s5 =	simm.s32 @p1 $0x1;
	p0 =	seq.s32 s7, s2  }
0x1e: {  	s7 =	smul.u32 @!p0 $0xF7A, s2;
	p2 =	seq.s32 @!p0 s5, $0x0  }
0x1f: {  	s9 =	smul.u32 $0xF7A, s1;
	s8 =	simm.s32 @!p0 $0x1BF5;
	p2 =	por !p2, p0  }
0x20: {  	[sflag:s8] =	ssyncset.s32 @!p0 $0xFFFFF086;
	s6 =	sadd.s32 @!p0 s3, s7;
	s7 =	simm.s32 @!p0 $0x108  }
0x21: {  	s3 =	sadd.s32 s3, s9;
	s6 =	sadd.s32 @!p0 $0x88, s6;
	s7 =	simm.s32 @p2 $0x1082  }
0x22: {  	[simem:s7], [sflag:s8] =	dma.local @!p0 [hbm:s6], $0xF7A  }
0x23: {  	s9 =	sor.u32 $0xD0000000, s2;
	s6 =	simm.s32 $0x108;
	_ =	swait.ge @!p0 [sflag:s8], $0x0  }
0x24: {  	s3 =	sadd.s32 $0x88, s3;
	s6 =	simm.s32 @!p1 $0x1082;
	[sflag:s4] =	ssyncset.s32 $0xFFFFF086  }
0x25: {  	[simem:s6], [sflag:s4] =	dma.local [hbm:s3], $0xF7A  }
0x26: {  	[smem:$0x3F8D] =	sst s1;
	(tag) =	ssettag s2;
	_ =	strace s9  }
0x27: {  	s1 =	sld [smem:$0x3F9D]  }
0x28: {  	s2 =	sld [smem:$0x3F9E]  }
0x29: {  	s4 =	sld [smem:$0x3FA0]  }
0x2a: {  	p0 =	seq.s32 s5, $0x0;
	s5 =	sld [smem:$0x3FA1]  }
0x2b: {  	s6 =	sld [smem:$0x3FA2]  }
0x2c: {  	s7 =	sld [smem:$0x3FA3]  }
0x2d: {  	s3 =	simm.s32 $0x108;
	s8 =	sld [smem:$0x3FA4]  }
0x2e: {  	s3 =	simm.s32 @!p0 $0x1082;
	s9 =	sld [smem:$0x3FA5]  }
0x2f: {  	lr =	sadd.s32 s0, s3;
	s0 =	sld [smem:$0x3F9C]  }
0x30: {  	s3 =	sld [smem:$0x3F9F]  }
0x31: {  	[smem:$0x3FA8] =	sst s10  }
0x32: {  	s10 =	sld [smem:$0x3FA6];
	_ =	sdelay $0x3  }
0x33: {  	p0 =	seq.s32 s10, $0x1;
	s10 =	sld [smem:$0x3FA8];
	_ =	sdelay $0x3  }
0x34: {  	[smem:$0x3FA8] =	sst s10  }
0x35: {  	s10 =	sld [smem:$0x3FA7];
	_ =	sdelay $0x3  }
0x36: {  	p1 =	seq.s32 s10, $0x1;
	s10 =	sld [smem:$0x3FA8];
	_ =	sdelay $0x3  }
0x37: {  	[smem:$0x3FA8] =	sst s10  }
0x38: {  	s10 =	sld [smem:$0x3FA9]  }
0x39: {  	_ = 	snop;
	(pc) =	sbr.ind lr, $3  }
0x3a: {  	_ = 	snop  }
0x3b: {  	_ = 	snop  }
0x3c: {  	p2 =	seq.s32 s10, $0x1;
	s10 =	sld [smem:$0x3FA8]  }
0x3d: {  	_ =	shalt  }
0x3e: {  	_ =	shalt  }
0x3f: {  	_ =	shalt  }
0x40: {  	_ =	shalt  }
0x41: {  	_ =	shalt  }
0x42: {  	_ =	shalt  }
0x43: {  	_ =	shalt  }
0x44: {  	_ =	shalt  }
0x45: {  	_ =	shalt  }
0x46: {  	_ =	shalt  }
0x47: {  	_ =	shalt  }
0x48: {  	_ =	shalt  }
0x49: {  	_ =	shalt  }
0x4a: {  	_ =	shalt  }
0x4b: {  	_ =	shalt  }
0x4c: {  	_ =	shalt  }
0x4d: {  	_ =	shalt  }
0x4e: {  	_ =	shalt  }
0x4f: {  	_ =	shalt  }
0x50: {  	_ =	shalt  }
0x51: {  	_ =	shalt  }
0x52: {  	_ =	shalt  }
0x53: {  	_ =	shalt  }
0x54: {  	_ =	shalt  }
0x55: {  	_ =	shalt  }
0x56: {  	_ =	shalt  }
0x57: {  	_ =	shalt  }
0x58: {  	_ =	shalt  }
0x59: {  	_ =	shalt  }
0x5a: {  	_ =	shalt  }
0x5b: {  	_ =	shalt  }
0x5c: {  	_ =	shalt  }
0x5d: {  	_ =	shalt  }
0x5e: {  	_ =	shalt  }
0x5f: {  	_ =	shalt  }
0x60: {  	_ =	shalt  }
0x61: {  	_ =	shalt  }
0x62: {  	_ =	shalt  }
0x63: {  	_ =	shalt  }
0x64: {  	_ =	shalt  }
0x65: {  	_ =	shalt  }
0x66: {  	_ =	shalt  }
0x67: {  	_ =	shalt  }
0x68: {  	_ =	shalt  }
0x69: {  	_ =	shalt  }
0x6a: {  	_ =	shalt  }
0x6b: {  	_ =	shalt  }
0x6c: {  	_ =	shalt  }
0x6d: {  	_ =	shalt  }
0x6e: {  	_ =	shalt  }
0x6f: {  	_ =	shalt  }
0x70: {  	_ =	shalt  }
0x71: {  	_ =	shalt  }
0x72: {  	_ =	shalt  }
0x73: {  	_ =	shalt  }
0x74: {  	_ =	shalt  }
0x75: {  	_ =	shalt  }
0x76: {  	_ =	shalt  }
0x77: {  	_ =	shalt  }
0x78: {  	_ =	shalt  }
0x79: {  	_ =	shalt  }
0x7a: {  	_ =	shalt  }
0x7b: {  	_ =	shalt  }
0x7c: {  	_ =	shalt  }
0x7d: {  	_ =	shalt  }
0x7e: {  	_ =	shalt  }
0x7f: {  	_ =	shalt  }
0x80: {  	_ =	shalt  }
0x81: {  	_ =	shalt  }
0x82: {  	_ =	shalt  }
0x83: {  	_ =	shalt  }
0x84: {  	_ =	shalt  }
0x85: {  	_ =	shalt  }
0x86: {  	_ =	shalt  }
0x87: {  	_ =	shalt  }
.Lfunc_end0:
.L_simem_size_0:
called_computation.4_lowered:
.L_overlay_start_0:
0x88: {  	s2 =	sld [smem:$0x3FD9]  }
0x89: {  	s3 =	sld [smem:$0x3FFE];
	_ =	sdelay $0x1  }
0x8a: {  	s1 =	srdreg.scid  }
0x8b: {  	s0 =	sand.u32 $0x1, s1  }
0x8c: {  	s17 =	sshll.u32 s0, $0xA;
	s2 =	sadd.s32 s3, s2  }
0x8d: {  	s2 =	sadd.s32 s2, s17  }
0x8e: {  	[smem:$0x3FB4] =	sst s2  }
0x8f: {  	_ = 	snop  }
0x90: {  	s2 =	sld [smem:$0x3FD0];
	(tm) =	ssettm $0x1  }
0x91: {  	s18 =	sld [smem:$0x3FFB];
	_ =	sdelay $0x3  }
0x92: {  	_ =	strace s18  }
0x93: {  	s3 =	sld [smem:$0x3FFC];
	_ =	sdelay $0x3  }
0x94: {  	_ =	strace s3  }
0x95: {  	s3 =	sld [smem:$0x3FFD];
	_ =	sdelay $0x3  }
0x96: {  	_ =	strace s3  }
0x97: {  	_ =	strace $0x8FFFFFFF  }
0x98: {  	s19 =	sld [smem:$0x3FDB];
	_ =	sdelay $0x1  }
0x99: {  	s4 =	simm.s32 $_scs_section_size  }
0x9a: {  	s5 =	simm.s32 $_size__tile_overlayer_lowered;
	s6 =	simm.s32 $_tile_overlayer_lowered  }
0x9b: {  	s22 =	simm.s32 $0x1BFF;
	s21 =	sshll.u32 s6, $0x1;
	s3 =	sadd.s32 s4, s19  }
0x9c: {  	s7 =	simm.s32 $0x0;
	s20 =	sshll.u32 s5, $0x1;
	s5 =	sadd.s32 s21, s3  }
0x9d: {  	[timem:s7], [sflag:s22] =	dma.local [hbm:s5], s20  }
0x9e: {  	_ =	swait.ge [sflag:s22], s20  }
0x9f: {  	s4 =	ssub.s32 $0x0, s20;
	[sflag:s22] =	ssyncset.done $0x0  }
0xa0: {  	[sflag:s22] =	ssyncadd.s32 s4;
	_ =	sdelay $0x1  }
0xa1: {  	s23 =	simm.s32 $0x1B8B  }
0xa2: {  	_ =	swait.ge [sflag:s23], $0x1  }
0xa3: {  	[sflag:s23] =	ssyncset.done $0x0  }
0xa4: {  	s25 =	simm.s32 $0x1B8E;
	s24 =	sld [smem:$0x3FFE];
	[sflag:s23] =	ssyncadd.s32 $0xFFFFFFFF  }
0xa5: {  	s26 =	simm.s32 $execute0_lowered;
	[smem:$0x3FD2] =	sst s25  }
0xa6: {  	s5 =	sshll.u32 s26, $0x1;
	_ =	strace $0x80000052;
	[dreg:$0x1] =	wrdreg $0xFFFFFFFF  }
0xa7: {  	s28 =	simm.s32 $_size_execute0_lowered;
	s3 =	sadd.s32 s3, s5;
	[dreg:$0x0] =	wrdreg $0x0  }
0xa8: {  	s5 =	sshll.u32 s28, $0x1;
	[dreg:$0x2] =	wrdreg s3  }
0xa9: {  	[dreg:$0x3] =	wrdreg s5  }
0xaa: {  	[dreg:$0x4] =	wrdreg $0xC0  }
0xab: {  	_ =	task [dreg:s7], $0x5FFFF  }
0xac: {  	[dreg:$0x1] =	wrdreg $0xFFFFFFFF  }
0xad: {  	[dreg:$0x0] =	wrdreg $0x60  }
0xae: {  	[dreg:$0x2] =	wrdreg s24  }
0xaf: {  	[dreg:$0x3] =	wrdreg s2  }
0xb0: {  	[dreg:$0x4] =	wrdreg $0x0  }
0xb1: {  	[dreg:$0x5] =	wrdreg $0x9  }
0xb2: {  	_ =	task.clear_ibuf [dreg:s7], $0x6FFFF;
	_ =	strace $0x90000052  }
0xb3: {  	s29 =	simm.s32 $0x9;
	_ =	strace $0x80000054  }
0xb4: {  	_ =	swait.ge [sflag:s29], $0x1  }
0xb5: {  	[sflag:s29] =	ssyncadd.s32 $0xFFFFFFFF  }
0xb6: {  	_ =	strace $0x90000054  }
0xb7: {  	_ =	sfence  }
0xb8: {  	s30 =	sld [smem:$0x0];
	_ =	sdelay $0x2  }
0xb9: {  	s31 =	sshll.u32 s1, $0xD;
	s1 =	sshrl.u32 s1, $0x2  }
0xba: {  	s3 =	sand.u32 $0x4000, s31;
	s1 =	sadd.s32 s1, s30  }
0xbb: {  	s0 =	sor.u32 s3, s0;
	s1 =	sshll.u32 s1, $0x11  }
0xbc: {  	s0 =	sor.u32 s1, s0  }
0xbd: {  	s0 =	sadd.s32 $0x8F2B, s0  }
0xbe: {  	[sflag:s0] =	ssyncadd.remote.s32 $0x1  }
0xbf: {  	_ =	sfence.sel $0xFFFF  }
0xc0: {  	[dreg:$0x0] =	wrdreg $0xFFFFFFFF;
	(pc) =	sbr.abs _section_cstart, $3  }
0xc1: {  	[dreg:$0x1] =	wrdreg $0xFFFFFFFF  }
0xc2: {  	_ =	task.clear_ibuf [dreg:s7], $0x2FFFF;
	_ =	strace $0x9FFFFFFF  }
0xc3: {  	(tm) =	ssettm $0x7FFFFFFF  }
tec
execute0_lowered:
.L_overlay_start_1:
0x0: {  	(tag) =	ssettag $0x1  }
0x1: {  	s0 =	rddreg [dreg:$0x0]  }
0x2: {  	s1 =	rddreg [dreg:$0x1]  }
0x3: {  	s2 =	rddreg [dreg:$0x2];
	s3 =	simm.s32 $0x0;
	s12 =	stileid.u32  }
0x4: {  	s4 =	srdreg.scid;
	s28 =	simm.s32 $0x1C000;
	s5 =	smul.u32 $0x2800, s12  }
0x5: {  	s29 =	simm.s32 $0x1D400;
	s30 =	simm.s32 $0x80;
	s9 =	smul.u32 $0x280, s12  }
0x6: {  	s31 =	simm.s32 $0x18000;
	s7 =	sand.u32 $0x1, s4;
	s12 =	smul.u32 $0x50000, s12  }
0x7: {  	[smem:$0x7FF] =	sst s3;
	s4 =	sadd.s32 $0x5F600, s0;
	s11 =	smul.u32 $0x2800, s7  }
0x8: {  	_ =	strace $0x80000053;
	s21 =	ssub.s32 $0x2, s7;
	s7 =	smul.u32 $0x28000, s7  }
0x9: {  	s6 =	sshrl.u32 s5, $0x3;
	s8 =	sshrl.u32 s21, $0x1;
	s22 =	sadd.s32 $0x80, s9  }
0xa: {  	s24 =	sshrl.u32 s12, $0x2;
	s26 =	sadd.s32 $0x100, s9;
	s20 =	sadd.s32 $0x180, s9  }
0xb: {  	s13 =	sadd.s32 s6, s0;
	s0 =	sadd.s32 $0xAF600, s0;
	s10 =	sadd.s32 s9, s11  }
0xc: {  	s15 =	ssub.s32 s21, s8;
	s25 =	sadd.s32 s11, s22;
	s6 =	sadd.s32 s24, s2  }
0xd: {  	s8 =	sshll.u32 s22, $0x7;
	s19 =	sadd.s32 s11, s26;
	s21 =	sadd.s32 s11, s20  }
0xe: {  	s9 =	sadd.s32 $0x200, s9;
	s12 =	sshll.u32 s20, $0x7;
	s5 =	sadd.s32 s7, s5  }
0xf: {  	s7 =	simm.s32 $0x1E700;
	s16 =	sshll.u32 s10, $0x4;
	s17 =	sshll.u32 s25, $0x4  }
0x10: {  	s8 =	sadd.s32 s8, s2;
	s10 =	sshll.u32 s26, $0x7;
	s11 =	sadd.s32 s11, s9  }
0x11: {  	s9 =	sshll.u32 s9, $0x7;
	s12 =	sadd.s32 s12, s2;
	s5 =	sshrl.u32 s5, $0x3  }
0x12: {  	s20 =	smax.u32 s15, $0x1;
	s23 =	sadd.s32 s4, s16;
	s18 =	sadd.s32 s4, s17  }
0x13: {  	s10 =	sadd.s32 s10, s2;
	s11 =	sshll.u32 s11, $0x4;
	[dreg:$0x4] =	wrdreg s23  }
0x14: {  	s24 =	sadd.s32 s0, s17;
	[dreg:$0x5] =	wrdreg s18;
	s18 =	sshll.u32 s19, $0x4  }
0x15: {  	s19 =	sshll.u32 s21, $0x4;
	s22 =	sadd.s32 s4, s11;
	s23 =	sadd.s32 s0, s16  }
0x16: {  	[dreg:$0xa] =	wrdreg s24;
	s21 =	sadd.s32 s1, s5;
	s24 =	sadd.s32 $0x5880, s13  }
0x17: {  	s1 =	simm.s32 $0x2;
	s5 =	simm.s32 $0x1D380;
	[dreg:$0x8] =	wrdreg s22  }
0x18: {  	s14 =	sadd.s32 s4, s18;
	[dreg:$0x9] =	wrdreg s23;
	s25 =	sadd.s32 s0, s18  }
0x19: {  	s26 =	sadd.s32 s0, s19;
	s22 =	sadd.s32 $0x5600, s13;
	[dreg:$0x6] =	wrdreg s14  }
0x1a: {  	s23 =	sadd.s32 $0x280, s21;
	s14 =	sadd.s32 s4, s19;
	[dreg:$0xb] =	wrdreg s25  }
0x1b: {  	[dreg:$0xc] =	wrdreg s26;
	s19 =	sadd.s32 s0, s11;
	s25 =	simm.s32 $0x14000  }
0x1c: {  	s26 =	simm.s32 $0x3;
	s0 =	simm.s32 $0x1;
	s11 =	simm.s32 $0x0  }
0x1d: {  	[dreg:$0x7] =	wrdreg s14;
	s14 =	sadd.s32 s9, s2;
	s9 =	simm.s32 $0x1E780  }
.LBB2_1:
0x1e: {  	s13 =	rddreg [dreg:$0x4]  }
0x1f: {  	[tilespmem:s25], [sflag:$0x3] =	stream.linear.gather [hbm4b:s13+s3], $0x4000, $0x38;
	[tilespmem:$0x1E800] =	vst v63  }
0x20: {  	_ =	swait.ge [sflag:s26], $0x4000  }
0x21: {  	[sflag:s26] =	ssyncset.done $0x0  }
0x22: {  	[sflag:s26] =	ssyncadd.s32 $0xFFFFC000  }
0x23: {  	[spmem:s6] =	stream.linear.scatter [tilespmem:s25], [sflag:$0x3], $0x4000, $0x38;
	[tilespmem:$0x1E800] =	vst v63  }
0x24: {  	_ =	swait.ge [sflag:s26], $0x4000  }
0x25: {  	[sflag:s26] =	ssyncset.done $0x0  }
0x26: {  	s15 =	rddreg [dreg:$0x5];
	[sflag:s26] =	ssyncadd.s32 $0xFFFFC000  }
0x27: {  	[tilespmem:s25], [sflag:$0x3] =	stream.linear.gather [hbm4b:s15+s3], $0x4000, $0x38;
	[tilespmem:$0x1E800] =	vst v63  }
0x28: {  	_ =	swait.ge [sflag:s26], $0x4000  }
0x29: {  	[sflag:s26] =	ssyncset.done $0x0  }
0x2a: {  	[sflag:s26] =	ssyncadd.s32 $0xFFFFC000  }
0x2b: {  	[spmem:s8] =	stream.linear.scatter [tilespmem:s25], [sflag:$0x3], $0x4000, $0x38;
	[tilespmem:$0x1E800] =	vst v63  }
0x2c: {  	_ =	swait.ge [sflag:s26], $0x4000  }
0x2d: {  	[sflag:s26] =	ssyncset.done $0x0  }
0x2e: {  	s16 =	rddreg [dreg:$0x6];
	[sflag:s26] =	ssyncadd.s32 $0xFFFFC000  }
0x2f: {  	[tilespmem:s25], [sflag:$0x3] =	stream.linear.gather [hbm4b:s16+s3], $0x4000, $0x38;
	[tilespmem:$0x1E800] =	vst v63  }
0x30: {  	_ =	swait.ge [sflag:s26], $0x4000  }
0x31: {  	[sflag:s26] =	ssyncset.done $0x0  }
0x32: {  	[sflag:s26] =	ssyncadd.s32 $0xFFFFC000  }
0x33: {  	[spmem:s10] =	stream.linear.scatter [tilespmem:s25], [sflag:$0x3], $0x4000, $0x38;
	[tilespmem:$0x1E800] =	vst v63  }
0x34: {  	_ =	swait.ge [sflag:s26], $0x4000  }
0x35: {  	[sflag:s26] =	ssyncset.done $0x0  }
0x36: {  	s17 =	rddreg [dreg:$0x7];
	[sflag:s26] =	ssyncadd.s32 $0xFFFFC000  }
0x37: {  	[tilespmem:s25], [sflag:$0x3] =	stream.linear.gather [hbm4b:s17+s3], $0x4000, $0x38;
	[tilespmem:$0x1E800] =	vst v63  }
0x38: {  	_ =	swait.ge [sflag:s26], $0x4000  }
0x39: {  	[sflag:s26] =	ssyncset.done $0x0  }
0x3a: {  	[sflag:s26] =	ssyncadd.s32 $0xFFFFC000  }
0x3b: {  	[spmem:s12] =	stream.linear.scatter [tilespmem:s25], [sflag:$0x3], $0x4000, $0x38;
	[tilespmem:$0x1E800] =	vst v63  }
0x3c: {  	_ =	swait.ge [sflag:s26], $0x4000  }
0x3d: {  	[sflag:s26] =	ssyncset.done $0x0  }
0x3e: {  	s18 =	rddreg [dreg:$0x8];
	[sflag:s26] =	ssyncadd.s32 $0xFFFFC000  }
0x3f: {  	[tilespmem:s25], [sflag:$0x3] =	stream.linear.gather [hbm4b:s18+s3], $0x4000, $0x38;
	[tilespmem:$0x1E800] =	vst v63  }
0x40: {  	_ =	swait.ge [sflag:s26], $0x4000  }
0x41: {  	[sflag:s26] =	ssyncset.done $0x0  }
0x42: {  	[sflag:s26] =	ssyncadd.s32 $0xFFFFC000  }
0x43: {  	[spmem:s14] =	stream.linear.scatter [tilespmem:s25], [sflag:$0x3], $0x4000, $0x38;
	[tilespmem:$0x1E800] =	vst v63  }
0x44: {  	_ =	swait.ge [sflag:s26], $0x4000  }
0x45: {  	[sflag:s26] =	ssyncset.done $0x0  }
0x46: {  	[sflag:s26] =	ssyncadd.s32 $0xFFFFC000  }
0x47: {  	[bflag:$0x0] =	sbarrier.arrive $0xFFFF  }
0x48: {  	[tilespmem:s28], [sflag:$0x3] =	stream.linear.gather [hbm4b:s21+s3], $0x1400, $0x38;
	[tilespmem:$0x1E800] =	vst v63  }
0x49: {  	_ =	swait.ge [sflag:s26], $0x1400  }
0x4a: {  	[sflag:s26] =	ssyncset.done $0x0  }
0x4b: {  	[sflag:s26] =	ssyncadd.s32 $0xFFFFEC00  }
0x4c: {  	[tilespmem:s29], [sflag:$0x3] =	stream.linear.gather [hbm4b:s22+s3], $0x1400, $0x38;
	[tilespmem:$0x1E800] =	vst v63  }
0x4d: {  	_ =	swait.ge [sflag:s26], $0x1400  }
0x4e: {  	[sflag:s26] =	ssyncset.done $0x0  }
0x4f: {  	[sflag:s26] =	ssyncadd.s32 $0xFFFFEC00  }
0x50: {  	[tilespmem:s25], [sflag:$0x1] =	stream.indirect.gather [hbm4b:s4+s30], $0x80, s28, s30, $0xb8;
	[tilespmem:$0x1E800] =	vst v63  }
0x51: {  	s15 =	simm.s32 $0x1C080  }
0x52: {  	[tilespmem:s31], [sflag:$0x2] =	stream.indirect.gather [hbm4b:s4+s30], $0x80, s15, s30, $0xb8;
	[tilespmem:$0x1E800] =	vst v63  }
0x53: {  	_ =	swait.ge [sflag:s0], $0x4000  }
0x54: {  	[sflag:s0] =	ssyncset.done $0x0  }
0x55: {  	s16 =	simm.s32 $0x1D400;
	[sflag:s0] =	ssyncadd.s32 $0xFFFFC000  }
0x56: {  	[spmem:s2] =	stream.indirect.scatter.add.f32 [tilespmem:s25], [sflag:$0x3], $0x80, s16, s30, $0xb8;
	[tilespmem:$0x1E800] =	vst v63  }
0x57: {  	_ =	swait.ge [sflag:s26], $0x4000  }
0x58: {  	[sflag:s26] =	ssyncset.done $0x0  }
0x59: {  	s17 =	simm.s32 $0x1C100;
	[sflag:s26] =	ssyncadd.s32 $0xFFFFC000  }
0x5a: {  	[tilespmem:s25], [sflag:$0x1] =	stream.indirect.gather [hbm4b:s4+s30], $0x80, s17, s30, $0xb8;
	[tilespmem:$0x1E800] =	vst v63  }
0x5b: {  	_ =	swait.ge [sflag:s1], $0x4000  }
0x5c: {  	[sflag:s1] =	ssyncset.done $0x0  }
0x5d: {  	s18 =	simm.s32 $0x1D480;
	[sflag:s1] =	ssyncadd.s32 $0xFFFFC000  }
0x5e: {  	[spmem:s2] =	stream.indirect.scatter.add.f32 [tilespmem:s31], [sflag:$0x3], $0x80, s18, s30, $0xb8;
	[tilespmem:$0x1E800] =	vst v63  }
0x5f: {  	_ =	swait.ge [sflag:s26], $0x4000  }
0x60: {  	s13 =	simm.s32 $0x100;
	s15 =	simm.s32 $0x800;
	[sflag:s26] =	ssyncset.done $0x0  }
.LBB2_2:
0x61: {  	s16 =	sadd.s32 $0x1C080, s13  }
0x62: {  	[sflag:s26] =	ssyncadd.s32 $0xFFFFC000;
	s17 =	smov.u32 s15;
	s18 =	sadd.s32 $0x400, s15  }
0x63: {  	[tilespmem:s31], [sflag:$0x2] =	stream.indirect.gather [hbm4b:s4+s30], $0x80, s16, s30, $0xb8;
	[tilespmem:$0x1E800] =	vst v63  }
0x64: {  	p0 =	sne.s32 s15, $0x4800;
	_ =	swait.ge [sflag:s0], $0x4000  }
0x65: {  	[sflag:s0] =	ssyncset.done $0x0  }
0x66: {  	s15 =	sadd.s32 $0x1D400, s13;
	[sflag:s0] =	ssyncadd.s32 $0xFFFFC000  }
0x67: {  	[spmem:s2] =	stream.indirect.scatter.add.f32 [tilespmem:s25], [sflag:$0x3], $0x80, s15, s30, $0xb8;
	[tilespmem:$0x1E800] =	vst v63  }
0x68: {  	_ =	swait.ge [sflag:s26], $0x4000  }
0x69: {  	[sflag:s26] =	ssyncset.done $0x0  }
0x6a: {  	s15 =	sadd.s32 $0x1C100, s13;
	[sflag:s26] =	ssyncadd.s32 $0xFFFFC000  }
0x6b: {  	[tilespmem:s25], [sflag:$0x1] =	stream.indirect.gather [hbm4b:s4+s30], $0x80, s15, s30, $0xb8;
	[tilespmem:$0x1E800] =	vst v63  }
0x6c: {  	_ =	swait.ge [sflag:s1], $0x4000  }
.Ltmp0:
0x6d: {  	[sflag:s1] =	ssyncset.done $0x0;
	(pc) =	sbr.rel @p0 .LBB2_2-.Ltmp0, $4  }
0x6e: {  	s13 =	sadd.s32 $0x1D480, s13;
	[sflag:s1] =	ssyncadd.s32 $0xFFFFC000  }
0x6f: {  	[spmem:s2] =	stream.indirect.scatter.add.f32 [tilespmem:s31], [sflag:$0x3], $0x80, s13, s30, $0xb8;
	[tilespmem:$0x1E800] =	vst v63  }
0x70: {  	_ =	swait.ge [sflag:s26], $0x4000  }
0x71: {  	s15 =	smov.u32 s18;
	s13 =	sshra.s32 s17, $0x2;
	[sflag:s26] =	ssyncset.done $0x0  }
0x72: {  	s15 =	sadd.s32 $0x1C080, s13;
	[sflag:s26] =	ssyncadd.s32 $0xFFFFC000  }
0x73: {  	[tilespmem:s31], [sflag:$0x2] =	stream.indirect.gather [hbm4b:s4+s30], $0x80, s15, s30, $0xb8;
	[tilespmem:$0x1E800] =	vst v63  }
0x74: {  	_ =	swait.ge [sflag:s0], $0x4000  }
0x75: {  	[sflag:s0] =	ssyncset.done $0x0  }
0x76: {  	s18 =	sadd.s32 $0x1D400, s13;
	[sflag:s0] =	ssyncadd.s32 $0xFFFFC000  }
0x77: {  	[spmem:s2] =	stream.indirect.scatter.add.f32 [tilespmem:s25], [sflag:$0x3], $0x80, s18, s30, $0xb8;
	[tilespmem:$0x1E800] =	vst v63  }
0x78: {  	_ =	swait.ge [sflag:s26], $0x4000  }
0x79: {  	[sflag:s26] =	ssyncset.done $0x0  }
0x7a: {  	s16 =	sadd.s32 $0x1C100, s13;
	[sflag:s26] =	ssyncadd.s32 $0xFFFFC000  }
0x7b: {  	[tilespmem:s25], [sflag:$0x1] =	stream.indirect.gather [hbm4b:s4+s30], $0x80, s16, s30, $0xb8;
	[tilespmem:$0x1E800] =	vst v63  }
0x7c: {  	_ =	swait.ge [sflag:s1], $0x4000  }
0x7d: {  	[sflag:s1] =	ssyncset.done $0x0  }
0x7e: {  	s17 =	sadd.s32 $0x1D480, s13;
	[sflag:s1] =	ssyncadd.s32 $0xFFFFC000  }
0x7f: {  	[spmem:s2] =	stream.indirect.scatter.add.f32 [tilespmem:s31], [sflag:$0x3], $0x80, s17, s30, $0xb8;
	[tilespmem:$0x1E800] =	vst v63  }
0x80: {  	_ =	swait.ge [sflag:s26], $0x4000  }
0x81: {  	[sflag:s26] =	ssyncset.done $0x0  }
0x82: {  	[sflag:s26] =	ssyncadd.s32 $0xFFFFC000  }
0x83: {  	[tilespmem:s31], [sflag:$0x2] =	stream.indirect.gather [hbm4b:s4+s30], $0x80, s5, s30, $0xb8;
	[tilespmem:$0x1E800] =	vst v63  }
0x84: {  	_ =	swait.ge [sflag:s0], $0x4000  }
0x85: {  	[sflag:s0] =	ssyncset.done $0x0  }
0x86: {  	[sflag:s0] =	ssyncadd.s32 $0xFFFFC000  }
0x87: {  	[spmem:s2] =	stream.indirect.scatter.add.f32 [tilespmem:s25], [sflag:$0x3], $0x80, s7, s30, $0xb8;
	[tilespmem:$0x1E800] =	vst v63  }
0x88: {  	_ =	swait.ge [sflag:s26], $0x4000  }
0x89: {  	[sflag:s26] =	ssyncset.done $0x0  }
0x8a: {  	[sflag:s26] =	ssyncadd.s32 $0xFFFFC000  }
0x8b: {  	_ =	swait.ge [sflag:s1], $0x4000  }
0x8c: {  	[sflag:s1] =	ssyncset.done $0x0  }
0x8d: {  	[sflag:s1] =	ssyncadd.s32 $0xFFFFC000  }
0x8e: {  	[spmem:s2] =	stream.indirect.scatter.add.f32 [tilespmem:s31], [sflag:$0x3], $0x80, s9, s30, $0xb8;
	[tilespmem:$0x1E800] =	vst v63  }
0x8f: {  	_ =	swait.ge [sflag:s26], $0x4000  }
0x90: {  	[sflag:s26] =	ssyncset.done $0x0  }
0x91: {  	s18 =	simm.s32 $0x0;
	[sflag:s26] =	ssyncadd.s32 $0xFFFFC000  }
0x92: {  	[tilespmem:s28], [sflag:$0x3] =	stream.linear.gather [hbm4b:s23+s18], $0x1400, $0x38;
	[tilespmem:$0x1E800] =	vst v63  }
0x93: {  	_ =	swait.ge [sflag:s26], $0x1400  }
0x94: {  	[sflag:s26] =	ssyncset.done $0x0  }
0x95: {  	[sflag:s26] =	ssyncadd.s32 $0xFFFFEC00  }
0x96: {  	[tilespmem:s29], [sflag:$0x3] =	stream.linear.gather [hbm4b:s24+s18], $0x1400, $0x38;
	[tilespmem:$0x1E800] =	vst v63  }
0x97: {  	_ =	swait.ge [sflag:s26], $0x1400  }
0x98: {  	[sflag:s26] =	ssyncset.done $0x0  }
0x99: {  	[sflag:s26] =	ssyncadd.s32 $0xFFFFEC00  }
0x9a: {  	[tilespmem:s25], [sflag:$0x1] =	stream.indirect.gather [hbm4b:s4+s30], $0x80, s28, s30, $0xb8;
	[tilespmem:$0x1E800] =	vst v63  }
0x9b: {  	s15 =	simm.s32 $0x1C080  }
0x9c: {  	[tilespmem:s31], [sflag:$0x2] =	stream.indirect.gather [hbm4b:s4+s30], $0x80, s15, s30, $0xb8;
	[tilespmem:$0x1E800] =	vst v63  }
0x9d: {  	_ =	swait.ge [sflag:s0], $0x4000  }
0x9e: {  	[sflag:s0] =	ssyncset.done $0x0  }
0x9f: {  	s16 =	simm.s32 $0x1D400;
	[sflag:s0] =	ssyncadd.s32 $0xFFFFC000  }
0xa0: {  	[spmem:s2] =	stream.indirect.scatter.add.f32 [tilespmem:s25], [sflag:$0x3], $0x80, s16, s30, $0xb8;
	[tilespmem:$0x1E800] =	vst v63  }
0xa1: {  	_ =	swait.ge [sflag:s26], $0x4000  }
0xa2: {  	[sflag:s26] =	ssyncset.done $0x0  }
0xa3: {  	s17 =	simm.s32 $0x1C100;
	[sflag:s26] =	ssyncadd.s32 $0xFFFFC000  }
0xa4: {  	[tilespmem:s25], [sflag:$0x1] =	stream.indirect.gather [hbm4b:s4+s30], $0x80, s17, s30, $0xb8;
	[tilespmem:$0x1E800] =	vst v63  }
0xa5: {  	_ =	swait.ge [sflag:s1], $0x4000  }
0xa6: {  	[sflag:s1] =	ssyncset.done $0x0  }
0xa7: {  	s18 =	simm.s32 $0x1D480;
	[sflag:s1] =	ssyncadd.s32 $0xFFFFC000  }
0xa8: {  	[spmem:s2] =	stream.indirect.scatter.add.f32 [tilespmem:s31], [sflag:$0x3], $0x80, s18, s30, $0xb8;
	[tilespmem:$0x1E800] =	vst v63  }
0xa9: {  	_ =	swait.ge [sflag:s26], $0x4000  }
0xaa: {  	s13 =	simm.s32 $0x100;
	s15 =	simm.s32 $0x800;
	[sflag:s26] =	ssyncset.done $0x0  }
.LBB2_4:
0xab: {  	s16 =	sadd.s32 $0x1C080, s13  }
0xac: {  	[sflag:s26] =	ssyncadd.s32 $0xFFFFC000;
	s17 =	smov.u32 s15;
	s18 =	sadd.s32 $0x400, s15  }
0xad: {  	[tilespmem:s31], [sflag:$0x2] =	stream.indirect.gather [hbm4b:s4+s30], $0x80, s16, s30, $0xb8;
	[tilespmem:$0x1E800] =	vst v63  }
0xae: {  	p0 =	sne.s32 s15, $0x4800;
	_ =	swait.ge [sflag:s0], $0x4000  }
0xaf: {  	[sflag:s0] =	ssyncset.done $0x0  }
0xb0: {  	s15 =	sadd.s32 $0x1D400, s13;
	[sflag:s0] =	ssyncadd.s32 $0xFFFFC000  }
0xb1: {  	[spmem:s2] =	stream.indirect.scatter.add.f32 [tilespmem:s25], [sflag:$0x3], $0x80, s15, s30, $0xb8;
	[tilespmem:$0x1E800] =	vst v63  }
0xb2: {  	_ =	swait.ge [sflag:s26], $0x4000  }
0xb3: {  	[sflag:s26] =	ssyncset.done $0x0  }
0xb4: {  	s15 =	sadd.s32 $0x1C100, s13;
	[sflag:s26] =	ssyncadd.s32 $0xFFFFC000  }
0xb5: {  	[tilespmem:s25], [sflag:$0x1] =	stream.indirect.gather [hbm4b:s4+s30], $0x80, s15, s30, $0xb8;
	[tilespmem:$0x1E800] =	vst v63  }
0xb6: {  	_ =	swait.ge [sflag:s1], $0x4000  }
.Ltmp1:
0xb7: {  	[sflag:s1] =	ssyncset.done $0x0;
	(pc) =	sbr.rel @p0 .LBB2_4-.Ltmp1, $4  }
0xb8: {  	s13 =	sadd.s32 $0x1D480, s13;
	[sflag:s1] =	ssyncadd.s32 $0xFFFFC000  }
0xb9: {  	[spmem:s2] =	stream.indirect.scatter.add.f32 [tilespmem:s31], [sflag:$0x3], $0x80, s13, s30, $0xb8;
	[tilespmem:$0x1E800] =	vst v63  }
0xba: {  	_ =	swait.ge [sflag:s26], $0x4000  }
0xbb: {  	s15 =	smov.u32 s18;
	s13 =	sshra.s32 s17, $0x2;
	[sflag:s26] =	ssyncset.done $0x0  }
0xbc: {  	s15 =	sadd.s32 $0x1C080, s13;
	[sflag:s26] =	ssyncadd.s32 $0xFFFFC000  }
0xbd: {  	[tilespmem:s31], [sflag:$0x2] =	stream.indirect.gather [hbm4b:s4+s30], $0x80, s15, s30, $0xb8;
	[tilespmem:$0x1E800] =	vst v63  }
0xbe: {  	_ =	swait.ge [sflag:s0], $0x4000  }
0xbf: {  	[sflag:s0] =	ssyncset.done $0x0  }
0xc0: {  	s16 =	sadd.s32 $0x1D400, s13;
	[sflag:s0] =	ssyncadd.s32 $0xFFFFC000  }
0xc1: {  	[spmem:s2] =	stream.indirect.scatter.add.f32 [tilespmem:s25], [sflag:$0x3], $0x80, s16, s30, $0xb8;
	[tilespmem:$0x1E800] =	vst v63  }
0xc2: {  	_ =	swait.ge [sflag:s26], $0x4000  }
0xc3: {  	[sflag:s26] =	ssyncset.done $0x0  }
0xc4: {  	s17 =	sadd.s32 $0x1C100, s13;
	[sflag:s26] =	ssyncadd.s32 $0xFFFFC000  }
0xc5: {  	[tilespmem:s25], [sflag:$0x1] =	stream.indirect.gather [hbm4b:s4+s30], $0x80, s17, s30, $0xb8;
	[tilespmem:$0x1E800] =	vst v63  }
0xc6: {  	_ =	swait.ge [sflag:s1], $0x4000  }
0xc7: {  	[sflag:s1] =	ssyncset.done $0x0  }
0xc8: {  	s18 =	sadd.s32 $0x1D480, s13;
	[sflag:s1] =	ssyncadd.s32 $0xFFFFC000  }
0xc9: {  	[spmem:s2] =	stream.indirect.scatter.add.f32 [tilespmem:s31], [sflag:$0x3], $0x80, s18, s30, $0xb8;
	[tilespmem:$0x1E800] =	vst v63  }
0xca: {  	_ =	swait.ge [sflag:s26], $0x4000  }
0xcb: {  	[sflag:s26] =	ssyncset.done $0x0  }
0xcc: {  	[sflag:s26] =	ssyncadd.s32 $0xFFFFC000  }
0xcd: {  	[tilespmem:s31], [sflag:$0x2] =	stream.indirect.gather [hbm4b:s4+s30], $0x80, s5, s30, $0xb8;
	[tilespmem:$0x1E800] =	vst v63  }
0xce: {  	_ =	swait.ge [sflag:s0], $0x4000  }
0xcf: {  	[sflag:s0] =	ssyncset.done $0x0  }
0xd0: {  	[sflag:s0] =	ssyncadd.s32 $0xFFFFC000  }
0xd1: {  	[spmem:s2] =	stream.indirect.scatter.add.f32 [tilespmem:s25], [sflag:$0x3], $0x80, s7, s30, $0xb8;
	[tilespmem:$0x1E800] =	vst v63  }
0xd2: {  	_ =	swait.ge [sflag:s26], $0x4000  }
0xd3: {  	[sflag:s26] =	ssyncset.done $0x0  }
0xd4: {  	[sflag:s26] =	ssyncadd.s32 $0xFFFFC000  }
0xd5: {  	_ =	swait.ge [sflag:s1], $0x4000  }
0xd6: {  	[sflag:s1] =	ssyncset.done $0x0  }
0xd7: {  	[sflag:s1] =	ssyncadd.s32 $0xFFFFC000  }
0xd8: {  	[spmem:s2] =	stream.indirect.scatter.add.f32 [tilespmem:s31], [sflag:$0x3], $0x80, s9, s30, $0xb8;
	[tilespmem:$0x1E800] =	vst v63  }
0xd9: {  	_ =	swait.ge [sflag:s26], $0x4000  }
0xda: {  	[sflag:s26] =	ssyncset.done $0x0  }
0xdb: {  	[sflag:s26] =	ssyncadd.s32 $0xFFFFC000  }
0xdc: {  	[bflag:$0x0] =	sbarrier.arrive $0xFFFF  }
0xdd: {  	[tilespmem:s25], [sflag:$0x3] =	stream.linear.gather [spmem:s6], $0x4000, $0x38;
	[tilespmem:$0x1E800] =	vst v63  }
0xde: {  	_ =	swait.ge [sflag:s26], $0x4000  }
0xdf: {  	[sflag:s26] =	ssyncset.done $0x0  }
0xe0: {  	s15 =	rddreg [dreg:$0x9];
	[sflag:s26] =	ssyncadd.s32 $0xFFFFC000  }
0xe1: {  	[hbm4b:s15+s3] =	stream.linear.scatter [tilespmem:s25], [sflag:$0x3], $0x4000, $0x38;
	[tilespmem:$0x1E800] =	vst v63  }
0xe2: {  	_ =	swait.ge [sflag:s26], $0x4000  }
0xe3: {  	[sflag:s26] =	ssyncset.done $0x0  }
0xe4: {  	[sflag:s26] =	ssyncadd.s32 $0xFFFFC000  }
0xe5: {  	[tilespmem:s25], [sflag:$0x3] =	stream.linear.gather [spmem:s8], $0x4000, $0x38;
	[tilespmem:$0x1E800] =	vst v63  }
0xe6: {  	_ =	swait.ge [sflag:s26], $0x4000  }
0xe7: {  	[sflag:s26] =	ssyncset.done $0x0  }
0xe8: {  	s16 =	rddreg [dreg:$0xa];
	[sflag:s26] =	ssyncadd.s32 $0xFFFFC000  }
0xe9: {  	[hbm4b:s16+s3] =	stream.linear.scatter [tilespmem:s25], [sflag:$0x3], $0x4000, $0x38;
	[tilespmem:$0x1E800] =	vst v63  }
0xea: {  	_ =	swait.ge [sflag:s26], $0x4000  }
0xeb: {  	[sflag:s26] =	ssyncset.done $0x0  }
0xec: {  	[sflag:s26] =	ssyncadd.s32 $0xFFFFC000  }
0xed: {  	[tilespmem:s25], [sflag:$0x3] =	stream.linear.gather [spmem:s10], $0x4000, $0x38;
	[tilespmem:$0x1E800] =	vst v63  }
0xee: {  	_ =	swait.ge [sflag:s26], $0x4000  }
0xef: {  	[sflag:s26] =	ssyncset.done $0x0  }
0xf0: {  	s17 =	rddreg [dreg:$0xb];
	[sflag:s26] =	ssyncadd.s32 $0xFFFFC000  }
0xf1: {  	[hbm4b:s17+s3] =	stream.linear.scatter [tilespmem:s25], [sflag:$0x3], $0x4000, $0x38;
	[tilespmem:$0x1E800] =	vst v63  }
0xf2: {  	_ =	swait.ge [sflag:s26], $0x4000  }
0xf3: {  	[sflag:s26] =	ssyncset.done $0x0  }
0xf4: {  	[sflag:s26] =	ssyncadd.s32 $0xFFFFC000  }
0xf5: {  	[tilespmem:s25], [sflag:$0x3] =	stream.linear.gather [spmem:s12], $0x4000, $0x38;
	[tilespmem:$0x1E800] =	vst v63  }
0xf6: {  	_ =	swait.ge [sflag:s26], $0x4000  }
0xf7: {  	[sflag:s26] =	ssyncset.done $0x0  }
0xf8: {  	s18 =	rddreg [dreg:$0xc];
	[sflag:s26] =	ssyncadd.s32 $0xFFFFC000  }
0xf9: {  	[hbm4b:s18+s3] =	stream.linear.scatter [tilespmem:s25], [sflag:$0x3], $0x4000, $0x38;
	[tilespmem:$0x1E800] =	vst v63  }
0xfa: {  	_ =	swait.ge [sflag:s26], $0x4000  }
0xfb: {  	[sflag:s26] =	ssyncset.done $0x0  }
0xfc: {  	[sflag:s26] =	ssyncadd.s32 $0xFFFFC000  }
0xfd: {  	[tilespmem:s25], [sflag:$0x3] =	stream.linear.gather [spmem:s14], $0x4000, $0x38;
	[tilespmem:$0x1E800] =	vst v63  }
0xfe: {  	s11 =	sadd.s32 $0x1, s11;
	_ =	swait.ge [sflag:s26], $0x4000  }
0xff: {  	p0 =	sne.s32 s11, s20;
	[sflag:s26] =	ssyncset.done $0x0  }
.Ltmp2:
0x100: {  	[sflag:s26] =	ssyncadd.s32 $0xFFFFC000;
	(pc) =	sbr.rel @p0 .LBB2_1-.Ltmp2, $4  }
0x101: {  	[hbm4b:s19+s3] =	stream.linear.scatter [tilespmem:s25], [sflag:$0x3], $0x4000, $0x38;
	[tilespmem:$0x1E800] =	vst v63  }
0x102: {  	_ =	swait.ge [sflag:s26], $0x4000  }
0x103: {  	[sflag:s26] =	ssyncset.done $0x0  }
0x104: {  	[sflag:s26] =	ssyncadd.s32 $0xFFFFC000  }
0x105: {  	_ =	sfence.sel $0x180000  }
0x106: {  	[bflag:$0x0] =	sbarrier.arrive $0xFFFF  }
0x107: {  	_ =	strace $0x90000053  }
0x108: {  	s0 =	stileid.u32;
	[bflag:$0x2] =	sbarrier.arrive $0xFFFF  }
0x109: {  	p0 =	sne.s32 s0, $0x0;
	s0 =	rddreg [dreg:$0x3]  }
0x10a: {  	s0 =	sadd.s32 @!p0 $0x100000, s0  }
0x10b: {  	[sflag:s0] =	ssyncadd.tile.s32 @!p0 $0x1;
	_ =	shalt  }
.Lfunc_end2:
_tile_overlayer_lowered:
.L_overlay_start_2:
0x10c: {  	(tag) =	ssettag $0x2  }
0x10d: {  	s0 =	rddreg [dreg:$0x0];
	s2 =	stileid.u32  }
0x10e: {  	s1 =	rddreg [dreg:$0x1];
	p0 =	sne.s32 s2, $0x0  }
0x10f: {  	s3 =	rddreg [dreg:$0x2];
	[bflag:$0x3] =	sbarrier.arrive $0xFFFF;
	s2 =	simm.s32 @!p0 $0x1C03  }
0x110: {  	[timem:s3], [sflag:s2] =	dma.local @!p0 [hbm:s0], s1  }
0x111: {  	s0 =	simm.s32 @!p0 $0x3  }
0x112: {  	_ =	swait.ge @!p0 [sflag:s0], s1  }
0x113: {  	s1 =	ssub.s32 @!p0 $0x0, s1;
	[sflag:s0] =	ssyncset.done @!p0 $0x0  }
0x114: {  	[sflag:s0] =	ssyncadd.s32 @!p0 s1  }
0x115: {  	[bflag:$0x3] =	sbarrier.arrive $0xFFFF  }
0x116: {  	_ =	shalt  }

// kernel: kernel.29.cloned.1.call-start
scs
__scs_entry_jumppad:
0x0: {  	(pc) =	sbr.rel $0x88, $3  }
0x1: {  	(tag) =	ssettag $0x0;
	lr =	simm.s32 $0x1  }
0x2: {  	[smem:$0x3F8D] =	sst lr;
	_ =	strace $0xD0000000  }
0x3: {  	_ = 	snop  }
0x4: {  	_ = 	snop  }
0x5: {  	_ = 	snop  }
0x6: {  	_ = 	snop  }
0x7: {  	_ = 	snop  }
__scs_overlays_trampoline_lowered:
0x8: {  	[smem:$0x3F9C] =	sst s0  }
0x9: {  	[smem:$0x3F9D] =	sst s1  }
0xa: {  	[smem:$0x3F9E] =	sst s2  }
0xb: {  	[smem:$0x3F9F] =	sst s3  }
0xc: {  	[smem:$0x3FA0] =	sst s4  }
0xd: {  	[smem:$0x3FA1] =	sst s5  }
0xe: {  	[smem:$0x3FA2] =	sst s6  }
0xf: {  	[smem:$0x3FA3] =	sst s7  }
0x10: {  	[smem:$0x3FA4] =	sst s8  }
0x11: {  	[smem:$0x3FA5] =	sst s9;
	s0 =	simm.s32 @!p0 $0x0  }
0x12: {  	s1 =	sld [smem:$0x3F8B];
	s0 =	simm.s32 @p0 $0x1  }
0x13: {  	[smem:$0x3FA6] =	sst s0;
	s0 =	simm.s32 @!p1 $0x0  }
0x14: {  	s2 =	sld [smem:$0x3F8A];
	s0 =	simm.s32 @p1 $0x1  }
0x15: {  	[smem:$0x3FA7] =	sst s0;
	s0 =	simm.s32 @!p2 $0x0  }
0x16: {  	s3 =	sld [smem:$0x3FDB];
	s0 =	simm.s32 @p2 $0x1  }
0x17: {  	s4 =	simm.s32 $0x1BF5;
	[smem:$0x3FA9] =	sst s0  }
0x18: {  	s0 =	sld [smem:$0x3F8C];
	_ =	swait.ge [sflag:s4], $0x0  }
0x19: {  	s7 =	sld [smem:$0x3F8D]  }
0x1a: {  	s8 =	sadd.s32 $0xFFFFE003, lr  }
0x1b: {  	s9 =	sadd.s32 $0xFFFFFEF7, lr;
	s5 =	simm.s32 $0xFFFFFFFF;
	p2 =	slt.u32 s8, $0xFFFFF086  }
0x1c: {  	p1 =	slt.u32 s9, $0xF7A;
	s5 =	simm.s32 @!p2 $0x0  }
0x1d: {  	s5 =	simm.s32 @p1 $0x1;
	p0 =	seq.s32 s7, s2  }
0x1e: {  	s7 =	smul.u32 @!p0 $0xF7A, s2;
	p2 =	seq.s32 @!p0 s5, $0x0  }
0x1f: {  	s9 =	smul.u32 $0xF7A, s1;
	s8 =	simm.s32 @!p0 $0x1BF5;
	p2 =	por !p2, p0  }
0x20: {  	[sflag:s8] =	ssyncset.s32 @!p0 $0xFFFFF086;
	s6 =	sadd.s32 @!p0 s3, s7;
	s7 =	simm.s32 @!p0 $0x108  }
0x21: {  	s3 =	sadd.s32 s3, s9;
	s6 =	sadd.s32 @!p0 $0x88, s6;
	s7 =	simm.s32 @p2 $0x1082  }
0x22: {  	[simem:s7], [sflag:s8] =	dma.local @!p0 [hbm:s6], $0xF7A  }
0x23: {  	s9 =	sor.u32 $0xD0000000, s2;
	s6 =	simm.s32 $0x108;
	_ =	swait.ge @!p0 [sflag:s8], $0x0  }
0x24: {  	s3 =	sadd.s32 $0x88, s3;
	s6 =	simm.s32 @!p1 $0x1082;
	[sflag:s4] =	ssyncset.s32 $0xFFFFF086  }
0x25: {  	[simem:s6], [sflag:s4] =	dma.local [hbm:s3], $0xF7A  }
0x26: {  	[smem:$0x3F8D] =	sst s1;
	(tag) =	ssettag s2;
	_ =	strace s9  }
0x27: {  	s1 =	sld [smem:$0x3F9D]  }
0x28: {  	s2 =	sld [smem:$0x3F9E]  }
0x29: {  	s4 =	sld [smem:$0x3FA0]  }
0x2a: {  	p0 =	seq.s32 s5, $0x0;
	s5 =	sld [smem:$0x3FA1]  }
0x2b: {  	s6 =	sld [smem:$0x3FA2]  }
0x2c: {  	s7 =	sld [smem:$0x3FA3]  }
0x2d: {  	s3 =	simm.s32 $0x108;
	s8 =	sld [smem:$0x3FA4]  }
0x2e: {  	s3 =	simm.s32 @!p0 $0x1082;
	s9 =	sld [smem:$0x3FA5]  }
0x2f: {  	lr =	sadd.s32 s0, s3;
	s0 =	sld [smem:$0x3F9C]  }
0x30: {  	s3 =	sld [smem:$0x3F9F]  }
0x31: {  	[smem:$0x3FA8] =	sst s10  }
0x32: {  	s10 =	sld [smem:$0x3FA6];
	_ =	sdelay $0x3  }
0x33: {  	p0 =	seq.s32 s10, $0x1;
	s10 =	sld [smem:$0x3FA8];
	_ =	sdelay $0x3  }
0x34: {  	[smem:$0x3FA8] =	sst s10  }
0x35: {  	s10 =	sld [smem:$0x3FA7];
	_ =	sdelay $0x3  }
0x36: {  	p1 =	seq.s32 s10, $0x1;
	s10 =	sld [smem:$0x3FA8];
	_ =	sdelay $0x3  }
0x37: {  	[smem:$0x3FA8] =	sst s10  }
0x38: {  	s10 =	sld [smem:$0x3FA9]  }
0x39: {  	_ = 	snop;
	(pc) =	sbr.ind lr, $3  }
0x3a: {  	_ = 	snop  }
0x3b: {  	_ = 	snop  }
0x3c: {  	p2 =	seq.s32 s10, $0x1;
	s10 =	sld [smem:$0x3FA8]  }
0x3d: {  	_ =	shalt  }
0x3e: {  	_ =	shalt  }
0x3f: {  	_ =	shalt  }
0x40: {  	_ =	shalt  }
0x41: {  	_ =	shalt  }
0x42: {  	_ =	shalt  }
0x43: {  	_ =	shalt  }
0x44: {  	_ =	shalt  }
0x45: {  	_ =	shalt  }
0x46: {  	_ =	shalt  }
0x47: {  	_ =	shalt  }
0x48: {  	_ =	shalt  }
0x49: {  	_ =	shalt  }
0x4a: {  	_ =	shalt  }
0x4b: {  	_ =	shalt  }
0x4c: {  	_ =	shalt  }
0x4d: {  	_ =	shalt  }
0x4e: {  	_ =	shalt  }
0x4f: {  	_ =	shalt  }
0x50: {  	_ =	shalt  }
0x51: {  	_ =	shalt  }
0x52: {  	_ =	shalt  }
0x53: {  	_ =	shalt  }
0x54: {  	_ =	shalt  }
0x55: {  	_ =	shalt  }
0x56: {  	_ =	shalt  }
0x57: {  	_ =	shalt  }
0x58: {  	_ =	shalt  }
0x59: {  	_ =	shalt  }
0x5a: {  	_ =	shalt  }
0x5b: {  	_ =	shalt  }
0x5c: {  	_ =	shalt  }
0x5d: {  	_ =	shalt  }
0x5e: {  	_ =	shalt  }
0x5f: {  	_ =	shalt  }
0x60: {  	_ =	shalt  }
0x61: {  	_ =	shalt  }
0x62: {  	_ =	shalt  }
0x63: {  	_ =	shalt  }
0x64: {  	_ =	shalt  }
0x65: {  	_ =	shalt  }
0x66: {  	_ =	shalt  }
0x67: {  	_ =	shalt  }
0x68: {  	_ =	shalt  }
0x69: {  	_ =	shalt  }
0x6a: {  	_ =	shalt  }
0x6b: {  	_ =	shalt  }
0x6c: {  	_ =	shalt  }
0x6d: {  	_ =	shalt  }
0x6e: {  	_ =	shalt  }
0x6f: {  	_ =	shalt  }
0x70: {  	_ =	shalt  }
0x71: {  	_ =	shalt  }
0x72: {  	_ =	shalt  }
0x73: {  	_ =	shalt  }
0x74: {  	_ =	shalt  }
0x75: {  	_ =	shalt  }
0x76: {  	_ =	shalt  }
0x77: {  	_ =	shalt  }
0x78: {  	_ =	shalt  }
0x79: {  	_ =	shalt  }
0x7a: {  	_ =	shalt  }
0x7b: {  	_ =	shalt  }
0x7c: {  	_ =	shalt  }
0x7d: {  	_ =	shalt  }
0x7e: {  	_ =	shalt  }
0x7f: {  	_ =	shalt  }
0x80: {  	_ =	shalt  }
0x81: {  	_ =	shalt  }
0x82: {  	_ =	shalt  }
0x83: {  	_ =	shalt  }
0x84: {  	_ =	shalt  }
0x85: {  	_ =	shalt  }
0x86: {  	_ =	shalt  }
0x87: {  	_ =	shalt  }
.Lfunc_end0:
.L_simem_size_0:
called_computation.5_lowered:
.L_overlay_start_0:
0x88: {  	s2 =	sld [smem:$0x3FD9]  }
0x89: {  	s3 =	sld [smem:$0x3FFE];
	_ =	sdelay $0x1  }
0x8a: {  	s1 =	srdreg.scid  }
0x8b: {  	s0 =	sand.u32 $0x1, s1  }
0x8c: {  	s17 =	sshll.u32 s0, $0xA;
	s2 =	sadd.s32 s3, s2  }
0x8d: {  	s2 =	sadd.s32 s2, s17  }
0x8e: {  	[smem:$0x3FB4] =	sst s2  }
0x8f: {  	_ = 	snop  }
0x90: {  	s2 =	sld [smem:$0x3FD0];
	(tm) =	ssettm $0x1  }
0x91: {  	s18 =	sld [smem:$0x3FFB];
	_ =	sdelay $0x3  }
0x92: {  	_ =	strace s18  }
0x93: {  	s3 =	sld [smem:$0x3FFC];
	_ =	sdelay $0x3  }
0x94: {  	_ =	strace s3  }
0x95: {  	s3 =	sld [smem:$0x3FFD];
	_ =	sdelay $0x3  }
0x96: {  	_ =	strace s3  }
0x97: {  	_ =	strace $0x8FFFFFFF  }
0x98: {  	s19 =	sld [smem:$0x3FDB];
	_ =	sdelay $0x1  }
0x99: {  	s4 =	simm.s32 $_scs_section_size  }
0x9a: {  	s5 =	simm.s32 $_size__tile_overlayer_lowered;
	s6 =	simm.s32 $_tile_overlayer_lowered  }
0x9b: {  	s22 =	simm.s32 $0x1BFF;
	s21 =	sshll.u32 s6, $0x1;
	s3 =	sadd.s32 s4, s19  }
0x9c: {  	s7 =	simm.s32 $0x0;
	s20 =	sshll.u32 s5, $0x1;
	s5 =	sadd.s32 s21, s3  }
0x9d: {  	[timem:s7], [sflag:s22] =	dma.local [hbm:s5], s20  }
0x9e: {  	_ =	swait.ge [sflag:s22], s20  }
0x9f: {  	s4 =	ssub.s32 $0x0, s20;
	[sflag:s22] =	ssyncset.done $0x0  }
0xa0: {  	[sflag:s22] =	ssyncadd.s32 s4;
	_ =	sdelay $0x1  }
0xa1: {  	s23 =	simm.s32 $0x1B8B  }
0xa2: {  	_ =	swait.ge [sflag:s23], $0x1  }
0xa3: {  	[sflag:s23] =	ssyncset.done $0x0  }
0xa4: {  	s25 =	simm.s32 $0x1B8E;
	s24 =	sld [smem:$0x3FFE];
	[sflag:s23] =	ssyncadd.s32 $0xFFFFFFFF  }
0xa5: {  	s26 =	simm.s32 $execute0_lowered;
	[smem:$0x3FD2] =	sst s25  }
0xa6: {  	s5 =	sshll.u32 s26, $0x1;
	_ =	strace $0x80000055;
	[dreg:$0x1] =	wrdreg $0xFFFFFFFF  }
0xa7: {  	s28 =	simm.s32 $_size_execute0_lowered;
	s3 =	sadd.s32 s3, s5;
	[dreg:$0x0] =	wrdreg $0x0  }
0xa8: {  	s5 =	sshll.u32 s28, $0x1;
	[dreg:$0x2] =	wrdreg s3  }
0xa9: {  	[dreg:$0x3] =	wrdreg s5  }
0xaa: {  	[dreg:$0x4] =	wrdreg $0xC0  }
0xab: {  	_ =	task [dreg:s7], $0x5FFFF  }
0xac: {  	[dreg:$0x1] =	wrdreg $0xFFFFFFFF  }
0xad: {  	[dreg:$0x0] =	wrdreg $0x60  }
0xae: {  	[dreg:$0x2] =	wrdreg s24  }
0xaf: {  	[dreg:$0x3] =	wrdreg s2  }
0xb0: {  	[dreg:$0x4] =	wrdreg $0x0  }
0xb1: {  	[dreg:$0x5] =	wrdreg $0x9  }
0xb2: {  	_ =	task.clear_ibuf [dreg:s7], $0x6FFFF;
	_ =	strace $0x90000055  }
0xb3: {  	s29 =	simm.s32 $0x9;
	_ =	strace $0x80000057  }
0xb4: {  	_ =	swait.ge [sflag:s29], $0x1  }
0xb5: {  	[sflag:s29] =	ssyncadd.s32 $0xFFFFFFFF  }
0xb6: {  	_ =	strace $0x90000057  }
0xb7: {  	_ =	sfence  }
0xb8: {  	s30 =	sld [smem:$0x0];
	_ =	sdelay $0x2  }
0xb9: {  	s31 =	sshll.u32 s1, $0xD;
	s1 =	sshrl.u32 s1, $0x2  }
0xba: {  	s3 =	sand.u32 $0x4000, s31;
	s1 =	sadd.s32 s1, s30  }
0xbb: {  	s0 =	sor.u32 s3, s0;
	s1 =	sshll.u32 s1, $0x11  }
0xbc: {  	s0 =	sor.u32 s1, s0  }
0xbd: {  	s0 =	sadd.s32 $0x8F2B, s0  }
0xbe: {  	[sflag:s0] =	ssyncadd.remote.s32 $0x1  }
0xbf: {  	_ =	sfence.sel $0xFFFF  }
0xc0: {  	[dreg:$0x0] =	wrdreg $0xFFFFFFFF;
	(pc) =	sbr.abs _section_cstart, $3  }
0xc1: {  	[dreg:$0x1] =	wrdreg $0xFFFFFFFF  }
0xc2: {  	_ =	task.clear_ibuf [dreg:s7], $0x2FFFF;
	_ =	strace $0x9FFFFFFF  }
0xc3: {  	(tm) =	ssettm $0x7FFFFFFF  }
tec
execute0_lowered:
.L_overlay_start_1:
0x0: {  	(tag) =	ssettag $0x1  }
0x1: {  	s0 =	rddreg [dreg:$0x0]  }
0x2: {  	s3 =	rddreg [dreg:$0x2]  }
0x3: {  	s1 =	srdreg.scid;
	s10 =	stileid.u32;
	s4 =	simm.s32 $0x0  }
0x4: {  	s28 =	simm.s32 $0x3;
	s29 =	simm.s32 $0x14000;
	s2 =	smul.u32 $0x2800, s10  }
0x5: {  	s30 =	simm.s32 $0x1C000;
	s31 =	simm.s32 $0x1C400;
	s8 =	smul.u32 $0x280, s10  }
0x6: {  	s1 =	sand.u32 $0x1, s1;
	[smem:$0x7FF] =	sst s4;
	s10 =	smul.u32 $0x50000, s10  }
0x7: {  	s5 =	sadd.s32 $0x5F600, s0;
	s6 =	smul.u32 $0x1400, s1;
	_ =	strace $0x80000056  }
0x8: {  	s7 =	ssub.s32 $0x2, s1;
	p0 =	seq.s32 s1, $0x1;
	s1 =	smul.u32 $0x2800, s1  }
0x9: {  	s9 =	sshrl.u32 s7, $0x1;
	s17 =	sshrl.u32 s10, $0x2;
	s18 =	sadd.s32 $0x80, s8  }
0xa: {  	s11 =	sadd.s32 $0x100, s8;
	s12 =	sadd.s32 $0x180, s8;
	s24 =	sadd.s32 $0x200, s8  }
0xb: {  	s6 =	sadd.s32 s6, s2;
	s9 =	ssub.s32 s7, s9;
	s2 =	sadd.s32 s5, s2  }
0xc: {  	s15 =	sadd.s32 s17, s3;
	s19 =	sshll.u32 s18, $0x4;
	s20 =	sshll.u32 s18, $0x7  }
0xd: {  	s21 =	sshll.u32 s11, $0x4;
	s22 =	sshll.u32 s11, $0x7;
	s13 =	sshll.u32 s12, $0x4  }
0xe: {  	s25 =	sshll.u32 s12, $0x7;
	s14 =	sshll.u32 s24, $0x4;
	s8 =	sadd.s32 s8, s1  }
0xf: {  	s10 =	sadd.s32 s1, s18;
	s17 =	sadd.s32 s1, s11;
	s18 =	sadd.s32 s1, s12  }
0x10: {  	s1 =	sadd.s32 s1, s24;
	s12 =	simm.s32 $0x1C480;
	s11 =	simm.s32 $0x0  }
0x11: {  	s6 =	sshrl.u32 s6, $0x3;
	[dreg:$0x5] =	wrdreg s2;
	s2 =	sadd.s32 s5, s19  }
0x12: {  	s7 =	sadd.s32 s20, s3;
	s23 =	sadd.s32 s5, s13;
	s13 =	sadd.s32 s25, s3  }
0x13: {  	s26 =	sadd.s32 s5, s14;
	s14 =	sshll.u32 s24, $0x7;
	[dreg:$0x7] =	wrdreg s2  }
0x14: {  	s8 =	sshll.u32 s8, $0x4;
	s10 =	sshll.u32 s10, $0x4;
	[dreg:$0xb] =	wrdreg s23  }
0x15: {  	s20 =	sshll.u32 s18, $0x4;
	s1 =	sshll.u32 s1, $0x4;
	[dreg:$0xc] =	wrdreg s13  }
0x16: {  	s24 =	sadd.s32 $0x8000, s15;
	s25 =	smax.u32 s9, $0x1;
	[dreg:$0xd] =	wrdreg s26  }
0x17: {  	s18 =	simm.s32 $0x1C580;
	s6 =	sadd.s32 s6, s0;
	[dreg:$0x16] =	wrdreg s24  }
0x18: {  	s0 =	sadd.s32 $0x87600, s0;
	s2 =	sadd.s32 s5, s21;
	[dreg:$0x17] =	wrdreg s25  }
0x19: {  	s21 =	sadd.s32 s22, s3;
	s14 =	sadd.s32 s14, s3;
	[dreg:$0x8] =	wrdreg s7  }
0x1a: {  	s13 =	sadd.s32 $0x10000, s15;
	s23 =	sadd.s32 $0x4000, s15;
	[dreg:$0x9] =	wrdreg s2  }
0x1b: {  	s26 =	sadd.s32 $0xC000, s15;
	s24 =	simm.s32 $0x1C700;
	[dreg:$0xe] =	wrdreg s14  }
0x1c: {  	s8 =	sadd.s32 s0, s8;
	s16 =	sadd.s32 s0, s10;
	[dreg:$0x15] =	wrdreg s23  }
0x1d: {  	s2 =	sadd.s32 s0, s20;
	s22 =	sadd.s32 $0x5600, s6;
	[dreg:$0x18] =	wrdreg s26  }
0x1e: {  	s14 =	smov.u32 @p0 s13;
	s13 =	smov.u32 s15;
	[dreg:$0xa] =	wrdreg s21  }
0x1f: {  	s25 =	sadd.s32 $0x5A600, s6;
	s6 =	simm.s32 $0x1;
	[dreg:$0xf] =	wrdreg s8  }
0x20: {  	s10 =	simm.s32 $0x2;
	s20 =	simm.s32 $0x1C600;
	[dreg:$0x10] =	wrdreg s16  }
0x21: {  	s15 =	simm.s32 $0x1C300;
	s23 =	simm.s32 $0x1C380;
	[dreg:$0x12] =	wrdreg s2  }
0x22: {  	s26 =	simm.s32 $0x1C780;
	s8 =	sshll.u32 s17, $0x4;
	[dreg:$0x4] =	wrdreg s22  }
0x23: {  	[dreg:$0x14] =	wrdreg s14;
	s2 =	simm.s32 $0x18000;
	s14 =	simm.s32 $0x1C180  }
0x24: {  	s16 =	simm.s32 $0x1C500;
	s17 =	simm.s32 $0x1C200;
	s22 =	simm.s32 $0x1C680  }
0x25: {  	[dreg:$0x6] =	wrdreg s13;
	s19 =	sadd.s32 s0, s8;
	s0 =	sadd.s32 s0, s1  }
0x26: {  	s1 =	simm.s32 $0x1C080;
	s8 =	simm.s32 $0x1C100;
	[dreg:$0x11] =	wrdreg s19  }
0x27: {  	[dreg:$0x13] =	wrdreg s0;
	s0 =	simm.s32 $0x80;
	s19 =	simm.s32 $0x1C280  }
.LBB2_1:
0x28: {  	[dreg:$0x19] =	wrdreg s11;
	s9 =	simm.s32 @p0 $0x0  }
0x29: {  	s11 =	simm.s32 @p0 $0x14000;
	s21 =	smov.u32 s7;
	s7 =	rddreg [dreg:$0x1]  }
0x2a: {  	[tilespmem:s11], [sflag:$0x3] =	stream.linear.gather @p0 [hbm4b:s7+s9], $0x4000, $0x38;
	[tilespmem:$0x1C800] =	vst v63  }
0x2b: {  	s9 =	simm.s32 @p0 $0x3  }
0x2c: {  	_ =	swait.ge @p0 [sflag:s9], $0x4000  }
0x2d: {  	[sflag:s9] =	ssyncset.done @p0 $0x0  }
0x2e: {  	[sflag:s9] =	ssyncadd.s32 @p0 $0xFFFFC000  }
0x2f: {  	[spmem:s13] =	stream.linear.scatter @p0 [tilespmem:s11], [sflag:$0x3], $0x4000, $0x38;
	[tilespmem:$0x1C800] =	vst v63  }
0x30: {  	_ =	swait.ge @p0 [sflag:s9], $0x4000  }
0x31: {  	[sflag:s9] =	ssyncset.done @p0 $0x0  }
0x32: {  	s7 =	rddreg [dreg:$0x15];
	[sflag:s9] =	ssyncadd.s32 @p0 $0xFFFFC000  }
0x33: {  	[spmem:s7] =	stream.linear.scatter @p0 [tilespmem:s11], [sflag:$0x3], $0x4000, $0x38;
	[tilespmem:$0x1C800] =	vst v63  }
0x34: {  	_ =	swait.ge @p0 [sflag:s9], $0x4000  }
0x35: {  	[sflag:s9] =	ssyncset.done @p0 $0x0  }
0x36: {  	s7 =	rddreg [dreg:$0x16];
	[sflag:s9] =	ssyncadd.s32 @p0 $0xFFFFC000  }
0x37: {  	[spmem:s7] =	stream.linear.scatter @p0 [tilespmem:s11], [sflag:$0x3], $0x4000, $0x38;
	[tilespmem:$0x1C800] =	vst v63  }
0x38: {  	_ =	swait.ge @p0 [sflag:s9], $0x4000  }
0x39: {  	[sflag:s9] =	ssyncset.done @p0 $0x0  }
0x3a: {  	s7 =	rddreg [dreg:$0x18];
	[sflag:s9] =	ssyncadd.s32 @p0 $0xFFFFC000  }
0x3b: {  	[spmem:s7] =	stream.linear.scatter @p0 [tilespmem:s11], [sflag:$0x3], $0x4000, $0x38;
	[tilespmem:$0x1C800] =	vst v63  }
0x3c: {  	s9 =	simm.s32 @!p0 $0x0;
	s11 =	simm.s32 @!p0 $0x14000;
	s7 =	rddreg [dreg:$0x5]  }
0x3d: {  	[tilespmem:s11], [sflag:$0x3] =	stream.linear.gather @!p0 [hbm4b:s7+s9], $0x4000, $0x38;
	[tilespmem:$0x1C800] =	vst v63  }
0x3e: {  	s7 =	smov.u32 s13;
	s13 =	simm.s32 @!p0 $0x3  }
0x3f: {  	_ =	swait.ge @!p0 [sflag:s13], $0x4000  }
0x40: {  	[sflag:s13] =	ssyncset.done @!p0 $0x0  }
0x41: {  	[sflag:s13] =	ssyncadd.s32 @!p0 $0xFFFFC000  }
0x42: {  	[spmem:s7] =	stream.linear.scatter @!p0 [tilespmem:s11], [sflag:$0x3], $0x4000, $0x38;
	[tilespmem:$0x1C800] =	vst v63  }
0x43: {  	_ =	swait.ge @!p0 [sflag:s13], $0x4000  }
0x44: {  	[sflag:s13] =	ssyncset.done @!p0 $0x0  }
0x45: {  	s7 =	rddreg [dreg:$0x7];
	[sflag:s13] =	ssyncadd.s32 @!p0 $0xFFFFC000  }
0x46: {  	[tilespmem:s11], [sflag:$0x3] =	stream.linear.gather @!p0 [hbm4b:s7+s9], $0x4000, $0x38;
	[tilespmem:$0x1C800] =	vst v63  }
0x47: {  	_ =	swait.ge @!p0 [sflag:s13], $0x4000  }
0x48: {  	[sflag:s13] =	ssyncset.done @!p0 $0x0  }
0x49: {  	[sflag:s13] =	ssyncadd.s32 @!p0 $0xFFFFC000  }
0x4a: {  	[spmem:s21] =	stream.linear.scatter @!p0 [tilespmem:s11], [sflag:$0x3], $0x4000, $0x38;
	[tilespmem:$0x1C800] =	vst v63  }
0x4b: {  	_ =	swait.ge @!p0 [sflag:s13], $0x4000  }
0x4c: {  	[sflag:s13] =	ssyncset.done @!p0 $0x0  }
0x4d: {  	s7 =	rddreg [dreg:$0x9];
	[sflag:s13] =	ssyncadd.s32 @!p0 $0xFFFFC000  }
0x4e: {  	[tilespmem:s11], [sflag:$0x3] =	stream.linear.gather @!p0 [hbm4b:s7+s9], $0x4000, $0x38;
	[tilespmem:$0x1C800] =	vst v63  }
0x4f: {  	_ =	swait.ge @!p0 [sflag:s13], $0x4000  }
0x50: {  	[sflag:s13] =	ssyncset.done @!p0 $0x0  }
0x51: {  	s7 =	rddreg [dreg:$0xa];
	[sflag:s13] =	ssyncadd.s32 @!p0 $0xFFFFC000  }
0x52: {  	[spmem:s7] =	stream.linear.scatter @!p0 [tilespmem:s11], [sflag:$0x3], $0x4000, $0x38;
	[tilespmem:$0x1C800] =	vst v63  }
0x53: {  	_ =	swait.ge @!p0 [sflag:s13], $0x4000  }
0x54: {  	[sflag:s13] =	ssyncset.done @!p0 $0x0  }
0x55: {  	s7 =	rddreg [dreg:$0xb];
	[sflag:s13] =	ssyncadd.s32 @!p0 $0xFFFFC000  }
0x56: {  	[tilespmem:s11], [sflag:$0x3] =	stream.linear.gather @!p0 [hbm4b:s7+s9], $0x4000, $0x38;
	[tilespmem:$0x1C800] =	vst v63  }
0x57: {  	_ =	swait.ge @!p0 [sflag:s13], $0x4000  }
0x58: {  	[sflag:s13] =	ssyncset.done @!p0 $0x0  }
0x59: {  	s7 =	rddreg [dreg:$0xc];
	[sflag:s13] =	ssyncadd.s32 @!p0 $0xFFFFC000  }
0x5a: {  	[spmem:s7] =	stream.linear.scatter @!p0 [tilespmem:s11], [sflag:$0x3], $0x4000, $0x38;
	[tilespmem:$0x1C800] =	vst v63  }
0x5b: {  	_ =	swait.ge @!p0 [sflag:s13], $0x4000  }
0x5c: {  	[sflag:s13] =	ssyncset.done @!p0 $0x0  }
0x5d: {  	s7 =	rddreg [dreg:$0xd];
	[sflag:s13] =	ssyncadd.s32 @!p0 $0xFFFFC000  }
0x5e: {  	[tilespmem:s11], [sflag:$0x3] =	stream.linear.gather @!p0 [hbm4b:s7+s9], $0x4000, $0x38;
	[tilespmem:$0x1C800] =	vst v63  }
0x5f: {  	_ =	swait.ge [sflag:s28], $0x4000  }
0x60: {  	[sflag:s28] =	ssyncset.done $0x0  }
0x61: {  	s11 =	rddreg [dreg:$0x14];
	[sflag:s28] =	ssyncadd.s32 $0xFFFFC000  }
0x62: {  	[spmem:s11] =	stream.linear.scatter [tilespmem:s29], [sflag:$0x3], $0x4000, $0x38;
	[tilespmem:$0x1C800] =	vst v63  }
0x63: {  	_ =	swait.ge [sflag:s28], $0x4000  }
0x64: {  	[sflag:s28] =	ssyncset.done $0x0  }
0x65: {  	[sflag:s28] =	ssyncadd.s32 $0xFFFFC000  }
0x66: {  	s13 =	sadd.s32 $0x0, s25;
	[bflag:$0x0] =	sbarrier.arrive $0xFFFF  }
0x67: {  	[tilespmem:s30], [sflag:$0x3] =	stream.linear.gather [hbm4b:s13+s4], $0x400, $0x38;
	[tilespmem:$0x1C800] =	vst v63  }
0x68: {  	_ =	swait.ge [sflag:s28], $0x400  }
0x69: {  	s21 =	rddreg [dreg:$0x4];
	[sflag:s28] =	ssyncset.done $0x0  }
0x6a: {  	[sflag:s28] =	ssyncadd.s32 $0xFFFFFC00;
	s9 =	sadd.s32 $0x0, s21  }
0x6b: {  	[tilespmem:s31], [sflag:$0x3] =	stream.linear.gather [hbm4b:s9+s4], $0x400, $0x38;
	[tilespmem:$0x1C800] =	vst v63  }
0x6c: {  	_ =	swait.ge [sflag:s28], $0x400  }
0x6d: {  	[sflag:s28] =	ssyncset.done $0x0  }
0x6e: {  	[sflag:s28] =	ssyncadd.s32 $0xFFFFFC00  }
0x6f: {  	[tilespmem:s29], [sflag:$0x1] =	stream.indirect.gather [hbm4b:s5+s0], $0x80, s30, s0, $0xb8;
	[tilespmem:$0x1C800] =	vst v63  }
0x70: {  	_ = 	snop  }
0x71: {  	[tilespmem:s2], [sflag:$0x2] =	stream.indirect.gather [hbm4b:s5+s0], $0x80, s1, s0, $0xb8;
	[tilespmem:$0x1C800] =	vst v63  }
0x72: {  	_ =	swait.ge [sflag:s6], $0x4000  }
0x73: {  	[sflag:s6] =	ssyncset.done $0x0  }
0x74: {  	[sflag:s6] =	ssyncadd.s32 $0xFFFFC000  }
0x75: {  	[spmem:s3] =	stream.indirect.scatter.add.f32 [tilespmem:s29], [sflag:$0x3], $0x80, s31, s0, $0xb8;
	[tilespmem:$0x1C800] =	vst v63  }
0x76: {  	_ =	swait.ge [sflag:s28], $0x4000  }
0x77: {  	[sflag:s28] =	ssyncset.done $0x0  }
0x78: {  	[sflag:s28] =	ssyncadd.s32 $0xFFFFC000  }
0x79: {  	[tilespmem:s29], [sflag:$0x1] =	stream.indirect.gather [hbm4b:s5+s0], $0x80, s8, s0, $0xb8;
	[tilespmem:$0x1C800] =	vst v63  }
0x7a: {  	_ =	swait.ge [sflag:s10], $0x4000  }
0x7b: {  	[sflag:s10] =	ssyncset.done $0x0  }
0x7c: {  	[sflag:s10] =	ssyncadd.s32 $0xFFFFC000  }
0x7d: {  	[spmem:s3] =	stream.indirect.scatter.add.f32 [tilespmem:s2], [sflag:$0x3], $0x80, s12, s0, $0xb8;
	[tilespmem:$0x1C800] =	vst v63  }
0x7e: {  	_ =	swait.ge [sflag:s28], $0x4000  }
0x7f: {  	[sflag:s28] =	ssyncset.done $0x0  }
0x80: {  	[sflag:s28] =	ssyncadd.s32 $0xFFFFC000  }
0x81: {  	[tilespmem:s2], [sflag:$0x2] =	stream.indirect.gather [hbm4b:s5+s0], $0x80, s14, s0, $0xb8;
	[tilespmem:$0x1C800] =	vst v63  }
0x82: {  	_ =	swait.ge [sflag:s6], $0x4000  }
0x83: {  	[sflag:s6] =	ssyncset.done $0x0  }
0x84: {  	[sflag:s6] =	ssyncadd.s32 $0xFFFFC000  }
0x85: {  	[spmem:s3] =	stream.indirect.scatter.add.f32 [tilespmem:s29], [sflag:$0x3], $0x80, s16, s0, $0xb8;
	[tilespmem:$0x1C800] =	vst v63  }
0x86: {  	_ =	swait.ge [sflag:s28], $0x4000  }
0x87: {  	[sflag:s28] =	ssyncset.done $0x0  }
0x88: {  	[sflag:s28] =	ssyncadd.s32 $0xFFFFC000  }
0x89: {  	[tilespmem:s29], [sflag:$0x1] =	stream.indirect.gather [hbm4b:s5+s0], $0x80, s17, s0, $0xb8;
	[tilespmem:$0x1C800] =	vst v63  }
0x8a: {  	_ =	swait.ge [sflag:s10], $0x4000  }
0x8b: {  	[sflag:s10] =	ssyncset.done $0x0  }
0x8c: {  	[sflag:s10] =	ssyncadd.s32 $0xFFFFC000  }
0x8d: {  	[spmem:s3] =	stream.indirect.scatter.add.f32 [tilespmem:s2], [sflag:$0x3], $0x80, s18, s0, $0xb8;
	[tilespmem:$0x1C800] =	vst v63  }
0x8e: {  	_ =	swait.ge [sflag:s28], $0x4000  }
0x8f: {  	[sflag:s28] =	ssyncset.done $0x0  }
0x90: {  	[sflag:s28] =	ssyncadd.s32 $0xFFFFC000  }
0x91: {  	[tilespmem:s2], [sflag:$0x2] =	stream.indirect.gather [hbm4b:s5+s0], $0x80, s19, s0, $0xb8;
	[tilespmem:$0x1C800] =	vst v63  }
0x92: {  	_ =	swait.ge [sflag:s6], $0x4000  }
0x93: {  	[sflag:s6] =	ssyncset.done $0x0  }
0x94: {  	[sflag:s6] =	ssyncadd.s32 $0xFFFFC000  }
0x95: {  	[spmem:s3] =	stream.indirect.scatter.add.f32 [tilespmem:s29], [sflag:$0x3], $0x80, s20, s0, $0xb8;
	[tilespmem:$0x1C800] =	vst v63  }
0x96: {  	_ =	swait.ge [sflag:s28], $0x4000  }
0x97: {  	[sflag:s28] =	ssyncset.done $0x0  }
0x98: {  	[sflag:s28] =	ssyncadd.s32 $0xFFFFC000  }
0x99: {  	[tilespmem:s29], [sflag:$0x1] =	stream.indirect.gather [hbm4b:s5+s0], $0x80, s15, s0, $0xb8;
	[tilespmem:$0x1C800] =	vst v63  }
0x9a: {  	_ =	swait.ge [sflag:s10], $0x4000  }
0x9b: {  	[sflag:s10] =	ssyncset.done $0x0  }
0x9c: {  	[sflag:s10] =	ssyncadd.s32 $0xFFFFC000  }
0x9d: {  	[spmem:s3] =	stream.indirect.scatter.add.f32 [tilespmem:s2], [sflag:$0x3], $0x80, s22, s0, $0xb8;
	[tilespmem:$0x1C800] =	vst v63  }
0x9e: {  	_ =	swait.ge [sflag:s28], $0x4000  }
0x9f: {  	[sflag:s28] =	ssyncset.done $0x0  }
0xa0: {  	[sflag:s28] =	ssyncadd.s32 $0xFFFFC000  }
0xa1: {  	[tilespmem:s2], [sflag:$0x2] =	stream.indirect.gather [hbm4b:s5+s0], $0x80, s23, s0, $0xb8;
	[tilespmem:$0x1C800] =	vst v63  }
0xa2: {  	_ =	swait.ge [sflag:s6], $0x4000  }
0xa3: {  	[sflag:s6] =	ssyncset.done $0x0  }
0xa4: {  	[sflag:s6] =	ssyncadd.s32 $0xFFFFC000  }
0xa5: {  	[spmem:s3] =	stream.indirect.scatter.add.f32 [tilespmem:s29], [sflag:$0x3], $0x80, s24, s0, $0xb8;
	[tilespmem:$0x1C800] =	vst v63  }
0xa6: {  	_ =	swait.ge [sflag:s28], $0x4000  }
0xa7: {  	[sflag:s28] =	ssyncset.done $0x0  }
0xa8: {  	[sflag:s28] =	ssyncadd.s32 $0xFFFFC000  }
0xa9: {  	_ =	swait.ge [sflag:s10], $0x4000  }
0xaa: {  	[sflag:s10] =	ssyncset.done $0x0  }
0xab: {  	[sflag:s10] =	ssyncadd.s32 $0xFFFFC000  }
0xac: {  	[spmem:s3] =	stream.indirect.scatter.add.f32 [tilespmem:s2], [sflag:$0x3], $0x80, s26, s0, $0xb8;
	[tilespmem:$0x1C800] =	vst v63  }
0xad: {  	_ =	swait.ge [sflag:s28], $0x4000  }
0xae: {  	s11 =	simm.s32 $0x100;
	s9 =	simm.s32 $0x80;
	[sflag:s28] =	ssyncset.done $0x0  }
.LBB2_2:
0xaf: {  	s7 =	sadd.s32 s9, s25;
	[sflag:s28] =	ssyncadd.s32 $0xFFFFC000  }
0xb0: {  	[tilespmem:s30], [sflag:$0x3] =	stream.linear.gather [hbm4b:s7+s4], $0x400, $0x38;
	[tilespmem:$0x1C800] =	vst v63  }
0xb1: {  	s21 =	smov.u32 s11;
	s13 =	sadd.s32 $0x80, s11;
	_ =	swait.ge [sflag:s28], $0x400  }
0xb2: {  	p1 =	sne.s32 s11, $0x200;
	s11 =	rddreg [dreg:$0x4];
	[sflag:s28] =	ssyncset.done $0x0  }
0xb3: {  	[sflag:s28] =	ssyncadd.s32 $0xFFFFFC00;
	s7 =	sadd.s32 s9, s11  }
0xb4: {  	[tilespmem:s31], [sflag:$0x3] =	stream.linear.gather [hbm4b:s7+s4], $0x400, $0x38;
	[tilespmem:$0x1C800] =	vst v63  }
0xb5: {  	_ =	swait.ge [sflag:s28], $0x400  }
0xb6: {  	[sflag:s28] =	ssyncset.done $0x0  }
0xb7: {  	[sflag:s28] =	ssyncadd.s32 $0xFFFFFC00  }
0xb8: {  	[tilespmem:s29], [sflag:$0x1] =	stream.indirect.gather [hbm4b:s5+s0], $0x80, s30, s0, $0xb8;
	[tilespmem:$0x1C800] =	vst v63  }
0xb9: {  	_ = 	snop  }
0xba: {  	[tilespmem:s2], [sflag:$0x2] =	stream.indirect.gather [hbm4b:s5+s0], $0x80, s1, s0, $0xb8;
	[tilespmem:$0x1C800] =	vst v63  }
0xbb: {  	_ =	swait.ge [sflag:s6], $0x4000  }
0xbc: {  	[sflag:s6] =	ssyncset.done $0x0  }
0xbd: {  	[sflag:s6] =	ssyncadd.s32 $0xFFFFC000  }
0xbe: {  	[spmem:s3] =	stream.indirect.scatter.add.f32 [tilespmem:s29], [sflag:$0x3], $0x80, s31, s0, $0xb8;
	[tilespmem:$0x1C800] =	vst v63  }
0xbf: {  	_ =	swait.ge [sflag:s28], $0x4000  }
0xc0: {  	[sflag:s28] =	ssyncset.done $0x0  }
0xc1: {  	[sflag:s28] =	ssyncadd.s32 $0xFFFFC000  }
0xc2: {  	[tilespmem:s29], [sflag:$0x1] =	stream.indirect.gather [hbm4b:s5+s0], $0x80, s8, s0, $0xb8;
	[tilespmem:$0x1C800] =	vst v63  }
0xc3: {  	_ =	swait.ge [sflag:s10], $0x4000  }
0xc4: {  	[sflag:s10] =	ssyncset.done $0x0  }
0xc5: {  	[sflag:s10] =	ssyncadd.s32 $0xFFFFC000  }
0xc6: {  	[spmem:s3] =	stream.indirect.scatter.add.f32 [tilespmem:s2], [sflag:$0x3], $0x80, s12, s0, $0xb8;
	[tilespmem:$0x1C800] =	vst v63  }
0xc7: {  	_ =	swait.ge [sflag:s28], $0x4000  }
0xc8: {  	[sflag:s28] =	ssyncset.done $0x0  }
0xc9: {  	[sflag:s28] =	ssyncadd.s32 $0xFFFFC000  }
0xca: {  	[tilespmem:s2], [sflag:$0x2] =	stream.indirect.gather [hbm4b:s5+s0], $0x80, s14, s0, $0xb8;
	[tilespmem:$0x1C800] =	vst v63  }
0xcb: {  	_ =	swait.ge [sflag:s6], $0x4000  }
0xcc: {  	[sflag:s6] =	ssyncset.done $0x0  }
0xcd: {  	[sflag:s6] =	ssyncadd.s32 $0xFFFFC000  }
0xce: {  	[spmem:s3] =	stream.indirect.scatter.add.f32 [tilespmem:s29], [sflag:$0x3], $0x80, s16, s0, $0xb8;
	[tilespmem:$0x1C800] =	vst v63  }
0xcf: {  	_ =	swait.ge [sflag:s28], $0x4000  }
0xd0: {  	[sflag:s28] =	ssyncset.done $0x0  }
0xd1: {  	[sflag:s28] =	ssyncadd.s32 $0xFFFFC000  }
0xd2: {  	[tilespmem:s29], [sflag:$0x1] =	stream.indirect.gather [hbm4b:s5+s0], $0x80, s17, s0, $0xb8;
	[tilespmem:$0x1C800] =	vst v63  }
0xd3: {  	_ =	swait.ge [sflag:s10], $0x4000  }
0xd4: {  	[sflag:s10] =	ssyncset.done $0x0  }
0xd5: {  	[sflag:s10] =	ssyncadd.s32 $0xFFFFC000  }
0xd6: {  	[spmem:s3] =	stream.indirect.scatter.add.f32 [tilespmem:s2], [sflag:$0x3], $0x80, s18, s0, $0xb8;
	[tilespmem:$0x1C800] =	vst v63  }
0xd7: {  	_ =	swait.ge [sflag:s28], $0x4000  }
0xd8: {  	[sflag:s28] =	ssyncset.done $0x0  }
0xd9: {  	[sflag:s28] =	ssyncadd.s32 $0xFFFFC000  }
0xda: {  	[tilespmem:s2], [sflag:$0x2] =	stream.indirect.gather [hbm4b:s5+s0], $0x80, s19, s0, $0xb8;
	[tilespmem:$0x1C800] =	vst v63  }
0xdb: {  	_ =	swait.ge [sflag:s6], $0x4000  }
0xdc: {  	[sflag:s6] =	ssyncset.done $0x0  }
0xdd: {  	[sflag:s6] =	ssyncadd.s32 $0xFFFFC000  }
0xde: {  	[spmem:s3] =	stream.indirect.scatter.add.f32 [tilespmem:s29], [sflag:$0x3], $0x80, s20, s0, $0xb8;
	[tilespmem:$0x1C800] =	vst v63  }
0xdf: {  	_ =	swait.ge [sflag:s28], $0x4000  }
0xe0: {  	[sflag:s28] =	ssyncset.done $0x0  }
0xe1: {  	[sflag:s28] =	ssyncadd.s32 $0xFFFFC000  }
0xe2: {  	[tilespmem:s29], [sflag:$0x1] =	stream.indirect.gather [hbm4b:s5+s0], $0x80, s15, s0, $0xb8;
	[tilespmem:$0x1C800] =	vst v63  }
0xe3: {  	_ =	swait.ge [sflag:s10], $0x4000  }
0xe4: {  	[sflag:s10] =	ssyncset.done $0x0  }
0xe5: {  	[sflag:s10] =	ssyncadd.s32 $0xFFFFC000  }
0xe6: {  	[spmem:s3] =	stream.indirect.scatter.add.f32 [tilespmem:s2], [sflag:$0x3], $0x80, s22, s0, $0xb8;
	[tilespmem:$0x1C800] =	vst v63  }
0xe7: {  	_ =	swait.ge [sflag:s28], $0x4000  }
0xe8: {  	[sflag:s28] =	ssyncset.done $0x0  }
0xe9: {  	[sflag:s28] =	ssyncadd.s32 $0xFFFFC000  }
0xea: {  	[tilespmem:s2], [sflag:$0x2] =	stream.indirect.gather [hbm4b:s5+s0], $0x80, s23, s0, $0xb8;
	[tilespmem:$0x1C800] =	vst v63  }
0xeb: {  	_ =	swait.ge [sflag:s6], $0x4000  }
0xec: {  	[sflag:s6] =	ssyncset.done $0x0  }
0xed: {  	[sflag:s6] =	ssyncadd.s32 $0xFFFFC000  }
0xee: {  	[spmem:s3] =	stream.indirect.scatter.add.f32 [tilespmem:s29], [sflag:$0x3], $0x80, s24, s0, $0xb8;
	[tilespmem:$0x1C800] =	vst v63  }
0xef: {  	_ =	swait.ge [sflag:s28], $0x4000  }
0xf0: {  	[sflag:s28] =	ssyncset.done $0x0  }
0xf1: {  	[sflag:s28] =	ssyncadd.s32 $0xFFFFC000  }
0xf2: {  	_ =	swait.ge [sflag:s10], $0x4000  }
.Ltmp0:
0xf3: {  	[sflag:s10] =	ssyncset.done $0x0;
	(pc) =	sbr.rel @p1 .LBB2_2-.Ltmp0, $4  }
0xf4: {  	[sflag:s10] =	ssyncadd.s32 $0xFFFFC000  }
0xf5: {  	[spmem:s3] =	stream.indirect.scatter.add.f32 [tilespmem:s2], [sflag:$0x3], $0x80, s26, s0, $0xb8;
	[tilespmem:$0x1C800] =	vst v63  }
0xf6: {  	_ =	swait.ge [sflag:s28], $0x4000  }
0xf7: {  	s9 =	smov.u32 s21;
	s11 =	smov.u32 s13;
	[sflag:s28] =	ssyncset.done $0x0  }
0xf8: {  	s7 =	sadd.s32 s9, s25;
	[sflag:s28] =	ssyncadd.s32 $0xFFFFC000  }
0xf9: {  	[tilespmem:s30], [sflag:$0x3] =	stream.linear.gather [hbm4b:s7+s4], $0x400, $0x38;
	[tilespmem:$0x1C800] =	vst v63  }
0xfa: {  	_ =	swait.ge [sflag:s28], $0x400  }
0xfb: {  	s21 =	rddreg [dreg:$0x4];
	[sflag:s28] =	ssyncset.done $0x0  }
0xfc: {  	s7 =	sadd.s32 s9, s21;
	[sflag:s28] =	ssyncadd.s32 $0xFFFFFC00  }
0xfd: {  	[tilespmem:s31], [sflag:$0x3] =	stream.linear.gather [hbm4b:s7+s4], $0x400, $0x38;
	[tilespmem:$0x1C800] =	vst v63  }
0xfe: {  	_ =	swait.ge [sflag:s28], $0x400  }
0xff: {  	[sflag:s28] =	ssyncset.done $0x0  }
0x100: {  	[sflag:s28] =	ssyncadd.s32 $0xFFFFFC00  }
0x101: {  	[tilespmem:s29], [sflag:$0x1] =	stream.indirect.gather [hbm4b:s5+s0], $0x80, s30, s0, $0xb8;
	[tilespmem:$0x1C800] =	vst v63  }
0x102: {  	_ = 	snop  }
0x103: {  	[tilespmem:s2], [sflag:$0x2] =	stream.indirect.gather [hbm4b:s5+s0], $0x80, s1, s0, $0xb8;
	[tilespmem:$0x1C800] =	vst v63  }
0x104: {  	_ =	swait.ge [sflag:s6], $0x4000  }
0x105: {  	[sflag:s6] =	ssyncset.done $0x0  }
0x106: {  	[sflag:s6] =	ssyncadd.s32 $0xFFFFC000  }
0x107: {  	[spmem:s3] =	stream.indirect.scatter.add.f32 [tilespmem:s29], [sflag:$0x3], $0x80, s31, s0, $0xb8;
	[tilespmem:$0x1C800] =	vst v63  }
0x108: {  	_ =	swait.ge [sflag:s28], $0x4000  }
0x109: {  	[sflag:s28] =	ssyncset.done $0x0  }
0x10a: {  	[sflag:s28] =	ssyncadd.s32 $0xFFFFC000  }
0x10b: {  	[tilespmem:s29], [sflag:$0x1] =	stream.indirect.gather [hbm4b:s5+s0], $0x80, s8, s0, $0xb8;
	[tilespmem:$0x1C800] =	vst v63  }
0x10c: {  	_ =	swait.ge [sflag:s10], $0x4000  }
0x10d: {  	[sflag:s10] =	ssyncset.done $0x0  }
0x10e: {  	[sflag:s10] =	ssyncadd.s32 $0xFFFFC000  }
0x10f: {  	[spmem:s3] =	stream.indirect.scatter.add.f32 [tilespmem:s2], [sflag:$0x3], $0x80, s12, s0, $0xb8;
	[tilespmem:$0x1C800] =	vst v63  }
0x110: {  	_ =	swait.ge [sflag:s28], $0x4000  }
0x111: {  	[sflag:s28] =	ssyncset.done $0x0  }
0x112: {  	[sflag:s28] =	ssyncadd.s32 $0xFFFFC000  }
0x113: {  	[tilespmem:s2], [sflag:$0x2] =	stream.indirect.gather [hbm4b:s5+s0], $0x80, s14, s0, $0xb8;
	[tilespmem:$0x1C800] =	vst v63  }
0x114: {  	_ =	swait.ge [sflag:s6], $0x4000  }
0x115: {  	[sflag:s6] =	ssyncset.done $0x0  }
0x116: {  	[sflag:s6] =	ssyncadd.s32 $0xFFFFC000  }
0x117: {  	[spmem:s3] =	stream.indirect.scatter.add.f32 [tilespmem:s29], [sflag:$0x3], $0x80, s16, s0, $0xb8;
	[tilespmem:$0x1C800] =	vst v63  }
0x118: {  	_ =	swait.ge [sflag:s28], $0x4000  }
0x119: {  	[sflag:s28] =	ssyncset.done $0x0  }
0x11a: {  	[sflag:s28] =	ssyncadd.s32 $0xFFFFC000  }
0x11b: {  	[tilespmem:s29], [sflag:$0x1] =	stream.indirect.gather [hbm4b:s5+s0], $0x80, s17, s0, $0xb8;
	[tilespmem:$0x1C800] =	vst v63  }
0x11c: {  	_ =	swait.ge [sflag:s10], $0x4000  }
0x11d: {  	[sflag:s10] =	ssyncset.done $0x0  }
0x11e: {  	[sflag:s10] =	ssyncadd.s32 $0xFFFFC000  }
0x11f: {  	[spmem:s3] =	stream.indirect.scatter.add.f32 [tilespmem:s2], [sflag:$0x3], $0x80, s18, s0, $0xb8;
	[tilespmem:$0x1C800] =	vst v63  }
0x120: {  	_ =	swait.ge [sflag:s28], $0x4000  }
0x121: {  	[sflag:s28] =	ssyncset.done $0x0  }
0x122: {  	[sflag:s28] =	ssyncadd.s32 $0xFFFFC000  }
0x123: {  	[tilespmem:s2], [sflag:$0x2] =	stream.indirect.gather [hbm4b:s5+s0], $0x80, s19, s0, $0xb8;
	[tilespmem:$0x1C800] =	vst v63  }
0x124: {  	_ =	swait.ge [sflag:s6], $0x4000  }
0x125: {  	[sflag:s6] =	ssyncset.done $0x0  }
0x126: {  	[sflag:s6] =	ssyncadd.s32 $0xFFFFC000  }
0x127: {  	[spmem:s3] =	stream.indirect.scatter.add.f32 [tilespmem:s29], [sflag:$0x3], $0x80, s20, s0, $0xb8;
	[tilespmem:$0x1C800] =	vst v63  }
0x128: {  	_ =	swait.ge [sflag:s28], $0x4000  }
0x129: {  	[sflag:s28] =	ssyncset.done $0x0  }
0x12a: {  	[sflag:s28] =	ssyncadd.s32 $0xFFFFC000  }
0x12b: {  	[tilespmem:s29], [sflag:$0x1] =	stream.indirect.gather [hbm4b:s5+s0], $0x80, s15, s0, $0xb8;
	[tilespmem:$0x1C800] =	vst v63  }
0x12c: {  	_ =	swait.ge [sflag:s10], $0x4000  }
0x12d: {  	[sflag:s10] =	ssyncset.done $0x0  }
0x12e: {  	[sflag:s10] =	ssyncadd.s32 $0xFFFFC000  }
0x12f: {  	[spmem:s3] =	stream.indirect.scatter.add.f32 [tilespmem:s2], [sflag:$0x3], $0x80, s22, s0, $0xb8;
	[tilespmem:$0x1C800] =	vst v63  }
0x130: {  	_ =	swait.ge [sflag:s28], $0x4000  }
0x131: {  	[sflag:s28] =	ssyncset.done $0x0  }
0x132: {  	[sflag:s28] =	ssyncadd.s32 $0xFFFFC000  }
0x133: {  	[tilespmem:s2], [sflag:$0x2] =	stream.indirect.gather [hbm4b:s5+s0], $0x80, s23, s0, $0xb8;
	[tilespmem:$0x1C800] =	vst v63  }
0x134: {  	_ =	swait.ge [sflag:s6], $0x4000  }
0x135: {  	[sflag:s6] =	ssyncset.done $0x0  }
0x136: {  	[sflag:s6] =	ssyncadd.s32 $0xFFFFC000  }
0x137: {  	[spmem:s3] =	stream.indirect.scatter.add.f32 [tilespmem:s29], [sflag:$0x3], $0x80, s24, s0, $0xb8;
	[tilespmem:$0x1C800] =	vst v63  }
0x138: {  	_ =	swait.ge [sflag:s28], $0x4000  }
0x139: {  	[sflag:s28] =	ssyncset.done $0x0  }
0x13a: {  	[sflag:s28] =	ssyncadd.s32 $0xFFFFC000  }
0x13b: {  	_ =	swait.ge [sflag:s10], $0x4000  }
0x13c: {  	[sflag:s10] =	ssyncset.done $0x0  }
0x13d: {  	[sflag:s10] =	ssyncadd.s32 $0xFFFFC000  }
0x13e: {  	[spmem:s3] =	stream.indirect.scatter.add.f32 [tilespmem:s2], [sflag:$0x3], $0x80, s26, s0, $0xb8;
	[tilespmem:$0x1C800] =	vst v63  }
0x13f: {  	_ =	swait.ge [sflag:s28], $0x4000  }
0x140: {  	[sflag:s28] =	ssyncset.done $0x0  }
0x141: {  	[sflag:s28] =	ssyncadd.s32 $0xFFFFC000  }
0x142: {  	[bflag:$0x0] =	sbarrier.arrive $0xFFFF  }
0x143: {  	s13 =	rddreg [dreg:$0x6]  }
0x144: {  	[tilespmem:s29], [sflag:$0x3] =	stream.linear.gather [spmem:s13], $0x4000, $0x38;
	[tilespmem:$0x1C800] =	vst v63  }
0x145: {  	_ =	swait.ge [sflag:s28], $0x4000  }
0x146: {  	[sflag:s28] =	ssyncset.done $0x0  }
0x147: {  	s11 =	rddreg [dreg:$0xf];
	[sflag:s28] =	ssyncadd.s32 $0xFFFFC000  }
0x148: {  	[hbm4b:s11+s4] =	stream.linear.scatter [tilespmem:s29], [sflag:$0x3], $0x4000, $0x38;
	[tilespmem:$0x1C800] =	vst v63  }
0x149: {  	_ =	swait.ge [sflag:s28], $0x4000  }
0x14a: {  	[sflag:s28] =	ssyncset.done $0x0  }
0x14b: {  	s7 =	rddreg [dreg:$0x8];
	[sflag:s28] =	ssyncadd.s32 $0xFFFFC000  }
0x14c: {  	[tilespmem:s29], [sflag:$0x3] =	stream.linear.gather [spmem:s7], $0x4000, $0x38;
	[tilespmem:$0x1C800] =	vst v63  }
0x14d: {  	_ =	swait.ge [sflag:s28], $0x4000  }
0x14e: {  	[sflag:s28] =	ssyncset.done $0x0  }
0x14f: {  	s21 =	rddreg [dreg:$0x10];
	[sflag:s28] =	ssyncadd.s32 $0xFFFFC000  }
0x150: {  	[hbm4b:s21+s4] =	stream.linear.scatter [tilespmem:s29], [sflag:$0x3], $0x4000, $0x38;
	[tilespmem:$0x1C800] =	vst v63  }
0x151: {  	_ =	swait.ge [sflag:s28], $0x4000  }
0x152: {  	[sflag:s28] =	ssyncset.done $0x0  }
0x153: {  	s21 =	rddreg [dreg:$0xa];
	[sflag:s28] =	ssyncadd.s32 $0xFFFFC000  }
0x154: {  	[tilespmem:s29], [sflag:$0x3] =	stream.linear.gather [spmem:s21], $0x4000, $0x38;
	[tilespmem:$0x1C800] =	vst v63  }
0x155: {  	_ =	swait.ge [sflag:s28], $0x4000  }
0x156: {  	[sflag:s28] =	ssyncset.done $0x0  }
0x157: {  	s11 =	rddreg [dreg:$0x11];
	[sflag:s28] =	ssyncadd.s32 $0xFFFFC000  }
0x158: {  	[hbm4b:s11+s4] =	stream.linear.scatter [tilespmem:s29], [sflag:$0x3], $0x4000, $0x38;
	[tilespmem:$0x1C800] =	vst v63  }
0x159: {  	_ =	swait.ge [sflag:s28], $0x4000  }
0x15a: {  	[sflag:s28] =	ssyncset.done $0x0  }
0x15b: {  	s21 =	rddreg [dreg:$0xc];
	[sflag:s28] =	ssyncadd.s32 $0xFFFFC000  }
0x15c: {  	[tilespmem:s29], [sflag:$0x3] =	stream.linear.gather [spmem:s21], $0x4000, $0x38;
	[tilespmem:$0x1C800] =	vst v63  }
0x15d: {  	_ =	swait.ge [sflag:s28], $0x4000  }
0x15e: {  	[sflag:s28] =	ssyncset.done $0x0  }
0x15f: {  	s11 =	rddreg [dreg:$0x12];
	[sflag:s28] =	ssyncadd.s32 $0xFFFFC000  }
0x160: {  	[hbm4b:s11+s4] =	stream.linear.scatter [tilespmem:s29], [sflag:$0x3], $0x4000, $0x38;
	[tilespmem:$0x1C800] =	vst v63  }
0x161: {  	_ =	swait.ge [sflag:s28], $0x4000  }
0x162: {  	[sflag:s28] =	ssyncset.done $0x0  }
0x163: {  	s21 =	rddreg [dreg:$0xe];
	[sflag:s28] =	ssyncadd.s32 $0xFFFFC000  }
0x164: {  	[tilespmem:s29], [sflag:$0x3] =	stream.linear.gather [spmem:s21], $0x4000, $0x38;
	[tilespmem:$0x1C800] =	vst v63  }
0x165: {  	_ =	swait.ge [sflag:s28], $0x4000  }
0x166: {  	[sflag:s28] =	ssyncset.done $0x0  }
0x167: {  	s11 =	rddreg [dreg:$0x13];
	[sflag:s28] =	ssyncadd.s32 $0xFFFFC000  }
0x168: {  	[hbm4b:s11+s4] =	stream.linear.scatter [tilespmem:s29], [sflag:$0x3], $0x4000, $0x38;
	[tilespmem:$0x1C800] =	vst v63  }
0x169: {  	_ =	swait.ge [sflag:s28], $0x4000  }
0x16a: {  	s11 =	rddreg [dreg:$0x19]  }
0x16b: {  	s21 =	rddreg [dreg:$0x17];
	s11 =	sadd.s32 $0x1, s11  }
0x16c: {  	p1 =	sne.s32 s11, s21  }
.Ltmp1:
0x16d: {  	_ = 	snop;
	(pc) =	sbr.rel @p1 .LBB2_1-.Ltmp1, $3  }
0x16e: {  	_ =	sdelay $0x1  }
0x16f: {  	[sflag:s28] =	ssyncset.done $0x0  }
0x170: {  	[sflag:s28] =	ssyncadd.s32 $0xFFFFC000  }
0x171: {  	_ =	sfence.sel $0x180000  }
0x172: {  	[bflag:$0x0] =	sbarrier.arrive $0xFFFF  }
0x173: {  	_ =	strace $0x90000056  }
0x174: {  	s0 =	stileid.u32;
	[bflag:$0x2] =	sbarrier.arrive $0xFFFF  }
0x175: {  	p0 =	sne.s32 s0, $0x0;
	s0 =	rddreg [dreg:$0x3]  }
0x176: {  	s0 =	sadd.s32 @!p0 $0x100000, s0  }
0x177: {  	[sflag:s0] =	ssyncadd.tile.s32 @!p0 $0x1;
	_ =	shalt  }
.Lfunc_end2:
_tile_overlayer_lowered:
.L_overlay_start_2:
0x178: {  	(tag) =	ssettag $0x2  }
0x179: {  	s0 =	rddreg [dreg:$0x0];
	s2 =	stileid.u32  }
0x17a: {  	s1 =	rddreg [dreg:$0x1];
	p0 =	sne.s32 s2, $0x0  }
0x17b: {  	s3 =	rddreg [dreg:$0x2];
	[bflag:$0x3] =	sbarrier.arrive $0xFFFF;
	s2 =	simm.s32 @!p0 $0x1C03  }
0x17c: {  	[timem:s3], [sflag:s2] =	dma.local @!p0 [hbm:s0], s1  }
0x17d: {  	s0 =	simm.s32 @!p0 $0x3  }
0x17e: {  	_ =	swait.ge @!p0 [sflag:s0], s1  }
0x17f: {  	s1 =	ssub.s32 @!p0 $0x0, s1;
	[sflag:s0] =	ssyncset.done @!p0 $0x0  }
0x180: {  	[sflag:s0] =	ssyncadd.s32 @!p0 s1  }
0x181: {  	[bflag:$0x3] =	sbarrier.arrive $0xFFFF  }
0x182: {  	_ =	shalt  }

</sc_bundles>
